<compile_context>
chip_gen: v7x
topology: tpu7x:2x2x1
jax: 0.10.2.dev20260603
libtpu: 0.0.44.dev20260713+nightly
codegen_flags: <defaults>
</compile_context>

<pallas_src>
import jax
import jax.numpy as jnp
from jax import lax
from jax.experimental import pallas as pl
from jax.experimental.pallas import tpu as pltpu, tpu_sc as plsc

VOCAB = 100000
EMBED_DIM = 64
BATCH = 4096
SEQ = 50

NC = 2
NS = 16
NW = NC * NS
LANES = 16

ROWS = BATCH * SEQ
CHUNK = 128
ROWS_PER_W = ROWS // NW
NCHUNK = ROWS_PER_W // CHUNK
G = 5
GROUP = G * CHUNK
NG = NCHUNK // G
NBUF = 2
NOUTER = NG // NBUF

assert ROWS % (NW * CHUNK) == 0 and NCHUNK % G == 0 and NG % NBUF == 0


def _emb_kernel(table_hbm, idx_hbm, out_hbm, idx_v, rows_v, gsems, osems):
    wid = lax.axis_index("s") * NC + lax.axis_index("c")
    row_base = wid * ROWS_PER_W

    pltpu.sync_copy(idx_hbm.at[wid], idx_v)

    def fire_gathers(g, b):
        for j in range(G):
            pltpu.async_copy(
                table_hbm.at[idx_v.at[g * G + j]],
                rows_v.at[b, pl.ds(j * CHUNK, CHUNK)],
                gsems.at[b],
            )

    def drain_gathers(b):
        for _ in range(G):
            pltpu.make_async_copy(
                table_hbm.at[pl.ds(0, CHUNK)],
                rows_v.at[b, pl.ds(0, CHUNK)],
                gsems.at[b],
            ).wait()

    def fire_out(g, b):
        pltpu.async_copy(
            rows_v.at[b], out_hbm.at[pl.ds(row_base + g * GROUP, GROUP)],
            osems.at[b],
        )

    def wait_out(b):
        pltpu.make_async_copy(
            table_hbm.at[pl.ds(0, GROUP)], rows_v.at[b], osems.at[b]
        ).wait()

    zeros16 = jnp.zeros((LANES,), jnp.float32)
    lane_iota = lax.iota(jnp.int32, LANES)

    def mask_pass(g, b):
        for gg in range(GROUP // LANES):
            vec = idx_v[g * G + gg // (CHUNK // LANES),
                        pl.ds((gg % (CHUNK // LANES)) * LANES, LANES)]

            @pl.when(jnp.min(vec) == 0)
            def _zero(vec=vec, gg=gg, b=b):
                msk = vec == 0
                rid = gg * LANES + lane_iota

                def zcol(col, carry):
                    plsc.store_scatter(
                        rows_v.at[b],
                        [rid, jnp.full((LANES,), 0, jnp.int32) + col],
                        zeros16,
                        mask=msk,
                    )
                    return carry

                lax.fori_loop(0, EMBED_DIM, zcol, 0)

    for b in range(NBUF):
        fire_gathers(b, b)

    def body(outer, carry):
        for b in range(NBUF):
            g = outer * NBUF + b
            drain_gathers(b)
            mask_pass(g, b)
            fire_out(g, b)

            @pl.when(outer < NOUTER - 1)
            def _next(g=g, b=b):
                wait_out(b)
                fire_gathers(g + NBUF, b)

        return carry

    lax.fori_loop(0, NOUTER, body, 0)

    for b in range(NBUF):
        wait_out(b)


@jax.jit
def kernel(x, table):
    idx3d = jnp.reshape(x.astype(jnp.int32), (NW, NCHUNK, CHUNK))
    run = pl.kernel(
        _emb_kernel,
        out_type=jax.ShapeDtypeStruct((ROWS, EMBED_DIM), jnp.float32),
        mesh=plsc.VectorSubcoreMesh(core_axis_name="c", subcore_axis_name="s"),
        compiler_params=pltpu.CompilerParams(
            use_tc_tiling_on_sc=False,
            needs_layout_passes=False,
            skip_device_barrier=True,
            disable_bounds_checks=True,
            disable_semaphore_checks=True,
        ),
        scratch_types=[
            pltpu.VMEM((NCHUNK, CHUNK), jnp.int32),
            pltpu.VMEM((NBUF, GROUP, EMBED_DIM), jnp.float32),
            pltpu.SemaphoreType.DMA((NBUF,)),
            pltpu.SemaphoreType.DMA((NBUF,)),
        ],
    )
    out = run(table, idx3d)
    return out.reshape(BATCH, SEQ, EMBED_DIM)

# --- scband reference (transcript-rebuilt; emitter-appended) ---
"""Pipeline reference for scband-embedding-layer-6090263626087 (READ-ONLY COPY).

The authoritative reference and input builder live on the scoring server;
editing this copy changes nothing except your own understanding.
"""

import jax, jax.numpy as jnp
import numpy as np

VOCAB = 100000
EMBED_DIM = 64
BATCH = 4096
SEQ = 50
PADDING_IDX = 0

def setup_inputs(seed: int = 0) -> dict:
    key = jax.random.key(seed)
    k_idx, k_tab = jax.random.split(key)
    x = jax.random.randint(k_idx, (BATCH, SEQ), 0, VOCAB, dtype=jnp.int64 if jax.config.jax_enable_x64 else jnp.int32).astype(jnp.int32)
    table = jax.random.normal(k_tab, (VOCAB, EMBED_DIM), dtype=jnp.float32)
    return {"x": x, "table": table}

def reference(x, table):
    # nn.Embedding with padding_idx=0: row 0 contributes zeros and receives no gradient.
    masked_table = table.at[PADDING_IDX].set(0.0)
    out = jnp.take(masked_table, x, axis=0)  # [B, S, D]
    return out

if __name__ == "__main__":
    import jax
    _d = setup_inputs()
    print(jax.jit(kernel)(*tuple(_d.values())))

</pallas_src>

<mosaic_0001>
#map = affine_map<(d0, d1) -> (0, 0)>
#map1 = affine_map<(d0, d1) -> (0, 0, 0)>
module attributes {stable_mosaic.version = 14 : i64} {
  func.func @_emb_kernel(%arg0: i32, %arg1: i32, %arg2: memref<100000x64xf32, #tpu.memory_space<hbm>>, %arg3: memref<32x50x128xi32, #tpu.memory_space<hbm>>, %arg4: memref<204800x64xf32, #tpu.memory_space<hbm>>, %arg5: memref<50x128xi32, #tpu.memory_space<vmem>>, %arg6: memref<2x640x64xf32, #tpu.memory_space<vmem>>, %arg7: memref<2x!tpu.dma_semaphore, #tpu.memory_space<semaphore_mem>>, %arg8: memref<2x!tpu.dma_semaphore, #tpu.memory_space<semaphore_mem>>) attributes {dimension_semantics = [#tpu.dimension_semantics<core_parallel>, #tpu.dimension_semantics<subcore_parallel>], iteration_bounds = array<i64: 2, 16>, scalar_prefetch = 0 : i64, scratch_operands = 4 : i64, tpu.core_type = #tpu.core_type<sc_vector_subcore>, window_params = [{transform_indices = #map}, {transform_indices = #map1}, {transform_indices = #map}]} {
    %mul3A = arith.constant 2 : i32
    %mul3A_0 = arith.muli %arg1, %mul3A : i32
    %add3A = arith.addi %mul3A_0, %arg0 : i32
    %mul3A_1 = arith.constant 6400 : i32
    %mul3A_2 = arith.muli %add3A, %mul3A_1 : i32
    "tpu.region"() ({
      %run_scoped3A = tpu.sem_alloc : memref<!tpu.dma_semaphore, #tpu.memory_space<semaphore_mem>>
      %dma_start3A_193 = arith.constant 0 : i32
      %dma_start3A_194 = arith.constant 0 : i32
      %dma_start3A_195 = tpu.memref_slice %arg3[%add3A, %dma_start3A_193, %dma_start3A_194] : memref<32x50x128xi32, #tpu.memory_space<hbm>> -> memref<1x50x128xi32, #tpu.memory_space<hbm>>
      %dma_start3A_196 = tpu.memref_squeeze %dma_start3A_195 : memref<1x50x128xi32, #tpu.memory_space<hbm>> -> memref<50x128xi32, #tpu.memory_space<hbm>>
      %dma_start3A_197 = arith.constant 0 : i32
      %dma_start3A_198 = arith.constant 0 : i32
      %dma_start3A_199 = tpu.memref_slice %arg3[%add3A, %dma_start3A_197, %dma_start3A_198] : memref<32x50x128xi32, #tpu.memory_space<hbm>> -> memref<1x50x128xi32, #tpu.memory_space<hbm>>
      %dma_start3A_200 = tpu.memref_squeeze %dma_start3A_199 : memref<1x50x128xi32, #tpu.memory_space<hbm>> -> memref<50x128xi32, #tpu.memory_space<hbm>>
      tpu.enqueue_dma source(%dma_start3A_200 : memref<50x128xi32, #tpu.memory_space<hbm>>) target(%arg5 : memref<50x128xi32, #tpu.memory_space<vmem>>) target_semaphore(%run_scoped3A : memref<!tpu.dma_semaphore, #tpu.memory_space<semaphore_mem>>)
      %dma_wait3A_201 = arith.constant 0 : i32
      %dma_wait3A_202 = arith.constant 0 : i32
      %dma_wait3A_203 = tpu.memref_slice %arg3[%add3A, %dma_wait3A_201, %dma_wait3A_202] : memref<32x50x128xi32, #tpu.memory_space<hbm>> -> memref<1x50x128xi32, #tpu.memory_space<hbm>>
      %dma_wait3A_204 = tpu.memref_squeeze %dma_wait3A_203 : memref<1x50x128xi32, #tpu.memory_space<hbm>> -> memref<50x128xi32, #tpu.memory_space<hbm>>
      %dma_wait3A_205 = arith.constant 0 : i32
      %dma_wait3A_206 = arith.constant 0 : i32
      %dma_wait3A_207 = tpu.memref_slice %arg3[%add3A, %dma_wait3A_205, %dma_wait3A_206] : memref<32x50x128xi32, #tpu.memory_space<hbm>> -> memref<1x50x128xi32, #tpu.memory_space<hbm>>
      %dma_wait3A_208 = tpu.memref_squeeze %dma_wait3A_207 : memref<1x50x128xi32, #tpu.memory_space<hbm>> -> memref<50x128xi32, #tpu.memory_space<hbm>>
      tpu.wait_dma2 semaphore(%run_scoped3A : memref<!tpu.dma_semaphore, #tpu.memory_space<semaphore_mem>>) src(%dma_wait3A_208 : memref<50x128xi32, #tpu.memory_space<hbm>>) dst(%arg5 : memref<50x128xi32, #tpu.memory_space<vmem>>)
      tpu.yield
    }) : () -> ()
    %broadcast_in_dim3A = arith.constant 0.000000e+00 : f32
    %broadcast_in_dim3A_3 = vector.broadcast %broadcast_in_dim3A : f32 to vector<16xf32>
    %iota3A = tpu.iota {dimensions = array<i32: 0>} : vector<16xi32>
    %dma_start3A = arith.constant 0 : i32
    %dma_start3A_4 = arith.constant 0 : i32
    %dma_start3A_5 = arith.constant 0 : i32
    %dma_start3A_6 = arith.constant 0 : i32
    %dma_start3A_7 = arith.constant 0 : i32
    %dma_start3A_8 = tpu.memref_slice %arg6[%dma_start3A_4, %dma_start3A_6, %dma_start3A_7] : memref<2x640x64xf32, #tpu.memory_space<vmem>> -> memref<1x128x64xf32, #tpu.memory_space<vmem>>
    %dma_start3A_9 = tpu.memref_squeeze %dma_start3A_8 : memref<1x128x64xf32, #tpu.memory_space<vmem>> -> memref<128x64xf32, #tpu.memory_space<vmem>>
    %dma_start3A_10 = arith.constant 0 : i32
    %dma_start3A_11 = tpu.memref_slice %arg5[%dma_start3A, %dma_start3A_10] : memref<50x128xi32, #tpu.memory_space<vmem>> -> memref<1x128xi32, #tpu.memory_space<vmem>>
    %dma_start3A_12 = tpu.memref_squeeze %dma_start3A_11 : memref<1x128xi32, #tpu.memory_space<vmem>> -> memref<128xi32, #tpu.memory_space<vmem>>
    %dma_start3A_13 = arith.constant 0 : i32
    %dma_start3A_14 = arith.constant 0 : i32
    %dma_start3A_15 = tpu.memref_slice %arg2[%dma_start3A_13, %dma_start3A_14] : memref<100000x64xf32, #tpu.memory_space<hbm>> -> memref<100000x64xf32, #tpu.memory_space<hbm>>
    %dma_start3A_16 = tpu.memref_slice %arg7[%dma_start3A_5] : memref<2x!tpu.dma_semaphore, #tpu.memory_space<semaphore_mem>> -> memref<1x!tpu.dma_semaphore, #tpu.memory_space<semaphore_mem>>
    %dma_start3A_17 = tpu.memref_squeeze %dma_start3A_16 : memref<1x!tpu.dma_semaphore, #tpu.memory_space<semaphore_mem>> -> memref<!tpu.dma_semaphore, #tpu.memory_space<semaphore_mem>>
    tpu.enqueue_indirect_dma source(%dma_start3A_15 : memref<100000x64xf32, #tpu.memory_space<hbm>>) target(%dma_start3A_9 : memref<128x64xf32, #tpu.memory_space<vmem>>) offsets(%dma_start3A_12 : memref<128xi32, #tpu.memory_space<vmem>>) semaphore(%dma_start3A_17 : memref<!tpu.dma_semaphore, #tpu.memory_space<semaphore_mem>>)
    %dma_start3A_18 = arith.constant 1 : i32
    %dma_start3A_19 = arith.constant 0 : i32
    %dma_start3A_20 = arith.constant 0 : i32
    %dma_start3A_21 = arith.constant 128 : i32
    %dma_start3A_22 = arith.constant 0 : i32
    %dma_start3A_23 = tpu.memref_slice %arg6[%dma_start3A_19, %dma_start3A_21, %dma_start3A_22] : memref<2x640x64xf32, #tpu.memory_space<vmem>> -> memref<1x128x64xf32, #tpu.memory_space<vmem>>
    %dma_start3A_24 = tpu.memref_squeeze %dma_start3A_23 : memref<1x128x64xf32, #tpu.memory_space<vmem>> -> memref<128x64xf32, #tpu.memory_space<vmem>>
    %dma_start3A_25 = arith.constant 0 : i32
    %dma_start3A_26 = tpu.memref_slice %arg5[%dma_start3A_18, %dma_start3A_25] : memref<50x128xi32, #tpu.memory_space<vmem>> -> memref<1x128xi32, #tpu.memory_space<vmem>>
    %dma_start3A_27 = tpu.memref_squeeze %dma_start3A_26 : memref<1x128xi32, #tpu.memory_space<vmem>> -> memref<128xi32, #tpu.memory_space<vmem>>
    %dma_start3A_28 = arith.constant 0 : i32
    %dma_start3A_29 = arith.constant 0 : i32
    %dma_start3A_30 = tpu.memref_slice %arg2[%dma_start3A_28, %dma_start3A_29] : memref<100000x64xf32, #tpu.memory_space<hbm>> -> memref<100000x64xf32, #tpu.memory_space<hbm>>
    %dma_start3A_31 = tpu.memref_slice %arg7[%dma_start3A_20] : memref<2x!tpu.dma_semaphore, #tpu.memory_space<semaphore_mem>> -> memref<1x!tpu.dma_semaphore, #tpu.memory_space<semaphore_mem>>
    %dma_start3A_32 = tpu.memref_squeeze %dma_start3A_31 : memref<1x!tpu.dma_semaphore, #tpu.memory_space<semaphore_mem>> -> memref<!tpu.dma_semaphore, #tpu.memory_space<semaphore_mem>>
    tpu.enqueue_indirect_dma source(%dma_start3A_30 : memref<100000x64xf32, #tpu.memory_space<hbm>>) target(%dma_start3A_24 : memref<128x64xf32, #tpu.memory_space<vmem>>) offsets(%dma_start3A_27 : memref<128xi32, #tpu.memory_space<vmem>>) semaphore(%dma_start3A_32 : memref<!tpu.dma_semaphore, #tpu.memory_space<semaphore_mem>>)
    %dma_start3A_33 = arith.constant 2 : i32
    %dma_start3A_34 = arith.constant 0 : i32
    %dma_start3A_35 = arith.constant 0 : i32
    %dma_start3A_36 = arith.constant 256 : i32
    %dma_start3A_37 = arith.constant 0 : i32
    %dma_start3A_38 = tpu.memref_slice %arg6[%dma_start3A_34, %dma_start3A_36, %dma_start3A_37] : memref<2x640x64xf32, #tpu.memory_space<vmem>> -> memref<1x128x64xf32, #tpu.memory_space<vmem>>
    %dma_start3A_39 = tpu.memref_squeeze %dma_start3A_38 : memref<1x128x64xf32, #tpu.memory_space<vmem>> -> memref<128x64xf32, #tpu.memory_space<vmem>>
    %dma_start3A_40 = arith.constant 0 : i32
    %dma_start3A_41 = tpu.memref_slice %arg5[%dma_start3A_33, %dma_start3A_40] : memref<50x128xi32, #tpu.memory_space<vmem>> -> memref<1x128xi32, #tpu.memory_space<vmem>>
    %dma_start3A_42 = tpu.memref_squeeze %dma_start3A_41 : memref<1x128xi32, #tpu.memory_space<vmem>> -> memref<128xi32, #tpu.memory_space<vmem>>
    %dma_start3A_43 = arith.constant 0 : i32
    %dma_start3A_44 = arith.constant 0 : i32
    %dma_start3A_45 = tpu.memref_slice %arg2[%dma_start3A_43, %dma_start3A_44] : memref<100000x64xf32, #tpu.memory_space<hbm>> -> memref<100000x64xf32, #tpu.memory_space<hbm>>
    %dma_start3A_46 = tpu.memref_slice %arg7[%dma_start3A_35] : memref<2x!tpu.dma_semaphore, #tpu.memory_space<semaphore_mem>> -> memref<1x!tpu.dma_semaphore, #tpu.memory_space<semaphore_mem>>
    %dma_start3A_47 = tpu.memref_squeeze %dma_start3A_46 : memref<1x!tpu.dma_semaphore, #tpu.memory_space<semaphore_mem>> -> memref<!tpu.dma_semaphore, #tpu.memory_space<semaphore_mem>>
    tpu.enqueue_indirect_dma source(%dma_start3A_45 : memref<100000x64xf32, #tpu.memory_space<hbm>>) target(%dma_start3A_39 : memref<128x64xf32, #tpu.memory_space<vmem>>) offsets(%dma_start3A_42 : memref<128xi32, #tpu.memory_space<vmem>>) semaphore(%dma_start3A_47 : memref<!tpu.dma_semaphore, #tpu.memory_space<semaphore_mem>>)
    %dma_start3A_48 = arith.constant 3 : i32
    %dma_start3A_49 = arith.constant 0 : i32
    %dma_start3A_50 = arith.constant 0 : i32
    %dma_start3A_51 = arith.constant 384 : i32
    %dma_start3A_52 = arith.constant 0 : i32
    %dma_start3A_53 = tpu.memref_slice %arg6[%dma_start3A_49, %dma_start3A_51, %dma_start3A_52] : memref<2x640x64xf32, #tpu.memory_space<vmem>> -> memref<1x128x64xf32, #tpu.memory_space<vmem>>
    %dma_start3A_54 = tpu.memref_squeeze %dma_start3A_53 : memref<1x128x64xf32, #tpu.memory_space<vmem>> -> memref<128x64xf32, #tpu.memory_space<vmem>>
    %dma_start3A_55 = arith.constant 0 : i32
    %dma_start3A_56 = tpu.memref_slice %arg5[%dma_start3A_48, %dma_start3A_55] : memref<50x128xi32, #tpu.memory_space<vmem>> -> memref<1x128xi32, #tpu.memory_space<vmem>>
    %dma_start3A_57 = tpu.memref_squeeze %dma_start3A_56 : memref<1x128xi32, #tpu.memory_space<vmem>> -> memref<128xi32, #tpu.memory_space<vmem>>
    %dma_start3A_58 = arith.constant 0 : i32
    %dma_start3A_59 = arith.constant 0 : i32
    %dma_start3A_60 = tpu.memref_slice %arg2[%dma_start3A_58, %dma_start3A_59] : memref<100000x64xf32, #tpu.memory_space<hbm>> -> memref<100000x64xf32, #tpu.memory_space<hbm>>
    %dma_start3A_61 = tpu.memref_slice %arg7[%dma_start3A_50] : memref<2x!tpu.dma_semaphore, #tpu.memory_space<semaphore_mem>> -> memref<1x!tpu.dma_semaphore, #tpu.memory_space<semaphore_mem>>
    %dma_start3A_62 = tpu.memref_squeeze %dma_start3A_61 : memref<1x!tpu.dma_semaphore, #tpu.memory_space<semaphore_mem>> -> memref<!tpu.dma_semaphore, #tpu.memory_space<semaphore_mem>>
    tpu.enqueue_indirect_dma source(%dma_start3A_60 : memref<100000x64xf32, #tpu.memory_space<hbm>>) target(%dma_start3A_54 : memref<128x64xf32, #tpu.memory_space<vmem>>) offsets(%dma_start3A_57 : memref<128xi32, #tpu.memory_space<vmem>>) semaphore(%dma_start3A_62 : memref<!tpu.dma_semaphore, #tpu.memory_space<semaphore_mem>>)
    %dma_start3A_63 = arith.constant 4 : i32
    %dma_start3A_64 = arith.constant 0 : i32
    %dma_start3A_65 = arith.constant 0 : i32
    %dma_start3A_66 = arith.constant 512 : i32
    %dma_start3A_67 = arith.constant 0 : i32
    %dma_start3A_68 = tpu.memref_slice %arg6[%dma_start3A_64, %dma_start3A_66, %dma_start3A_67] : memref<2x640x64xf32, #tpu.memory_space<vmem>> -> memref<1x128x64xf32, #tpu.memory_space<vmem>>
    %dma_start3A_69 = tpu.memref_squeeze %dma_start3A_68 : memref<1x128x64xf32, #tpu.memory_space<vmem>> -> memref<128x64xf32, #tpu.memory_space<vmem>>
    %dma_start3A_70 = arith.constant 0 : i32
    %dma_start3A_71 = tpu.memref_slice %arg5[%dma_start3A_63, %dma_start3A_70] : memref<50x128xi32, #tpu.memory_space<vmem>> -> memref<1x128xi32, #tpu.memory_space<vmem>>
    %dma_start3A_72 = tpu.memref_squeeze %dma_start3A_71 : memref<1x128xi32, #tpu.memory_space<vmem>> -> memref<128xi32, #tpu.memory_space<vmem>>
    %dma_start3A_73 = arith.constant 0 : i32
    %dma_start3A_74 = arith.constant 0 : i32
    %dma_start3A_75 = tpu.memref_slice %arg2[%dma_start3A_73, %dma_start3A_74] : memref<100000x64xf32, #tpu.memory_space<hbm>> -> memref<100000x64xf32, #tpu.memory_space<hbm>>
    %dma_start3A_76 = tpu.memref_slice %arg7[%dma_start3A_65] : memref<2x!tpu.dma_semaphore, #tpu.memory_space<semaphore_mem>> -> memref<1x!tpu.dma_semaphore, #tpu.memory_space<semaphore_mem>>
    %dma_start3A_77 = tpu.memref_squeeze %dma_start3A_76 : memref<1x!tpu.dma_semaphore, #tpu.memory_space<semaphore_mem>> -> memref<!tpu.dma_semaphore, #tpu.memory_space<semaphore_mem>>
    tpu.enqueue_indirect_dma source(%dma_start3A_75 : memref<100000x64xf32, #tpu.memory_space<hbm>>) target(%dma_start3A_69 : memref<128x64xf32, #tpu.memory_space<vmem>>) offsets(%dma_start3A_72 : memref<128xi32, #tpu.memory_space<vmem>>) semaphore(%dma_start3A_77 : memref<!tpu.dma_semaphore, #tpu.memory_space<semaphore_mem>>)
    %dma_start3A_78 = arith.constant 5 : i32
    %dma_start3A_79 = arith.constant 1 : i32
    %dma_start3A_80 = arith.constant 1 : i32
    %dma_start3A_81 = arith.constant 0 : i32
    %dma_start3A_82 = arith.constant 0 : i32
    %dma_start3A_83 = tpu.memref_slice %arg6[%dma_start3A_79, %dma_start3A_81, %dma_start3A_82] : memref<2x640x64xf32, #tpu.memory_space<vmem>> -> memref<1x128x64xf32, #tpu.memory_space<vmem>>
    %dma_start3A_84 = tpu.memref_squeeze %dma_start3A_83 : memref<1x128x64xf32, #tpu.memory_space<vmem>> -> memref<128x64xf32, #tpu.memory_space<vmem>>
    %dma_start3A_85 = arith.constant 0 : i32
    %dma_start3A_86 = tpu.memref_slice %arg5[%dma_start3A_78, %dma_start3A_85] : memref<50x128xi32, #tpu.memory_space<vmem>> -> memref<1x128xi32, #tpu.memory_space<vmem>>
    %dma_start3A_87 = tpu.memref_squeeze %dma_start3A_86 : memref<1x128xi32, #tpu.memory_space<vmem>> -> memref<128xi32, #tpu.memory_space<vmem>>
    %dma_start3A_88 = arith.constant 0 : i32
    %dma_start3A_89 = arith.constant 0 : i32
    %dma_start3A_90 = tpu.memref_slice %arg2[%dma_start3A_88, %dma_start3A_89] : memref<100000x64xf32, #tpu.memory_space<hbm>> -> memref<100000x64xf32, #tpu.memory_space<hbm>>
    %dma_start3A_91 = tpu.memref_slice %arg7[%dma_start3A_80] : memref<2x!tpu.dma_semaphore, #tpu.memory_space<semaphore_mem>> -> memref<1x!tpu.dma_semaphore, #tpu.memory_space<semaphore_mem>>
    %dma_start3A_92 = tpu.memref_squeeze %dma_start3A_91 : memref<1x!tpu.dma_semaphore, #tpu.memory_space<semaphore_mem>> -> memref<!tpu.dma_semaphore, #tpu.memory_space<semaphore_mem>>
    tpu.enqueue_indirect_dma source(%dma_start3A_90 : memref<100000x64xf32, #tpu.memory_space<hbm>>) target(%dma_start3A_84 : memref<128x64xf32, #tpu.memory_space<vmem>>) offsets(%dma_start3A_87 : memref<128xi32, #tpu.memory_space<vmem>>) semaphore(%dma_start3A_92 : memref<!tpu.dma_semaphore, #tpu.memory_space<semaphore_mem>>)
    %dma_start3A_93 = arith.constant 6 : i32
    %dma_start3A_94 = arith.constant 1 : i32
    %dma_start3A_95 = arith.constant 1 : i32
    %dma_start3A_96 = arith.constant 128 : i32
    %dma_start3A_97 = arith.constant 0 : i32
    %dma_start3A_98 = tpu.memref_slice %arg6[%dma_start3A_94, %dma_start3A_96, %dma_start3A_97] : memref<2x640x64xf32, #tpu.memory_space<vmem>> -> memref<1x128x64xf32, #tpu.memory_space<vmem>>
    %dma_start3A_99 = tpu.memref_squeeze %dma_start3A_98 : memref<1x128x64xf32, #tpu.memory_space<vmem>> -> memref<128x64xf32, #tpu.memory_space<vmem>>
    %dma_start3A_100 = arith.constant 0 : i32
    %dma_start3A_101 = tpu.memref_slice %arg5[%dma_start3A_93, %dma_start3A_100] : memref<50x128xi32, #tpu.memory_space<vmem>> -> memref<1x128xi32, #tpu.memory_space<vmem>>
    %dma_start3A_102 = tpu.memref_squeeze %dma_start3A_101 : memref<1x128xi32, #tpu.memory_space<vmem>> -> memref<128xi32, #tpu.memory_space<vmem>>
    %dma_start3A_103 = arith.constant 0 : i32
    %dma_start3A_104 = arith.constant 0 : i32
    %dma_start3A_105 = tpu.memref_slice %arg2[%dma_start3A_103, %dma_start3A_104] : memref<100000x64xf32, #tpu.memory_space<hbm>> -> memref<100000x64xf32, #tpu.memory_space<hbm>>
    %dma_start3A_106 = tpu.memref_slice %arg7[%dma_start3A_95] : memref<2x!tpu.dma_semaphore, #tpu.memory_space<semaphore_mem>> -> memref<1x!tpu.dma_semaphore, #tpu.memory_space<semaphore_mem>>
    %dma_start3A_107 = tpu.memref_squeeze %dma_start3A_106 : memref<1x!tpu.dma_semaphore, #tpu.memory_space<semaphore_mem>> -> memref<!tpu.dma_semaphore, #tpu.memory_space<semaphore_mem>>
    tpu.enqueue_indirect_dma source(%dma_start3A_105 : memref<100000x64xf32, #tpu.memory_space<hbm>>) target(%dma_start3A_99 : memref<128x64xf32, #tpu.memory_space<vmem>>) offsets(%dma_start3A_102 : memref<128xi32, #tpu.memory_space<vmem>>) semaphore(%dma_start3A_107 : memref<!tpu.dma_semaphore, #tpu.memory_space<semaphore_mem>>)
    %dma_start3A_108 = arith.constant 7 : i32
    %dma_start3A_109 = arith.constant 1 : i32
    %dma_start3A_110 = arith.constant 1 : i32
    %dma_start3A_111 = arith.constant 256 : i32
    %dma_start3A_112 = arith.constant 0 : i32
    %dma_start3A_113 = tpu.memref_slice %arg6[%dma_start3A_109, %dma_start3A_111, %dma_start3A_112] : memref<2x640x64xf32, #tpu.memory_space<vmem>> -> memref<1x128x64xf32, #tpu.memory_space<vmem>>
    %dma_start3A_114 = tpu.memref_squeeze %dma_start3A_113 : memref<1x128x64xf32, #tpu.memory_space<vmem>> -> memref<128x64xf32, #tpu.memory_space<vmem>>
    %dma_start3A_115 = arith.constant 0 : i32
    %dma_start3A_116 = tpu.memref_slice %arg5[%dma_start3A_108, %dma_start3A_115] : memref<50x128xi32, #tpu.memory_space<vmem>> -> memref<1x128xi32, #tpu.memory_space<vmem>>
    %dma_start3A_117 = tpu.memref_squeeze %dma_start3A_116 : memref<1x128xi32, #tpu.memory_space<vmem>> -> memref<128xi32, #tpu.memory_space<vmem>>
    %dma_start3A_118 = arith.constant 0 : i32
    %dma_start3A_119 = arith.constant 0 : i32
    %dma_start3A_120 = tpu.memref_slice %arg2[%dma_start3A_118, %dma_start3A_119] : memref<100000x64xf32, #tpu.memory_space<hbm>> -> memref<100000x64xf32, #tpu.memory_space<hbm>>
    %dma_start3A_121 = tpu.memref_slice %arg7[%dma_start3A_110] : memref<2x!tpu.dma_semaphore, #tpu.memory_space<semaphore_mem>> -> memref<1x!tpu.dma_semaphore, #tpu.memory_space<semaphore_mem>>
    %dma_start3A_122 = tpu.memref_squeeze %dma_start3A_121 : memref<1x!tpu.dma_semaphore, #tpu.memory_space<semaphore_mem>> -> memref<!tpu.dma_semaphore, #tpu.memory_space<semaphore_mem>>
    tpu.enqueue_indirect_dma source(%dma_start3A_120 : memref<100000x64xf32, #tpu.memory_space<hbm>>) target(%dma_start3A_114 : memref<128x64xf32, #tpu.memory_space<vmem>>) offsets(%dma_start3A_117 : memref<128xi32, #tpu.memory_space<vmem>>) semaphore(%dma_start3A_122 : memref<!tpu.dma_semaphore, #tpu.memory_space<semaphore_mem>>)
    %dma_start3A_123 = arith.constant 8 : i32
    %dma_start3A_124 = arith.constant 1 : i32
    %dma_start3A_125 = arith.constant 1 : i32
    %dma_start3A_126 = arith.constant 384 : i32
    %dma_start3A_127 = arith.constant 0 : i32
    %dma_start3A_128 = tpu.memref_slice %arg6[%dma_start3A_124, %dma_start3A_126, %dma_start3A_127] : memref<2x640x64xf32, #tpu.memory_space<vmem>> -> memref<1x128x64xf32, #tpu.memory_space<vmem>>
    %dma_start3A_129 = tpu.memref_squeeze %dma_start3A_128 : memref<1x128x64xf32, #tpu.memory_space<vmem>> -> memref<128x64xf32, #tpu.memory_space<vmem>>
    %dma_start3A_130 = arith.constant 0 : i32
    %dma_start3A_131 = tpu.memref_slice %arg5[%dma_start3A_123, %dma_start3A_130] : memref<50x128xi32, #tpu.memory_space<vmem>> -> memref<1x128xi32, #tpu.memory_space<vmem>>
    %dma_start3A_132 = tpu.memref_squeeze %dma_start3A_131 : memref<1x128xi32, #tpu.memory_space<vmem>> -> memref<128xi32, #tpu.memory_space<vmem>>
    %dma_start3A_133 = arith.constant 0 : i32
    %dma_start3A_134 = arith.constant 0 : i32
    %dma_start3A_135 = tpu.memref_slice %arg2[%dma_start3A_133, %dma_start3A_134] : memref<100000x64xf32, #tpu.memory_space<hbm>> -> memref<100000x64xf32, #tpu.memory_space<hbm>>
    %dma_start3A_136 = tpu.memref_slice %arg7[%dma_start3A_125] : memref<2x!tpu.dma_semaphore, #tpu.memory_space<semaphore_mem>> -> memref<1x!tpu.dma_semaphore, #tpu.memory_space<semaphore_mem>>
    %dma_start3A_137 = tpu.memref_squeeze %dma_start3A_136 : memref<1x!tpu.dma_semaphore, #tpu.memory_space<semaphore_mem>> -> memref<!tpu.dma_semaphore, #tpu.memory_space<semaphore_mem>>
    tpu.enqueue_indirect_dma source(%dma_start3A_135 : memref<100000x64xf32, #tpu.memory_space<hbm>>) target(%dma_start3A_129 : memref<128x64xf32, #tpu.memory_space<vmem>>) offsets(%dma_start3A_132 : memref<128xi32, #tpu.memory_space<vmem>>) semaphore(%dma_start3A_137 : memref<!tpu.dma_semaphore, #tpu.memory_space<semaphore_mem>>)
    %dma_start3A_138 = arith.constant 9 : i32
    %dma_start3A_139 = arith.constant 1 : i32
    %dma_start3A_140 = arith.constant 1 : i32
    %dma_start3A_141 = arith.constant 512 : i32
    %dma_start3A_142 = arith.constant 0 : i32
    %dma_start3A_143 = tpu.memref_slice %arg6[%dma_start3A_139, %dma_start3A_141, %dma_start3A_142] : memref<2x640x64xf32, #tpu.memory_space<vmem>> -> memref<1x128x64xf32, #tpu.memory_space<vmem>>
    %dma_start3A_144 = tpu.memref_squeeze %dma_start3A_143 : memref<1x128x64xf32, #tpu.memory_space<vmem>> -> memref<128x64xf32, #tpu.memory_space<vmem>>
    %dma_start3A_145 = arith.constant 0 : i32
    %dma_start3A_146 = tpu.memref_slice %arg5[%dma_start3A_138, %dma_start3A_145] : memref<50x128xi32, #tpu.memory_space<vmem>> -> memref<1x128xi32, #tpu.memory_space<vmem>>
    %dma_start3A_147 = tpu.memref_squeeze %dma_start3A_146 : memref<1x128xi32, #tpu.memory_space<vmem>> -> memref<128xi32, #tpu.memory_space<vmem>>
    %dma_start3A_148 = arith.constant 0 : i32
    %dma_start3A_149 = arith.constant 0 : i32
    %dma_start3A_150 = tpu.memref_slice %arg2[%dma_start3A_148, %dma_start3A_149] : memref<100000x64xf32, #tpu.memory_space<hbm>> -> memref<100000x64xf32, #tpu.memory_space<hbm>>
    %dma_start3A_151 = tpu.memref_slice %arg7[%dma_start3A_140] : memref<2x!tpu.dma_semaphore, #tpu.memory_space<semaphore_mem>> -> memref<1x!tpu.dma_semaphore, #tpu.memory_space<semaphore_mem>>
    %dma_start3A_152 = tpu.memref_squeeze %dma_start3A_151 : memref<1x!tpu.dma_semaphore, #tpu.memory_space<semaphore_mem>> -> memref<!tpu.dma_semaphore, #tpu.memory_space<semaphore_mem>>
    tpu.enqueue_indirect_dma source(%dma_start3A_150 : memref<100000x64xf32, #tpu.memory_space<hbm>>) target(%dma_start3A_144 : memref<128x64xf32, #tpu.memory_space<vmem>>) offsets(%dma_start3A_147 : memref<128xi32, #tpu.memory_space<vmem>>) semaphore(%dma_start3A_152 : memref<!tpu.dma_semaphore, #tpu.memory_space<semaphore_mem>>)
    %scan3A = arith.constant 0 : i32
    %scan3A_153 = arith.constant 0 : i32
    %scan3A_154 = arith.constant 5 : i32
    %scan3A_155 = arith.addi %scan3A_153, %scan3A_154 : i32
    %scan3A_156 = arith.constant 1 : i32
    scf.for %scan3A_193 = %scan3A_153 to %scan3A_155 step %scan3A_156  : i32 {
      %mul3A_194 = arith.constant 2 : i32
      %mul3A_195 = arith.muli %scan3A_193, %mul3A_194 : i32
      %add3A_196 = arith.constant 0 : i32
      %add3A_197 = arith.addi %mul3A_195, %add3A_196 : i32
      %dma_wait3A_198 = arith.constant 0 : i32
      %dma_wait3A_199 = arith.constant 0 : i32
      %dma_wait3A_200 = arith.constant 0 : i32
      %dma_wait3A_201 = arith.constant 0 : i32
      %dma_wait3A_202 = tpu.memref_slice %arg6[%dma_wait3A_198, %dma_wait3A_200, %dma_wait3A_201] : memref<2x640x64xf32, #tpu.memory_space<vmem>> -> memref<1x128x64xf32, #tpu.memory_space<vmem>>
      %dma_wait3A_203 = tpu.memref_squeeze %dma_wait3A_202 : memref<1x128x64xf32, #tpu.memory_space<vmem>> -> memref<128x64xf32, #tpu.memory_space<vmem>>
      %dma_wait3A_204 = arith.constant 0 : i32
      %dma_wait3A_205 = arith.constant 0 : i32
      %dma_wait3A_206 = tpu.memref_slice %arg2[%dma_wait3A_204, %dma_wait3A_205] : memref<100000x64xf32, #tpu.memory_space<hbm>> -> memref<128x64xf32, #tpu.memory_space<hbm>>
      %dma_wait3A_207 = tpu.memref_slice %arg7[%dma_wait3A_199] : memref<2x!tpu.dma_semaphore, #tpu.memory_space<semaphore_mem>> -> memref<1x!tpu.dma_semaphore, #tpu.memory_space<semaphore_mem>>
      %dma_wait3A_208 = tpu.memref_squeeze %dma_wait3A_207 : memref<1x!tpu.dma_semaphore, #tpu.memory_space<semaphore_mem>> -> memref<!tpu.dma_semaphore, #tpu.memory_space<semaphore_mem>>
      %dma_wait3A_209 = arith.constant 0 : i32
      %dma_wait3A_210 = arith.constant 0 : i32
      %dma_wait3A_211 = tpu.memref_slice %arg6[%dma_wait3A_198, %dma_wait3A_209, %dma_wait3A_210] : memref<2x640x64xf32, #tpu.memory_space<vmem>> -> memref<1x128x64xf32, #tpu.memory_space<vmem>>
      %dma_wait3A_212 = tpu.memref_squeeze %dma_wait3A_211 : memref<1x128x64xf32, #tpu.memory_space<vmem>> -> memref<128x64xf32, #tpu.memory_space<vmem>>
      %dma_wait3A_213 = arith.constant 0 : i32
      %dma_wait3A_214 = arith.constant 0 : i32
      %dma_wait3A_215 = tpu.memref_slice %arg2[%dma_wait3A_213, %dma_wait3A_214] : memref<100000x64xf32, #tpu.memory_space<hbm>> -> memref<128x64xf32, #tpu.memory_space<hbm>>
      tpu.wait_dma2 semaphore(%dma_wait3A_208 : memref<!tpu.dma_semaphore, #tpu.memory_space<semaphore_mem>>) src(%dma_wait3A_215 : memref<128x64xf32, #tpu.memory_space<hbm>>) dst(%dma_wait3A_212 : memref<128x64xf32, #tpu.memory_space<vmem>>)
      %dma_wait3A_216 = arith.constant 0 : i32
      %dma_wait3A_217 = arith.constant 0 : i32
      %dma_wait3A_218 = arith.constant 0 : i32
      %dma_wait3A_219 = arith.constant 0 : i32
      %dma_wait3A_220 = tpu.memref_slice %arg6[%dma_wait3A_216, %dma_wait3A_218, %dma_wait3A_219] : memref<2x640x64xf32, #tpu.memory_space<vmem>> -> memref<1x128x64xf32, #tpu.memory_space<vmem>>
      %dma_wait3A_221 = tpu.memref_squeeze %dma_wait3A_220 : memref<1x128x64xf32, #tpu.memory_space<vmem>> -> memref<128x64xf32, #tpu.memory_space<vmem>>
      %dma_wait3A_222 = arith.constant 0 : i32
      %dma_wait3A_223 = arith.constant 0 : i32
      %dma_wait3A_224 = tpu.memref_slice %arg2[%dma_wait3A_222, %dma_wait3A_223] : memref<100000x64xf32, #tpu.memory_space<hbm>> -> memref<128x64xf32, #tpu.memory_space<hbm>>
      %dma_wait3A_225 = tpu.memref_slice %arg7[%dma_wait3A_217] : memref<2x!tpu.dma_semaphore, #tpu.memory_space<semaphore_mem>> -> memref<1x!tpu.dma_semaphore, #tpu.memory_space<semaphore_mem>>
      %dma_wait3A_226 = tpu.memref_squeeze %dma_wait3A_225 : memref<1x!tpu.dma_semaphore, #tpu.memory_space<semaphore_mem>> -> memref<!tpu.dma_semaphore, #tpu.memory_space<semaphore_mem>>
      %dma_wait3A_227 = arith.constant 0 : i32
      %dma_wait3A_228 = arith.constant 0 : i32
      %dma_wait3A_229 = tpu.memref_slice %arg6[%dma_wait3A_216, %dma_wait3A_227, %dma_wait3A_228] : memref<2x640x64xf32, #tpu.memory_space<vmem>> -> memref<1x128x64xf32, #tpu.memory_space<vmem>>
      %dma_wait3A_230 = tpu.memref_squeeze %dma_wait3A_229 : memref<1x128x64xf32, #tpu.memory_space<vmem>> -> memref<128x64xf32, #tpu.memory_space<vmem>>
      %dma_wait3A_231 = arith.constant 0 : i32
      %dma_wait3A_232 = arith.constant 0 : i32
      %dma_wait3A_233 = tpu.memref_slice %arg2[%dma_wait3A_231, %dma_wait3A_232] : memref<100000x64xf32, #tpu.memory_space<hbm>> -> memref<128x64xf32, #tpu.memory_space<hbm>>
      tpu.wait_dma2 semaphore(%dma_wait3A_226 : memref<!tpu.dma_semaphore, #tpu.memory_space<semaphore_mem>>) src(%dma_wait3A_233 : memref<128x64xf32, #tpu.memory_space<hbm>>) dst(%dma_wait3A_230 : memref<128x64xf32, #tpu.memory_space<vmem>>)
      %dma_wait3A_234 = arith.constant 0 : i32
      %dma_wait3A_235 = arith.constant 0 : i32
      %dma_wait3A_236 = arith.constant 0 : i32
      %dma_wait3A_237 = arith.constant 0 : i32
      %dma_wait3A_238 = tpu.memref_slice %arg6[%dma_wait3A_234, %dma_wait3A_236, %dma_wait3A_237] : memref<2x640x64xf32, #tpu.memory_space<vmem>> -> memref<1x128x64xf32, #tpu.memory_space<vmem>>
      %dma_wait3A_239 = tpu.memref_squeeze %dma_wait3A_238 : memref<1x128x64xf32, #tpu.memory_space<vmem>> -> memref<128x64xf32, #tpu.memory_space<vmem>>
      %dma_wait3A_240 = arith.constant 0 : i32
      %dma_wait3A_241 = arith.constant 0 : i32
      %dma_wait3A_242 = tpu.memref_slice %arg2[%dma_wait3A_240, %dma_wait3A_241] : memref<100000x64xf32, #tpu.memory_space<hbm>> -> memref<128x64xf32, #tpu.memory_space<hbm>>
      %dma_wait3A_243 = tpu.memref_slice %arg7[%dma_wait3A_235] : memref<2x!tpu.dma_semaphore, #tpu.memory_space<semaphore_mem>> -> memref<1x!tpu.dma_semaphore, #tpu.memory_space<semaphore_mem>>
      %dma_wait3A_244 = tpu.memref_squeeze %dma_wait3A_243 : memref<1x!tpu.dma_semaphore, #tpu.memory_space<semaphore_mem>> -> memref<!tpu.dma_semaphore, #tpu.memory_space<semaphore_mem>>
      %dma_wait3A_245 = arith.constant 0 : i32
      %dma_wait3A_246 = arith.constant 0 : i32
      %dma_wait3A_247 = tpu.memref_slice %arg6[%dma_wait3A_234, %dma_wait3A_245, %dma_wait3A_246] : memref<2x640x64xf32, #tpu.memory_space<vmem>> -> memref<1x128x64xf32, #tpu.memory_space<vmem>>
      %dma_wait3A_248 = tpu.memref_squeeze %dma_wait3A_247 : memref<1x128x64xf32, #tpu.memory_space<vmem>> -> memref<128x64xf32, #tpu.memory_space<vmem>>
      %dma_wait3A_249 = arith.constant 0 : i32
      %dma_wait3A_250 = arith.constant 0 : i32
      %dma_wait3A_251 = tpu.memref_slice %arg2[%dma_wait3A_249, %dma_wait3A_250] : memref<100000x64xf32, #tpu.memory_space<hbm>> -> memref<128x64xf32, #tpu.memory_space<hbm>>
      tpu.wait_dma2 semaphore(%dma_wait3A_244 : memref<!tpu.dma_semaphore, #tpu.memory_space<semaphore_mem>>) src(%dma_wait3A_251 : memref<128x64xf32, #tpu.memory_space<hbm>>) dst(%dma_wait3A_248 : memref<128x64xf32, #tpu.memory_space<vmem>>)
      %dma_wait3A_252 = arith.constant 0 : i32
      %dma_wait3A_253 = arith.constant 0 : i32
      %dma_wait3A_254 = arith.constant 0 : i32
      %dma_wait3A_255 = arith.constant 0 : i32
      %dma_wait3A_256 = tpu.memref_slice %arg6[%dma_wait3A_252, %dma_wait3A_254, %dma_wait3A_255] : memref<2x640x64xf32, #tpu.memory_space<vmem>> -> memref<1x128x64xf32, #tpu.memory_space<vmem>>
      %dma_wait3A_257 = tpu.memref_squeeze %dma_wait3A_256 : memref<1x128x64xf32, #tpu.memory_space<vmem>> -> memref<128x64xf32, #tpu.memory_space<vmem>>
      %dma_wait3A_258 = arith.constant 0 : i32
      %dma_wait3A_259 = arith.constant 0 : i32
      %dma_wait3A_260 = tpu.memref_slice %arg2[%dma_wait3A_258, %dma_wait3A_259] : memref<100000x64xf32, #tpu.memory_space<hbm>> -> memref<128x64xf32, #tpu.memory_space<hbm>>
      %dma_wait3A_261 = tpu.memref_slice %arg7[%dma_wait3A_253] : memref<2x!tpu.dma_semaphore, #tpu.memory_space<semaphore_mem>> -> memref<1x!tpu.dma_semaphore, #tpu.memory_space<semaphore_mem>>
      %dma_wait3A_262 = tpu.memref_squeeze %dma_wait3A_261 : memref<1x!tpu.dma_semaphore, #tpu.memory_space<semaphore_mem>> -> memref<!tpu.dma_semaphore, #tpu.memory_space<semaphore_mem>>
      %dma_wait3A_263 = arith.constant 0 : i32
      %dma_wait3A_264 = arith.constant 0 : i32
      %dma_wait3A_265 = tpu.memref_slice %arg6[%dma_wait3A_252, %dma_wait3A_263, %dma_wait3A_264] : memref<2x640x64xf32, #tpu.memory_space<vmem>> -> memref<1x128x64xf32, #tpu.memory_space<vmem>>
      %dma_wait3A_266 = tpu.memref_squeeze %dma_wait3A_265 : memref<1x128x64xf32, #tpu.memory_space<vmem>> -> memref<128x64xf32, #tpu.memory_space<vmem>>
      %dma_wait3A_267 = arith.constant 0 : i32
      %dma_wait3A_268 = arith.constant 0 : i32
      %dma_wait3A_269 = tpu.memref_slice %arg2[%dma_wait3A_267, %dma_wait3A_268] : memref<100000x64xf32, #tpu.memory_space<hbm>> -> memref<128x64xf32, #tpu.memory_space<hbm>>
      tpu.wait_dma2 semaphore(%dma_wait3A_262 : memref<!tpu.dma_semaphore, #tpu.memory_space<semaphore_mem>>) src(%dma_wait3A_269 : memref<128x64xf32, #tpu.memory_space<hbm>>) dst(%dma_wait3A_266 : memref<128x64xf32, #tpu.memory_space<vmem>>)
      %dma_wait3A_270 = arith.constant 0 : i32
      %dma_wait3A_271 = arith.constant 0 : i32
      %dma_wait3A_272 = arith.constant 0 : i32
      %dma_wait3A_273 = arith.constant 0 : i32
      %dma_wait3A_274 = tpu.memref_slice %arg6[%dma_wait3A_270, %dma_wait3A_272, %dma_wait3A_273] : memref<2x640x64xf32, #tpu.memory_space<vmem>> -> memref<1x128x64xf32, #tpu.memory_space<vmem>>
      %dma_wait3A_275 = tpu.memref_squeeze %dma_wait3A_274 : memref<1x128x64xf32, #tpu.memory_space<vmem>> -> memref<128x64xf32, #tpu.memory_space<vmem>>
      %dma_wait3A_276 = arith.constant 0 : i32
      %dma_wait3A_277 = arith.constant 0 : i32
      %dma_wait3A_278 = tpu.memref_slice %arg2[%dma_wait3A_276, %dma_wait3A_277] : memref<100000x64xf32, #tpu.memory_space<hbm>> -> memref<128x64xf32, #tpu.memory_space<hbm>>
      %dma_wait3A_279 = tpu.memref_slice %arg7[%dma_wait3A_271] : memref<2x!tpu.dma_semaphore, #tpu.memory_space<semaphore_mem>> -> memref<1x!tpu.dma_semaphore, #tpu.memory_space<semaphore_mem>>
      %dma_wait3A_280 = tpu.memref_squeeze %dma_wait3A_279 : memref<1x!tpu.dma_semaphore, #tpu.memory_space<semaphore_mem>> -> memref<!tpu.dma_semaphore, #tpu.memory_space<semaphore_mem>>
      %dma_wait3A_281 = arith.constant 0 : i32
      %dma_wait3A_282 = arith.constant 0 : i32
      %dma_wait3A_283 = tpu.memref_slice %arg6[%dma_wait3A_270, %dma_wait3A_281, %dma_wait3A_282] : memref<2x640x64xf32, #tpu.memory_space<vmem>> -> memref<1x128x64xf32, #tpu.memory_space<vmem>>
      %dma_wait3A_284 = tpu.memref_squeeze %dma_wait3A_283 : memref<1x128x64xf32, #tpu.memory_space<vmem>> -> memref<128x64xf32, #tpu.memory_space<vmem>>
      %dma_wait3A_285 = arith.constant 0 : i32
      %dma_wait3A_286 = arith.constant 0 : i32
      %dma_wait3A_287 = tpu.memref_slice %arg2[%dma_wait3A_285, %dma_wait3A_286] : memref<100000x64xf32, #tpu.memory_space<hbm>> -> memref<128x64xf32, #tpu.memory_space<hbm>>
      tpu.wait_dma2 semaphore(%dma_wait3A_280 : memref<!tpu.dma_semaphore, #tpu.memory_space<semaphore_mem>>) src(%dma_wait3A_287 : memref<128x64xf32, #tpu.memory_space<hbm>>) dst(%dma_wait3A_284 : memref<128x64xf32, #tpu.memory_space<vmem>>)
      %mul3A_288 = arith.constant 5 : i32
      %mul3A_289 = arith.muli %add3A_197, %mul3A_288 : i32
      %add3A_290 = arith.constant 0 : i32
      %add3A_291 = arith.addi %mul3A_289, %add3A_290 : i32
      %get3A = arith.index_cast %add3A_291 : i32 to index
      %get3A_292 = arith.constant 0 : index
      %get3A_293 = tpu.vector_load %arg5[%get3A, %get3A_292] {strides = array<i32>} : memref<50x128xi32, #tpu.memory_space<vmem>>, vector<16xi32>,
      %reduce_min3A = arith.constant true
      %reduce_min3A_294 = vector.broadcast %reduce_min3A : i1 to vector<16xi1>
      %reduce_min3A_295 = arith.constant -2147483648 : i32
      %reduce_min3A_296 = vector.broadcast %reduce_min3A_295 : i32 to vector<16xi32>
      %reduce_min3A_297 = arith.xori %get3A_293, %reduce_min3A_296 : vector<16xi32>
      %reduce_min3A_298 = tpu.scan <min>, %reduce_min3A_297 masked %reduce_min3A_294 : vector<16xi32>, vector<16xi1> -> vector<16xi32>
      %reduce_min3A_299 = arith.xori %reduce_min3A_298, %reduce_min3A_296 : vector<16xi32>
      %reduce_min3A_300 = vector.extract %reduce_min3A_299[15] : i32 from vector<16xi32>
      %eq3A = arith.constant 0 : i32
      %eq3A_301 = arith.cmpi eq, %reduce_min3A_300, %eq3A : i32
      %convert_element_type3A = arith.extui %eq3A_301 : i1 to i32
      %cond3A = arith.constant 0 : i32
      %cond3A_302 = arith.cmpi ne, %convert_element_type3A, %cond3A : i32
      scf.if %cond3A_302 {
        %eq3A_2024 = arith.constant 0 : i32
        %eq3A_2025 = vector.broadcast %eq3A_2024 : i32 to vector<16xi32>
        %eq3A_2026 = arith.cmpi eq, %get3A_293, %eq3A_2025 : vector<16xi32>
        %add3A_2027 = arith.constant 0 : i32
        %add3A_2028 = vector.broadcast %add3A_2027 : i32 to vector<16xi32>
        %add3A_2029 = arith.addi %add3A_2028, %iota3A : vector<16xi32>
        %scan3A_2030 = arith.constant 0 : i32
        %scan3A_2031 = arith.constant 0 : i32
        %scan3A_2032 = arith.constant 64 : i32
        %scan3A_2033 = arith.addi %scan3A_2031, %scan3A_2032 : i32
        %scan3A_2034 = arith.constant 1 : i32
        scf.for %scan3A_2036 = %scan3A_2031 to %scan3A_2033 step %scan3A_2034  : i32 {
          %broadcast_in_dim3A_2037 = arith.constant 0 : i32
          %broadcast_in_dim3A_2038 = vector.broadcast %broadcast_in_dim3A_2037 : i32 to vector<16xi32>
          %add3A_2039 = vector.broadcast %scan3A_2036 : i32 to vector<16xi32>
          %add3A_2040 = arith.addi %broadcast_in_dim3A_2038, %add3A_2039 : vector<16xi32>
          %scatter3A = arith.constant 0 : i32
          %scatter3A_2041 = arith.constant 0 : i32
          %scatter3A_2042 = arith.constant 0 : i32
          %scatter3A_2043 = tpu.memref_slice %arg6[%scatter3A, %scatter3A_2041, %scatter3A_2042] : memref<2x640x64xf32, #tpu.memory_space<vmem>> -> memref<1x640x64xf32, #tpu.memory_space<vmem>>
          %scatter3A_2044 = tpu.memref_squeeze %scatter3A_2043 : memref<1x640x64xf32, #tpu.memory_space<vmem>> -> memref<640x64xf32, #tpu.memory_space<vmem>>
          tpu.vector_store_idx %scatter3A_2044[%add3A_2029, %add3A_2040], %broadcast_in_dim3A_3 masked %eq3A_2026 : memref<640x64xf32, #tpu.memory_space<vmem>>[vector<16xi32>, vector<16xi32>], vector<16xf32>, vector<16xi1>
        }
        %scan3A_2035 = arith.constant 64 : i32
      } else {
      }
      %mul3A_303 = arith.constant 5 : i32
      %mul3A_304 = arith.muli %add3A_197, %mul3A_303 : i32
      %add3A_305 = arith.constant 0 : i32
      %add3A_306 = arith.addi %mul3A_304, %add3A_305 : i32
      %get3A_307 = arith.index_cast %add3A_306 : i32 to index
      %get3A_308 = arith.constant 16 : index
      %get3A_309 = tpu.vector_load %arg5[%get3A_307, %get3A_308] {strides = array<i32>} : memref<50x128xi32, #tpu.memory_space<vmem>>, vector<16xi32>,
      %reduce_min3A_310 = arith.constant true
      %reduce_min3A_311 = vector.broadcast %reduce_min3A_310 : i1 to vector<16xi1>
      %reduce_min3A_312 = arith.constant -2147483648 : i32
      %reduce_min3A_313 = vector.broadcast %reduce_min3A_312 : i32 to vector<16xi32>
      %reduce_min3A_314 = arith.xori %get3A_309, %reduce_min3A_313 : vector<16xi32>
      %reduce_min3A_315 = tpu.scan <min>, %reduce_min3A_314 masked %reduce_min3A_311 : vector<16xi32>, vector<16xi1> -> vector<16xi32>
      %reduce_min3A_316 = arith.xori %reduce_min3A_315, %reduce_min3A_313 : vector<16xi32>
      %reduce_min3A_317 = vector.extract %reduce_min3A_316[15] : i32 from vector<16xi32>
      %eq3A_318 = arith.constant 0 : i32
      %eq3A_319 = arith.cmpi eq, %reduce_min3A_317, %eq3A_318 : i32
      %convert_element_type3A_320 = arith.extui %eq3A_319 : i1 to i32
      %cond3A_321 = arith.constant 0 : i32
      %cond3A_322 = arith.cmpi ne, %convert_element_type3A_320, %cond3A_321 : i32
      scf.if %cond3A_322 {
        %eq3A_2024 = arith.constant 0 : i32
        %eq3A_2025 = vector.broadcast %eq3A_2024 : i32 to vector<16xi32>
        %eq3A_2026 = arith.cmpi eq, %get3A_309, %eq3A_2025 : vector<16xi32>
        %add3A_2027 = arith.constant 16 : i32
        %add3A_2028 = vector.broadcast %add3A_2027 : i32 to vector<16xi32>
        %add3A_2029 = arith.addi %add3A_2028, %iota3A : vector<16xi32>
        %scan3A_2030 = arith.constant 0 : i32
        %scan3A_2031 = arith.constant 0 : i32
        %scan3A_2032 = arith.constant 64 : i32
        %scan3A_2033 = arith.addi %scan3A_2031, %scan3A_2032 : i32
        %scan3A_2034 = arith.constant 1 : i32
        scf.for %scan3A_2036 = %scan3A_2031 to %scan3A_2033 step %scan3A_2034  : i32 {
          %broadcast_in_dim3A_2037 = arith.constant 0 : i32
          %broadcast_in_dim3A_2038 = vector.broadcast %broadcast_in_dim3A_2037 : i32 to vector<16xi32>
          %add3A_2039 = vector.broadcast %scan3A_2036 : i32 to vector<16xi32>
          %add3A_2040 = arith.addi %broadcast_in_dim3A_2038, %add3A_2039 : vector<16xi32>
          %scatter3A = arith.constant 0 : i32
          %scatter3A_2041 = arith.constant 0 : i32
          %scatter3A_2042 = arith.constant 0 : i32
          %scatter3A_2043 = tpu.memref_slice %arg6[%scatter3A, %scatter3A_2041, %scatter3A_2042] : memref<2x640x64xf32, #tpu.memory_space<vmem>> -> memref<1x640x64xf32, #tpu.memory_space<vmem>>
          %scatter3A_2044 = tpu.memref_squeeze %scatter3A_2043 : memref<1x640x64xf32, #tpu.memory_space<vmem>> -> memref<640x64xf32, #tpu.memory_space<vmem>>
          tpu.vector_store_idx %scatter3A_2044[%add3A_2029, %add3A_2040], %broadcast_in_dim3A_3 masked %eq3A_2026 : memref<640x64xf32, #tpu.memory_space<vmem>>[vector<16xi32>, vector<16xi32>], vector<16xf32>, vector<16xi1>
        }
        %scan3A_2035 = arith.constant 64 : i32
      } else {
      }
      %mul3A_323 = arith.constant 5 : i32
      %mul3A_324 = arith.muli %add3A_197, %mul3A_323 : i32
      %add3A_325 = arith.constant 0 : i32
      %add3A_326 = arith.addi %mul3A_324, %add3A_325 : i32
      %get3A_327 = arith.index_cast %add3A_326 : i32 to index
      %get3A_328 = arith.constant 32 : index
      %get3A_329 = tpu.vector_load %arg5[%get3A_327, %get3A_328] {strides = array<i32>} : memref<50x128xi32, #tpu.memory_space<vmem>>, vector<16xi32>,
      %reduce_min3A_330 = arith.constant true
      %reduce_min3A_331 = vector.broadcast %reduce_min3A_330 : i1 to vector<16xi1>
      %reduce_min3A_332 = arith.constant -2147483648 : i32
      %reduce_min3A_333 = vector.broadcast %reduce_min3A_332 : i32 to vector<16xi32>
      %reduce_min3A_334 = arith.xori %get3A_329, %reduce_min3A_333 : vector<16xi32>
      %reduce_min3A_335 = tpu.scan <min>, %reduce_min3A_334 masked %reduce_min3A_331 : vector<16xi32>, vector<16xi1> -> vector<16xi32>
      %reduce_min3A_336 = arith.xori %reduce_min3A_335, %reduce_min3A_333 : vector<16xi32>
      %reduce_min3A_337 = vector.extract %reduce_min3A_336[15] : i32 from vector<16xi32>
      %eq3A_338 = arith.constant 0 : i32
      %eq3A_339 = arith.cmpi eq, %reduce_min3A_337, %eq3A_338 : i32
      %convert_element_type3A_340 = arith.extui %eq3A_339 : i1 to i32
      %cond3A_341 = arith.constant 0 : i32
      %cond3A_342 = arith.cmpi ne, %convert_element_type3A_340, %cond3A_341 : i32
      scf.if %cond3A_342 {
        %eq3A_2024 = arith.constant 0 : i32
        %eq3A_2025 = vector.broadcast %eq3A_2024 : i32 to vector<16xi32>
        %eq3A_2026 = arith.cmpi eq, %get3A_329, %eq3A_2025 : vector<16xi32>
        %add3A_2027 = arith.constant 32 : i32
        %add3A_2028 = vector.broadcast %add3A_2027 : i32 to vector<16xi32>
        %add3A_2029 = arith.addi %add3A_2028, %iota3A : vector<16xi32>
        %scan3A_2030 = arith.constant 0 : i32
        %scan3A_2031 = arith.constant 0 : i32
        %scan3A_2032 = arith.constant 64 : i32
        %scan3A_2033 = arith.addi %scan3A_2031, %scan3A_2032 : i32
        %scan3A_2034 = arith.constant 1 : i32
        scf.for %scan3A_2036 = %scan3A_2031 to %scan3A_2033 step %scan3A_2034  : i32 {
          %broadcast_in_dim3A_2037 = arith.constant 0 : i32
          %broadcast_in_dim3A_2038 = vector.broadcast %broadcast_in_dim3A_2037 : i32 to vector<16xi32>
          %add3A_2039 = vector.broadcast %scan3A_2036 : i32 to vector<16xi32>
          %add3A_2040 = arith.addi %broadcast_in_dim3A_2038, %add3A_2039 : vector<16xi32>
          %scatter3A = arith.constant 0 : i32
          %scatter3A_2041 = arith.constant 0 : i32
          %scatter3A_2042 = arith.constant 0 : i32
          %scatter3A_2043 = tpu.memref_slice %arg6[%scatter3A, %scatter3A_2041, %scatter3A_2042] : memref<2x640x64xf32, #tpu.memory_space<vmem>> -> memref<1x640x64xf32, #tpu.memory_space<vmem>>
          %scatter3A_2044 = tpu.memref_squeeze %scatter3A_2043 : memref<1x640x64xf32, #tpu.memory_space<vmem>> -> memref<640x64xf32, #tpu.memory_space<vmem>>
          tpu.vector_store_idx %scatter3A_2044[%add3A_2029, %add3A_2040], %broadcast_in_dim3A_3 masked %eq3A_2026 : memref<640x64xf32, #tpu.memory_space<vmem>>[vector<16xi32>, vector<16xi32>], vector<16xf32>, vector<16xi1>
        }
        %scan3A_2035 = arith.constant 64 : i32
      } else {
      }
      %mul3A_343 = arith.constant 5 : i32
      %mul3A_344 = arith.muli %add3A_197, %mul3A_343 : i32
      %add3A_345 = arith.constant 0 : i32
      %add3A_346 = arith.addi %mul3A_344, %add3A_345 : i32
      %get3A_347 = arith.index_cast %add3A_346 : i32 to index
      %get3A_348 = arith.constant 48 : index
      %get3A_349 = tpu.vector_load %arg5[%get3A_347, %get3A_348] {strides = array<i32>} : memref<50x128xi32, #tpu.memory_space<vmem>>, vector<16xi32>,
      %reduce_min3A_350 = arith.constant true
      %reduce_min3A_351 = vector.broadcast %reduce_min3A_350 : i1 to vector<16xi1>
      %reduce_min3A_352 = arith.constant -2147483648 : i32
      %reduce_min3A_353 = vector.broadcast %reduce_min3A_352 : i32 to vector<16xi32>
      %reduce_min3A_354 = arith.xori %get3A_349, %reduce_min3A_353 : vector<16xi32>
      %reduce_min3A_355 = tpu.scan <min>, %reduce_min3A_354 masked %reduce_min3A_351 : vector<16xi32>, vector<16xi1> -> vector<16xi32>
      %reduce_min3A_356 = arith.xori %reduce_min3A_355, %reduce_min3A_353 : vector<16xi32>
      %reduce_min3A_357 = vector.extract %reduce_min3A_356[15] : i32 from vector<16xi32>
      %eq3A_358 = arith.constant 0 : i32
      %eq3A_359 = arith.cmpi eq, %reduce_min3A_357, %eq3A_358 : i32
      %convert_element_type3A_360 = arith.extui %eq3A_359 : i1 to i32
      %cond3A_361 = arith.constant 0 : i32
      %cond3A_362 = arith.cmpi ne, %convert_element_type3A_360, %cond3A_361 : i32
      scf.if %cond3A_362 {
        %eq3A_2024 = arith.constant 0 : i32
        %eq3A_2025 = vector.broadcast %eq3A_2024 : i32 to vector<16xi32>
        %eq3A_2026 = arith.cmpi eq, %get3A_349, %eq3A_2025 : vector<16xi32>
        %add3A_2027 = arith.constant 48 : i32
        %add3A_2028 = vector.broadcast %add3A_2027 : i32 to vector<16xi32>
        %add3A_2029 = arith.addi %add3A_2028, %iota3A : vector<16xi32>
        %scan3A_2030 = arith.constant 0 : i32
        %scan3A_2031 = arith.constant 0 : i32
        %scan3A_2032 = arith.constant 64 : i32
        %scan3A_2033 = arith.addi %scan3A_2031, %scan3A_2032 : i32
        %scan3A_2034 = arith.constant 1 : i32
        scf.for %scan3A_2036 = %scan3A_2031 to %scan3A_2033 step %scan3A_2034  : i32 {
          %broadcast_in_dim3A_2037 = arith.constant 0 : i32
          %broadcast_in_dim3A_2038 = vector.broadcast %broadcast_in_dim3A_2037 : i32 to vector<16xi32>
          %add3A_2039 = vector.broadcast %scan3A_2036 : i32 to vector<16xi32>
          %add3A_2040 = arith.addi %broadcast_in_dim3A_2038, %add3A_2039 : vector<16xi32>
          %scatter3A = arith.constant 0 : i32
          %scatter3A_2041 = arith.constant 0 : i32
          %scatter3A_2042 = arith.constant 0 : i32
          %scatter3A_2043 = tpu.memref_slice %arg6[%scatter3A, %scatter3A_2041, %scatter3A_2042] : memref<2x640x64xf32, #tpu.memory_space<vmem>> -> memref<1x640x64xf32, #tpu.memory_space<vmem>>
          %scatter3A_2044 = tpu.memref_squeeze %scatter3A_2043 : memref<1x640x64xf32, #tpu.memory_space<vmem>> -> memref<640x64xf32, #tpu.memory_space<vmem>>
          tpu.vector_store_idx %scatter3A_2044[%add3A_2029, %add3A_2040], %broadcast_in_dim3A_3 masked %eq3A_2026 : memref<640x64xf32, #tpu.memory_space<vmem>>[vector<16xi32>, vector<16xi32>], vector<16xf32>, vector<16xi1>
        }
        %scan3A_2035 = arith.constant 64 : i32
      } else {
      }
      %mul3A_363 = arith.constant 5 : i32
      %mul3A_364 = arith.muli %add3A_197, %mul3A_363 : i32
      %add3A_365 = arith.constant 0 : i32
      %add3A_366 = arith.addi %mul3A_364, %add3A_365 : i32
      %get3A_367 = arith.index_cast %add3A_366 : i32 to index
      %get3A_368 = arith.constant 64 : index
      %get3A_369 = tpu.vector_load %arg5[%get3A_367, %get3A_368] {strides = array<i32>} : memref<50x128xi32, #tpu.memory_space<vmem>>, vector<16xi32>,
      %reduce_min3A_370 = arith.constant true
      %reduce_min3A_371 = vector.broadcast %reduce_min3A_370 : i1 to vector<16xi1>
      %reduce_min3A_372 = arith.constant -2147483648 : i32
      %reduce_min3A_373 = vector.broadcast %reduce_min3A_372 : i32 to vector<16xi32>
      %reduce_min3A_374 = arith.xori %get3A_369, %reduce_min3A_373 : vector<16xi32>
      %reduce_min3A_375 = tpu.scan <min>, %reduce_min3A_374 masked %reduce_min3A_371 : vector<16xi32>, vector<16xi1> -> vector<16xi32>
      %reduce_min3A_376 = arith.xori %reduce_min3A_375, %reduce_min3A_373 : vector<16xi32>
      %reduce_min3A_377 = vector.extract %reduce_min3A_376[15] : i32 from vector<16xi32>
      %eq3A_378 = arith.constant 0 : i32
      %eq3A_379 = arith.cmpi eq, %reduce_min3A_377, %eq3A_378 : i32
      %convert_element_type3A_380 = arith.extui %eq3A_379 : i1 to i32
      %cond3A_381 = arith.constant 0 : i32
      %cond3A_382 = arith.cmpi ne, %convert_element_type3A_380, %cond3A_381 : i32
      scf.if %cond3A_382 {
        %eq3A_2024 = arith.constant 0 : i32
        %eq3A_2025 = vector.broadcast %eq3A_2024 : i32 to vector<16xi32>
        %eq3A_2026 = arith.cmpi eq, %get3A_369, %eq3A_2025 : vector<16xi32>
        %add3A_2027 = arith.constant 64 : i32
        %add3A_2028 = vector.broadcast %add3A_2027 : i32 to vector<16xi32>
        %add3A_2029 = arith.addi %add3A_2028, %iota3A : vector<16xi32>
        %scan3A_2030 = arith.constant 0 : i32
        %scan3A_2031 = arith.constant 0 : i32
        %scan3A_2032 = arith.constant 64 : i32
        %scan3A_2033 = arith.addi %scan3A_2031, %scan3A_2032 : i32
        %scan3A_2034 = arith.constant 1 : i32
        scf.for %scan3A_2036 = %scan3A_2031 to %scan3A_2033 step %scan3A_2034  : i32 {
          %broadcast_in_dim3A_2037 = arith.constant 0 : i32
          %broadcast_in_dim3A_2038 = vector.broadcast %broadcast_in_dim3A_2037 : i32 to vector<16xi32>
          %add3A_2039 = vector.broadcast %scan3A_2036 : i32 to vector<16xi32>
          %add3A_2040 = arith.addi %broadcast_in_dim3A_2038, %add3A_2039 : vector<16xi32>
          %scatter3A = arith.constant 0 : i32
          %scatter3A_2041 = arith.constant 0 : i32
          %scatter3A_2042 = arith.constant 0 : i32
          %scatter3A_2043 = tpu.memref_slice %arg6[%scatter3A, %scatter3A_2041, %scatter3A_2042] : memref<2x640x64xf32, #tpu.memory_space<vmem>> -> memref<1x640x64xf32, #tpu.memory_space<vmem>>
          %scatter3A_2044 = tpu.memref_squeeze %scatter3A_2043 : memref<1x640x64xf32, #tpu.memory_space<vmem>> -> memref<640x64xf32, #tpu.memory_space<vmem>>
          tpu.vector_store_idx %scatter3A_2044[%add3A_2029, %add3A_2040], %broadcast_in_dim3A_3 masked %eq3A_2026 : memref<640x64xf32, #tpu.memory_space<vmem>>[vector<16xi32>, vector<16xi32>], vector<16xf32>, vector<16xi1>
        }
        %scan3A_2035 = arith.constant 64 : i32
      } else {
      }
      %mul3A_383 = arith.constant 5 : i32
      %mul3A_384 = arith.muli %add3A_197, %mul3A_383 : i32
      %add3A_385 = arith.constant 0 : i32
      %add3A_386 = arith.addi %mul3A_384, %add3A_385 : i32
      %get3A_387 = arith.index_cast %add3A_386 : i32 to index
      %get3A_388 = arith.constant 80 : index
      %get3A_389 = tpu.vector_load %arg5[%get3A_387, %get3A_388] {strides = array<i32>} : memref<50x128xi32, #tpu.memory_space<vmem>>, vector<16xi32>,
      %reduce_min3A_390 = arith.constant true
      %reduce_min3A_391 = vector.broadcast %reduce_min3A_390 : i1 to vector<16xi1>
      %reduce_min3A_392 = arith.constant -2147483648 : i32
      %reduce_min3A_393 = vector.broadcast %reduce_min3A_392 : i32 to vector<16xi32>
      %reduce_min3A_394 = arith.xori %get3A_389, %reduce_min3A_393 : vector<16xi32>
      %reduce_min3A_395 = tpu.scan <min>, %reduce_min3A_394 masked %reduce_min3A_391 : vector<16xi32>, vector<16xi1> -> vector<16xi32>
      %reduce_min3A_396 = arith.xori %reduce_min3A_395, %reduce_min3A_393 : vector<16xi32>
      %reduce_min3A_397 = vector.extract %reduce_min3A_396[15] : i32 from vector<16xi32>
      %eq3A_398 = arith.constant 0 : i32
      %eq3A_399 = arith.cmpi eq, %reduce_min3A_397, %eq3A_398 : i32
      %convert_element_type3A_400 = arith.extui %eq3A_399 : i1 to i32
      %cond3A_401 = arith.constant 0 : i32
      %cond3A_402 = arith.cmpi ne, %convert_element_type3A_400, %cond3A_401 : i32
      scf.if %cond3A_402 {
        %eq3A_2024 = arith.constant 0 : i32
        %eq3A_2025 = vector.broadcast %eq3A_2024 : i32 to vector<16xi32>
        %eq3A_2026 = arith.cmpi eq, %get3A_389, %eq3A_2025 : vector<16xi32>
        %add3A_2027 = arith.constant 80 : i32
        %add3A_2028 = vector.broadcast %add3A_2027 : i32 to vector<16xi32>
        %add3A_2029 = arith.addi %add3A_2028, %iota3A : vector<16xi32>
        %scan3A_2030 = arith.constant 0 : i32
        %scan3A_2031 = arith.constant 0 : i32
        %scan3A_2032 = arith.constant 64 : i32
        %scan3A_2033 = arith.addi %scan3A_2031, %scan3A_2032 : i32
        %scan3A_2034 = arith.constant 1 : i32
        scf.for %scan3A_2036 = %scan3A_2031 to %scan3A_2033 step %scan3A_2034  : i32 {
          %broadcast_in_dim3A_2037 = arith.constant 0 : i32
          %broadcast_in_dim3A_2038 = vector.broadcast %broadcast_in_dim3A_2037 : i32 to vector<16xi32>
          %add3A_2039 = vector.broadcast %scan3A_2036 : i32 to vector<16xi32>
          %add3A_2040 = arith.addi %broadcast_in_dim3A_2038, %add3A_2039 : vector<16xi32>
          %scatter3A = arith.constant 0 : i32
          %scatter3A_2041 = arith.constant 0 : i32
          %scatter3A_2042 = arith.constant 0 : i32
          %scatter3A_2043 = tpu.memref_slice %arg6[%scatter3A, %scatter3A_2041, %scatter3A_2042] : memref<2x640x64xf32, #tpu.memory_space<vmem>> -> memref<1x640x64xf32, #tpu.memory_space<vmem>>
          %scatter3A_2044 = tpu.memref_squeeze %scatter3A_2043 : memref<1x640x64xf32, #tpu.memory_space<vmem>> -> memref<640x64xf32, #tpu.memory_space<vmem>>
          tpu.vector_store_idx %scatter3A_2044[%add3A_2029, %add3A_2040], %broadcast_in_dim3A_3 masked %eq3A_2026 : memref<640x64xf32, #tpu.memory_space<vmem>>[vector<16xi32>, vector<16xi32>], vector<16xf32>, vector<16xi1>
        }
        %scan3A_2035 = arith.constant 64 : i32
      } else {
      }
      %mul3A_403 = arith.constant 5 : i32
      %mul3A_404 = arith.muli %add3A_197, %mul3A_403 : i32
      %add3A_405 = arith.constant 0 : i32
      %add3A_406 = arith.addi %mul3A_404, %add3A_405 : i32
      %get3A_407 = arith.index_cast %add3A_406 : i32 to index
      %get3A_408 = arith.constant 96 : index
      %get3A_409 = tpu.vector_load %arg5[%get3A_407, %get3A_408] {strides = array<i32>} : memref<50x128xi32, #tpu.memory_space<vmem>>, vector<16xi32>,
      %reduce_min3A_410 = arith.constant true
      %reduce_min3A_411 = vector.broadcast %reduce_min3A_410 : i1 to vector<16xi1>
      %reduce_min3A_412 = arith.constant -2147483648 : i32
      %reduce_min3A_413 = vector.broadcast %reduce_min3A_412 : i32 to vector<16xi32>
      %reduce_min3A_414 = arith.xori %get3A_409, %reduce_min3A_413 : vector<16xi32>
      %reduce_min3A_415 = tpu.scan <min>, %reduce_min3A_414 masked %reduce_min3A_411 : vector<16xi32>, vector<16xi1> -> vector<16xi32>
      %reduce_min3A_416 = arith.xori %reduce_min3A_415, %reduce_min3A_413 : vector<16xi32>
      %reduce_min3A_417 = vector.extract %reduce_min3A_416[15] : i32 from vector<16xi32>
      %eq3A_418 = arith.constant 0 : i32
      %eq3A_419 = arith.cmpi eq, %reduce_min3A_417, %eq3A_418 : i32
      %convert_element_type3A_420 = arith.extui %eq3A_419 : i1 to i32
      %cond3A_421 = arith.constant 0 : i32
      %cond3A_422 = arith.cmpi ne, %convert_element_type3A_420, %cond3A_421 : i32
      scf.if %cond3A_422 {
        %eq3A_2024 = arith.constant 0 : i32
        %eq3A_2025 = vector.broadcast %eq3A_2024 : i32 to vector<16xi32>
        %eq3A_2026 = arith.cmpi eq, %get3A_409, %eq3A_2025 : vector<16xi32>
        %add3A_2027 = arith.constant 96 : i32
        %add3A_2028 = vector.broadcast %add3A_2027 : i32 to vector<16xi32>
        %add3A_2029 = arith.addi %add3A_2028, %iota3A : vector<16xi32>
        %scan3A_2030 = arith.constant 0 : i32
        %scan3A_2031 = arith.constant 0 : i32
        %scan3A_2032 = arith.constant 64 : i32
        %scan3A_2033 = arith.addi %scan3A_2031, %scan3A_2032 : i32
        %scan3A_2034 = arith.constant 1 : i32
        scf.for %scan3A_2036 = %scan3A_2031 to %scan3A_2033 step %scan3A_2034  : i32 {
          %broadcast_in_dim3A_2037 = arith.constant 0 : i32
          %broadcast_in_dim3A_2038 = vector.broadcast %broadcast_in_dim3A_2037 : i32 to vector<16xi32>
          %add3A_2039 = vector.broadcast %scan3A_2036 : i32 to vector<16xi32>
          %add3A_2040 = arith.addi %broadcast_in_dim3A_2038, %add3A_2039 : vector<16xi32>
          %scatter3A = arith.constant 0 : i32
          %scatter3A_2041 = arith.constant 0 : i32
          %scatter3A_2042 = arith.constant 0 : i32
          %scatter3A_2043 = tpu.memref_slice %arg6[%scatter3A, %scatter3A_2041, %scatter3A_2042] : memref<2x640x64xf32, #tpu.memory_space<vmem>> -> memref<1x640x64xf32, #tpu.memory_space<vmem>>
          %scatter3A_2044 = tpu.memref_squeeze %scatter3A_2043 : memref<1x640x64xf32, #tpu.memory_space<vmem>> -> memref<640x64xf32, #tpu.memory_space<vmem>>
          tpu.vector_store_idx %scatter3A_2044[%add3A_2029, %add3A_2040], %broadcast_in_dim3A_3 masked %eq3A_2026 : memref<640x64xf32, #tpu.memory_space<vmem>>[vector<16xi32>, vector<16xi32>], vector<16xf32>, vector<16xi1>
        }
        %scan3A_2035 = arith.constant 64 : i32
      } else {
      }
      %mul3A_423 = arith.constant 5 : i32
      %mul3A_424 = arith.muli %add3A_197, %mul3A_423 : i32
      %add3A_425 = arith.constant 0 : i32
      %add3A_426 = arith.addi %mul3A_424, %add3A_425 : i32
      %get3A_427 = arith.index_cast %add3A_426 : i32 to index
      %get3A_428 = arith.constant 112 : index
      %get3A_429 = tpu.vector_load %arg5[%get3A_427, %get3A_428] {strides = array<i32>} : memref<50x128xi32, #tpu.memory_space<vmem>>, vector<16xi32>,
      %reduce_min3A_430 = arith.constant true
      %reduce_min3A_431 = vector.broadcast %reduce_min3A_430 : i1 to vector<16xi1>
      %reduce_min3A_432 = arith.constant -2147483648 : i32
      %reduce_min3A_433 = vector.broadcast %reduce_min3A_432 : i32 to vector<16xi32>
      %reduce_min3A_434 = arith.xori %get3A_429, %reduce_min3A_433 : vector<16xi32>
      %reduce_min3A_435 = tpu.scan <min>, %reduce_min3A_434 masked %reduce_min3A_431 : vector<16xi32>, vector<16xi1> -> vector<16xi32>
      %reduce_min3A_436 = arith.xori %reduce_min3A_435, %reduce_min3A_433 : vector<16xi32>
      %reduce_min3A_437 = vector.extract %reduce_min3A_436[15] : i32 from vector<16xi32>
      %eq3A_438 = arith.constant 0 : i32
      %eq3A_439 = arith.cmpi eq, %reduce_min3A_437, %eq3A_438 : i32
      %convert_element_type3A_440 = arith.extui %eq3A_439 : i1 to i32
      %cond3A_441 = arith.constant 0 : i32
      %cond3A_442 = arith.cmpi ne, %convert_element_type3A_440, %cond3A_441 : i32
      scf.if %cond3A_442 {
        %eq3A_2024 = arith.constant 0 : i32
        %eq3A_2025 = vector.broadcast %eq3A_2024 : i32 to vector<16xi32>
        %eq3A_2026 = arith.cmpi eq, %get3A_429, %eq3A_2025 : vector<16xi32>
        %add3A_2027 = arith.constant 112 : i32
        %add3A_2028 = vector.broadcast %add3A_2027 : i32 to vector<16xi32>
        %add3A_2029 = arith.addi %add3A_2028, %iota3A : vector<16xi32>
        %scan3A_2030 = arith.constant 0 : i32
        %scan3A_2031 = arith.constant 0 : i32
        %scan3A_2032 = arith.constant 64 : i32
        %scan3A_2033 = arith.addi %scan3A_2031, %scan3A_2032 : i32
        %scan3A_2034 = arith.constant 1 : i32
        scf.for %scan3A_2036 = %scan3A_2031 to %scan3A_2033 step %scan3A_2034  : i32 {
          %broadcast_in_dim3A_2037 = arith.constant 0 : i32
          %broadcast_in_dim3A_2038 = vector.broadcast %broadcast_in_dim3A_2037 : i32 to vector<16xi32>
          %add3A_2039 = vector.broadcast %scan3A_2036 : i32 to vector<16xi32>
          %add3A_2040 = arith.addi %broadcast_in_dim3A_2038, %add3A_2039 : vector<16xi32>
          %scatter3A = arith.constant 0 : i32
          %scatter3A_2041 = arith.constant 0 : i32
          %scatter3A_2042 = arith.constant 0 : i32
          %scatter3A_2043 = tpu.memref_slice %arg6[%scatter3A, %scatter3A_2041, %scatter3A_2042] : memref<2x640x64xf32, #tpu.memory_space<vmem>> -> memref<1x640x64xf32, #tpu.memory_space<vmem>>
          %scatter3A_2044 = tpu.memref_squeeze %scatter3A_2043 : memref<1x640x64xf32, #tpu.memory_space<vmem>> -> memref<640x64xf32, #tpu.memory_space<vmem>>
          tpu.vector_store_idx %scatter3A_2044[%add3A_2029, %add3A_2040], %broadcast_in_dim3A_3 masked %eq3A_2026 : memref<640x64xf32, #tpu.memory_space<vmem>>[vector<16xi32>, vector<16xi32>], vector<16xf32>, vector<16xi1>
        }
        %scan3A_2035 = arith.constant 64 : i32
      } else {
      }
      %mul3A_443 = arith.constant 5 : i32
      %mul3A_444 = arith.muli %add3A_197, %mul3A_443 : i32
      %add3A_445 = arith.constant 1 : i32
      %add3A_446 = arith.addi %mul3A_444, %add3A_445 : i32
      %get3A_447 = arith.index_cast %add3A_446 : i32 to index
      %get3A_448 = arith.constant 0 : index
      %get3A_449 = tpu.vector_load %arg5[%get3A_447, %get3A_448] {strides = array<i32>} : memref<50x128xi32, #tpu.memory_space<vmem>>, vector<16xi32>,
      %reduce_min3A_450 = arith.constant true
      %reduce_min3A_451 = vector.broadcast %reduce_min3A_450 : i1 to vector<16xi1>
      %reduce_min3A_452 = arith.constant -2147483648 : i32
      %reduce_min3A_453 = vector.broadcast %reduce_min3A_452 : i32 to vector<16xi32>
      %reduce_min3A_454 = arith.xori %get3A_449, %reduce_min3A_453 : vector<16xi32>
      %reduce_min3A_455 = tpu.scan <min>, %reduce_min3A_454 masked %reduce_min3A_451 : vector<16xi32>, vector<16xi1> -> vector<16xi32>
      %reduce_min3A_456 = arith.xori %reduce_min3A_455, %reduce_min3A_453 : vector<16xi32>
      %reduce_min3A_457 = vector.extract %reduce_min3A_456[15] : i32 from vector<16xi32>
      %eq3A_458 = arith.constant 0 : i32
      %eq3A_459 = arith.cmpi eq, %reduce_min3A_457, %eq3A_458 : i32
      %convert_element_type3A_460 = arith.extui %eq3A_459 : i1 to i32
      %cond3A_461 = arith.constant 0 : i32
      %cond3A_462 = arith.cmpi ne, %convert_element_type3A_460, %cond3A_461 : i32
      scf.if %cond3A_462 {
        %eq3A_2024 = arith.constant 0 : i32
        %eq3A_2025 = vector.broadcast %eq3A_2024 : i32 to vector<16xi32>
        %eq3A_2026 = arith.cmpi eq, %get3A_449, %eq3A_2025 : vector<16xi32>
        %add3A_2027 = arith.constant 128 : i32
        %add3A_2028 = vector.broadcast %add3A_2027 : i32 to vector<16xi32>
        %add3A_2029 = arith.addi %add3A_2028, %iota3A : vector<16xi32>
        %scan3A_2030 = arith.constant 0 : i32
        %scan3A_2031 = arith.constant 0 : i32
        %scan3A_2032 = arith.constant 64 : i32
        %scan3A_2033 = arith.addi %scan3A_2031, %scan3A_2032 : i32
        %scan3A_2034 = arith.constant 1 : i32
        scf.for %scan3A_2036 = %scan3A_2031 to %scan3A_2033 step %scan3A_2034  : i32 {
          %broadcast_in_dim3A_2037 = arith.constant 0 : i32
          %broadcast_in_dim3A_2038 = vector.broadcast %broadcast_in_dim3A_2037 : i32 to vector<16xi32>
          %add3A_2039 = vector.broadcast %scan3A_2036 : i32 to vector<16xi32>
          %add3A_2040 = arith.addi %broadcast_in_dim3A_2038, %add3A_2039 : vector<16xi32>
          %scatter3A = arith.constant 0 : i32
          %scatter3A_2041 = arith.constant 0 : i32
          %scatter3A_2042 = arith.constant 0 : i32
          %scatter3A_2043 = tpu.memref_slice %arg6[%scatter3A, %scatter3A_2041, %scatter3A_2042] : memref<2x640x64xf32, #tpu.memory_space<vmem>> -> memref<1x640x64xf32, #tpu.memory_space<vmem>>
          %scatter3A_2044 = tpu.memref_squeeze %scatter3A_2043 : memref<1x640x64xf32, #tpu.memory_space<vmem>> -> memref<640x64xf32, #tpu.memory_space<vmem>>
          tpu.vector_store_idx %scatter3A_2044[%add3A_2029, %add3A_2040], %broadcast_in_dim3A_3 masked %eq3A_2026 : memref<640x64xf32, #tpu.memory_space<vmem>>[vector<16xi32>, vector<16xi32>], vector<16xf32>, vector<16xi1>
        }
        %scan3A_2035 = arith.constant 64 : i32
      } else {
      }
      %mul3A_463 = arith.constant 5 : i32
      %mul3A_464 = arith.muli %add3A_197, %mul3A_463 : i32
      %add3A_465 = arith.constant 1 : i32
      %add3A_466 = arith.addi %mul3A_464, %add3A_465 : i32
      %get3A_467 = arith.index_cast %add3A_466 : i32 to index
      %get3A_468 = arith.constant 16 : index
      %get3A_469 = tpu.vector_load %arg5[%get3A_467, %get3A_468] {strides = array<i32>} : memref<50x128xi32, #tpu.memory_space<vmem>>, vector<16xi32>,
      %reduce_min3A_470 = arith.constant true
      %reduce_min3A_471 = vector.broadcast %reduce_min3A_470 : i1 to vector<16xi1>
      %reduce_min3A_472 = arith.constant -2147483648 : i32
      %reduce_min3A_473 = vector.broadcast %reduce_min3A_472 : i32 to vector<16xi32>
      %reduce_min3A_474 = arith.xori %get3A_469, %reduce_min3A_473 : vector<16xi32>
      %reduce_min3A_475 = tpu.scan <min>, %reduce_min3A_474 masked %reduce_min3A_471 : vector<16xi32>, vector<16xi1> -> vector<16xi32>
      %reduce_min3A_476 = arith.xori %reduce_min3A_475, %reduce_min3A_473 : vector<16xi32>
      %reduce_min3A_477 = vector.extract %reduce_min3A_476[15] : i32 from vector<16xi32>
      %eq3A_478 = arith.constant 0 : i32
      %eq3A_479 = arith.cmpi eq, %reduce_min3A_477, %eq3A_478 : i32
      %convert_element_type3A_480 = arith.extui %eq3A_479 : i1 to i32
      %cond3A_481 = arith.constant 0 : i32
      %cond3A_482 = arith.cmpi ne, %convert_element_type3A_480, %cond3A_481 : i32
      scf.if %cond3A_482 {
        %eq3A_2024 = arith.constant 0 : i32
        %eq3A_2025 = vector.broadcast %eq3A_2024 : i32 to vector<16xi32>
        %eq3A_2026 = arith.cmpi eq, %get3A_469, %eq3A_2025 : vector<16xi32>
        %add3A_2027 = arith.constant 144 : i32
        %add3A_2028 = vector.broadcast %add3A_2027 : i32 to vector<16xi32>
        %add3A_2029 = arith.addi %add3A_2028, %iota3A : vector<16xi32>
        %scan3A_2030 = arith.constant 0 : i32
        %scan3A_2031 = arith.constant 0 : i32
        %scan3A_2032 = arith.constant 64 : i32
        %scan3A_2033 = arith.addi %scan3A_2031, %scan3A_2032 : i32
        %scan3A_2034 = arith.constant 1 : i32
        scf.for %scan3A_2036 = %scan3A_2031 to %scan3A_2033 step %scan3A_2034  : i32 {
          %broadcast_in_dim3A_2037 = arith.constant 0 : i32
          %broadcast_in_dim3A_2038 = vector.broadcast %broadcast_in_dim3A_2037 : i32 to vector<16xi32>
          %add3A_2039 = vector.broadcast %scan3A_2036 : i32 to vector<16xi32>
          %add3A_2040 = arith.addi %broadcast_in_dim3A_2038, %add3A_2039 : vector<16xi32>
          %scatter3A = arith.constant 0 : i32
          %scatter3A_2041 = arith.constant 0 : i32
          %scatter3A_2042 = arith.constant 0 : i32
          %scatter3A_2043 = tpu.memref_slice %arg6[%scatter3A, %scatter3A_2041, %scatter3A_2042] : memref<2x640x64xf32, #tpu.memory_space<vmem>> -> memref<1x640x64xf32, #tpu.memory_space<vmem>>
          %scatter3A_2044 = tpu.memref_squeeze %scatter3A_2043 : memref<1x640x64xf32, #tpu.memory_space<vmem>> -> memref<640x64xf32, #tpu.memory_space<vmem>>
          tpu.vector_store_idx %scatter3A_2044[%add3A_2029, %add3A_2040], %broadcast_in_dim3A_3 masked %eq3A_2026 : memref<640x64xf32, #tpu.memory_space<vmem>>[vector<16xi32>, vector<16xi32>], vector<16xf32>, vector<16xi1>
        }
        %scan3A_2035 = arith.constant 64 : i32
      } else {
      }
      %mul3A_483 = arith.constant 5 : i32
      %mul3A_484 = arith.muli %add3A_197, %mul3A_483 : i32
      %add3A_485 = arith.constant 1 : i32
      %add3A_486 = arith.addi %mul3A_484, %add3A_485 : i32
      %get3A_487 = arith.index_cast %add3A_486 : i32 to index
      %get3A_488 = arith.constant 32 : index
      %get3A_489 = tpu.vector_load %arg5[%get3A_487, %get3A_488] {strides = array<i32>} : memref<50x128xi32, #tpu.memory_space<vmem>>, vector<16xi32>,
      %reduce_min3A_490 = arith.constant true
      %reduce_min3A_491 = vector.broadcast %reduce_min3A_490 : i1 to vector<16xi1>
      %reduce_min3A_492 = arith.constant -2147483648 : i32
      %reduce_min3A_493 = vector.broadcast %reduce_min3A_492 : i32 to vector<16xi32>
      %reduce_min3A_494 = arith.xori %get3A_489, %reduce_min3A_493 : vector<16xi32>
      %reduce_min3A_495 = tpu.scan <min>, %reduce_min3A_494 masked %reduce_min3A_491 : vector<16xi32>, vector<16xi1> -> vector<16xi32>
      %reduce_min3A_496 = arith.xori %reduce_min3A_495, %reduce_min3A_493 : vector<16xi32>
      %reduce_min3A_497 = vector.extract %reduce_min3A_496[15] : i32 from vector<16xi32>
      %eq3A_498 = arith.constant 0 : i32
      %eq3A_499 = arith.cmpi eq, %reduce_min3A_497, %eq3A_498 : i32
      %convert_element_type3A_500 = arith.extui %eq3A_499 : i1 to i32
      %cond3A_501 = arith.constant 0 : i32
      %cond3A_502 = arith.cmpi ne, %convert_element_type3A_500, %cond3A_501 : i32
      scf.if %cond3A_502 {
        %eq3A_2024 = arith.constant 0 : i32
        %eq3A_2025 = vector.broadcast %eq3A_2024 : i32 to vector<16xi32>
        %eq3A_2026 = arith.cmpi eq, %get3A_489, %eq3A_2025 : vector<16xi32>
        %add3A_2027 = arith.constant 160 : i32
        %add3A_2028 = vector.broadcast %add3A_2027 : i32 to vector<16xi32>
        %add3A_2029 = arith.addi %add3A_2028, %iota3A : vector<16xi32>
        %scan3A_2030 = arith.constant 0 : i32
        %scan3A_2031 = arith.constant 0 : i32
        %scan3A_2032 = arith.constant 64 : i32
        %scan3A_2033 = arith.addi %scan3A_2031, %scan3A_2032 : i32
        %scan3A_2034 = arith.constant 1 : i32
        scf.for %scan3A_2036 = %scan3A_2031 to %scan3A_2033 step %scan3A_2034  : i32 {
          %broadcast_in_dim3A_2037 = arith.constant 0 : i32
          %broadcast_in_dim3A_2038 = vector.broadcast %broadcast_in_dim3A_2037 : i32 to vector<16xi32>
          %add3A_2039 = vector.broadcast %scan3A_2036 : i32 to vector<16xi32>
          %add3A_2040 = arith.addi %broadcast_in_dim3A_2038, %add3A_2039 : vector<16xi32>
          %scatter3A = arith.constant 0 : i32
          %scatter3A_2041 = arith.constant 0 : i32
          %scatter3A_2042 = arith.constant 0 : i32
          %scatter3A_2043 = tpu.memref_slice %arg6[%scatter3A, %scatter3A_2041, %scatter3A_2042] : memref<2x640x64xf32, #tpu.memory_space<vmem>> -> memref<1x640x64xf32, #tpu.memory_space<vmem>>
          %scatter3A_2044 = tpu.memref_squeeze %scatter3A_2043 : memref<1x640x64xf32, #tpu.memory_space<vmem>> -> memref<640x64xf32, #tpu.memory_space<vmem>>
          tpu.vector_store_idx %scatter3A_2044[%add3A_2029, %add3A_2040], %broadcast_in_dim3A_3 masked %eq3A_2026 : memref<640x64xf32, #tpu.memory_space<vmem>>[vector<16xi32>, vector<16xi32>], vector<16xf32>, vector<16xi1>
        }
        %scan3A_2035 = arith.constant 64 : i32
      } else {
      }
      %mul3A_503 = arith.constant 5 : i32
      %mul3A_504 = arith.muli %add3A_197, %mul3A_503 : i32
      %add3A_505 = arith.constant 1 : i32
      %add3A_506 = arith.addi %mul3A_504, %add3A_505 : i32
      %get3A_507 = arith.index_cast %add3A_506 : i32 to index
      %get3A_508 = arith.constant 48 : index
      %get3A_509 = tpu.vector_load %arg5[%get3A_507, %get3A_508] {strides = array<i32>} : memref<50x128xi32, #tpu.memory_space<vmem>>, vector<16xi32>,
      %reduce_min3A_510 = arith.constant true
      %reduce_min3A_511 = vector.broadcast %reduce_min3A_510 : i1 to vector<16xi1>
      %reduce_min3A_512 = arith.constant -2147483648 : i32
      %reduce_min3A_513 = vector.broadcast %reduce_min3A_512 : i32 to vector<16xi32>
      %reduce_min3A_514 = arith.xori %get3A_509, %reduce_min3A_513 : vector<16xi32>
      %reduce_min3A_515 = tpu.scan <min>, %reduce_min3A_514 masked %reduce_min3A_511 : vector<16xi32>, vector<16xi1> -> vector<16xi32>
      %reduce_min3A_516 = arith.xori %reduce_min3A_515, %reduce_min3A_513 : vector<16xi32>
      %reduce_min3A_517 = vector.extract %reduce_min3A_516[15] : i32 from vector<16xi32>
      %eq3A_518 = arith.constant 0 : i32
      %eq3A_519 = arith.cmpi eq, %reduce_min3A_517, %eq3A_518 : i32
      %convert_element_type3A_520 = arith.extui %eq3A_519 : i1 to i32
      %cond3A_521 = arith.constant 0 : i32
      %cond3A_522 = arith.cmpi ne, %convert_element_type3A_520, %cond3A_521 : i32
      scf.if %cond3A_522 {
        %eq3A_2024 = arith.constant 0 : i32
        %eq3A_2025 = vector.broadcast %eq3A_2024 : i32 to vector<16xi32>
        %eq3A_2026 = arith.cmpi eq, %get3A_509, %eq3A_2025 : vector<16xi32>
        %add3A_2027 = arith.constant 176 : i32
        %add3A_2028 = vector.broadcast %add3A_2027 : i32 to vector<16xi32>
        %add3A_2029 = arith.addi %add3A_2028, %iota3A : vector<16xi32>
        %scan3A_2030 = arith.constant 0 : i32
        %scan3A_2031 = arith.constant 0 : i32
        %scan3A_2032 = arith.constant 64 : i32
        %scan3A_2033 = arith.addi %scan3A_2031, %scan3A_2032 : i32
        %scan3A_2034 = arith.constant 1 : i32
        scf.for %scan3A_2036 = %scan3A_2031 to %scan3A_2033 step %scan3A_2034  : i32 {
          %broadcast_in_dim3A_2037 = arith.constant 0 : i32
          %broadcast_in_dim3A_2038 = vector.broadcast %broadcast_in_dim3A_2037 : i32 to vector<16xi32>
          %add3A_2039 = vector.broadcast %scan3A_2036 : i32 to vector<16xi32>
          %add3A_2040 = arith.addi %broadcast_in_dim3A_2038, %add3A_2039 : vector<16xi32>
          %scatter3A = arith.constant 0 : i32
          %scatter3A_2041 = arith.constant 0 : i32
          %scatter3A_2042 = arith.constant 0 : i32
          %scatter3A_2043 = tpu.memref_slice %arg6[%scatter3A, %scatter3A_2041, %scatter3A_2042] : memref<2x640x64xf32, #tpu.memory_space<vmem>> -> memref<1x640x64xf32, #tpu.memory_space<vmem>>
          %scatter3A_2044 = tpu.memref_squeeze %scatter3A_2043 : memref<1x640x64xf32, #tpu.memory_space<vmem>> -> memref<640x64xf32, #tpu.memory_space<vmem>>
          tpu.vector_store_idx %scatter3A_2044[%add3A_2029, %add3A_2040], %broadcast_in_dim3A_3 masked %eq3A_2026 : memref<640x64xf32, #tpu.memory_space<vmem>>[vector<16xi32>, vector<16xi32>], vector<16xf32>, vector<16xi1>
        }
        %scan3A_2035 = arith.constant 64 : i32
      } else {
      }
      %mul3A_523 = arith.constant 5 : i32
      %mul3A_524 = arith.muli %add3A_197, %mul3A_523 : i32
      %add3A_525 = arith.constant 1 : i32
      %add3A_526 = arith.addi %mul3A_524, %add3A_525 : i32
      %get3A_527 = arith.index_cast %add3A_526 : i32 to index
      %get3A_528 = arith.constant 64 : index
      %get3A_529 = tpu.vector_load %arg5[%get3A_527, %get3A_528] {strides = array<i32>} : memref<50x128xi32, #tpu.memory_space<vmem>>, vector<16xi32>,
      %reduce_min3A_530 = arith.constant true
      %reduce_min3A_531 = vector.broadcast %reduce_min3A_530 : i1 to vector<16xi1>
      %reduce_min3A_532 = arith.constant -2147483648 : i32
      %reduce_min3A_533 = vector.broadcast %reduce_min3A_532 : i32 to vector<16xi32>
      %reduce_min3A_534 = arith.xori %get3A_529, %reduce_min3A_533 : vector<16xi32>
      %reduce_min3A_535 = tpu.scan <min>, %reduce_min3A_534 masked %reduce_min3A_531 : vector<16xi32>, vector<16xi1> -> vector<16xi32>
      %reduce_min3A_536 = arith.xori %reduce_min3A_535, %reduce_min3A_533 : vector<16xi32>
      %reduce_min3A_537 = vector.extract %reduce_min3A_536[15] : i32 from vector<16xi32>
      %eq3A_538 = arith.constant 0 : i32
      %eq3A_539 = arith.cmpi eq, %reduce_min3A_537, %eq3A_538 : i32
      %convert_element_type3A_540 = arith.extui %eq3A_539 : i1 to i32
      %cond3A_541 = arith.constant 0 : i32
      %cond3A_542 = arith.cmpi ne, %convert_element_type3A_540, %cond3A_541 : i32
      scf.if %cond3A_542 {
        %eq3A_2024 = arith.constant 0 : i32
        %eq3A_2025 = vector.broadcast %eq3A_2024 : i32 to vector<16xi32>
        %eq3A_2026 = arith.cmpi eq, %get3A_529, %eq3A_2025 : vector<16xi32>
        %add3A_2027 = arith.constant 192 : i32
        %add3A_2028 = vector.broadcast %add3A_2027 : i32 to vector<16xi32>
        %add3A_2029 = arith.addi %add3A_2028, %iota3A : vector<16xi32>
        %scan3A_2030 = arith.constant 0 : i32
        %scan3A_2031 = arith.constant 0 : i32
        %scan3A_2032 = arith.constant 64 : i32
        %scan3A_2033 = arith.addi %scan3A_2031, %scan3A_2032 : i32
        %scan3A_2034 = arith.constant 1 : i32
        scf.for %scan3A_2036 = %scan3A_2031 to %scan3A_2033 step %scan3A_2034  : i32 {
          %broadcast_in_dim3A_2037 = arith.constant 0 : i32
          %broadcast_in_dim3A_2038 = vector.broadcast %broadcast_in_dim3A_2037 : i32 to vector<16xi32>
          %add3A_2039 = vector.broadcast %scan3A_2036 : i32 to vector<16xi32>
          %add3A_2040 = arith.addi %broadcast_in_dim3A_2038, %add3A_2039 : vector<16xi32>
          %scatter3A = arith.constant 0 : i32
          %scatter3A_2041 = arith.constant 0 : i32
          %scatter3A_2042 = arith.constant 0 : i32
          %scatter3A_2043 = tpu.memref_slice %arg6[%scatter3A, %scatter3A_2041, %scatter3A_2042] : memref<2x640x64xf32, #tpu.memory_space<vmem>> -> memref<1x640x64xf32, #tpu.memory_space<vmem>>
          %scatter3A_2044 = tpu.memref_squeeze %scatter3A_2043 : memref<1x640x64xf32, #tpu.memory_space<vmem>> -> memref<640x64xf32, #tpu.memory_space<vmem>>
          tpu.vector_store_idx %scatter3A_2044[%add3A_2029, %add3A_2040], %broadcast_in_dim3A_3 masked %eq3A_2026 : memref<640x64xf32, #tpu.memory_space<vmem>>[vector<16xi32>, vector<16xi32>], vector<16xf32>, vector<16xi1>
        }
        %scan3A_2035 = arith.constant 64 : i32
      } else {
      }
      %mul3A_543 = arith.constant 5 : i32
      %mul3A_544 = arith.muli %add3A_197, %mul3A_543 : i32
      %add3A_545 = arith.constant 1 : i32
      %add3A_546 = arith.addi %mul3A_544, %add3A_545 : i32
      %get3A_547 = arith.index_cast %add3A_546 : i32 to index
      %get3A_548 = arith.constant 80 : index
      %get3A_549 = tpu.vector_load %arg5[%get3A_547, %get3A_548] {strides = array<i32>} : memref<50x128xi32, #tpu.memory_space<vmem>>, vector<16xi32>,
      %reduce_min3A_550 = arith.constant true
      %reduce_min3A_551 = vector.broadcast %reduce_min3A_550 : i1 to vector<16xi1>
      %reduce_min3A_552 = arith.constant -2147483648 : i32
      %reduce_min3A_553 = vector.broadcast %reduce_min3A_552 : i32 to vector<16xi32>
      %reduce_min3A_554 = arith.xori %get3A_549, %reduce_min3A_553 : vector<16xi32>
      %reduce_min3A_555 = tpu.scan <min>, %reduce_min3A_554 masked %reduce_min3A_551 : vector<16xi32>, vector<16xi1> -> vector<16xi32>
      %reduce_min3A_556 = arith.xori %reduce_min3A_555, %reduce_min3A_553 : vector<16xi32>
      %reduce_min3A_557 = vector.extract %reduce_min3A_556[15] : i32 from vector<16xi32>
      %eq3A_558 = arith.constant 0 : i32
      %eq3A_559 = arith.cmpi eq, %reduce_min3A_557, %eq3A_558 : i32
      %convert_element_type3A_560 = arith.extui %eq3A_559 : i1 to i32
      %cond3A_561 = arith.constant 0 : i32
      %cond3A_562 = arith.cmpi ne, %convert_element_type3A_560, %cond3A_561 : i32
      scf.if %cond3A_562 {
        %eq3A_2024 = arith.constant 0 : i32
        %eq3A_2025 = vector.broadcast %eq3A_2024 : i32 to vector<16xi32>
        %eq3A_2026 = arith.cmpi eq, %get3A_549, %eq3A_2025 : vector<16xi32>
        %add3A_2027 = arith.constant 208 : i32
        %add3A_2028 = vector.broadcast %add3A_2027 : i32 to vector<16xi32>
        %add3A_2029 = arith.addi %add3A_2028, %iota3A : vector<16xi32>
        %scan3A_2030 = arith.constant 0 : i32
        %scan3A_2031 = arith.constant 0 : i32
        %scan3A_2032 = arith.constant 64 : i32
        %scan3A_2033 = arith.addi %scan3A_2031, %scan3A_2032 : i32
        %scan3A_2034 = arith.constant 1 : i32
        scf.for %scan3A_2036 = %scan3A_2031 to %scan3A_2033 step %scan3A_2034  : i32 {
          %broadcast_in_dim3A_2037 = arith.constant 0 : i32
          %broadcast_in_dim3A_2038 = vector.broadcast %broadcast_in_dim3A_2037 : i32 to vector<16xi32>
          %add3A_2039 = vector.broadcast %scan3A_2036 : i32 to vector<16xi32>
          %add3A_2040 = arith.addi %broadcast_in_dim3A_2038, %add3A_2039 : vector<16xi32>
          %scatter3A = arith.constant 0 : i32
          %scatter3A_2041 = arith.constant 0 : i32
          %scatter3A_2042 = arith.constant 0 : i32
          %scatter3A_2043 = tpu.memref_slice %arg6[%scatter3A, %scatter3A_2041, %scatter3A_2042] : memref<2x640x64xf32, #tpu.memory_space<vmem>> -> memref<1x640x64xf32, #tpu.memory_space<vmem>>
          %scatter3A_2044 = tpu.memref_squeeze %scatter3A_2043 : memref<1x640x64xf32, #tpu.memory_space<vmem>> -> memref<640x64xf32, #tpu.memory_space<vmem>>
          tpu.vector_store_idx %scatter3A_2044[%add3A_2029, %add3A_2040], %broadcast_in_dim3A_3 masked %eq3A_2026 : memref<640x64xf32, #tpu.memory_space<vmem>>[vector<16xi32>, vector<16xi32>], vector<16xf32>, vector<16xi1>
        }
        %scan3A_2035 = arith.constant 64 : i32
      } else {
      }
      %mul3A_563 = arith.constant 5 : i32
      %mul3A_564 = arith.muli %add3A_197, %mul3A_563 : i32
      %add3A_565 = arith.constant 1 : i32
      %add3A_566 = arith.addi %mul3A_564, %add3A_565 : i32
      %get3A_567 = arith.index_cast %add3A_566 : i32 to index
      %get3A_568 = arith.constant 96 : index
      %get3A_569 = tpu.vector_load %arg5[%get3A_567, %get3A_568] {strides = array<i32>} : memref<50x128xi32, #tpu.memory_space<vmem>>, vector<16xi32>,
      %reduce_min3A_570 = arith.constant true
      %reduce_min3A_571 = vector.broadcast %reduce_min3A_570 : i1 to vector<16xi1>
      %reduce_min3A_572 = arith.constant -2147483648 : i32
      %reduce_min3A_573 = vector.broadcast %reduce_min3A_572 : i32 to vector<16xi32>
      %reduce_min3A_574 = arith.xori %get3A_569, %reduce_min3A_573 : vector<16xi32>
      %reduce_min3A_575 = tpu.scan <min>, %reduce_min3A_574 masked %reduce_min3A_571 : vector<16xi32>, vector<16xi1> -> vector<16xi32>
      %reduce_min3A_576 = arith.xori %reduce_min3A_575, %reduce_min3A_573 : vector<16xi32>
      %reduce_min3A_577 = vector.extract %reduce_min3A_576[15] : i32 from vector<16xi32>
      %eq3A_578 = arith.constant 0 : i32
      %eq3A_579 = arith.cmpi eq, %reduce_min3A_577, %eq3A_578 : i32
      %convert_element_type3A_580 = arith.extui %eq3A_579 : i1 to i32
      %cond3A_581 = arith.constant 0 : i32
      %cond3A_582 = arith.cmpi ne, %convert_element_type3A_580, %cond3A_581 : i32
      scf.if %cond3A_582 {
        %eq3A_2024 = arith.constant 0 : i32
        %eq3A_2025 = vector.broadcast %eq3A_2024 : i32 to vector<16xi32>
        %eq3A_2026 = arith.cmpi eq, %get3A_569, %eq3A_2025 : vector<16xi32>
        %add3A_2027 = arith.constant 224 : i32
        %add3A_2028 = vector.broadcast %add3A_2027 : i32 to vector<16xi32>
        %add3A_2029 = arith.addi %add3A_2028, %iota3A : vector<16xi32>
        %scan3A_2030 = arith.constant 0 : i32
        %scan3A_2031 = arith.constant 0 : i32
        %scan3A_2032 = arith.constant 64 : i32
        %scan3A_2033 = arith.addi %scan3A_2031, %scan3A_2032 : i32
        %scan3A_2034 = arith.constant 1 : i32
        scf.for %scan3A_2036 = %scan3A_2031 to %scan3A_2033 step %scan3A_2034  : i32 {
          %broadcast_in_dim3A_2037 = arith.constant 0 : i32
          %broadcast_in_dim3A_2038 = vector.broadcast %broadcast_in_dim3A_2037 : i32 to vector<16xi32>
          %add3A_2039 = vector.broadcast %scan3A_2036 : i32 to vector<16xi32>
          %add3A_2040 = arith.addi %broadcast_in_dim3A_2038, %add3A_2039 : vector<16xi32>
          %scatter3A = arith.constant 0 : i32
          %scatter3A_2041 = arith.constant 0 : i32
          %scatter3A_2042 = arith.constant 0 : i32
          %scatter3A_2043 = tpu.memref_slice %arg6[%scatter3A, %scatter3A_2041, %scatter3A_2042] : memref<2x640x64xf32, #tpu.memory_space<vmem>> -> memref<1x640x64xf32, #tpu.memory_space<vmem>>
          %scatter3A_2044 = tpu.memref_squeeze %scatter3A_2043 : memref<1x640x64xf32, #tpu.memory_space<vmem>> -> memref<640x64xf32, #tpu.memory_space<vmem>>
          tpu.vector_store_idx %scatter3A_2044[%add3A_2029, %add3A_2040], %broadcast_in_dim3A_3 masked %eq3A_2026 : memref<640x64xf32, #tpu.memory_space<vmem>>[vector<16xi32>, vector<16xi32>], vector<16xf32>, vector<16xi1>
        }
        %scan3A_2035 = arith.constant 64 : i32
      } else {
      }
      %mul3A_583 = arith.constant 5 : i32
      %mul3A_584 = arith.muli %add3A_197, %mul3A_583 : i32
      %add3A_585 = arith.constant 1 : i32
      %add3A_586 = arith.addi %mul3A_584, %add3A_585 : i32
      %get3A_587 = arith.index_cast %add3A_586 : i32 to index
      %get3A_588 = arith.constant 112 : index
      %get3A_589 = tpu.vector_load %arg5[%get3A_587, %get3A_588] {strides = array<i32>} : memref<50x128xi32, #tpu.memory_space<vmem>>, vector<16xi32>,
      %reduce_min3A_590 = arith.constant true
      %reduce_min3A_591 = vector.broadcast %reduce_min3A_590 : i1 to vector<16xi1>
      %reduce_min3A_592 = arith.constant -2147483648 : i32
      %reduce_min3A_593 = vector.broadcast %reduce_min3A_592 : i32 to vector<16xi32>
      %reduce_min3A_594 = arith.xori %get3A_589, %reduce_min3A_593 : vector<16xi32>
      %reduce_min3A_595 = tpu.scan <min>, %reduce_min3A_594 masked %reduce_min3A_591 : vector<16xi32>, vector<16xi1> -> vector<16xi32>
      %reduce_min3A_596 = arith.xori %reduce_min3A_595, %reduce_min3A_593 : vector<16xi32>
      %reduce_min3A_597 = vector.extract %reduce_min3A_596[15] : i32 from vector<16xi32>
      %eq3A_598 = arith.constant 0 : i32
      %eq3A_599 = arith.cmpi eq, %reduce_min3A_597, %eq3A_598 : i32
      %convert_element_type3A_600 = arith.extui %eq3A_599 : i1 to i32
      %cond3A_601 = arith.constant 0 : i32
      %cond3A_602 = arith.cmpi ne, %convert_element_type3A_600, %cond3A_601 : i32
      scf.if %cond3A_602 {
        %eq3A_2024 = arith.constant 0 : i32
        %eq3A_2025 = vector.broadcast %eq3A_2024 : i32 to vector<16xi32>
        %eq3A_2026 = arith.cmpi eq, %get3A_589, %eq3A_2025 : vector<16xi32>
        %add3A_2027 = arith.constant 240 : i32
        %add3A_2028 = vector.broadcast %add3A_2027 : i32 to vector<16xi32>
        %add3A_2029 = arith.addi %add3A_2028, %iota3A : vector<16xi32>
        %scan3A_2030 = arith.constant 0 : i32
        %scan3A_2031 = arith.constant 0 : i32
        %scan3A_2032 = arith.constant 64 : i32
        %scan3A_2033 = arith.addi %scan3A_2031, %scan3A_2032 : i32
        %scan3A_2034 = arith.constant 1 : i32
        scf.for %scan3A_2036 = %scan3A_2031 to %scan3A_2033 step %scan3A_2034  : i32 {
          %broadcast_in_dim3A_2037 = arith.constant 0 : i32
          %broadcast_in_dim3A_2038 = vector.broadcast %broadcast_in_dim3A_2037 : i32 to vector<16xi32>
          %add3A_2039 = vector.broadcast %scan3A_2036 : i32 to vector<16xi32>
          %add3A_2040 = arith.addi %broadcast_in_dim3A_2038, %add3A_2039 : vector<16xi32>
          %scatter3A = arith.constant 0 : i32
          %scatter3A_2041 = arith.constant 0 : i32
          %scatter3A_2042 = arith.constant 0 : i32
          %scatter3A_2043 = tpu.memref_slice %arg6[%scatter3A, %scatter3A_2041, %scatter3A_2042] : memref<2x640x64xf32, #tpu.memory_space<vmem>> -> memref<1x640x64xf32, #tpu.memory_space<vmem>>
          %scatter3A_2044 = tpu.memref_squeeze %scatter3A_2043 : memref<1x640x64xf32, #tpu.memory_space<vmem>> -> memref<640x64xf32, #tpu.memory_space<vmem>>
          tpu.vector_store_idx %scatter3A_2044[%add3A_2029, %add3A_2040], %broadcast_in_dim3A_3 masked %eq3A_2026 : memref<640x64xf32, #tpu.memory_space<vmem>>[vector<16xi32>, vector<16xi32>], vector<16xf32>, vector<16xi1>
        }
        %scan3A_2035 = arith.constant 64 : i32
      } else {
      }
      %mul3A_603 = arith.constant 5 : i32
      %mul3A_604 = arith.muli %add3A_197, %mul3A_603 : i32
      %add3A_605 = arith.constant 2 : i32
      %add3A_606 = arith.addi %mul3A_604, %add3A_605 : i32
      %get3A_607 = arith.index_cast %add3A_606 : i32 to index
      %get3A_608 = arith.constant 0 : index
      %get3A_609 = tpu.vector_load %arg5[%get3A_607, %get3A_608] {strides = array<i32>} : memref<50x128xi32, #tpu.memory_space<vmem>>, vector<16xi32>,
      %reduce_min3A_610 = arith.constant true
      %reduce_min3A_611 = vector.broadcast %reduce_min3A_610 : i1 to vector<16xi1>
      %reduce_min3A_612 = arith.constant -2147483648 : i32
      %reduce_min3A_613 = vector.broadcast %reduce_min3A_612 : i32 to vector<16xi32>
      %reduce_min3A_614 = arith.xori %get3A_609, %reduce_min3A_613 : vector<16xi32>
      %reduce_min3A_615 = tpu.scan <min>, %reduce_min3A_614 masked %reduce_min3A_611 : vector<16xi32>, vector<16xi1> -> vector<16xi32>
      %reduce_min3A_616 = arith.xori %reduce_min3A_615, %reduce_min3A_613 : vector<16xi32>
      %reduce_min3A_617 = vector.extract %reduce_min3A_616[15] : i32 from vector<16xi32>
      %eq3A_618 = arith.constant 0 : i32
      %eq3A_619 = arith.cmpi eq, %reduce_min3A_617, %eq3A_618 : i32
      %convert_element_type3A_620 = arith.extui %eq3A_619 : i1 to i32
      %cond3A_621 = arith.constant 0 : i32
      %cond3A_622 = arith.cmpi ne, %convert_element_type3A_620, %cond3A_621 : i32
      scf.if %cond3A_622 {
        %eq3A_2024 = arith.constant 0 : i32
        %eq3A_2025 = vector.broadcast %eq3A_2024 : i32 to vector<16xi32>
        %eq3A_2026 = arith.cmpi eq, %get3A_609, %eq3A_2025 : vector<16xi32>
        %add3A_2027 = arith.constant 256 : i32
        %add3A_2028 = vector.broadcast %add3A_2027 : i32 to vector<16xi32>
        %add3A_2029 = arith.addi %add3A_2028, %iota3A : vector<16xi32>
        %scan3A_2030 = arith.constant 0 : i32
        %scan3A_2031 = arith.constant 0 : i32
        %scan3A_2032 = arith.constant 64 : i32
        %scan3A_2033 = arith.addi %scan3A_2031, %scan3A_2032 : i32
        %scan3A_2034 = arith.constant 1 : i32
        scf.for %scan3A_2036 = %scan3A_2031 to %scan3A_2033 step %scan3A_2034  : i32 {
          %broadcast_in_dim3A_2037 = arith.constant 0 : i32
          %broadcast_in_dim3A_2038 = vector.broadcast %broadcast_in_dim3A_2037 : i32 to vector<16xi32>
          %add3A_2039 = vector.broadcast %scan3A_2036 : i32 to vector<16xi32>
          %add3A_2040 = arith.addi %broadcast_in_dim3A_2038, %add3A_2039 : vector<16xi32>
          %scatter3A = arith.constant 0 : i32
          %scatter3A_2041 = arith.constant 0 : i32
          %scatter3A_2042 = arith.constant 0 : i32
          %scatter3A_2043 = tpu.memref_slice %arg6[%scatter3A, %scatter3A_2041, %scatter3A_2042] : memref<2x640x64xf32, #tpu.memory_space<vmem>> -> memref<1x640x64xf32, #tpu.memory_space<vmem>>
          %scatter3A_2044 = tpu.memref_squeeze %scatter3A_2043 : memref<1x640x64xf32, #tpu.memory_space<vmem>> -> memref<640x64xf32, #tpu.memory_space<vmem>>
          tpu.vector_store_idx %scatter3A_2044[%add3A_2029, %add3A_2040], %broadcast_in_dim3A_3 masked %eq3A_2026 : memref<640x64xf32, #tpu.memory_space<vmem>>[vector<16xi32>, vector<16xi32>], vector<16xf32>, vector<16xi1>
        }
        %scan3A_2035 = arith.constant 64 : i32
      } else {
      }
      %mul3A_623 = arith.constant 5 : i32
      %mul3A_624 = arith.muli %add3A_197, %mul3A_623 : i32
      %add3A_625 = arith.constant 2 : i32
      %add3A_626 = arith.addi %mul3A_624, %add3A_625 : i32
      %get3A_627 = arith.index_cast %add3A_626 : i32 to index
      %get3A_628 = arith.constant 16 : index
      %get3A_629 = tpu.vector_load %arg5[%get3A_627, %get3A_628] {strides = array<i32>} : memref<50x128xi32, #tpu.memory_space<vmem>>, vector<16xi32>,
      %reduce_min3A_630 = arith.constant true
      %reduce_min3A_631 = vector.broadcast %reduce_min3A_630 : i1 to vector<16xi1>
      %reduce_min3A_632 = arith.constant -2147483648 : i32
      %reduce_min3A_633 = vector.broadcast %reduce_min3A_632 : i32 to vector<16xi32>
      %reduce_min3A_634 = arith.xori %get3A_629, %reduce_min3A_633 : vector<16xi32>
      %reduce_min3A_635 = tpu.scan <min>, %reduce_min3A_634 masked %reduce_min3A_631 : vector<16xi32>, vector<16xi1> -> vector<16xi32>
      %reduce_min3A_636 = arith.xori %reduce_min3A_635, %reduce_min3A_633 : vector<16xi32>
      %reduce_min3A_637 = vector.extract %reduce_min3A_636[15] : i32 from vector<16xi32>
      %eq3A_638 = arith.constant 0 : i32
      %eq3A_639 = arith.cmpi eq, %reduce_min3A_637, %eq3A_638 : i32
      %convert_element_type3A_640 = arith.extui %eq3A_639 : i1 to i32
      %cond3A_641 = arith.constant 0 : i32
      %cond3A_642 = arith.cmpi ne, %convert_element_type3A_640, %cond3A_641 : i32
      scf.if %cond3A_642 {
        %eq3A_2024 = arith.constant 0 : i32
        %eq3A_2025 = vector.broadcast %eq3A_2024 : i32 to vector<16xi32>
        %eq3A_2026 = arith.cmpi eq, %get3A_629, %eq3A_2025 : vector<16xi32>
        %add3A_2027 = arith.constant 272 : i32
        %add3A_2028 = vector.broadcast %add3A_2027 : i32 to vector<16xi32>
        %add3A_2029 = arith.addi %add3A_2028, %iota3A : vector<16xi32>
        %scan3A_2030 = arith.constant 0 : i32
        %scan3A_2031 = arith.constant 0 : i32
        %scan3A_2032 = arith.constant 64 : i32
        %scan3A_2033 = arith.addi %scan3A_2031, %scan3A_2032 : i32
        %scan3A_2034 = arith.constant 1 : i32
        scf.for %scan3A_2036 = %scan3A_2031 to %scan3A_2033 step %scan3A_2034  : i32 {
          %broadcast_in_dim3A_2037 = arith.constant 0 : i32
          %broadcast_in_dim3A_2038 = vector.broadcast %broadcast_in_dim3A_2037 : i32 to vector<16xi32>
          %add3A_2039 = vector.broadcast %scan3A_2036 : i32 to vector<16xi32>
          %add3A_2040 = arith.addi %broadcast_in_dim3A_2038, %add3A_2039 : vector<16xi32>
          %scatter3A = arith.constant 0 : i32
          %scatter3A_2041 = arith.constant 0 : i32
          %scatter3A_2042 = arith.constant 0 : i32
          %scatter3A_2043 = tpu.memref_slice %arg6[%scatter3A, %scatter3A_2041, %scatter3A_2042] : memref<2x640x64xf32, #tpu.memory_space<vmem>> -> memref<1x640x64xf32, #tpu.memory_space<vmem>>
          %scatter3A_2044 = tpu.memref_squeeze %scatter3A_2043 : memref<1x640x64xf32, #tpu.memory_space<vmem>> -> memref<640x64xf32, #tpu.memory_space<vmem>>
          tpu.vector_store_idx %scatter3A_2044[%add3A_2029, %add3A_2040], %broadcast_in_dim3A_3 masked %eq3A_2026 : memref<640x64xf32, #tpu.memory_space<vmem>>[vector<16xi32>, vector<16xi32>], vector<16xf32>, vector<16xi1>
        }
        %scan3A_2035 = arith.constant 64 : i32
      } else {
      }
      %mul3A_643 = arith.constant 5 : i32
      %mul3A_644 = arith.muli %add3A_197, %mul3A_643 : i32
      %add3A_645 = arith.constant 2 : i32
      %add3A_646 = arith.addi %mul3A_644, %add3A_645 : i32
      %get3A_647 = arith.index_cast %add3A_646 : i32 to index
      %get3A_648 = arith.constant 32 : index
      %get3A_649 = tpu.vector_load %arg5[%get3A_647, %get3A_648] {strides = array<i32>} : memref<50x128xi32, #tpu.memory_space<vmem>>, vector<16xi32>,
      %reduce_min3A_650 = arith.constant true
      %reduce_min3A_651 = vector.broadcast %reduce_min3A_650 : i1 to vector<16xi1>
      %reduce_min3A_652 = arith.constant -2147483648 : i32
      %reduce_min3A_653 = vector.broadcast %reduce_min3A_652 : i32 to vector<16xi32>
      %reduce_min3A_654 = arith.xori %get3A_649, %reduce_min3A_653 : vector<16xi32>
      %reduce_min3A_655 = tpu.scan <min>, %reduce_min3A_654 masked %reduce_min3A_651 : vector<16xi32>, vector<16xi1> -> vector<16xi32>
      %reduce_min3A_656 = arith.xori %reduce_min3A_655, %reduce_min3A_653 : vector<16xi32>
      %reduce_min3A_657 = vector.extract %reduce_min3A_656[15] : i32 from vector<16xi32>
      %eq3A_658 = arith.constant 0 : i32
      %eq3A_659 = arith.cmpi eq, %reduce_min3A_657, %eq3A_658 : i32
      %convert_element_type3A_660 = arith.extui %eq3A_659 : i1 to i32
      %cond3A_661 = arith.constant 0 : i32
      %cond3A_662 = arith.cmpi ne, %convert_element_type3A_660, %cond3A_661 : i32
      scf.if %cond3A_662 {
        %eq3A_2024 = arith.constant 0 : i32
        %eq3A_2025 = vector.broadcast %eq3A_2024 : i32 to vector<16xi32>
        %eq3A_2026 = arith.cmpi eq, %get3A_649, %eq3A_2025 : vector<16xi32>
        %add3A_2027 = arith.constant 288 : i32
        %add3A_2028 = vector.broadcast %add3A_2027 : i32 to vector<16xi32>
        %add3A_2029 = arith.addi %add3A_2028, %iota3A : vector<16xi32>
        %scan3A_2030 = arith.constant 0 : i32
        %scan3A_2031 = arith.constant 0 : i32
        %scan3A_2032 = arith.constant 64 : i32
        %scan3A_2033 = arith.addi %scan3A_2031, %scan3A_2032 : i32
        %scan3A_2034 = arith.constant 1 : i32
        scf.for %scan3A_2036 = %scan3A_2031 to %scan3A_2033 step %scan3A_2034  : i32 {
          %broadcast_in_dim3A_2037 = arith.constant 0 : i32
          %broadcast_in_dim3A_2038 = vector.broadcast %broadcast_in_dim3A_2037 : i32 to vector<16xi32>
          %add3A_2039 = vector.broadcast %scan3A_2036 : i32 to vector<16xi32>
          %add3A_2040 = arith.addi %broadcast_in_dim3A_2038, %add3A_2039 : vector<16xi32>
          %scatter3A = arith.constant 0 : i32
          %scatter3A_2041 = arith.constant 0 : i32
          %scatter3A_2042 = arith.constant 0 : i32
          %scatter3A_2043 = tpu.memref_slice %arg6[%scatter3A, %scatter3A_2041, %scatter3A_2042] : memref<2x640x64xf32, #tpu.memory_space<vmem>> -> memref<1x640x64xf32, #tpu.memory_space<vmem>>
          %scatter3A_2044 = tpu.memref_squeeze %scatter3A_2043 : memref<1x640x64xf32, #tpu.memory_space<vmem>> -> memref<640x64xf32, #tpu.memory_space<vmem>>
          tpu.vector_store_idx %scatter3A_2044[%add3A_2029, %add3A_2040], %broadcast_in_dim3A_3 masked %eq3A_2026 : memref<640x64xf32, #tpu.memory_space<vmem>>[vector<16xi32>, vector<16xi32>], vector<16xf32>, vector<16xi1>
        }
        %scan3A_2035 = arith.constant 64 : i32
      } else {
      }
      %mul3A_663 = arith.constant 5 : i32
      %mul3A_664 = arith.muli %add3A_197, %mul3A_663 : i32
      %add3A_665 = arith.constant 2 : i32
      %add3A_666 = arith.addi %mul3A_664, %add3A_665 : i32
      %get3A_667 = arith.index_cast %add3A_666 : i32 to index
      %get3A_668 = arith.constant 48 : index
      %get3A_669 = tpu.vector_load %arg5[%get3A_667, %get3A_668] {strides = array<i32>} : memref<50x128xi32, #tpu.memory_space<vmem>>, vector<16xi32>,
      %reduce_min3A_670 = arith.constant true
      %reduce_min3A_671 = vector.broadcast %reduce_min3A_670 : i1 to vector<16xi1>
      %reduce_min3A_672 = arith.constant -2147483648 : i32
      %reduce_min3A_673 = vector.broadcast %reduce_min3A_672 : i32 to vector<16xi32>
      %reduce_min3A_674 = arith.xori %get3A_669, %reduce_min3A_673 : vector<16xi32>
      %reduce_min3A_675 = tpu.scan <min>, %reduce_min3A_674 masked %reduce_min3A_671 : vector<16xi32>, vector<16xi1> -> vector<16xi32>
      %reduce_min3A_676 = arith.xori %reduce_min3A_675, %reduce_min3A_673 : vector<16xi32>
      %reduce_min3A_677 = vector.extract %reduce_min3A_676[15] : i32 from vector<16xi32>
      %eq3A_678 = arith.constant 0 : i32
      %eq3A_679 = arith.cmpi eq, %reduce_min3A_677, %eq3A_678 : i32
      %convert_element_type3A_680 = arith.extui %eq3A_679 : i1 to i32
      %cond3A_681 = arith.constant 0 : i32
      %cond3A_682 = arith.cmpi ne, %convert_element_type3A_680, %cond3A_681 : i32
      scf.if %cond3A_682 {
        %eq3A_2024 = arith.constant 0 : i32
        %eq3A_2025 = vector.broadcast %eq3A_2024 : i32 to vector<16xi32>
        %eq3A_2026 = arith.cmpi eq, %get3A_669, %eq3A_2025 : vector<16xi32>
        %add3A_2027 = arith.constant 304 : i32
        %add3A_2028 = vector.broadcast %add3A_2027 : i32 to vector<16xi32>
        %add3A_2029 = arith.addi %add3A_2028, %iota3A : vector<16xi32>
        %scan3A_2030 = arith.constant 0 : i32
        %scan3A_2031 = arith.constant 0 : i32
        %scan3A_2032 = arith.constant 64 : i32
        %scan3A_2033 = arith.addi %scan3A_2031, %scan3A_2032 : i32
        %scan3A_2034 = arith.constant 1 : i32
        scf.for %scan3A_2036 = %scan3A_2031 to %scan3A_2033 step %scan3A_2034  : i32 {
          %broadcast_in_dim3A_2037 = arith.constant 0 : i32
          %broadcast_in_dim3A_2038 = vector.broadcast %broadcast_in_dim3A_2037 : i32 to vector<16xi32>
          %add3A_2039 = vector.broadcast %scan3A_2036 : i32 to vector<16xi32>
          %add3A_2040 = arith.addi %broadcast_in_dim3A_2038, %add3A_2039 : vector<16xi32>
          %scatter3A = arith.constant 0 : i32
          %scatter3A_2041 = arith.constant 0 : i32
          %scatter3A_2042 = arith.constant 0 : i32
          %scatter3A_2043 = tpu.memref_slice %arg6[%scatter3A, %scatter3A_2041, %scatter3A_2042] : memref<2x640x64xf32, #tpu.memory_space<vmem>> -> memref<1x640x64xf32, #tpu.memory_space<vmem>>
          %scatter3A_2044 = tpu.memref_squeeze %scatter3A_2043 : memref<1x640x64xf32, #tpu.memory_space<vmem>> -> memref<640x64xf32, #tpu.memory_space<vmem>>
          tpu.vector_store_idx %scatter3A_2044[%add3A_2029, %add3A_2040], %broadcast_in_dim3A_3 masked %eq3A_2026 : memref<640x64xf32, #tpu.memory_space<vmem>>[vector<16xi32>, vector<16xi32>], vector<16xf32>, vector<16xi1>
        }
        %scan3A_2035 = arith.constant 64 : i32
      } else {
      }
      %mul3A_683 = arith.constant 5 : i32
      %mul3A_684 = arith.muli %add3A_197, %mul3A_683 : i32
      %add3A_685 = arith.constant 2 : i32
      %add3A_686 = arith.addi %mul3A_684, %add3A_685 : i32
      %get3A_687 = arith.index_cast %add3A_686 : i32 to index
      %get3A_688 = arith.constant 64 : index
      %get3A_689 = tpu.vector_load %arg5[%get3A_687, %get3A_688] {strides = array<i32>} : memref<50x128xi32, #tpu.memory_space<vmem>>, vector<16xi32>,
      %reduce_min3A_690 = arith.constant true
      %reduce_min3A_691 = vector.broadcast %reduce_min3A_690 : i1 to vector<16xi1>
      %reduce_min3A_692 = arith.constant -2147483648 : i32
      %reduce_min3A_693 = vector.broadcast %reduce_min3A_692 : i32 to vector<16xi32>
      %reduce_min3A_694 = arith.xori %get3A_689, %reduce_min3A_693 : vector<16xi32>
      %reduce_min3A_695 = tpu.scan <min>, %reduce_min3A_694 masked %reduce_min3A_691 : vector<16xi32>, vector<16xi1> -> vector<16xi32>
      %reduce_min3A_696 = arith.xori %reduce_min3A_695, %reduce_min3A_693 : vector<16xi32>
      %reduce_min3A_697 = vector.extract %reduce_min3A_696[15] : i32 from vector<16xi32>
      %eq3A_698 = arith.constant 0 : i32
      %eq3A_699 = arith.cmpi eq, %reduce_min3A_697, %eq3A_698 : i32
      %convert_element_type3A_700 = arith.extui %eq3A_699 : i1 to i32
      %cond3A_701 = arith.constant 0 : i32
      %cond3A_702 = arith.cmpi ne, %convert_element_type3A_700, %cond3A_701 : i32
      scf.if %cond3A_702 {
        %eq3A_2024 = arith.constant 0 : i32
        %eq3A_2025 = vector.broadcast %eq3A_2024 : i32 to vector<16xi32>
        %eq3A_2026 = arith.cmpi eq, %get3A_689, %eq3A_2025 : vector<16xi32>
        %add3A_2027 = arith.constant 320 : i32
        %add3A_2028 = vector.broadcast %add3A_2027 : i32 to vector<16xi32>
        %add3A_2029 = arith.addi %add3A_2028, %iota3A : vector<16xi32>
        %scan3A_2030 = arith.constant 0 : i32
        %scan3A_2031 = arith.constant 0 : i32
        %scan3A_2032 = arith.constant 64 : i32
        %scan3A_2033 = arith.addi %scan3A_2031, %scan3A_2032 : i32
        %scan3A_2034 = arith.constant 1 : i32
        scf.for %scan3A_2036 = %scan3A_2031 to %scan3A_2033 step %scan3A_2034  : i32 {
          %broadcast_in_dim3A_2037 = arith.constant 0 : i32
          %broadcast_in_dim3A_2038 = vector.broadcast %broadcast_in_dim3A_2037 : i32 to vector<16xi32>
          %add3A_2039 = vector.broadcast %scan3A_2036 : i32 to vector<16xi32>
          %add3A_2040 = arith.addi %broadcast_in_dim3A_2038, %add3A_2039 : vector<16xi32>
          %scatter3A = arith.constant 0 : i32
          %scatter3A_2041 = arith.constant 0 : i32
          %scatter3A_2042 = arith.constant 0 : i32
          %scatter3A_2043 = tpu.memref_slice %arg6[%scatter3A, %scatter3A_2041, %scatter3A_2042] : memref<2x640x64xf32, #tpu.memory_space<vmem>> -> memref<1x640x64xf32, #tpu.memory_space<vmem>>
          %scatter3A_2044 = tpu.memref_squeeze %scatter3A_2043 : memref<1x640x64xf32, #tpu.memory_space<vmem>> -> memref<640x64xf32, #tpu.memory_space<vmem>>
          tpu.vector_store_idx %scatter3A_2044[%add3A_2029, %add3A_2040], %broadcast_in_dim3A_3 masked %eq3A_2026 : memref<640x64xf32, #tpu.memory_space<vmem>>[vector<16xi32>, vector<16xi32>], vector<16xf32>, vector<16xi1>
        }
        %scan3A_2035 = arith.constant 64 : i32
      } else {
      }
      %mul3A_703 = arith.constant 5 : i32
      %mul3A_704 = arith.muli %add3A_197, %mul3A_703 : i32
      %add3A_705 = arith.constant 2 : i32
      %add3A_706 = arith.addi %mul3A_704, %add3A_705 : i32
      %get3A_707 = arith.index_cast %add3A_706 : i32 to index
      %get3A_708 = arith.constant 80 : index
      %get3A_709 = tpu.vector_load %arg5[%get3A_707, %get3A_708] {strides = array<i32>} : memref<50x128xi32, #tpu.memory_space<vmem>>, vector<16xi32>,
      %reduce_min3A_710 = arith.constant true
      %reduce_min3A_711 = vector.broadcast %reduce_min3A_710 : i1 to vector<16xi1>
      %reduce_min3A_712 = arith.constant -2147483648 : i32
      %reduce_min3A_713 = vector.broadcast %reduce_min3A_712 : i32 to vector<16xi32>
      %reduce_min3A_714 = arith.xori %get3A_709, %reduce_min3A_713 : vector<16xi32>
      %reduce_min3A_715 = tpu.scan <min>, %reduce_min3A_714 masked %reduce_min3A_711 : vector<16xi32>, vector<16xi1> -> vector<16xi32>
      %reduce_min3A_716 = arith.xori %reduce_min3A_715, %reduce_min3A_713 : vector<16xi32>
      %reduce_min3A_717 = vector.extract %reduce_min3A_716[15] : i32 from vector<16xi32>
      %eq3A_718 = arith.constant 0 : i32
      %eq3A_719 = arith.cmpi eq, %reduce_min3A_717, %eq3A_718 : i32
      %convert_element_type3A_720 = arith.extui %eq3A_719 : i1 to i32
      %cond3A_721 = arith.constant 0 : i32
      %cond3A_722 = arith.cmpi ne, %convert_element_type3A_720, %cond3A_721 : i32
      scf.if %cond3A_722 {
        %eq3A_2024 = arith.constant 0 : i32
        %eq3A_2025 = vector.broadcast %eq3A_2024 : i32 to vector<16xi32>
        %eq3A_2026 = arith.cmpi eq, %get3A_709, %eq3A_2025 : vector<16xi32>
        %add3A_2027 = arith.constant 336 : i32
        %add3A_2028 = vector.broadcast %add3A_2027 : i32 to vector<16xi32>
        %add3A_2029 = arith.addi %add3A_2028, %iota3A : vector<16xi32>
        %scan3A_2030 = arith.constant 0 : i32
        %scan3A_2031 = arith.constant 0 : i32
        %scan3A_2032 = arith.constant 64 : i32
        %scan3A_2033 = arith.addi %scan3A_2031, %scan3A_2032 : i32
        %scan3A_2034 = arith.constant 1 : i32
        scf.for %scan3A_2036 = %scan3A_2031 to %scan3A_2033 step %scan3A_2034  : i32 {
          %broadcast_in_dim3A_2037 = arith.constant 0 : i32
          %broadcast_in_dim3A_2038 = vector.broadcast %broadcast_in_dim3A_2037 : i32 to vector<16xi32>
          %add3A_2039 = vector.broadcast %scan3A_2036 : i32 to vector<16xi32>
          %add3A_2040 = arith.addi %broadcast_in_dim3A_2038, %add3A_2039 : vector<16xi32>
          %scatter3A = arith.constant 0 : i32
          %scatter3A_2041 = arith.constant 0 : i32
          %scatter3A_2042 = arith.constant 0 : i32
          %scatter3A_2043 = tpu.memref_slice %arg6[%scatter3A, %scatter3A_2041, %scatter3A_2042] : memref<2x640x64xf32, #tpu.memory_space<vmem>> -> memref<1x640x64xf32, #tpu.memory_space<vmem>>
          %scatter3A_2044 = tpu.memref_squeeze %scatter3A_2043 : memref<1x640x64xf32, #tpu.memory_space<vmem>> -> memref<640x64xf32, #tpu.memory_space<vmem>>
          tpu.vector_store_idx %scatter3A_2044[%add3A_2029, %add3A_2040], %broadcast_in_dim3A_3 masked %eq3A_2026 : memref<640x64xf32, #tpu.memory_space<vmem>>[vector<16xi32>, vector<16xi32>], vector<16xf32>, vector<16xi1>
        }
        %scan3A_2035 = arith.constant 64 : i32
      } else {
      }
      %mul3A_723 = arith.constant 5 : i32
      %mul3A_724 = arith.muli %add3A_197, %mul3A_723 : i32
      %add3A_725 = arith.constant 2 : i32
      %add3A_726 = arith.addi %mul3A_724, %add3A_725 : i32
      %get3A_727 = arith.index_cast %add3A_726 : i32 to index
      %get3A_728 = arith.constant 96 : index
      %get3A_729 = tpu.vector_load %arg5[%get3A_727, %get3A_728] {strides = array<i32>} : memref<50x128xi32, #tpu.memory_space<vmem>>, vector<16xi32>,
      %reduce_min3A_730 = arith.constant true
      %reduce_min3A_731 = vector.broadcast %reduce_min3A_730 : i1 to vector<16xi1>
      %reduce_min3A_732 = arith.constant -2147483648 : i32
      %reduce_min3A_733 = vector.broadcast %reduce_min3A_732 : i32 to vector<16xi32>
      %reduce_min3A_734 = arith.xori %get3A_729, %reduce_min3A_733 : vector<16xi32>
      %reduce_min3A_735 = tpu.scan <min>, %reduce_min3A_734 masked %reduce_min3A_731 : vector<16xi32>, vector<16xi1> -> vector<16xi32>
      %reduce_min3A_736 = arith.xori %reduce_min3A_735, %reduce_min3A_733 : vector<16xi32>
      %reduce_min3A_737 = vector.extract %reduce_min3A_736[15] : i32 from vector<16xi32>
      %eq3A_738 = arith.constant 0 : i32
      %eq3A_739 = arith.cmpi eq, %reduce_min3A_737, %eq3A_738 : i32
      %convert_element_type3A_740 = arith.extui %eq3A_739 : i1 to i32
      %cond3A_741 = arith.constant 0 : i32
      %cond3A_742 = arith.cmpi ne, %convert_element_type3A_740, %cond3A_741 : i32
      scf.if %cond3A_742 {
        %eq3A_2024 = arith.constant 0 : i32
        %eq3A_2025 = vector.broadcast %eq3A_2024 : i32 to vector<16xi32>
        %eq3A_2026 = arith.cmpi eq, %get3A_729, %eq3A_2025 : vector<16xi32>
        %add3A_2027 = arith.constant 352 : i32
        %add3A_2028 = vector.broadcast %add3A_2027 : i32 to vector<16xi32>
        %add3A_2029 = arith.addi %add3A_2028, %iota3A : vector<16xi32>
        %scan3A_2030 = arith.constant 0 : i32
        %scan3A_2031 = arith.constant 0 : i32
        %scan3A_2032 = arith.constant 64 : i32
        %scan3A_2033 = arith.addi %scan3A_2031, %scan3A_2032 : i32
        %scan3A_2034 = arith.constant 1 : i32
        scf.for %scan3A_2036 = %scan3A_2031 to %scan3A_2033 step %scan3A_2034  : i32 {
          %broadcast_in_dim3A_2037 = arith.constant 0 : i32
          %broadcast_in_dim3A_2038 = vector.broadcast %broadcast_in_dim3A_2037 : i32 to vector<16xi32>
          %add3A_2039 = vector.broadcast %scan3A_2036 : i32 to vector<16xi32>
          %add3A_2040 = arith.addi %broadcast_in_dim3A_2038, %add3A_2039 : vector<16xi32>
          %scatter3A = arith.constant 0 : i32
          %scatter3A_2041 = arith.constant 0 : i32
          %scatter3A_2042 = arith.constant 0 : i32
          %scatter3A_2043 = tpu.memref_slice %arg6[%scatter3A, %scatter3A_2041, %scatter3A_2042] : memref<2x640x64xf32, #tpu.memory_space<vmem>> -> memref<1x640x64xf32, #tpu.memory_space<vmem>>
          %scatter3A_2044 = tpu.memref_squeeze %scatter3A_2043 : memref<1x640x64xf32, #tpu.memory_space<vmem>> -> memref<640x64xf32, #tpu.memory_space<vmem>>
          tpu.vector_store_idx %scatter3A_2044[%add3A_2029, %add3A_2040], %broadcast_in_dim3A_3 masked %eq3A_2026 : memref<640x64xf32, #tpu.memory_space<vmem>>[vector<16xi32>, vector<16xi32>], vector<16xf32>, vector<16xi1>
        }
        %scan3A_2035 = arith.constant 64 : i32
      } else {
      }
      %mul3A_743 = arith.constant 5 : i32
      %mul3A_744 = arith.muli %add3A_197, %mul3A_743 : i32
      %add3A_745 = arith.constant 2 : i32
      %add3A_746 = arith.addi %mul3A_744, %add3A_745 : i32
      %get3A_747 = arith.index_cast %add3A_746 : i32 to index
      %get3A_748 = arith.constant 112 : index
      %get3A_749 = tpu.vector_load %arg5[%get3A_747, %get3A_748] {strides = array<i32>} : memref<50x128xi32, #tpu.memory_space<vmem>>, vector<16xi32>,
      %reduce_min3A_750 = arith.constant true
      %reduce_min3A_751 = vector.broadcast %reduce_min3A_750 : i1 to vector<16xi1>
      %reduce_min3A_752 = arith.constant -2147483648 : i32
      %reduce_min3A_753 = vector.broadcast %reduce_min3A_752 : i32 to vector<16xi32>
      %reduce_min3A_754 = arith.xori %get3A_749, %reduce_min3A_753 : vector<16xi32>
      %reduce_min3A_755 = tpu.scan <min>, %reduce_min3A_754 masked %reduce_min3A_751 : vector<16xi32>, vector<16xi1> -> vector<16xi32>
      %reduce_min3A_756 = arith.xori %reduce_min3A_755, %reduce_min3A_753 : vector<16xi32>
      %reduce_min3A_757 = vector.extract %reduce_min3A_756[15] : i32 from vector<16xi32>
      %eq3A_758 = arith.constant 0 : i32
      %eq3A_759 = arith.cmpi eq, %reduce_min3A_757, %eq3A_758 : i32
      %convert_element_type3A_760 = arith.extui %eq3A_759 : i1 to i32
      %cond3A_761 = arith.constant 0 : i32
      %cond3A_762 = arith.cmpi ne, %convert_element_type3A_760, %cond3A_761 : i32
      scf.if %cond3A_762 {
        %eq3A_2024 = arith.constant 0 : i32
        %eq3A_2025 = vector.broadcast %eq3A_2024 : i32 to vector<16xi32>
        %eq3A_2026 = arith.cmpi eq, %get3A_749, %eq3A_2025 : vector<16xi32>
        %add3A_2027 = arith.constant 368 : i32
        %add3A_2028 = vector.broadcast %add3A_2027 : i32 to vector<16xi32>
        %add3A_2029 = arith.addi %add3A_2028, %iota3A : vector<16xi32>
        %scan3A_2030 = arith.constant 0 : i32
        %scan3A_2031 = arith.constant 0 : i32
        %scan3A_2032 = arith.constant 64 : i32
        %scan3A_2033 = arith.addi %scan3A_2031, %scan3A_2032 : i32
        %scan3A_2034 = arith.constant 1 : i32
        scf.for %scan3A_2036 = %scan3A_2031 to %scan3A_2033 step %scan3A_2034  : i32 {
          %broadcast_in_dim3A_2037 = arith.constant 0 : i32
          %broadcast_in_dim3A_2038 = vector.broadcast %broadcast_in_dim3A_2037 : i32 to vector<16xi32>
          %add3A_2039 = vector.broadcast %scan3A_2036 : i32 to vector<16xi32>
          %add3A_2040 = arith.addi %broadcast_in_dim3A_2038, %add3A_2039 : vector<16xi32>
          %scatter3A = arith.constant 0 : i32
          %scatter3A_2041 = arith.constant 0 : i32
          %scatter3A_2042 = arith.constant 0 : i32
          %scatter3A_2043 = tpu.memref_slice %arg6[%scatter3A, %scatter3A_2041, %scatter3A_2042] : memref<2x640x64xf32, #tpu.memory_space<vmem>> -> memref<1x640x64xf32, #tpu.memory_space<vmem>>
          %scatter3A_2044 = tpu.memref_squeeze %scatter3A_2043 : memref<1x640x64xf32, #tpu.memory_space<vmem>> -> memref<640x64xf32, #tpu.memory_space<vmem>>
          tpu.vector_store_idx %scatter3A_2044[%add3A_2029, %add3A_2040], %broadcast_in_dim3A_3 masked %eq3A_2026 : memref<640x64xf32, #tpu.memory_space<vmem>>[vector<16xi32>, vector<16xi32>], vector<16xf32>, vector<16xi1>
        }
        %scan3A_2035 = arith.constant 64 : i32
      } else {
      }
      %mul3A_763 = arith.constant 5 : i32
      %mul3A_764 = arith.muli %add3A_197, %mul3A_763 : i32
      %add3A_765 = arith.constant 3 : i32
      %add3A_766 = arith.addi %mul3A_764, %add3A_765 : i32
      %get3A_767 = arith.index_cast %add3A_766 : i32 to index
      %get3A_768 = arith.constant 0 : index
      %get3A_769 = tpu.vector_load %arg5[%get3A_767, %get3A_768] {strides = array<i32>} : memref<50x128xi32, #tpu.memory_space<vmem>>, vector<16xi32>,
      %reduce_min3A_770 = arith.constant true
      %reduce_min3A_771 = vector.broadcast %reduce_min3A_770 : i1 to vector<16xi1>
      %reduce_min3A_772 = arith.constant -2147483648 : i32
      %reduce_min3A_773 = vector.broadcast %reduce_min3A_772 : i32 to vector<16xi32>
      %reduce_min3A_774 = arith.xori %get3A_769, %reduce_min3A_773 : vector<16xi32>
      %reduce_min3A_775 = tpu.scan <min>, %reduce_min3A_774 masked %reduce_min3A_771 : vector<16xi32>, vector<16xi1> -> vector<16xi32>
      %reduce_min3A_776 = arith.xori %reduce_min3A_775, %reduce_min3A_773 : vector<16xi32>
      %reduce_min3A_777 = vector.extract %reduce_min3A_776[15] : i32 from vector<16xi32>
      %eq3A_778 = arith.constant 0 : i32
      %eq3A_779 = arith.cmpi eq, %reduce_min3A_777, %eq3A_778 : i32
      %convert_element_type3A_780 = arith.extui %eq3A_779 : i1 to i32
      %cond3A_781 = arith.constant 0 : i32
      %cond3A_782 = arith.cmpi ne, %convert_element_type3A_780, %cond3A_781 : i32
      scf.if %cond3A_782 {
        %eq3A_2024 = arith.constant 0 : i32
        %eq3A_2025 = vector.broadcast %eq3A_2024 : i32 to vector<16xi32>
        %eq3A_2026 = arith.cmpi eq, %get3A_769, %eq3A_2025 : vector<16xi32>
        %add3A_2027 = arith.constant 384 : i32
        %add3A_2028 = vector.broadcast %add3A_2027 : i32 to vector<16xi32>
        %add3A_2029 = arith.addi %add3A_2028, %iota3A : vector<16xi32>
        %scan3A_2030 = arith.constant 0 : i32
        %scan3A_2031 = arith.constant 0 : i32
        %scan3A_2032 = arith.constant 64 : i32
        %scan3A_2033 = arith.addi %scan3A_2031, %scan3A_2032 : i32
        %scan3A_2034 = arith.constant 1 : i32
        scf.for %scan3A_2036 = %scan3A_2031 to %scan3A_2033 step %scan3A_2034  : i32 {
          %broadcast_in_dim3A_2037 = arith.constant 0 : i32
          %broadcast_in_dim3A_2038 = vector.broadcast %broadcast_in_dim3A_2037 : i32 to vector<16xi32>
          %add3A_2039 = vector.broadcast %scan3A_2036 : i32 to vector<16xi32>
          %add3A_2040 = arith.addi %broadcast_in_dim3A_2038, %add3A_2039 : vector<16xi32>
          %scatter3A = arith.constant 0 : i32
          %scatter3A_2041 = arith.constant 0 : i32
          %scatter3A_2042 = arith.constant 0 : i32
          %scatter3A_2043 = tpu.memref_slice %arg6[%scatter3A, %scatter3A_2041, %scatter3A_2042] : memref<2x640x64xf32, #tpu.memory_space<vmem>> -> memref<1x640x64xf32, #tpu.memory_space<vmem>>
          %scatter3A_2044 = tpu.memref_squeeze %scatter3A_2043 : memref<1x640x64xf32, #tpu.memory_space<vmem>> -> memref<640x64xf32, #tpu.memory_space<vmem>>
          tpu.vector_store_idx %scatter3A_2044[%add3A_2029, %add3A_2040], %broadcast_in_dim3A_3 masked %eq3A_2026 : memref<640x64xf32, #tpu.memory_space<vmem>>[vector<16xi32>, vector<16xi32>], vector<16xf32>, vector<16xi1>
        }
        %scan3A_2035 = arith.constant 64 : i32
      } else {
      }
      %mul3A_783 = arith.constant 5 : i32
      %mul3A_784 = arith.muli %add3A_197, %mul3A_783 : i32
      %add3A_785 = arith.constant 3 : i32
      %add3A_786 = arith.addi %mul3A_784, %add3A_785 : i32
      %get3A_787 = arith.index_cast %add3A_786 : i32 to index
      %get3A_788 = arith.constant 16 : index
      %get3A_789 = tpu.vector_load %arg5[%get3A_787, %get3A_788] {strides = array<i32>} : memref<50x128xi32, #tpu.memory_space<vmem>>, vector<16xi32>,
      %reduce_min3A_790 = arith.constant true
      %reduce_min3A_791 = vector.broadcast %reduce_min3A_790 : i1 to vector<16xi1>
      %reduce_min3A_792 = arith.constant -2147483648 : i32
      %reduce_min3A_793 = vector.broadcast %reduce_min3A_792 : i32 to vector<16xi32>
      %reduce_min3A_794 = arith.xori %get3A_789, %reduce_min3A_793 : vector<16xi32>
      %reduce_min3A_795 = tpu.scan <min>, %reduce_min3A_794 masked %reduce_min3A_791 : vector<16xi32>, vector<16xi1> -> vector<16xi32>
      %reduce_min3A_796 = arith.xori %reduce_min3A_795, %reduce_min3A_793 : vector<16xi32>
      %reduce_min3A_797 = vector.extract %reduce_min3A_796[15] : i32 from vector<16xi32>
      %eq3A_798 = arith.constant 0 : i32
      %eq3A_799 = arith.cmpi eq, %reduce_min3A_797, %eq3A_798 : i32
      %convert_element_type3A_800 = arith.extui %eq3A_799 : i1 to i32
      %cond3A_801 = arith.constant 0 : i32
      %cond3A_802 = arith.cmpi ne, %convert_element_type3A_800, %cond3A_801 : i32
      scf.if %cond3A_802 {
        %eq3A_2024 = arith.constant 0 : i32
        %eq3A_2025 = vector.broadcast %eq3A_2024 : i32 to vector<16xi32>
        %eq3A_2026 = arith.cmpi eq, %get3A_789, %eq3A_2025 : vector<16xi32>
        %add3A_2027 = arith.constant 400 : i32
        %add3A_2028 = vector.broadcast %add3A_2027 : i32 to vector<16xi32>
        %add3A_2029 = arith.addi %add3A_2028, %iota3A : vector<16xi32>
        %scan3A_2030 = arith.constant 0 : i32
        %scan3A_2031 = arith.constant 0 : i32
        %scan3A_2032 = arith.constant 64 : i32
        %scan3A_2033 = arith.addi %scan3A_2031, %scan3A_2032 : i32
        %scan3A_2034 = arith.constant 1 : i32
        scf.for %scan3A_2036 = %scan3A_2031 to %scan3A_2033 step %scan3A_2034  : i32 {
          %broadcast_in_dim3A_2037 = arith.constant 0 : i32
          %broadcast_in_dim3A_2038 = vector.broadcast %broadcast_in_dim3A_2037 : i32 to vector<16xi32>
          %add3A_2039 = vector.broadcast %scan3A_2036 : i32 to vector<16xi32>
          %add3A_2040 = arith.addi %broadcast_in_dim3A_2038, %add3A_2039 : vector<16xi32>
          %scatter3A = arith.constant 0 : i32
          %scatter3A_2041 = arith.constant 0 : i32
          %scatter3A_2042 = arith.constant 0 : i32
          %scatter3A_2043 = tpu.memref_slice %arg6[%scatter3A, %scatter3A_2041, %scatter3A_2042] : memref<2x640x64xf32, #tpu.memory_space<vmem>> -> memref<1x640x64xf32, #tpu.memory_space<vmem>>
          %scatter3A_2044 = tpu.memref_squeeze %scatter3A_2043 : memref<1x640x64xf32, #tpu.memory_space<vmem>> -> memref<640x64xf32, #tpu.memory_space<vmem>>
          tpu.vector_store_idx %scatter3A_2044[%add3A_2029, %add3A_2040], %broadcast_in_dim3A_3 masked %eq3A_2026 : memref<640x64xf32, #tpu.memory_space<vmem>>[vector<16xi32>, vector<16xi32>], vector<16xf32>, vector<16xi1>
        }
        %scan3A_2035 = arith.constant 64 : i32
      } else {
      }
      %mul3A_803 = arith.constant 5 : i32
      %mul3A_804 = arith.muli %add3A_197, %mul3A_803 : i32
      %add3A_805 = arith.constant 3 : i32
      %add3A_806 = arith.addi %mul3A_804, %add3A_805 : i32
      %get3A_807 = arith.index_cast %add3A_806 : i32 to index
      %get3A_808 = arith.constant 32 : index
      %get3A_809 = tpu.vector_load %arg5[%get3A_807, %get3A_808] {strides = array<i32>} : memref<50x128xi32, #tpu.memory_space<vmem>>, vector<16xi32>,
      %reduce_min3A_810 = arith.constant true
      %reduce_min3A_811 = vector.broadcast %reduce_min3A_810 : i1 to vector<16xi1>
      %reduce_min3A_812 = arith.constant -2147483648 : i32
      %reduce_min3A_813 = vector.broadcast %reduce_min3A_812 : i32 to vector<16xi32>
      %reduce_min3A_814 = arith.xori %get3A_809, %reduce_min3A_813 : vector<16xi32>
      %reduce_min3A_815 = tpu.scan <min>, %reduce_min3A_814 masked %reduce_min3A_811 : vector<16xi32>, vector<16xi1> -> vector<16xi32>
      %reduce_min3A_816 = arith.xori %reduce_min3A_815, %reduce_min3A_813 : vector<16xi32>
      %reduce_min3A_817 = vector.extract %reduce_min3A_816[15] : i32 from vector<16xi32>
      %eq3A_818 = arith.constant 0 : i32
      %eq3A_819 = arith.cmpi eq, %reduce_min3A_817, %eq3A_818 : i32
      %convert_element_type3A_820 = arith.extui %eq3A_819 : i1 to i32
      %cond3A_821 = arith.constant 0 : i32
      %cond3A_822 = arith.cmpi ne, %convert_element_type3A_820, %cond3A_821 : i32
      scf.if %cond3A_822 {
        %eq3A_2024 = arith.constant 0 : i32
        %eq3A_2025 = vector.broadcast %eq3A_2024 : i32 to vector<16xi32>
        %eq3A_2026 = arith.cmpi eq, %get3A_809, %eq3A_2025 : vector<16xi32>
        %add3A_2027 = arith.constant 416 : i32
        %add3A_2028 = vector.broadcast %add3A_2027 : i32 to vector<16xi32>
        %add3A_2029 = arith.addi %add3A_2028, %iota3A : vector<16xi32>
        %scan3A_2030 = arith.constant 0 : i32
        %scan3A_2031 = arith.constant 0 : i32
        %scan3A_2032 = arith.constant 64 : i32
        %scan3A_2033 = arith.addi %scan3A_2031, %scan3A_2032 : i32
        %scan3A_2034 = arith.constant 1 : i32
        scf.for %scan3A_2036 = %scan3A_2031 to %scan3A_2033 step %scan3A_2034  : i32 {
          %broadcast_in_dim3A_2037 = arith.constant 0 : i32
          %broadcast_in_dim3A_2038 = vector.broadcast %broadcast_in_dim3A_2037 : i32 to vector<16xi32>
          %add3A_2039 = vector.broadcast %scan3A_2036 : i32 to vector<16xi32>
          %add3A_2040 = arith.addi %broadcast_in_dim3A_2038, %add3A_2039 : vector<16xi32>
          %scatter3A = arith.constant 0 : i32
          %scatter3A_2041 = arith.constant 0 : i32
          %scatter3A_2042 = arith.constant 0 : i32
          %scatter3A_2043 = tpu.memref_slice %arg6[%scatter3A, %scatter3A_2041, %scatter3A_2042] : memref<2x640x64xf32, #tpu.memory_space<vmem>> -> memref<1x640x64xf32, #tpu.memory_space<vmem>>
          %scatter3A_2044 = tpu.memref_squeeze %scatter3A_2043 : memref<1x640x64xf32, #tpu.memory_space<vmem>> -> memref<640x64xf32, #tpu.memory_space<vmem>>
          tpu.vector_store_idx %scatter3A_2044[%add3A_2029, %add3A_2040], %broadcast_in_dim3A_3 masked %eq3A_2026 : memref<640x64xf32, #tpu.memory_space<vmem>>[vector<16xi32>, vector<16xi32>], vector<16xf32>, vector<16xi1>
        }
        %scan3A_2035 = arith.constant 64 : i32
      } else {
      }
      %mul3A_823 = arith.constant 5 : i32
      %mul3A_824 = arith.muli %add3A_197, %mul3A_823 : i32
      %add3A_825 = arith.constant 3 : i32
      %add3A_826 = arith.addi %mul3A_824, %add3A_825 : i32
      %get3A_827 = arith.index_cast %add3A_826 : i32 to index
      %get3A_828 = arith.constant 48 : index
      %get3A_829 = tpu.vector_load %arg5[%get3A_827, %get3A_828] {strides = array<i32>} : memref<50x128xi32, #tpu.memory_space<vmem>>, vector<16xi32>,
      %reduce_min3A_830 = arith.constant true
      %reduce_min3A_831 = vector.broadcast %reduce_min3A_830 : i1 to vector<16xi1>
      %reduce_min3A_832 = arith.constant -2147483648 : i32
      %reduce_min3A_833 = vector.broadcast %reduce_min3A_832 : i32 to vector<16xi32>
      %reduce_min3A_834 = arith.xori %get3A_829, %reduce_min3A_833 : vector<16xi32>
      %reduce_min3A_835 = tpu.scan <min>, %reduce_min3A_834 masked %reduce_min3A_831 : vector<16xi32>, vector<16xi1> -> vector<16xi32>
      %reduce_min3A_836 = arith.xori %reduce_min3A_835, %reduce_min3A_833 : vector<16xi32>
      %reduce_min3A_837 = vector.extract %reduce_min3A_836[15] : i32 from vector<16xi32>
      %eq3A_838 = arith.constant 0 : i32
      %eq3A_839 = arith.cmpi eq, %reduce_min3A_837, %eq3A_838 : i32
      %convert_element_type3A_840 = arith.extui %eq3A_839 : i1 to i32
      %cond3A_841 = arith.constant 0 : i32
      %cond3A_842 = arith.cmpi ne, %convert_element_type3A_840, %cond3A_841 : i32
      scf.if %cond3A_842 {
        %eq3A_2024 = arith.constant 0 : i32
        %eq3A_2025 = vector.broadcast %eq3A_2024 : i32 to vector<16xi32>
        %eq3A_2026 = arith.cmpi eq, %get3A_829, %eq3A_2025 : vector<16xi32>
        %add3A_2027 = arith.constant 432 : i32
        %add3A_2028 = vector.broadcast %add3A_2027 : i32 to vector<16xi32>
        %add3A_2029 = arith.addi %add3A_2028, %iota3A : vector<16xi32>
        %scan3A_2030 = arith.constant 0 : i32
        %scan3A_2031 = arith.constant 0 : i32
        %scan3A_2032 = arith.constant 64 : i32
        %scan3A_2033 = arith.addi %scan3A_2031, %scan3A_2032 : i32
        %scan3A_2034 = arith.constant 1 : i32
        scf.for %scan3A_2036 = %scan3A_2031 to %scan3A_2033 step %scan3A_2034  : i32 {
          %broadcast_in_dim3A_2037 = arith.constant 0 : i32
          %broadcast_in_dim3A_2038 = vector.broadcast %broadcast_in_dim3A_2037 : i32 to vector<16xi32>
          %add3A_2039 = vector.broadcast %scan3A_2036 : i32 to vector<16xi32>
          %add3A_2040 = arith.addi %broadcast_in_dim3A_2038, %add3A_2039 : vector<16xi32>
          %scatter3A = arith.constant 0 : i32
          %scatter3A_2041 = arith.constant 0 : i32
          %scatter3A_2042 = arith.constant 0 : i32
          %scatter3A_2043 = tpu.memref_slice %arg6[%scatter3A, %scatter3A_2041, %scatter3A_2042] : memref<2x640x64xf32, #tpu.memory_space<vmem>> -> memref<1x640x64xf32, #tpu.memory_space<vmem>>
          %scatter3A_2044 = tpu.memref_squeeze %scatter3A_2043 : memref<1x640x64xf32, #tpu.memory_space<vmem>> -> memref<640x64xf32, #tpu.memory_space<vmem>>
          tpu.vector_store_idx %scatter3A_2044[%add3A_2029, %add3A_2040], %broadcast_in_dim3A_3 masked %eq3A_2026 : memref<640x64xf32, #tpu.memory_space<vmem>>[vector<16xi32>, vector<16xi32>], vector<16xf32>, vector<16xi1>
        }
        %scan3A_2035 = arith.constant 64 : i32
      } else {
      }
      %mul3A_843 = arith.constant 5 : i32
      %mul3A_844 = arith.muli %add3A_197, %mul3A_843 : i32
      %add3A_845 = arith.constant 3 : i32
      %add3A_846 = arith.addi %mul3A_844, %add3A_845 : i32
      %get3A_847 = arith.index_cast %add3A_846 : i32 to index
      %get3A_848 = arith.constant 64 : index
      %get3A_849 = tpu.vector_load %arg5[%get3A_847, %get3A_848] {strides = array<i32>} : memref<50x128xi32, #tpu.memory_space<vmem>>, vector<16xi32>,
      %reduce_min3A_850 = arith.constant true
      %reduce_min3A_851 = vector.broadcast %reduce_min3A_850 : i1 to vector<16xi1>
      %reduce_min3A_852 = arith.constant -2147483648 : i32
      %reduce_min3A_853 = vector.broadcast %reduce_min3A_852 : i32 to vector<16xi32>
      %reduce_min3A_854 = arith.xori %get3A_849, %reduce_min3A_853 : vector<16xi32>
      %reduce_min3A_855 = tpu.scan <min>, %reduce_min3A_854 masked %reduce_min3A_851 : vector<16xi32>, vector<16xi1> -> vector<16xi32>
      %reduce_min3A_856 = arith.xori %reduce_min3A_855, %reduce_min3A_853 : vector<16xi32>
      %reduce_min3A_857 = vector.extract %reduce_min3A_856[15] : i32 from vector<16xi32>
      %eq3A_858 = arith.constant 0 : i32
      %eq3A_859 = arith.cmpi eq, %reduce_min3A_857, %eq3A_858 : i32
      %convert_element_type3A_860 = arith.extui %eq3A_859 : i1 to i32
      %cond3A_861 = arith.constant 0 : i32
      %cond3A_862 = arith.cmpi ne, %convert_element_type3A_860, %cond3A_861 : i32
      scf.if %cond3A_862 {
        %eq3A_2024 = arith.constant 0 : i32
        %eq3A_2025 = vector.broadcast %eq3A_2024 : i32 to vector<16xi32>
        %eq3A_2026 = arith.cmpi eq, %get3A_849, %eq3A_2025 : vector<16xi32>
        %add3A_2027 = arith.constant 448 : i32
        %add3A_2028 = vector.broadcast %add3A_2027 : i32 to vector<16xi32>
        %add3A_2029 = arith.addi %add3A_2028, %iota3A : vector<16xi32>
        %scan3A_2030 = arith.constant 0 : i32
        %scan3A_2031 = arith.constant 0 : i32
        %scan3A_2032 = arith.constant 64 : i32
        %scan3A_2033 = arith.addi %scan3A_2031, %scan3A_2032 : i32
        %scan3A_2034 = arith.constant 1 : i32
        scf.for %scan3A_2036 = %scan3A_2031 to %scan3A_2033 step %scan3A_2034  : i32 {
          %broadcast_in_dim3A_2037 = arith.constant 0 : i32
          %broadcast_in_dim3A_2038 = vector.broadcast %broadcast_in_dim3A_2037 : i32 to vector<16xi32>
          %add3A_2039 = vector.broadcast %scan3A_2036 : i32 to vector<16xi32>
          %add3A_2040 = arith.addi %broadcast_in_dim3A_2038, %add3A_2039 : vector<16xi32>
          %scatter3A = arith.constant 0 : i32
          %scatter3A_2041 = arith.constant 0 : i32
          %scatter3A_2042 = arith.constant 0 : i32
          %scatter3A_2043 = tpu.memref_slice %arg6[%scatter3A, %scatter3A_2041, %scatter3A_2042] : memref<2x640x64xf32, #tpu.memory_space<vmem>> -> memref<1x640x64xf32, #tpu.memory_space<vmem>>
          %scatter3A_2044 = tpu.memref_squeeze %scatter3A_2043 : memref<1x640x64xf32, #tpu.memory_space<vmem>> -> memref<640x64xf32, #tpu.memory_space<vmem>>
          tpu.vector_store_idx %scatter3A_2044[%add3A_2029, %add3A_2040], %broadcast_in_dim3A_3 masked %eq3A_2026 : memref<640x64xf32, #tpu.memory_space<vmem>>[vector<16xi32>, vector<16xi32>], vector<16xf32>, vector<16xi1>
        }
        %scan3A_2035 = arith.constant 64 : i32
      } else {
      }
      %mul3A_863 = arith.constant 5 : i32
      %mul3A_864 = arith.muli %add3A_197, %mul3A_863 : i32
      %add3A_865 = arith.constant 3 : i32
      %add3A_866 = arith.addi %mul3A_864, %add3A_865 : i32
      %get3A_867 = arith.index_cast %add3A_866 : i32 to index
      %get3A_868 = arith.constant 80 : index
      %get3A_869 = tpu.vector_load %arg5[%get3A_867, %get3A_868] {strides = array<i32>} : memref<50x128xi32, #tpu.memory_space<vmem>>, vector<16xi32>,
      %reduce_min3A_870 = arith.constant true
      %reduce_min3A_871 = vector.broadcast %reduce_min3A_870 : i1 to vector<16xi1>
      %reduce_min3A_872 = arith.constant -2147483648 : i32
      %reduce_min3A_873 = vector.broadcast %reduce_min3A_872 : i32 to vector<16xi32>
      %reduce_min3A_874 = arith.xori %get3A_869, %reduce_min3A_873 : vector<16xi32>
      %reduce_min3A_875 = tpu.scan <min>, %reduce_min3A_874 masked %reduce_min3A_871 : vector<16xi32>, vector<16xi1> -> vector<16xi32>
      %reduce_min3A_876 = arith.xori %reduce_min3A_875, %reduce_min3A_873 : vector<16xi32>
      %reduce_min3A_877 = vector.extract %reduce_min3A_876[15] : i32 from vector<16xi32>
      %eq3A_878 = arith.constant 0 : i32
      %eq3A_879 = arith.cmpi eq, %reduce_min3A_877, %eq3A_878 : i32
      %convert_element_type3A_880 = arith.extui %eq3A_879 : i1 to i32
      %cond3A_881 = arith.constant 0 : i32
      %cond3A_882 = arith.cmpi ne, %convert_element_type3A_880, %cond3A_881 : i32
      scf.if %cond3A_882 {
        %eq3A_2024 = arith.constant 0 : i32
        %eq3A_2025 = vector.broadcast %eq3A_2024 : i32 to vector<16xi32>
        %eq3A_2026 = arith.cmpi eq, %get3A_869, %eq3A_2025 : vector<16xi32>
        %add3A_2027 = arith.constant 464 : i32
        %add3A_2028 = vector.broadcast %add3A_2027 : i32 to vector<16xi32>
        %add3A_2029 = arith.addi %add3A_2028, %iota3A : vector<16xi32>
        %scan3A_2030 = arith.constant 0 : i32
        %scan3A_2031 = arith.constant 0 : i32
        %scan3A_2032 = arith.constant 64 : i32
        %scan3A_2033 = arith.addi %scan3A_2031, %scan3A_2032 : i32
        %scan3A_2034 = arith.constant 1 : i32
        scf.for %scan3A_2036 = %scan3A_2031 to %scan3A_2033 step %scan3A_2034  : i32 {
          %broadcast_in_dim3A_2037 = arith.constant 0 : i32
          %broadcast_in_dim3A_2038 = vector.broadcast %broadcast_in_dim3A_2037 : i32 to vector<16xi32>
          %add3A_2039 = vector.broadcast %scan3A_2036 : i32 to vector<16xi32>
          %add3A_2040 = arith.addi %broadcast_in_dim3A_2038, %add3A_2039 : vector<16xi32>
          %scatter3A = arith.constant 0 : i32
          %scatter3A_2041 = arith.constant 0 : i32
          %scatter3A_2042 = arith.constant 0 : i32
          %scatter3A_2043 = tpu.memref_slice %arg6[%scatter3A, %scatter3A_2041, %scatter3A_2042] : memref<2x640x64xf32, #tpu.memory_space<vmem>> -> memref<1x640x64xf32, #tpu.memory_space<vmem>>
          %scatter3A_2044 = tpu.memref_squeeze %scatter3A_2043 : memref<1x640x64xf32, #tpu.memory_space<vmem>> -> memref<640x64xf32, #tpu.memory_space<vmem>>
          tpu.vector_store_idx %scatter3A_2044[%add3A_2029, %add3A_2040], %broadcast_in_dim3A_3 masked %eq3A_2026 : memref<640x64xf32, #tpu.memory_space<vmem>>[vector<16xi32>, vector<16xi32>], vector<16xf32>, vector<16xi1>
        }
        %scan3A_2035 = arith.constant 64 : i32
      } else {
      }
      %mul3A_883 = arith.constant 5 : i32
      %mul3A_884 = arith.muli %add3A_197, %mul3A_883 : i32
      %add3A_885 = arith.constant 3 : i32
      %add3A_886 = arith.addi %mul3A_884, %add3A_885 : i32
      %get3A_887 = arith.index_cast %add3A_886 : i32 to index
      %get3A_888 = arith.constant 96 : index
      %get3A_889 = tpu.vector_load %arg5[%get3A_887, %get3A_888] {strides = array<i32>} : memref<50x128xi32, #tpu.memory_space<vmem>>, vector<16xi32>,
      %reduce_min3A_890 = arith.constant true
      %reduce_min3A_891 = vector.broadcast %reduce_min3A_890 : i1 to vector<16xi1>
      %reduce_min3A_892 = arith.constant -2147483648 : i32
      %reduce_min3A_893 = vector.broadcast %reduce_min3A_892 : i32 to vector<16xi32>
      %reduce_min3A_894 = arith.xori %get3A_889, %reduce_min3A_893 : vector<16xi32>
      %reduce_min3A_895 = tpu.scan <min>, %reduce_min3A_894 masked %reduce_min3A_891 : vector<16xi32>, vector<16xi1> -> vector<16xi32>
      %reduce_min3A_896 = arith.xori %reduce_min3A_895, %reduce_min3A_893 : vector<16xi32>
      %reduce_min3A_897 = vector.extract %reduce_min3A_896[15] : i32 from vector<16xi32>
      %eq3A_898 = arith.constant 0 : i32
      %eq3A_899 = arith.cmpi eq, %reduce_min3A_897, %eq3A_898 : i32
      %convert_element_type3A_900 = arith.extui %eq3A_899 : i1 to i32
      %cond3A_901 = arith.constant 0 : i32
      %cond3A_902 = arith.cmpi ne, %convert_element_type3A_900, %cond3A_901 : i32
      scf.if %cond3A_902 {
        %eq3A_2024 = arith.constant 0 : i32
        %eq3A_2025 = vector.broadcast %eq3A_2024 : i32 to vector<16xi32>
        %eq3A_2026 = arith.cmpi eq, %get3A_889, %eq3A_2025 : vector<16xi32>
        %add3A_2027 = arith.constant 480 : i32
        %add3A_2028 = vector.broadcast %add3A_2027 : i32 to vector<16xi32>
        %add3A_2029 = arith.addi %add3A_2028, %iota3A : vector<16xi32>
        %scan3A_2030 = arith.constant 0 : i32
        %scan3A_2031 = arith.constant 0 : i32
        %scan3A_2032 = arith.constant 64 : i32
        %scan3A_2033 = arith.addi %scan3A_2031, %scan3A_2032 : i32
        %scan3A_2034 = arith.constant 1 : i32
        scf.for %scan3A_2036 = %scan3A_2031 to %scan3A_2033 step %scan3A_2034  : i32 {
          %broadcast_in_dim3A_2037 = arith.constant 0 : i32
          %broadcast_in_dim3A_2038 = vector.broadcast %broadcast_in_dim3A_2037 : i32 to vector<16xi32>
          %add3A_2039 = vector.broadcast %scan3A_2036 : i32 to vector<16xi32>
          %add3A_2040 = arith.addi %broadcast_in_dim3A_2038, %add3A_2039 : vector<16xi32>
          %scatter3A = arith.constant 0 : i32
          %scatter3A_2041 = arith.constant 0 : i32
          %scatter3A_2042 = arith.constant 0 : i32
          %scatter3A_2043 = tpu.memref_slice %arg6[%scatter3A, %scatter3A_2041, %scatter3A_2042] : memref<2x640x64xf32, #tpu.memory_space<vmem>> -> memref<1x640x64xf32, #tpu.memory_space<vmem>>
          %scatter3A_2044 = tpu.memref_squeeze %scatter3A_2043 : memref<1x640x64xf32, #tpu.memory_space<vmem>> -> memref<640x64xf32, #tpu.memory_space<vmem>>
          tpu.vector_store_idx %scatter3A_2044[%add3A_2029, %add3A_2040], %broadcast_in_dim3A_3 masked %eq3A_2026 : memref<640x64xf32, #tpu.memory_space<vmem>>[vector<16xi32>, vector<16xi32>], vector<16xf32>, vector<16xi1>
        }
        %scan3A_2035 = arith.constant 64 : i32
      } else {
      }
      %mul3A_903 = arith.constant 5 : i32
      %mul3A_904 = arith.muli %add3A_197, %mul3A_903 : i32
      %add3A_905 = arith.constant 3 : i32
      %add3A_906 = arith.addi %mul3A_904, %add3A_905 : i32
      %get3A_907 = arith.index_cast %add3A_906 : i32 to index
      %get3A_908 = arith.constant 112 : index
      %get3A_909 = tpu.vector_load %arg5[%get3A_907, %get3A_908] {strides = array<i32>} : memref<50x128xi32, #tpu.memory_space<vmem>>, vector<16xi32>,
      %reduce_min3A_910 = arith.constant true
      %reduce_min3A_911 = vector.broadcast %reduce_min3A_910 : i1 to vector<16xi1>
      %reduce_min3A_912 = arith.constant -2147483648 : i32
      %reduce_min3A_913 = vector.broadcast %reduce_min3A_912 : i32 to vector<16xi32>
      %reduce_min3A_914 = arith.xori %get3A_909, %reduce_min3A_913 : vector<16xi32>
      %reduce_min3A_915 = tpu.scan <min>, %reduce_min3A_914 masked %reduce_min3A_911 : vector<16xi32>, vector<16xi1> -> vector<16xi32>
      %reduce_min3A_916 = arith.xori %reduce_min3A_915, %reduce_min3A_913 : vector<16xi32>
      %reduce_min3A_917 = vector.extract %reduce_min3A_916[15] : i32 from vector<16xi32>
      %eq3A_918 = arith.constant 0 : i32
      %eq3A_919 = arith.cmpi eq, %reduce_min3A_917, %eq3A_918 : i32
      %convert_element_type3A_920 = arith.extui %eq3A_919 : i1 to i32
      %cond3A_921 = arith.constant 0 : i32
      %cond3A_922 = arith.cmpi ne, %convert_element_type3A_920, %cond3A_921 : i32
      scf.if %cond3A_922 {
        %eq3A_2024 = arith.constant 0 : i32
        %eq3A_2025 = vector.broadcast %eq3A_2024 : i32 to vector<16xi32>
        %eq3A_2026 = arith.cmpi eq, %get3A_909, %eq3A_2025 : vector<16xi32>
        %add3A_2027 = arith.constant 496 : i32
        %add3A_2028 = vector.broadcast %add3A_2027 : i32 to vector<16xi32>
        %add3A_2029 = arith.addi %add3A_2028, %iota3A : vector<16xi32>
        %scan3A_2030 = arith.constant 0 : i32
        %scan3A_2031 = arith.constant 0 : i32
        %scan3A_2032 = arith.constant 64 : i32
        %scan3A_2033 = arith.addi %scan3A_2031, %scan3A_2032 : i32
        %scan3A_2034 = arith.constant 1 : i32
        scf.for %scan3A_2036 = %scan3A_2031 to %scan3A_2033 step %scan3A_2034  : i32 {
          %broadcast_in_dim3A_2037 = arith.constant 0 : i32
          %broadcast_in_dim3A_2038 = vector.broadcast %broadcast_in_dim3A_2037 : i32 to vector<16xi32>
          %add3A_2039 = vector.broadcast %scan3A_2036 : i32 to vector<16xi32>
          %add3A_2040 = arith.addi %broadcast_in_dim3A_2038, %add3A_2039 : vector<16xi32>
          %scatter3A = arith.constant 0 : i32
          %scatter3A_2041 = arith.constant 0 : i32
          %scatter3A_2042 = arith.constant 0 : i32
          %scatter3A_2043 = tpu.memref_slice %arg6[%scatter3A, %scatter3A_2041, %scatter3A_2042] : memref<2x640x64xf32, #tpu.memory_space<vmem>> -> memref<1x640x64xf32, #tpu.memory_space<vmem>>
          %scatter3A_2044 = tpu.memref_squeeze %scatter3A_2043 : memref<1x640x64xf32, #tpu.memory_space<vmem>> -> memref<640x64xf32, #tpu.memory_space<vmem>>
          tpu.vector_store_idx %scatter3A_2044[%add3A_2029, %add3A_2040], %broadcast_in_dim3A_3 masked %eq3A_2026 : memref<640x64xf32, #tpu.memory_space<vmem>>[vector<16xi32>, vector<16xi32>], vector<16xf32>, vector<16xi1>
        }
        %scan3A_2035 = arith.constant 64 : i32
      } else {
      }
      %mul3A_923 = arith.constant 5 : i32
      %mul3A_924 = arith.muli %add3A_197, %mul3A_923 : i32
      %add3A_925 = arith.constant 4 : i32
      %add3A_926 = arith.addi %mul3A_924, %add3A_925 : i32
      %get3A_927 = arith.index_cast %add3A_926 : i32 to index
      %get3A_928 = arith.constant 0 : index
      %get3A_929 = tpu.vector_load %arg5[%get3A_927, %get3A_928] {strides = array<i32>} : memref<50x128xi32, #tpu.memory_space<vmem>>, vector<16xi32>,
      %reduce_min3A_930 = arith.constant true
      %reduce_min3A_931 = vector.broadcast %reduce_min3A_930 : i1 to vector<16xi1>
      %reduce_min3A_932 = arith.constant -2147483648 : i32
      %reduce_min3A_933 = vector.broadcast %reduce_min3A_932 : i32 to vector<16xi32>
      %reduce_min3A_934 = arith.xori %get3A_929, %reduce_min3A_933 : vector<16xi32>
      %reduce_min3A_935 = tpu.scan <min>, %reduce_min3A_934 masked %reduce_min3A_931 : vector<16xi32>, vector<16xi1> -> vector<16xi32>
      %reduce_min3A_936 = arith.xori %reduce_min3A_935, %reduce_min3A_933 : vector<16xi32>
      %reduce_min3A_937 = vector.extract %reduce_min3A_936[15] : i32 from vector<16xi32>
      %eq3A_938 = arith.constant 0 : i32
      %eq3A_939 = arith.cmpi eq, %reduce_min3A_937, %eq3A_938 : i32
      %convert_element_type3A_940 = arith.extui %eq3A_939 : i1 to i32
      %cond3A_941 = arith.constant 0 : i32
      %cond3A_942 = arith.cmpi ne, %convert_element_type3A_940, %cond3A_941 : i32
      scf.if %cond3A_942 {
        %eq3A_2024 = arith.constant 0 : i32
        %eq3A_2025 = vector.broadcast %eq3A_2024 : i32 to vector<16xi32>
        %eq3A_2026 = arith.cmpi eq, %get3A_929, %eq3A_2025 : vector<16xi32>
        %add3A_2027 = arith.constant 512 : i32
        %add3A_2028 = vector.broadcast %add3A_2027 : i32 to vector<16xi32>
        %add3A_2029 = arith.addi %add3A_2028, %iota3A : vector<16xi32>
        %scan3A_2030 = arith.constant 0 : i32
        %scan3A_2031 = arith.constant 0 : i32
        %scan3A_2032 = arith.constant 64 : i32
        %scan3A_2033 = arith.addi %scan3A_2031, %scan3A_2032 : i32
        %scan3A_2034 = arith.constant 1 : i32
        scf.for %scan3A_2036 = %scan3A_2031 to %scan3A_2033 step %scan3A_2034  : i32 {
          %broadcast_in_dim3A_2037 = arith.constant 0 : i32
          %broadcast_in_dim3A_2038 = vector.broadcast %broadcast_in_dim3A_2037 : i32 to vector<16xi32>
          %add3A_2039 = vector.broadcast %scan3A_2036 : i32 to vector<16xi32>
          %add3A_2040 = arith.addi %broadcast_in_dim3A_2038, %add3A_2039 : vector<16xi32>
          %scatter3A = arith.constant 0 : i32
          %scatter3A_2041 = arith.constant 0 : i32
          %scatter3A_2042 = arith.constant 0 : i32
          %scatter3A_2043 = tpu.memref_slice %arg6[%scatter3A, %scatter3A_2041, %scatter3A_2042] : memref<2x640x64xf32, #tpu.memory_space<vmem>> -> memref<1x640x64xf32, #tpu.memory_space<vmem>>
          %scatter3A_2044 = tpu.memref_squeeze %scatter3A_2043 : memref<1x640x64xf32, #tpu.memory_space<vmem>> -> memref<640x64xf32, #tpu.memory_space<vmem>>
          tpu.vector_store_idx %scatter3A_2044[%add3A_2029, %add3A_2040], %broadcast_in_dim3A_3 masked %eq3A_2026 : memref<640x64xf32, #tpu.memory_space<vmem>>[vector<16xi32>, vector<16xi32>], vector<16xf32>, vector<16xi1>
        }
        %scan3A_2035 = arith.constant 64 : i32
      } else {
      }
      %mul3A_943 = arith.constant 5 : i32
      %mul3A_944 = arith.muli %add3A_197, %mul3A_943 : i32
      %add3A_945 = arith.constant 4 : i32
      %add3A_946 = arith.addi %mul3A_944, %add3A_945 : i32
      %get3A_947 = arith.index_cast %add3A_946 : i32 to index
      %get3A_948 = arith.constant 16 : index
      %get3A_949 = tpu.vector_load %arg5[%get3A_947, %get3A_948] {strides = array<i32>} : memref<50x128xi32, #tpu.memory_space<vmem>>, vector<16xi32>,
      %reduce_min3A_950 = arith.constant true
      %reduce_min3A_951 = vector.broadcast %reduce_min3A_950 : i1 to vector<16xi1>
      %reduce_min3A_952 = arith.constant -2147483648 : i32
      %reduce_min3A_953 = vector.broadcast %reduce_min3A_952 : i32 to vector<16xi32>
      %reduce_min3A_954 = arith.xori %get3A_949, %reduce_min3A_953 : vector<16xi32>
      %reduce_min3A_955 = tpu.scan <min>, %reduce_min3A_954 masked %reduce_min3A_951 : vector<16xi32>, vector<16xi1> -> vector<16xi32>
      %reduce_min3A_956 = arith.xori %reduce_min3A_955, %reduce_min3A_953 : vector<16xi32>
      %reduce_min3A_957 = vector.extract %reduce_min3A_956[15] : i32 from vector<16xi32>
      %eq3A_958 = arith.constant 0 : i32
      %eq3A_959 = arith.cmpi eq, %reduce_min3A_957, %eq3A_958 : i32
      %convert_element_type3A_960 = arith.extui %eq3A_959 : i1 to i32
      %cond3A_961 = arith.constant 0 : i32
      %cond3A_962 = arith.cmpi ne, %convert_element_type3A_960, %cond3A_961 : i32
      scf.if %cond3A_962 {
        %eq3A_2024 = arith.constant 0 : i32
        %eq3A_2025 = vector.broadcast %eq3A_2024 : i32 to vector<16xi32>
        %eq3A_2026 = arith.cmpi eq, %get3A_949, %eq3A_2025 : vector<16xi32>
        %add3A_2027 = arith.constant 528 : i32
        %add3A_2028 = vector.broadcast %add3A_2027 : i32 to vector<16xi32>
        %add3A_2029 = arith.addi %add3A_2028, %iota3A : vector<16xi32>
        %scan3A_2030 = arith.constant 0 : i32
        %scan3A_2031 = arith.constant 0 : i32
        %scan3A_2032 = arith.constant 64 : i32
        %scan3A_2033 = arith.addi %scan3A_2031, %scan3A_2032 : i32
        %scan3A_2034 = arith.constant 1 : i32
        scf.for %scan3A_2036 = %scan3A_2031 to %scan3A_2033 step %scan3A_2034  : i32 {
          %broadcast_in_dim3A_2037 = arith.constant 0 : i32
          %broadcast_in_dim3A_2038 = vector.broadcast %broadcast_in_dim3A_2037 : i32 to vector<16xi32>
          %add3A_2039 = vector.broadcast %scan3A_2036 : i32 to vector<16xi32>
          %add3A_2040 = arith.addi %broadcast_in_dim3A_2038, %add3A_2039 : vector<16xi32>
          %scatter3A = arith.constant 0 : i32
          %scatter3A_2041 = arith.constant 0 : i32
          %scatter3A_2042 = arith.constant 0 : i32
          %scatter3A_2043 = tpu.memref_slice %arg6[%scatter3A, %scatter3A_2041, %scatter3A_2042] : memref<2x640x64xf32, #tpu.memory_space<vmem>> -> memref<1x640x64xf32, #tpu.memory_space<vmem>>
          %scatter3A_2044 = tpu.memref_squeeze %scatter3A_2043 : memref<1x640x64xf32, #tpu.memory_space<vmem>> -> memref<640x64xf32, #tpu.memory_space<vmem>>
          tpu.vector_store_idx %scatter3A_2044[%add3A_2029, %add3A_2040], %broadcast_in_dim3A_3 masked %eq3A_2026 : memref<640x64xf32, #tpu.memory_space<vmem>>[vector<16xi32>, vector<16xi32>], vector<16xf32>, vector<16xi1>
        }
        %scan3A_2035 = arith.constant 64 : i32
      } else {
      }
      %mul3A_963 = arith.constant 5 : i32
      %mul3A_964 = arith.muli %add3A_197, %mul3A_963 : i32
      %add3A_965 = arith.constant 4 : i32
      %add3A_966 = arith.addi %mul3A_964, %add3A_965 : i32
      %get3A_967 = arith.index_cast %add3A_966 : i32 to index
      %get3A_968 = arith.constant 32 : index
      %get3A_969 = tpu.vector_load %arg5[%get3A_967, %get3A_968] {strides = array<i32>} : memref<50x128xi32, #tpu.memory_space<vmem>>, vector<16xi32>,
      %reduce_min3A_970 = arith.constant true
      %reduce_min3A_971 = vector.broadcast %reduce_min3A_970 : i1 to vector<16xi1>
      %reduce_min3A_972 = arith.constant -2147483648 : i32
      %reduce_min3A_973 = vector.broadcast %reduce_min3A_972 : i32 to vector<16xi32>
      %reduce_min3A_974 = arith.xori %get3A_969, %reduce_min3A_973 : vector<16xi32>
      %reduce_min3A_975 = tpu.scan <min>, %reduce_min3A_974 masked %reduce_min3A_971 : vector<16xi32>, vector<16xi1> -> vector<16xi32>
      %reduce_min3A_976 = arith.xori %reduce_min3A_975, %reduce_min3A_973 : vector<16xi32>
      %reduce_min3A_977 = vector.extract %reduce_min3A_976[15] : i32 from vector<16xi32>
      %eq3A_978 = arith.constant 0 : i32
      %eq3A_979 = arith.cmpi eq, %reduce_min3A_977, %eq3A_978 : i32
      %convert_element_type3A_980 = arith.extui %eq3A_979 : i1 to i32
      %cond3A_981 = arith.constant 0 : i32
      %cond3A_982 = arith.cmpi ne, %convert_element_type3A_980, %cond3A_981 : i32
      scf.if %cond3A_982 {
        %eq3A_2024 = arith.constant 0 : i32
        %eq3A_2025 = vector.broadcast %eq3A_2024 : i32 to vector<16xi32>
        %eq3A_2026 = arith.cmpi eq, %get3A_969, %eq3A_2025 : vector<16xi32>
        %add3A_2027 = arith.constant 544 : i32
        %add3A_2028 = vector.broadcast %add3A_2027 : i32 to vector<16xi32>
        %add3A_2029 = arith.addi %add3A_2028, %iota3A : vector<16xi32>
        %scan3A_2030 = arith.constant 0 : i32
        %scan3A_2031 = arith.constant 0 : i32
        %scan3A_2032 = arith.constant 64 : i32
        %scan3A_2033 = arith.addi %scan3A_2031, %scan3A_2032 : i32
        %scan3A_2034 = arith.constant 1 : i32
        scf.for %scan3A_2036 = %scan3A_2031 to %scan3A_2033 step %scan3A_2034  : i32 {
          %broadcast_in_dim3A_2037 = arith.constant 0 : i32
          %broadcast_in_dim3A_2038 = vector.broadcast %broadcast_in_dim3A_2037 : i32 to vector<16xi32>
          %add3A_2039 = vector.broadcast %scan3A_2036 : i32 to vector<16xi32>
          %add3A_2040 = arith.addi %broadcast_in_dim3A_2038, %add3A_2039 : vector<16xi32>
          %scatter3A = arith.constant 0 : i32
          %scatter3A_2041 = arith.constant 0 : i32
          %scatter3A_2042 = arith.constant 0 : i32
          %scatter3A_2043 = tpu.memref_slice %arg6[%scatter3A, %scatter3A_2041, %scatter3A_2042] : memref<2x640x64xf32, #tpu.memory_space<vmem>> -> memref<1x640x64xf32, #tpu.memory_space<vmem>>
          %scatter3A_2044 = tpu.memref_squeeze %scatter3A_2043 : memref<1x640x64xf32, #tpu.memory_space<vmem>> -> memref<640x64xf32, #tpu.memory_space<vmem>>
          tpu.vector_store_idx %scatter3A_2044[%add3A_2029, %add3A_2040], %broadcast_in_dim3A_3 masked %eq3A_2026 : memref<640x64xf32, #tpu.memory_space<vmem>>[vector<16xi32>, vector<16xi32>], vector<16xf32>, vector<16xi1>
        }
        %scan3A_2035 = arith.constant 64 : i32
      } else {
      }
      %mul3A_983 = arith.constant 5 : i32
      %mul3A_984 = arith.muli %add3A_197, %mul3A_983 : i32
      %add3A_985 = arith.constant 4 : i32
      %add3A_986 = arith.addi %mul3A_984, %add3A_985 : i32
      %get3A_987 = arith.index_cast %add3A_986 : i32 to index
      %get3A_988 = arith.constant 48 : index
      %get3A_989 = tpu.vector_load %arg5[%get3A_987, %get3A_988] {strides = array<i32>} : memref<50x128xi32, #tpu.memory_space<vmem>>, vector<16xi32>,
      %reduce_min3A_990 = arith.constant true
      %reduce_min3A_991 = vector.broadcast %reduce_min3A_990 : i1 to vector<16xi1>
      %reduce_min3A_992 = arith.constant -2147483648 : i32
      %reduce_min3A_993 = vector.broadcast %reduce_min3A_992 : i32 to vector<16xi32>
      %reduce_min3A_994 = arith.xori %get3A_989, %reduce_min3A_993 : vector<16xi32>
      %reduce_min3A_995 = tpu.scan <min>, %reduce_min3A_994 masked %reduce_min3A_991 : vector<16xi32>, vector<16xi1> -> vector<16xi32>
      %reduce_min3A_996 = arith.xori %reduce_min3A_995, %reduce_min3A_993 : vector<16xi32>
      %reduce_min3A_997 = vector.extract %reduce_min3A_996[15] : i32 from vector<16xi32>
      %eq3A_998 = arith.constant 0 : i32
      %eq3A_999 = arith.cmpi eq, %reduce_min3A_997, %eq3A_998 : i32
      %convert_element_type3A_1000 = arith.extui %eq3A_999 : i1 to i32
      %cond3A_1001 = arith.constant 0 : i32
      %cond3A_1002 = arith.cmpi ne, %convert_element_type3A_1000, %cond3A_1001 : i32
      scf.if %cond3A_1002 {
        %eq3A_2024 = arith.constant 0 : i32
        %eq3A_2025 = vector.broadcast %eq3A_2024 : i32 to vector<16xi32>
        %eq3A_2026 = arith.cmpi eq, %get3A_989, %eq3A_2025 : vector<16xi32>
        %add3A_2027 = arith.constant 560 : i32
        %add3A_2028 = vector.broadcast %add3A_2027 : i32 to vector<16xi32>
        %add3A_2029 = arith.addi %add3A_2028, %iota3A : vector<16xi32>
        %scan3A_2030 = arith.constant 0 : i32
        %scan3A_2031 = arith.constant 0 : i32
        %scan3A_2032 = arith.constant 64 : i32
        %scan3A_2033 = arith.addi %scan3A_2031, %scan3A_2032 : i32
        %scan3A_2034 = arith.constant 1 : i32
        scf.for %scan3A_2036 = %scan3A_2031 to %scan3A_2033 step %scan3A_2034  : i32 {
          %broadcast_in_dim3A_2037 = arith.constant 0 : i32
          %broadcast_in_dim3A_2038 = vector.broadcast %broadcast_in_dim3A_2037 : i32 to vector<16xi32>
          %add3A_2039 = vector.broadcast %scan3A_2036 : i32 to vector<16xi32>
          %add3A_2040 = arith.addi %broadcast_in_dim3A_2038, %add3A_2039 : vector<16xi32>
          %scatter3A = arith.constant 0 : i32
          %scatter3A_2041 = arith.constant 0 : i32
          %scatter3A_2042 = arith.constant 0 : i32
          %scatter3A_2043 = tpu.memref_slice %arg6[%scatter3A, %scatter3A_2041, %scatter3A_2042] : memref<2x640x64xf32, #tpu.memory_space<vmem>> -> memref<1x640x64xf32, #tpu.memory_space<vmem>>
          %scatter3A_2044 = tpu.memref_squeeze %scatter3A_2043 : memref<1x640x64xf32, #tpu.memory_space<vmem>> -> memref<640x64xf32, #tpu.memory_space<vmem>>
          tpu.vector_store_idx %scatter3A_2044[%add3A_2029, %add3A_2040], %broadcast_in_dim3A_3 masked %eq3A_2026 : memref<640x64xf32, #tpu.memory_space<vmem>>[vector<16xi32>, vector<16xi32>], vector<16xf32>, vector<16xi1>
        }
        %scan3A_2035 = arith.constant 64 : i32
      } else {
      }
      %mul3A_1003 = arith.constant 5 : i32
      %mul3A_1004 = arith.muli %add3A_197, %mul3A_1003 : i32
      %add3A_1005 = arith.constant 4 : i32
      %add3A_1006 = arith.addi %mul3A_1004, %add3A_1005 : i32
      %get3A_1007 = arith.index_cast %add3A_1006 : i32 to index
      %get3A_1008 = arith.constant 64 : index
      %get3A_1009 = tpu.vector_load %arg5[%get3A_1007, %get3A_1008] {strides = array<i32>} : memref<50x128xi32, #tpu.memory_space<vmem>>, vector<16xi32>,
      %reduce_min3A_1010 = arith.constant true
      %reduce_min3A_1011 = vector.broadcast %reduce_min3A_1010 : i1 to vector<16xi1>
      %reduce_min3A_1012 = arith.constant -2147483648 : i32
      %reduce_min3A_1013 = vector.broadcast %reduce_min3A_1012 : i32 to vector<16xi32>
      %reduce_min3A_1014 = arith.xori %get3A_1009, %reduce_min3A_1013 : vector<16xi32>
      %reduce_min3A_1015 = tpu.scan <min>, %reduce_min3A_1014 masked %reduce_min3A_1011 : vector<16xi32>, vector<16xi1> -> vector<16xi32>
      %reduce_min3A_1016 = arith.xori %reduce_min3A_1015, %reduce_min3A_1013 : vector<16xi32>
      %reduce_min3A_1017 = vector.extract %reduce_min3A_1016[15] : i32 from vector<16xi32>
      %eq3A_1018 = arith.constant 0 : i32
      %eq3A_1019 = arith.cmpi eq, %reduce_min3A_1017, %eq3A_1018 : i32
      %convert_element_type3A_1020 = arith.extui %eq3A_1019 : i1 to i32
      %cond3A_1021 = arith.constant 0 : i32
      %cond3A_1022 = arith.cmpi ne, %convert_element_type3A_1020, %cond3A_1021 : i32
      scf.if %cond3A_1022 {
        %eq3A_2024 = arith.constant 0 : i32
        %eq3A_2025 = vector.broadcast %eq3A_2024 : i32 to vector<16xi32>
        %eq3A_2026 = arith.cmpi eq, %get3A_1009, %eq3A_2025 : vector<16xi32>
        %add3A_2027 = arith.constant 576 : i32
        %add3A_2028 = vector.broadcast %add3A_2027 : i32 to vector<16xi32>
        %add3A_2029 = arith.addi %add3A_2028, %iota3A : vector<16xi32>
        %scan3A_2030 = arith.constant 0 : i32
        %scan3A_2031 = arith.constant 0 : i32
        %scan3A_2032 = arith.constant 64 : i32
        %scan3A_2033 = arith.addi %scan3A_2031, %scan3A_2032 : i32
        %scan3A_2034 = arith.constant 1 : i32
        scf.for %scan3A_2036 = %scan3A_2031 to %scan3A_2033 step %scan3A_2034  : i32 {
          %broadcast_in_dim3A_2037 = arith.constant 0 : i32
          %broadcast_in_dim3A_2038 = vector.broadcast %broadcast_in_dim3A_2037 : i32 to vector<16xi32>
          %add3A_2039 = vector.broadcast %scan3A_2036 : i32 to vector<16xi32>
          %add3A_2040 = arith.addi %broadcast_in_dim3A_2038, %add3A_2039 : vector<16xi32>
          %scatter3A = arith.constant 0 : i32
          %scatter3A_2041 = arith.constant 0 : i32
          %scatter3A_2042 = arith.constant 0 : i32
          %scatter3A_2043 = tpu.memref_slice %arg6[%scatter3A, %scatter3A_2041, %scatter3A_2042] : memref<2x640x64xf32, #tpu.memory_space<vmem>> -> memref<1x640x64xf32, #tpu.memory_space<vmem>>
          %scatter3A_2044 = tpu.memref_squeeze %scatter3A_2043 : memref<1x640x64xf32, #tpu.memory_space<vmem>> -> memref<640x64xf32, #tpu.memory_space<vmem>>
          tpu.vector_store_idx %scatter3A_2044[%add3A_2029, %add3A_2040], %broadcast_in_dim3A_3 masked %eq3A_2026 : memref<640x64xf32, #tpu.memory_space<vmem>>[vector<16xi32>, vector<16xi32>], vector<16xf32>, vector<16xi1>
        }
        %scan3A_2035 = arith.constant 64 : i32
      } else {
      }
      %mul3A_1023 = arith.constant 5 : i32
      %mul3A_1024 = arith.muli %add3A_197, %mul3A_1023 : i32
      %add3A_1025 = arith.constant 4 : i32
      %add3A_1026 = arith.addi %mul3A_1024, %add3A_1025 : i32
      %get3A_1027 = arith.index_cast %add3A_1026 : i32 to index
      %get3A_1028 = arith.constant 80 : index
      %get3A_1029 = tpu.vector_load %arg5[%get3A_1027, %get3A_1028] {strides = array<i32>} : memref<50x128xi32, #tpu.memory_space<vmem>>, vector<16xi32>,
      %reduce_min3A_1030 = arith.constant true
      %reduce_min3A_1031 = vector.broadcast %reduce_min3A_1030 : i1 to vector<16xi1>
      %reduce_min3A_1032 = arith.constant -2147483648 : i32
      %reduce_min3A_1033 = vector.broadcast %reduce_min3A_1032 : i32 to vector<16xi32>
      %reduce_min3A_1034 = arith.xori %get3A_1029, %reduce_min3A_1033 : vector<16xi32>
      %reduce_min3A_1035 = tpu.scan <min>, %reduce_min3A_1034 masked %reduce_min3A_1031 : vector<16xi32>, vector<16xi1> -> vector<16xi32>
      %reduce_min3A_1036 = arith.xori %reduce_min3A_1035, %reduce_min3A_1033 : vector<16xi32>
      %reduce_min3A_1037 = vector.extract %reduce_min3A_1036[15] : i32 from vector<16xi32>
      %eq3A_1038 = arith.constant 0 : i32
      %eq3A_1039 = arith.cmpi eq, %reduce_min3A_1037, %eq3A_1038 : i32
      %convert_element_type3A_1040 = arith.extui %eq3A_1039 : i1 to i32
      %cond3A_1041 = arith.constant 0 : i32
      %cond3A_1042 = arith.cmpi ne, %convert_element_type3A_1040, %cond3A_1041 : i32
      scf.if %cond3A_1042 {
        %eq3A_2024 = arith.constant 0 : i32
        %eq3A_2025 = vector.broadcast %eq3A_2024 : i32 to vector<16xi32>
        %eq3A_2026 = arith.cmpi eq, %get3A_1029, %eq3A_2025 : vector<16xi32>
        %add3A_2027 = arith.constant 592 : i32
        %add3A_2028 = vector.broadcast %add3A_2027 : i32 to vector<16xi32>
        %add3A_2029 = arith.addi %add3A_2028, %iota3A : vector<16xi32>
        %scan3A_2030 = arith.constant 0 : i32
        %scan3A_2031 = arith.constant 0 : i32
        %scan3A_2032 = arith.constant 64 : i32
        %scan3A_2033 = arith.addi %scan3A_2031, %scan3A_2032 : i32
        %scan3A_2034 = arith.constant 1 : i32
        scf.for %scan3A_2036 = %scan3A_2031 to %scan3A_2033 step %scan3A_2034  : i32 {
          %broadcast_in_dim3A_2037 = arith.constant 0 : i32
          %broadcast_in_dim3A_2038 = vector.broadcast %broadcast_in_dim3A_2037 : i32 to vector<16xi32>
          %add3A_2039 = vector.broadcast %scan3A_2036 : i32 to vector<16xi32>
          %add3A_2040 = arith.addi %broadcast_in_dim3A_2038, %add3A_2039 : vector<16xi32>
          %scatter3A = arith.constant 0 : i32
          %scatter3A_2041 = arith.constant 0 : i32
          %scatter3A_2042 = arith.constant 0 : i32
          %scatter3A_2043 = tpu.memref_slice %arg6[%scatter3A, %scatter3A_2041, %scatter3A_2042] : memref<2x640x64xf32, #tpu.memory_space<vmem>> -> memref<1x640x64xf32, #tpu.memory_space<vmem>>
          %scatter3A_2044 = tpu.memref_squeeze %scatter3A_2043 : memref<1x640x64xf32, #tpu.memory_space<vmem>> -> memref<640x64xf32, #tpu.memory_space<vmem>>
          tpu.vector_store_idx %scatter3A_2044[%add3A_2029, %add3A_2040], %broadcast_in_dim3A_3 masked %eq3A_2026 : memref<640x64xf32, #tpu.memory_space<vmem>>[vector<16xi32>, vector<16xi32>], vector<16xf32>, vector<16xi1>
        }
        %scan3A_2035 = arith.constant 64 : i32
      } else {
      }
      %mul3A_1043 = arith.constant 5 : i32
      %mul3A_1044 = arith.muli %add3A_197, %mul3A_1043 : i32
      %add3A_1045 = arith.constant 4 : i32
      %add3A_1046 = arith.addi %mul3A_1044, %add3A_1045 : i32
      %get3A_1047 = arith.index_cast %add3A_1046 : i32 to index
      %get3A_1048 = arith.constant 96 : index
      %get3A_1049 = tpu.vector_load %arg5[%get3A_1047, %get3A_1048] {strides = array<i32>} : memref<50x128xi32, #tpu.memory_space<vmem>>, vector<16xi32>,
      %reduce_min3A_1050 = arith.constant true
      %reduce_min3A_1051 = vector.broadcast %reduce_min3A_1050 : i1 to vector<16xi1>
      %reduce_min3A_1052 = arith.constant -2147483648 : i32
      %reduce_min3A_1053 = vector.broadcast %reduce_min3A_1052 : i32 to vector<16xi32>
      %reduce_min3A_1054 = arith.xori %get3A_1049, %reduce_min3A_1053 : vector<16xi32>
      %reduce_min3A_1055 = tpu.scan <min>, %reduce_min3A_1054 masked %reduce_min3A_1051 : vector<16xi32>, vector<16xi1> -> vector<16xi32>
      %reduce_min3A_1056 = arith.xori %reduce_min3A_1055, %reduce_min3A_1053 : vector<16xi32>
      %reduce_min3A_1057 = vector.extract %reduce_min3A_1056[15] : i32 from vector<16xi32>
      %eq3A_1058 = arith.constant 0 : i32
      %eq3A_1059 = arith.cmpi eq, %reduce_min3A_1057, %eq3A_1058 : i32
      %convert_element_type3A_1060 = arith.extui %eq3A_1059 : i1 to i32
      %cond3A_1061 = arith.constant 0 : i32
      %cond3A_1062 = arith.cmpi ne, %convert_element_type3A_1060, %cond3A_1061 : i32
      scf.if %cond3A_1062 {
        %eq3A_2024 = arith.constant 0 : i32
        %eq3A_2025 = vector.broadcast %eq3A_2024 : i32 to vector<16xi32>
        %eq3A_2026 = arith.cmpi eq, %get3A_1049, %eq3A_2025 : vector<16xi32>
        %add3A_2027 = arith.constant 608 : i32
        %add3A_2028 = vector.broadcast %add3A_2027 : i32 to vector<16xi32>
        %add3A_2029 = arith.addi %add3A_2028, %iota3A : vector<16xi32>
        %scan3A_2030 = arith.constant 0 : i32
        %scan3A_2031 = arith.constant 0 : i32
        %scan3A_2032 = arith.constant 64 : i32
        %scan3A_2033 = arith.addi %scan3A_2031, %scan3A_2032 : i32
        %scan3A_2034 = arith.constant 1 : i32
        scf.for %scan3A_2036 = %scan3A_2031 to %scan3A_2033 step %scan3A_2034  : i32 {
          %broadcast_in_dim3A_2037 = arith.constant 0 : i32
          %broadcast_in_dim3A_2038 = vector.broadcast %broadcast_in_dim3A_2037 : i32 to vector<16xi32>
          %add3A_2039 = vector.broadcast %scan3A_2036 : i32 to vector<16xi32>
          %add3A_2040 = arith.addi %broadcast_in_dim3A_2038, %add3A_2039 : vector<16xi32>
          %scatter3A = arith.constant 0 : i32
          %scatter3A_2041 = arith.constant 0 : i32
          %scatter3A_2042 = arith.constant 0 : i32
          %scatter3A_2043 = tpu.memref_slice %arg6[%scatter3A, %scatter3A_2041, %scatter3A_2042] : memref<2x640x64xf32, #tpu.memory_space<vmem>> -> memref<1x640x64xf32, #tpu.memory_space<vmem>>
          %scatter3A_2044 = tpu.memref_squeeze %scatter3A_2043 : memref<1x640x64xf32, #tpu.memory_space<vmem>> -> memref<640x64xf32, #tpu.memory_space<vmem>>
          tpu.vector_store_idx %scatter3A_2044[%add3A_2029, %add3A_2040], %broadcast_in_dim3A_3 masked %eq3A_2026 : memref<640x64xf32, #tpu.memory_space<vmem>>[vector<16xi32>, vector<16xi32>], vector<16xf32>, vector<16xi1>
        }
        %scan3A_2035 = arith.constant 64 : i32
      } else {
      }
      %mul3A_1063 = arith.constant 5 : i32
      %mul3A_1064 = arith.muli %add3A_197, %mul3A_1063 : i32
      %add3A_1065 = arith.constant 4 : i32
      %add3A_1066 = arith.addi %mul3A_1064, %add3A_1065 : i32
      %get3A_1067 = arith.index_cast %add3A_1066 : i32 to index
      %get3A_1068 = arith.constant 112 : index
      %get3A_1069 = tpu.vector_load %arg5[%get3A_1067, %get3A_1068] {strides = array<i32>} : memref<50x128xi32, #tpu.memory_space<vmem>>, vector<16xi32>,
      %reduce_min3A_1070 = arith.constant true
      %reduce_min3A_1071 = vector.broadcast %reduce_min3A_1070 : i1 to vector<16xi1>
      %reduce_min3A_1072 = arith.constant -2147483648 : i32
      %reduce_min3A_1073 = vector.broadcast %reduce_min3A_1072 : i32 to vector<16xi32>
      %reduce_min3A_1074 = arith.xori %get3A_1069, %reduce_min3A_1073 : vector<16xi32>
      %reduce_min3A_1075 = tpu.scan <min>, %reduce_min3A_1074 masked %reduce_min3A_1071 : vector<16xi32>, vector<16xi1> -> vector<16xi32>
      %reduce_min3A_1076 = arith.xori %reduce_min3A_1075, %reduce_min3A_1073 : vector<16xi32>
      %reduce_min3A_1077 = vector.extract %reduce_min3A_1076[15] : i32 from vector<16xi32>
      %eq3A_1078 = arith.constant 0 : i32
      %eq3A_1079 = arith.cmpi eq, %reduce_min3A_1077, %eq3A_1078 : i32
      %convert_element_type3A_1080 = arith.extui %eq3A_1079 : i1 to i32
      %cond3A_1081 = arith.constant 0 : i32
      %cond3A_1082 = arith.cmpi ne, %convert_element_type3A_1080, %cond3A_1081 : i32
      scf.if %cond3A_1082 {
        %eq3A_2024 = arith.constant 0 : i32
        %eq3A_2025 = vector.broadcast %eq3A_2024 : i32 to vector<16xi32>
        %eq3A_2026 = arith.cmpi eq, %get3A_1069, %eq3A_2025 : vector<16xi32>
        %add3A_2027 = arith.constant 624 : i32
        %add3A_2028 = vector.broadcast %add3A_2027 : i32 to vector<16xi32>
        %add3A_2029 = arith.addi %add3A_2028, %iota3A : vector<16xi32>
        %scan3A_2030 = arith.constant 0 : i32
        %scan3A_2031 = arith.constant 0 : i32
        %scan3A_2032 = arith.constant 64 : i32
        %scan3A_2033 = arith.addi %scan3A_2031, %scan3A_2032 : i32
        %scan3A_2034 = arith.constant 1 : i32
        scf.for %scan3A_2036 = %scan3A_2031 to %scan3A_2033 step %scan3A_2034  : i32 {
          %broadcast_in_dim3A_2037 = arith.constant 0 : i32
          %broadcast_in_dim3A_2038 = vector.broadcast %broadcast_in_dim3A_2037 : i32 to vector<16xi32>
          %add3A_2039 = vector.broadcast %scan3A_2036 : i32 to vector<16xi32>
          %add3A_2040 = arith.addi %broadcast_in_dim3A_2038, %add3A_2039 : vector<16xi32>
          %scatter3A = arith.constant 0 : i32
          %scatter3A_2041 = arith.constant 0 : i32
          %scatter3A_2042 = arith.constant 0 : i32
          %scatter3A_2043 = tpu.memref_slice %arg6[%scatter3A, %scatter3A_2041, %scatter3A_2042] : memref<2x640x64xf32, #tpu.memory_space<vmem>> -> memref<1x640x64xf32, #tpu.memory_space<vmem>>
          %scatter3A_2044 = tpu.memref_squeeze %scatter3A_2043 : memref<1x640x64xf32, #tpu.memory_space<vmem>> -> memref<640x64xf32, #tpu.memory_space<vmem>>
          tpu.vector_store_idx %scatter3A_2044[%add3A_2029, %add3A_2040], %broadcast_in_dim3A_3 masked %eq3A_2026 : memref<640x64xf32, #tpu.memory_space<vmem>>[vector<16xi32>, vector<16xi32>], vector<16xf32>, vector<16xi1>
        }
        %scan3A_2035 = arith.constant 64 : i32
      } else {
      }
      %mul3A_1083 = arith.constant 640 : i32
      %mul3A_1084 = arith.muli %add3A_197, %mul3A_1083 : i32
      %add3A_1085 = arith.addi %mul3A_2, %mul3A_1084 : i32
      %dma_start3A_1086 = arith.constant 0 : i32
      %dma_start3A_1087 = arith.constant 0 : i32
      %dma_start3A_1088 = arith.constant 0 : i32
      %dma_start3A_1089 = arith.constant 0 : i32
      %dma_start3A_1090 = tpu.memref_slice %arg6[%dma_start3A_1086, %dma_start3A_1088, %dma_start3A_1089] : memref<2x640x64xf32, #tpu.memory_space<vmem>> -> memref<1x640x64xf32, #tpu.memory_space<vmem>>
      %dma_start3A_1091 = tpu.memref_squeeze %dma_start3A_1090 : memref<1x640x64xf32, #tpu.memory_space<vmem>> -> memref<640x64xf32, #tpu.memory_space<vmem>>
      %dma_start3A_1092 = arith.constant 0 : i32
      %dma_start3A_1093 = tpu.memref_slice %arg4[%add3A_1085, %dma_start3A_1092] : memref<204800x64xf32, #tpu.memory_space<hbm>> -> memref<640x64xf32, #tpu.memory_space<hbm>>
      %dma_start3A_1094 = tpu.memref_slice %arg8[%dma_start3A_1087] : memref<2x!tpu.dma_semaphore, #tpu.memory_space<semaphore_mem>> -> memref<1x!tpu.dma_semaphore, #tpu.memory_space<semaphore_mem>>
      %dma_start3A_1095 = tpu.memref_squeeze %dma_start3A_1094 : memref<1x!tpu.dma_semaphore, #tpu.memory_space<semaphore_mem>> -> memref<!tpu.dma_semaphore, #tpu.memory_space<semaphore_mem>>
      %dma_start3A_1096 = arith.constant 0 : i32
      %dma_start3A_1097 = tpu.memref_slice %arg4[%add3A_1085, %dma_start3A_1096] : memref<204800x64xf32, #tpu.memory_space<hbm>> -> memref<640x64xf32, #tpu.memory_space<hbm>>
      %dma_start3A_1098 = arith.constant 0 : i32
      %dma_start3A_1099 = arith.constant 0 : i32
      %dma_start3A_1100 = tpu.memref_slice %arg6[%dma_start3A_1086, %dma_start3A_1098, %dma_start3A_1099] : memref<2x640x64xf32, #tpu.memory_space<vmem>> -> memref<1x640x64xf32, #tpu.memory_space<vmem>>
      %dma_start3A_1101 = tpu.memref_squeeze %dma_start3A_1100 : memref<1x640x64xf32, #tpu.memory_space<vmem>> -> memref<640x64xf32, #tpu.memory_space<vmem>>
      tpu.enqueue_dma source(%dma_start3A_1101 : memref<640x64xf32, #tpu.memory_space<vmem>>) target(%dma_start3A_1097 : memref<640x64xf32, #tpu.memory_space<hbm>>) target_semaphore(%dma_start3A_1095 : memref<!tpu.dma_semaphore, #tpu.memory_space<semaphore_mem>>)
      %lt3A = arith.constant 4 : i32
      %lt3A_1102 = arith.cmpi slt, %scan3A_193, %lt3A : i32
      %convert_element_type3A_1103 = arith.extui %lt3A_1102 : i1 to i32
      %cond3A_1104 = arith.constant 0 : i32
      %cond3A_1105 = arith.cmpi ne, %convert_element_type3A_1103, %cond3A_1104 : i32
      scf.if %cond3A_1105 {
        %dma_wait3A_2024 = arith.constant 0 : i32
        %dma_wait3A_2025 = arith.constant 0 : i32
        %dma_wait3A_2026 = arith.constant 0 : i32
        %dma_wait3A_2027 = arith.constant 0 : i32
        %dma_wait3A_2028 = tpu.memref_slice %arg6[%dma_wait3A_2024, %dma_wait3A_2026, %dma_wait3A_2027] : memref<2x640x64xf32, #tpu.memory_space<vmem>> -> memref<1x640x64xf32, #tpu.memory_space<vmem>>
        %dma_wait3A_2029 = tpu.memref_squeeze %dma_wait3A_2028 : memref<1x640x64xf32, #tpu.memory_space<vmem>> -> memref<640x64xf32, #tpu.memory_space<vmem>>
        %dma_wait3A_2030 = arith.constant 0 : i32
        %dma_wait3A_2031 = arith.constant 0 : i32
        %dma_wait3A_2032 = tpu.memref_slice %arg2[%dma_wait3A_2030, %dma_wait3A_2031] : memref<100000x64xf32, #tpu.memory_space<hbm>> -> memref<640x64xf32, #tpu.memory_space<hbm>>
        %dma_wait3A_2033 = tpu.memref_slice %arg8[%dma_wait3A_2025] : memref<2x!tpu.dma_semaphore, #tpu.memory_space<semaphore_mem>> -> memref<1x!tpu.dma_semaphore, #tpu.memory_space<semaphore_mem>>
        %dma_wait3A_2034 = tpu.memref_squeeze %dma_wait3A_2033 : memref<1x!tpu.dma_semaphore, #tpu.memory_space<semaphore_mem>> -> memref<!tpu.dma_semaphore, #tpu.memory_space<semaphore_mem>>
        %dma_wait3A_2035 = arith.constant 0 : i32
        %dma_wait3A_2036 = arith.constant 0 : i32
        %dma_wait3A_2037 = tpu.memref_slice %arg6[%dma_wait3A_2024, %dma_wait3A_2035, %dma_wait3A_2036] : memref<2x640x64xf32, #tpu.memory_space<vmem>> -> memref<1x640x64xf32, #tpu.memory_space<vmem>>
        %dma_wait3A_2038 = tpu.memref_squeeze %dma_wait3A_2037 : memref<1x640x64xf32, #tpu.memory_space<vmem>> -> memref<640x64xf32, #tpu.memory_space<vmem>>
        %dma_wait3A_2039 = arith.constant 0 : i32
        %dma_wait3A_2040 = arith.constant 0 : i32
        %dma_wait3A_2041 = tpu.memref_slice %arg2[%dma_wait3A_2039, %dma_wait3A_2040] : memref<100000x64xf32, #tpu.memory_space<hbm>> -> memref<640x64xf32, #tpu.memory_space<hbm>>
        tpu.wait_dma2 semaphore(%dma_wait3A_2034 : memref<!tpu.dma_semaphore, #tpu.memory_space<semaphore_mem>>) src(%dma_wait3A_2041 : memref<640x64xf32, #tpu.memory_space<hbm>>) dst(%dma_wait3A_2038 : memref<640x64xf32, #tpu.memory_space<vmem>>)
        %add3A_2042 = arith.constant 2 : i32
        %add3A_2043 = arith.addi %add3A_197, %add3A_2042 : i32
        %mul3A_2044 = arith.constant 5 : i32
        %mul3A_2045 = arith.muli %add3A_2043, %mul3A_2044 : i32
        %add3A_2046 = arith.constant 0 : i32
        %add3A_2047 = arith.addi %mul3A_2045, %add3A_2046 : i32
        %dma_start3A_2048 = arith.constant 0 : i32
        %dma_start3A_2049 = arith.constant 0 : i32
        %dma_start3A_2050 = arith.constant 0 : i32
        %dma_start3A_2051 = arith.constant 0 : i32
        %dma_start3A_2052 = tpu.memref_slice %arg6[%dma_start3A_2048, %dma_start3A_2050, %dma_start3A_2051] : memref<2x640x64xf32, #tpu.memory_space<vmem>> -> memref<1x128x64xf32, #tpu.memory_space<vmem>>
        %dma_start3A_2053 = tpu.memref_squeeze %dma_start3A_2052 : memref<1x128x64xf32, #tpu.memory_space<vmem>> -> memref<128x64xf32, #tpu.memory_space<vmem>>
        %dma_start3A_2054 = arith.constant 0 : i32
        %dma_start3A_2055 = tpu.memref_slice %arg5[%add3A_2047, %dma_start3A_2054] : memref<50x128xi32, #tpu.memory_space<vmem>> -> memref<1x128xi32, #tpu.memory_space<vmem>>
        %dma_start3A_2056 = tpu.memref_squeeze %dma_start3A_2055 : memref<1x128xi32, #tpu.memory_space<vmem>> -> memref<128xi32, #tpu.memory_space<vmem>>
        %dma_start3A_2057 = arith.constant 0 : i32
        %dma_start3A_2058 = arith.constant 0 : i32
        %dma_start3A_2059 = tpu.memref_slice %arg2[%dma_start3A_2057, %dma_start3A_2058] : memref<100000x64xf32, #tpu.memory_space<hbm>> -> memref<100000x64xf32, #tpu.memory_space<hbm>>
        %dma_start3A_2060 = tpu.memref_slice %arg7[%dma_start3A_2049] : memref<2x!tpu.dma_semaphore, #tpu.memory_space<semaphore_mem>> -> memref<1x!tpu.dma_semaphore, #tpu.memory_space<semaphore_mem>>
        %dma_start3A_2061 = tpu.memref_squeeze %dma_start3A_2060 : memref<1x!tpu.dma_semaphore, #tpu.memory_space<semaphore_mem>> -> memref<!tpu.dma_semaphore, #tpu.memory_space<semaphore_mem>>
        tpu.enqueue_indirect_dma source(%dma_start3A_2059 : memref<100000x64xf32, #tpu.memory_space<hbm>>) target(%dma_start3A_2053 : memref<128x64xf32, #tpu.memory_space<vmem>>) offsets(%dma_start3A_2056 : memref<128xi32, #tpu.memory_space<vmem>>) semaphore(%dma_start3A_2061 : memref<!tpu.dma_semaphore, #tpu.memory_space<semaphore_mem>>)
        %mul3A_2062 = arith.constant 5 : i32
        %mul3A_2063 = arith.muli %add3A_2043, %mul3A_2062 : i32
        %add3A_2064 = arith.constant 1 : i32
        %add3A_2065 = arith.addi %mul3A_2063, %add3A_2064 : i32
        %dma_start3A_2066 = arith.constant 0 : i32
        %dma_start3A_2067 = arith.constant 0 : i32
        %dma_start3A_2068 = arith.constant 128 : i32
        %dma_start3A_2069 = arith.constant 0 : i32
        %dma_start3A_2070 = tpu.memref_slice %arg6[%dma_start3A_2066, %dma_start3A_2068, %dma_start3A_2069] : memref<2x640x64xf32, #tpu.memory_space<vmem>> -> memref<1x128x64xf32, #tpu.memory_space<vmem>>
        %dma_start3A_2071 = tpu.memref_squeeze %dma_start3A_2070 : memref<1x128x64xf32, #tpu.memory_space<vmem>> -> memref<128x64xf32, #tpu.memory_space<vmem>>
        %dma_start3A_2072 = arith.constant 0 : i32
        %dma_start3A_2073 = tpu.memref_slice %arg5[%add3A_2065, %dma_start3A_2072] : memref<50x128xi32, #tpu.memory_space<vmem>> -> memref<1x128xi32, #tpu.memory_space<vmem>>
        %dma_start3A_2074 = tpu.memref_squeeze %dma_start3A_2073 : memref<1x128xi32, #tpu.memory_space<vmem>> -> memref<128xi32, #tpu.memory_space<vmem>>
        %dma_start3A_2075 = arith.constant 0 : i32
        %dma_start3A_2076 = arith.constant 0 : i32
        %dma_start3A_2077 = tpu.memref_slice %arg2[%dma_start3A_2075, %dma_start3A_2076] : memref<100000x64xf32, #tpu.memory_space<hbm>> -> memref<100000x64xf32, #tpu.memory_space<hbm>>
        %dma_start3A_2078 = tpu.memref_slice %arg7[%dma_start3A_2067] : memref<2x!tpu.dma_semaphore, #tpu.memory_space<semaphore_mem>> -> memref<1x!tpu.dma_semaphore, #tpu.memory_space<semaphore_mem>>
        %dma_start3A_2079 = tpu.memref_squeeze %dma_start3A_2078 : memref<1x!tpu.dma_semaphore, #tpu.memory_space<semaphore_mem>> -> memref<!tpu.dma_semaphore, #tpu.memory_space<semaphore_mem>>
        tpu.enqueue_indirect_dma source(%dma_start3A_2077 : memref<100000x64xf32, #tpu.memory_space<hbm>>) target(%dma_start3A_2071 : memref<128x64xf32, #tpu.memory_space<vmem>>) offsets(%dma_start3A_2074 : memref<128xi32, #tpu.memory_space<vmem>>) semaphore(%dma_start3A_2079 : memref<!tpu.dma_semaphore, #tpu.memory_space<semaphore_mem>>)
        %mul3A_2080 = arith.constant 5 : i32
        %mul3A_2081 = arith.muli %add3A_2043, %mul3A_2080 : i32
        %add3A_2082 = arith.constant 2 : i32
        %add3A_2083 = arith.addi %mul3A_2081, %add3A_2082 : i32
        %dma_start3A_2084 = arith.constant 0 : i32
        %dma_start3A_2085 = arith.constant 0 : i32
        %dma_start3A_2086 = arith.constant 256 : i32
        %dma_start3A_2087 = arith.constant 0 : i32
        %dma_start3A_2088 = tpu.memref_slice %arg6[%dma_start3A_2084, %dma_start3A_2086, %dma_start3A_2087] : memref<2x640x64xf32, #tpu.memory_space<vmem>> -> memref<1x128x64xf32, #tpu.memory_space<vmem>>
        %dma_start3A_2089 = tpu.memref_squeeze %dma_start3A_2088 : memref<1x128x64xf32, #tpu.memory_space<vmem>> -> memref<128x64xf32, #tpu.memory_space<vmem>>
        %dma_start3A_2090 = arith.constant 0 : i32
        %dma_start3A_2091 = tpu.memref_slice %arg5[%add3A_2083, %dma_start3A_2090] : memref<50x128xi32, #tpu.memory_space<vmem>> -> memref<1x128xi32, #tpu.memory_space<vmem>>
        %dma_start3A_2092 = tpu.memref_squeeze %dma_start3A_2091 : memref<1x128xi32, #tpu.memory_space<vmem>> -> memref<128xi32, #tpu.memory_space<vmem>>
        %dma_start3A_2093 = arith.constant 0 : i32
        %dma_start3A_2094 = arith.constant 0 : i32
        %dma_start3A_2095 = tpu.memref_slice %arg2[%dma_start3A_2093, %dma_start3A_2094] : memref<100000x64xf32, #tpu.memory_space<hbm>> -> memref<100000x64xf32, #tpu.memory_space<hbm>>
        %dma_start3A_2096 = tpu.memref_slice %arg7[%dma_start3A_2085] : memref<2x!tpu.dma_semaphore, #tpu.memory_space<semaphore_mem>> -> memref<1x!tpu.dma_semaphore, #tpu.memory_space<semaphore_mem>>
        %dma_start3A_2097 = tpu.memref_squeeze %dma_start3A_2096 : memref<1x!tpu.dma_semaphore, #tpu.memory_space<semaphore_mem>> -> memref<!tpu.dma_semaphore, #tpu.memory_space<semaphore_mem>>
        tpu.enqueue_indirect_dma source(%dma_start3A_2095 : memref<100000x64xf32, #tpu.memory_space<hbm>>) target(%dma_start3A_2089 : memref<128x64xf32, #tpu.memory_space<vmem>>) offsets(%dma_start3A_2092 : memref<128xi32, #tpu.memory_space<vmem>>) semaphore(%dma_start3A_2097 : memref<!tpu.dma_semaphore, #tpu.memory_space<semaphore_mem>>)
        %mul3A_2098 = arith.constant 5 : i32
        %mul3A_2099 = arith.muli %add3A_2043, %mul3A_2098 : i32
        %add3A_2100 = arith.constant 3 : i32
        %add3A_2101 = arith.addi %mul3A_2099, %add3A_2100 : i32
        %dma_start3A_2102 = arith.constant 0 : i32
        %dma_start3A_2103 = arith.constant 0 : i32
        %dma_start3A_2104 = arith.constant 384 : i32
        %dma_start3A_2105 = arith.constant 0 : i32
        %dma_start3A_2106 = tpu.memref_slice %arg6[%dma_start3A_2102, %dma_start3A_2104, %dma_start3A_2105] : memref<2x640x64xf32, #tpu.memory_space<vmem>> -> memref<1x128x64xf32, #tpu.memory_space<vmem>>
        %dma_start3A_2107 = tpu.memref_squeeze %dma_start3A_2106 : memref<1x128x64xf32, #tpu.memory_space<vmem>> -> memref<128x64xf32, #tpu.memory_space<vmem>>
        %dma_start3A_2108 = arith.constant 0 : i32
        %dma_start3A_2109 = tpu.memref_slice %arg5[%add3A_2101, %dma_start3A_2108] : memref<50x128xi32, #tpu.memory_space<vmem>> -> memref<1x128xi32, #tpu.memory_space<vmem>>
        %dma_start3A_2110 = tpu.memref_squeeze %dma_start3A_2109 : memref<1x128xi32, #tpu.memory_space<vmem>> -> memref<128xi32, #tpu.memory_space<vmem>>
        %dma_start3A_2111 = arith.constant 0 : i32
        %dma_start3A_2112 = arith.constant 0 : i32
        %dma_start3A_2113 = tpu.memref_slice %arg2[%dma_start3A_2111, %dma_start3A_2112] : memref<100000x64xf32, #tpu.memory_space<hbm>> -> memref<100000x64xf32, #tpu.memory_space<hbm>>
        %dma_start3A_2114 = tpu.memref_slice %arg7[%dma_start3A_2103] : memref<2x!tpu.dma_semaphore, #tpu.memory_space<semaphore_mem>> -> memref<1x!tpu.dma_semaphore, #tpu.memory_space<semaphore_mem>>
        %dma_start3A_2115 = tpu.memref_squeeze %dma_start3A_2114 : memref<1x!tpu.dma_semaphore, #tpu.memory_space<semaphore_mem>> -> memref<!tpu.dma_semaphore, #tpu.memory_space<semaphore_mem>>
        tpu.enqueue_indirect_dma source(%dma_start3A_2113 : memref<100000x64xf32, #tpu.memory_space<hbm>>) target(%dma_start3A_2107 : memref<128x64xf32, #tpu.memory_space<vmem>>) offsets(%dma_start3A_2110 : memref<128xi32, #tpu.memory_space<vmem>>) semaphore(%dma_start3A_2115 : memref<!tpu.dma_semaphore, #tpu.memory_space<semaphore_mem>>)
        %mul3A_2116 = arith.constant 5 : i32
        %mul3A_2117 = arith.muli %add3A_2043, %mul3A_2116 : i32
        %add3A_2118 = arith.constant 4 : i32
        %add3A_2119 = arith.addi %mul3A_2117, %add3A_2118 : i32
        %dma_start3A_2120 = arith.constant 0 : i32
        %dma_start3A_2121 = arith.constant 0 : i32
        %dma_start3A_2122 = arith.constant 512 : i32
        %dma_start3A_2123 = arith.constant 0 : i32
        %dma_start3A_2124 = tpu.memref_slice %arg6[%dma_start3A_2120, %dma_start3A_2122, %dma_start3A_2123] : memref<2x640x64xf32, #tpu.memory_space<vmem>> -> memref<1x128x64xf32, #tpu.memory_space<vmem>>
        %dma_start3A_2125 = tpu.memref_squeeze %dma_start3A_2124 : memref<1x128x64xf32, #tpu.memory_space<vmem>> -> memref<128x64xf32, #tpu.memory_space<vmem>>
        %dma_start3A_2126 = arith.constant 0 : i32
        %dma_start3A_2127 = tpu.memref_slice %arg5[%add3A_2119, %dma_start3A_2126] : memref<50x128xi32, #tpu.memory_space<vmem>> -> memref<1x128xi32, #tpu.memory_space<vmem>>
        %dma_start3A_2128 = tpu.memref_squeeze %dma_start3A_2127 : memref<1x128xi32, #tpu.memory_space<vmem>> -> memref<128xi32, #tpu.memory_space<vmem>>
        %dma_start3A_2129 = arith.constant 0 : i32
        %dma_start3A_2130 = arith.constant 0 : i32
        %dma_start3A_2131 = tpu.memref_slice %arg2[%dma_start3A_2129, %dma_start3A_2130] : memref<100000x64xf32, #tpu.memory_space<hbm>> -> memref<100000x64xf32, #tpu.memory_space<hbm>>
        %dma_start3A_2132 = tpu.memref_slice %arg7[%dma_start3A_2121] : memref<2x!tpu.dma_semaphore, #tpu.memory_space<semaphore_mem>> -> memref<1x!tpu.dma_semaphore, #tpu.memory_space<semaphore_mem>>
        %dma_start3A_2133 = tpu.memref_squeeze %dma_start3A_2132 : memref<1x!tpu.dma_semaphore, #tpu.memory_space<semaphore_mem>> -> memref<!tpu.dma_semaphore, #tpu.memory_space<semaphore_mem>>
        tpu.enqueue_indirect_dma source(%dma_start3A_2131 : memref<100000x64xf32, #tpu.memory_space<hbm>>) target(%dma_start3A_2125 : memref<128x64xf32, #tpu.memory_space<vmem>>) offsets(%dma_start3A_2128 : memref<128xi32, #tpu.memory_space<vmem>>) semaphore(%dma_start3A_2133 : memref<!tpu.dma_semaphore, #tpu.memory_space<semaphore_mem>>)
      } else {
      }
      %mul3A_1106 = arith.constant 2 : i32
      %mul3A_1107 = arith.muli %scan3A_193, %mul3A_1106 : i32
      %add3A_1108 = arith.constant 1 : i32
      %add3A_1109 = arith.addi %mul3A_1107, %add3A_1108 : i32
      %dma_wait3A_1110 = arith.constant 1 : i32
      %dma_wait3A_1111 = arith.constant 1 : i32
      %dma_wait3A_1112 = arith.constant 0 : i32
      %dma_wait3A_1113 = arith.constant 0 : i32
      %dma_wait3A_1114 = tpu.memref_slice %arg6[%dma_wait3A_1110, %dma_wait3A_1112, %dma_wait3A_1113] : memref<2x640x64xf32, #tpu.memory_space<vmem>> -> memref<1x128x64xf32, #tpu.memory_space<vmem>>
      %dma_wait3A_1115 = tpu.memref_squeeze %dma_wait3A_1114 : memref<1x128x64xf32, #tpu.memory_space<vmem>> -> memref<128x64xf32, #tpu.memory_space<vmem>>
      %dma_wait3A_1116 = arith.constant 0 : i32
      %dma_wait3A_1117 = arith.constant 0 : i32
      %dma_wait3A_1118 = tpu.memref_slice %arg2[%dma_wait3A_1116, %dma_wait3A_1117] : memref<100000x64xf32, #tpu.memory_space<hbm>> -> memref<128x64xf32, #tpu.memory_space<hbm>>
      %dma_wait3A_1119 = tpu.memref_slice %arg7[%dma_wait3A_1111] : memref<2x!tpu.dma_semaphore, #tpu.memory_space<semaphore_mem>> -> memref<1x!tpu.dma_semaphore, #tpu.memory_space<semaphore_mem>>
      %dma_wait3A_1120 = tpu.memref_squeeze %dma_wait3A_1119 : memref<1x!tpu.dma_semaphore, #tpu.memory_space<semaphore_mem>> -> memref<!tpu.dma_semaphore, #tpu.memory_space<semaphore_mem>>
      %dma_wait3A_1121 = arith.constant 0 : i32
      %dma_wait3A_1122 = arith.constant 0 : i32
      %dma_wait3A_1123 = tpu.memref_slice %arg6[%dma_wait3A_1110, %dma_wait3A_1121, %dma_wait3A_1122] : memref<2x640x64xf32, #tpu.memory_space<vmem>> -> memref<1x128x64xf32, #tpu.memory_space<vmem>>
      %dma_wait3A_1124 = tpu.memref_squeeze %dma_wait3A_1123 : memref<1x128x64xf32, #tpu.memory_space<vmem>> -> memref<128x64xf32, #tpu.memory_space<vmem>>
      %dma_wait3A_1125 = arith.constant 0 : i32
      %dma_wait3A_1126 = arith.constant 0 : i32
      %dma_wait3A_1127 = tpu.memref_slice %arg2[%dma_wait3A_1125, %dma_wait3A_1126] : memref<100000x64xf32, #tpu.memory_space<hbm>> -> memref<128x64xf32, #tpu.memory_space<hbm>>
      tpu.wait_dma2 semaphore(%dma_wait3A_1120 : memref<!tpu.dma_semaphore, #tpu.memory_space<semaphore_mem>>) src(%dma_wait3A_1127 : memref<128x64xf32, #tpu.memory_space<hbm>>) dst(%dma_wait3A_1124 : memref<128x64xf32, #tpu.memory_space<vmem>>)
      %dma_wait3A_1128 = arith.constant 1 : i32
      %dma_wait3A_1129 = arith.constant 1 : i32
      %dma_wait3A_1130 = arith.constant 0 : i32
      %dma_wait3A_1131 = arith.constant 0 : i32
      %dma_wait3A_1132 = tpu.memref_slice %arg6[%dma_wait3A_1128, %dma_wait3A_1130, %dma_wait3A_1131] : memref<2x640x64xf32, #tpu.memory_space<vmem>> -> memref<1x128x64xf32, #tpu.memory_space<vmem>>
      %dma_wait3A_1133 = tpu.memref_squeeze %dma_wait3A_1132 : memref<1x128x64xf32, #tpu.memory_space<vmem>> -> memref<128x64xf32, #tpu.memory_space<vmem>>
      %dma_wait3A_1134 = arith.constant 0 : i32
      %dma_wait3A_1135 = arith.constant 0 : i32
      %dma_wait3A_1136 = tpu.memref_slice %arg2[%dma_wait3A_1134, %dma_wait3A_1135] : memref<100000x64xf32, #tpu.memory_space<hbm>> -> memref<128x64xf32, #tpu.memory_space<hbm>>
      %dma_wait3A_1137 = tpu.memref_slice %arg7[%dma_wait3A_1129] : memref<2x!tpu.dma_semaphore, #tpu.memory_space<semaphore_mem>> -> memref<1x!tpu.dma_semaphore, #tpu.memory_space<semaphore_mem>>
      %dma_wait3A_1138 = tpu.memref_squeeze %dma_wait3A_1137 : memref<1x!tpu.dma_semaphore, #tpu.memory_space<semaphore_mem>> -> memref<!tpu.dma_semaphore, #tpu.memory_space<semaphore_mem>>
      %dma_wait3A_1139 = arith.constant 0 : i32
      %dma_wait3A_1140 = arith.constant 0 : i32
      %dma_wait3A_1141 = tpu.memref_slice %arg6[%dma_wait3A_1128, %dma_wait3A_1139, %dma_wait3A_1140] : memref<2x640x64xf32, #tpu.memory_space<vmem>> -> memref<1x128x64xf32, #tpu.memory_space<vmem>>
      %dma_wait3A_1142 = tpu.memref_squeeze %dma_wait3A_1141 : memref<1x128x64xf32, #tpu.memory_space<vmem>> -> memref<128x64xf32, #tpu.memory_space<vmem>>
      %dma_wait3A_1143 = arith.constant 0 : i32
      %dma_wait3A_1144 = arith.constant 0 : i32
      %dma_wait3A_1145 = tpu.memref_slice %arg2[%dma_wait3A_1143, %dma_wait3A_1144] : memref<100000x64xf32, #tpu.memory_space<hbm>> -> memref<128x64xf32, #tpu.memory_space<hbm>>
      tpu.wait_dma2 semaphore(%dma_wait3A_1138 : memref<!tpu.dma_semaphore, #tpu.memory_space<semaphore_mem>>) src(%dma_wait3A_1145 : memref<128x64xf32, #tpu.memory_space<hbm>>) dst(%dma_wait3A_1142 : memref<128x64xf32, #tpu.memory_space<vmem>>)
      %dma_wait3A_1146 = arith.constant 1 : i32
      %dma_wait3A_1147 = arith.constant 1 : i32
      %dma_wait3A_1148 = arith.constant 0 : i32
      %dma_wait3A_1149 = arith.constant 0 : i32
      %dma_wait3A_1150 = tpu.memref_slice %arg6[%dma_wait3A_1146, %dma_wait3A_1148, %dma_wait3A_1149] : memref<2x640x64xf32, #tpu.memory_space<vmem>> -> memref<1x128x64xf32, #tpu.memory_space<vmem>>
      %dma_wait3A_1151 = tpu.memref_squeeze %dma_wait3A_1150 : memref<1x128x64xf32, #tpu.memory_space<vmem>> -> memref<128x64xf32, #tpu.memory_space<vmem>>
      %dma_wait3A_1152 = arith.constant 0 : i32
      %dma_wait3A_1153 = arith.constant 0 : i32
      %dma_wait3A_1154 = tpu.memref_slice %arg2[%dma_wait3A_1152, %dma_wait3A_1153] : memref<100000x64xf32, #tpu.memory_space<hbm>> -> memref<128x64xf32, #tpu.memory_space<hbm>>
      %dma_wait3A_1155 = tpu.memref_slice %arg7[%dma_wait3A_1147] : memref<2x!tpu.dma_semaphore, #tpu.memory_space<semaphore_mem>> -> memref<1x!tpu.dma_semaphore, #tpu.memory_space<semaphore_mem>>
      %dma_wait3A_1156 = tpu.memref_squeeze %dma_wait3A_1155 : memref<1x!tpu.dma_semaphore, #tpu.memory_space<semaphore_mem>> -> memref<!tpu.dma_semaphore, #tpu.memory_space<semaphore_mem>>
      %dma_wait3A_1157 = arith.constant 0 : i32
      %dma_wait3A_1158 = arith.constant 0 : i32
      %dma_wait3A_1159 = tpu.memref_slice %arg6[%dma_wait3A_1146, %dma_wait3A_1157, %dma_wait3A_1158] : memref<2x640x64xf32, #tpu.memory_space<vmem>> -> memref<1x128x64xf32, #tpu.memory_space<vmem>>
      %dma_wait3A_1160 = tpu.memref_squeeze %dma_wait3A_1159 : memref<1x128x64xf32, #tpu.memory_space<vmem>> -> memref<128x64xf32, #tpu.memory_space<vmem>>
      %dma_wait3A_1161 = arith.constant 0 : i32
      %dma_wait3A_1162 = arith.constant 0 : i32
      %dma_wait3A_1163 = tpu.memref_slice %arg2[%dma_wait3A_1161, %dma_wait3A_1162] : memref<100000x64xf32, #tpu.memory_space<hbm>> -> memref<128x64xf32, #tpu.memory_space<hbm>>
      tpu.wait_dma2 semaphore(%dma_wait3A_1156 : memref<!tpu.dma_semaphore, #tpu.memory_space<semaphore_mem>>) src(%dma_wait3A_1163 : memref<128x64xf32, #tpu.memory_space<hbm>>) dst(%dma_wait3A_1160 : memref<128x64xf32, #tpu.memory_space<vmem>>)
      %dma_wait3A_1164 = arith.constant 1 : i32
      %dma_wait3A_1165 = arith.constant 1 : i32
      %dma_wait3A_1166 = arith.constant 0 : i32
      %dma_wait3A_1167 = arith.constant 0 : i32
      %dma_wait3A_1168 = tpu.memref_slice %arg6[%dma_wait3A_1164, %dma_wait3A_1166, %dma_wait3A_1167] : memref<2x640x64xf32, #tpu.memory_space<vmem>> -> memref<1x128x64xf32, #tpu.memory_space<vmem>>
      %dma_wait3A_1169 = tpu.memref_squeeze %dma_wait3A_1168 : memref<1x128x64xf32, #tpu.memory_space<vmem>> -> memref<128x64xf32, #tpu.memory_space<vmem>>
      %dma_wait3A_1170 = arith.constant 0 : i32
      %dma_wait3A_1171 = arith.constant 0 : i32
      %dma_wait3A_1172 = tpu.memref_slice %arg2[%dma_wait3A_1170, %dma_wait3A_1171] : memref<100000x64xf32, #tpu.memory_space<hbm>> -> memref<128x64xf32, #tpu.memory_space<hbm>>
      %dma_wait3A_1173 = tpu.memref_slice %arg7[%dma_wait3A_1165] : memref<2x!tpu.dma_semaphore, #tpu.memory_space<semaphore_mem>> -> memref<1x!tpu.dma_semaphore, #tpu.memory_space<semaphore_mem>>
      %dma_wait3A_1174 = tpu.memref_squeeze %dma_wait3A_1173 : memref<1x!tpu.dma_semaphore, #tpu.memory_space<semaphore_mem>> -> memref<!tpu.dma_semaphore, #tpu.memory_space<semaphore_mem>>
      %dma_wait3A_1175 = arith.constant 0 : i32
      %dma_wait3A_1176 = arith.constant 0 : i32
      %dma_wait3A_1177 = tpu.memref_slice %arg6[%dma_wait3A_1164, %dma_wait3A_1175, %dma_wait3A_1176] : memref<2x640x64xf32, #tpu.memory_space<vmem>> -> memref<1x128x64xf32, #tpu.memory_space<vmem>>
      %dma_wait3A_1178 = tpu.memref_squeeze %dma_wait3A_1177 : memref<1x128x64xf32, #tpu.memory_space<vmem>> -> memref<128x64xf32, #tpu.memory_space<vmem>>
      %dma_wait3A_1179 = arith.constant 0 : i32
      %dma_wait3A_1180 = arith.constant 0 : i32
      %dma_wait3A_1181 = tpu.memref_slice %arg2[%dma_wait3A_1179, %dma_wait3A_1180] : memref<100000x64xf32, #tpu.memory_space<hbm>> -> memref<128x64xf32, #tpu.memory_space<hbm>>
      tpu.wait_dma2 semaphore(%dma_wait3A_1174 : memref<!tpu.dma_semaphore, #tpu.memory_space<semaphore_mem>>) src(%dma_wait3A_1181 : memref<128x64xf32, #tpu.memory_space<hbm>>) dst(%dma_wait3A_1178 : memref<128x64xf32, #tpu.memory_space<vmem>>)
      %dma_wait3A_1182 = arith.constant 1 : i32
      %dma_wait3A_1183 = arith.constant 1 : i32
      %dma_wait3A_1184 = arith.constant 0 : i32
      %dma_wait3A_1185 = arith.constant 0 : i32
      %dma_wait3A_1186 = tpu.memref_slice %arg6[%dma_wait3A_1182, %dma_wait3A_1184, %dma_wait3A_1185] : memref<2x640x64xf32, #tpu.memory_space<vmem>> -> memref<1x128x64xf32, #tpu.memory_space<vmem>>
      %dma_wait3A_1187 = tpu.memref_squeeze %dma_wait3A_1186 : memref<1x128x64xf32, #tpu.memory_space<vmem>> -> memref<128x64xf32, #tpu.memory_space<vmem>>
      %dma_wait3A_1188 = arith.constant 0 : i32
      %dma_wait3A_1189 = arith.constant 0 : i32
      %dma_wait3A_1190 = tpu.memref_slice %arg2[%dma_wait3A_1188, %dma_wait3A_1189] : memref<100000x64xf32, #tpu.memory_space<hbm>> -> memref<128x64xf32, #tpu.memory_space<hbm>>
      %dma_wait3A_1191 = tpu.memref_slice %arg7[%dma_wait3A_1183] : memref<2x!tpu.dma_semaphore, #tpu.memory_space<semaphore_mem>> -> memref<1x!tpu.dma_semaphore, #tpu.memory_space<semaphore_mem>>
      %dma_wait3A_1192 = tpu.memref_squeeze %dma_wait3A_1191 : memref<1x!tpu.dma_semaphore, #tpu.memory_space<semaphore_mem>> -> memref<!tpu.dma_semaphore, #tpu.memory_space<semaphore_mem>>
      %dma_wait3A_1193 = arith.constant 0 : i32
      %dma_wait3A_1194 = arith.constant 0 : i32
      %dma_wait3A_1195 = tpu.memref_slice %arg6[%dma_wait3A_1182, %dma_wait3A_1193, %dma_wait3A_1194] : memref<2x640x64xf32, #tpu.memory_space<vmem>> -> memref<1x128x64xf32, #tpu.memory_space<vmem>>
      %dma_wait3A_1196 = tpu.memref_squeeze %dma_wait3A_1195 : memref<1x128x64xf32, #tpu.memory_space<vmem>> -> memref<128x64xf32, #tpu.memory_space<vmem>>
      %dma_wait3A_1197 = arith.constant 0 : i32
      %dma_wait3A_1198 = arith.constant 0 : i32
      %dma_wait3A_1199 = tpu.memref_slice %arg2[%dma_wait3A_1197, %dma_wait3A_1198] : memref<100000x64xf32, #tpu.memory_space<hbm>> -> memref<128x64xf32, #tpu.memory_space<hbm>>
      tpu.wait_dma2 semaphore(%dma_wait3A_1192 : memref<!tpu.dma_semaphore, #tpu.memory_space<semaphore_mem>>) src(%dma_wait3A_1199 : memref<128x64xf32, #tpu.memory_space<hbm>>) dst(%dma_wait3A_1196 : memref<128x64xf32, #tpu.memory_space<vmem>>)
      %mul3A_1200 = arith.constant 5 : i32
      %mul3A_1201 = arith.muli %add3A_1109, %mul3A_1200 : i32
      %add3A_1202 = arith.constant 0 : i32
      %add3A_1203 = arith.addi %mul3A_1201, %add3A_1202 : i32
      %get3A_1204 = arith.index_cast %add3A_1203 : i32 to index
      %get3A_1205 = arith.constant 0 : index
      %get3A_1206 = tpu.vector_load %arg5[%get3A_1204, %get3A_1205] {strides = array<i32>} : memref<50x128xi32, #tpu.memory_space<vmem>>, vector<16xi32>,
      %reduce_min3A_1207 = arith.constant true
      %reduce_min3A_1208 = vector.broadcast %reduce_min3A_1207 : i1 to vector<16xi1>
      %reduce_min3A_1209 = arith.constant -2147483648 : i32
      %reduce_min3A_1210 = vector.broadcast %reduce_min3A_1209 : i32 to vector<16xi32>
      %reduce_min3A_1211 = arith.xori %get3A_1206, %reduce_min3A_1210 : vector<16xi32>
      %reduce_min3A_1212 = tpu.scan <min>, %reduce_min3A_1211 masked %reduce_min3A_1208 : vector<16xi32>, vector<16xi1> -> vector<16xi32>
      %reduce_min3A_1213 = arith.xori %reduce_min3A_1212, %reduce_min3A_1210 : vector<16xi32>
      %reduce_min3A_1214 = vector.extract %reduce_min3A_1213[15] : i32 from vector<16xi32>
      %eq3A_1215 = arith.constant 0 : i32
      %eq3A_1216 = arith.cmpi eq, %reduce_min3A_1214, %eq3A_1215 : i32
      %convert_element_type3A_1217 = arith.extui %eq3A_1216 : i1 to i32
      %cond3A_1218 = arith.constant 0 : i32
      %cond3A_1219 = arith.cmpi ne, %convert_element_type3A_1217, %cond3A_1218 : i32
      scf.if %cond3A_1219 {
        %eq3A_2024 = arith.constant 0 : i32
        %eq3A_2025 = vector.broadcast %eq3A_2024 : i32 to vector<16xi32>
        %eq3A_2026 = arith.cmpi eq, %get3A_1206, %eq3A_2025 : vector<16xi32>
        %add3A_2027 = arith.constant 0 : i32
        %add3A_2028 = vector.broadcast %add3A_2027 : i32 to vector<16xi32>
        %add3A_2029 = arith.addi %add3A_2028, %iota3A : vector<16xi32>
        %scan3A_2030 = arith.constant 0 : i32
        %scan3A_2031 = arith.constant 0 : i32
        %scan3A_2032 = arith.constant 64 : i32
        %scan3A_2033 = arith.addi %scan3A_2031, %scan3A_2032 : i32
        %scan3A_2034 = arith.constant 1 : i32
        scf.for %scan3A_2036 = %scan3A_2031 to %scan3A_2033 step %scan3A_2034  : i32 {
          %broadcast_in_dim3A_2037 = arith.constant 0 : i32
          %broadcast_in_dim3A_2038 = vector.broadcast %broadcast_in_dim3A_2037 : i32 to vector<16xi32>
          %add3A_2039 = vector.broadcast %scan3A_2036 : i32 to vector<16xi32>
          %add3A_2040 = arith.addi %broadcast_in_dim3A_2038, %add3A_2039 : vector<16xi32>
          %scatter3A = arith.constant 1 : i32
          %scatter3A_2041 = arith.constant 0 : i32
          %scatter3A_2042 = arith.constant 0 : i32
          %scatter3A_2043 = tpu.memref_slice %arg6[%scatter3A, %scatter3A_2041, %scatter3A_2042] : memref<2x640x64xf32, #tpu.memory_space<vmem>> -> memref<1x640x64xf32, #tpu.memory_space<vmem>>
          %scatter3A_2044 = tpu.memref_squeeze %scatter3A_2043 : memref<1x640x64xf32, #tpu.memory_space<vmem>> -> memref<640x64xf32, #tpu.memory_space<vmem>>
          tpu.vector_store_idx %scatter3A_2044[%add3A_2029, %add3A_2040], %broadcast_in_dim3A_3 masked %eq3A_2026 : memref<640x64xf32, #tpu.memory_space<vmem>>[vector<16xi32>, vector<16xi32>], vector<16xf32>, vector<16xi1>
        }
        %scan3A_2035 = arith.constant 64 : i32
      } else {
      }
      %mul3A_1220 = arith.constant 5 : i32
      %mul3A_1221 = arith.muli %add3A_1109, %mul3A_1220 : i32
      %add3A_1222 = arith.constant 0 : i32
      %add3A_1223 = arith.addi %mul3A_1221, %add3A_1222 : i32
      %get3A_1224 = arith.index_cast %add3A_1223 : i32 to index
      %get3A_1225 = arith.constant 16 : index
      %get3A_1226 = tpu.vector_load %arg5[%get3A_1224, %get3A_1225] {strides = array<i32>} : memref<50x128xi32, #tpu.memory_space<vmem>>, vector<16xi32>,
      %reduce_min3A_1227 = arith.constant true
      %reduce_min3A_1228 = vector.broadcast %reduce_min3A_1227 : i1 to vector<16xi1>
      %reduce_min3A_1229 = arith.constant -2147483648 : i32
      %reduce_min3A_1230 = vector.broadcast %reduce_min3A_1229 : i32 to vector<16xi32>
      %reduce_min3A_1231 = arith.xori %get3A_1226, %reduce_min3A_1230 : vector<16xi32>
      %reduce_min3A_1232 = tpu.scan <min>, %reduce_min3A_1231 masked %reduce_min3A_1228 : vector<16xi32>, vector<16xi1> -> vector<16xi32>
      %reduce_min3A_1233 = arith.xori %reduce_min3A_1232, %reduce_min3A_1230 : vector<16xi32>
      %reduce_min3A_1234 = vector.extract %reduce_min3A_1233[15] : i32 from vector<16xi32>
      %eq3A_1235 = arith.constant 0 : i32
      %eq3A_1236 = arith.cmpi eq, %reduce_min3A_1234, %eq3A_1235 : i32
      %convert_element_type3A_1237 = arith.extui %eq3A_1236 : i1 to i32
      %cond3A_1238 = arith.constant 0 : i32
      %cond3A_1239 = arith.cmpi ne, %convert_element_type3A_1237, %cond3A_1238 : i32
      scf.if %cond3A_1239 {
        %eq3A_2024 = arith.constant 0 : i32
        %eq3A_2025 = vector.broadcast %eq3A_2024 : i32 to vector<16xi32>
        %eq3A_2026 = arith.cmpi eq, %get3A_1226, %eq3A_2025 : vector<16xi32>
        %add3A_2027 = arith.constant 16 : i32
        %add3A_2028 = vector.broadcast %add3A_2027 : i32 to vector<16xi32>
        %add3A_2029 = arith.addi %add3A_2028, %iota3A : vector<16xi32>
        %scan3A_2030 = arith.constant 0 : i32
        %scan3A_2031 = arith.constant 0 : i32
        %scan3A_2032 = arith.constant 64 : i32
        %scan3A_2033 = arith.addi %scan3A_2031, %scan3A_2032 : i32
        %scan3A_2034 = arith.constant 1 : i32
        scf.for %scan3A_2036 = %scan3A_2031 to %scan3A_2033 step %scan3A_2034  : i32 {
          %broadcast_in_dim3A_2037 = arith.constant 0 : i32
          %broadcast_in_dim3A_2038 = vector.broadcast %broadcast_in_dim3A_2037 : i32 to vector<16xi32>
          %add3A_2039 = vector.broadcast %scan3A_2036 : i32 to vector<16xi32>
          %add3A_2040 = arith.addi %broadcast_in_dim3A_2038, %add3A_2039 : vector<16xi32>
          %scatter3A = arith.constant 1 : i32
          %scatter3A_2041 = arith.constant 0 : i32
          %scatter3A_2042 = arith.constant 0 : i32
          %scatter3A_2043 = tpu.memref_slice %arg6[%scatter3A, %scatter3A_2041, %scatter3A_2042] : memref<2x640x64xf32, #tpu.memory_space<vmem>> -> memref<1x640x64xf32, #tpu.memory_space<vmem>>
          %scatter3A_2044 = tpu.memref_squeeze %scatter3A_2043 : memref<1x640x64xf32, #tpu.memory_space<vmem>> -> memref<640x64xf32, #tpu.memory_space<vmem>>
          tpu.vector_store_idx %scatter3A_2044[%add3A_2029, %add3A_2040], %broadcast_in_dim3A_3 masked %eq3A_2026 : memref<640x64xf32, #tpu.memory_space<vmem>>[vector<16xi32>, vector<16xi32>], vector<16xf32>, vector<16xi1>
        }
        %scan3A_2035 = arith.constant 64 : i32
      } else {
      }
      %mul3A_1240 = arith.constant 5 : i32
      %mul3A_1241 = arith.muli %add3A_1109, %mul3A_1240 : i32
      %add3A_1242 = arith.constant 0 : i32
      %add3A_1243 = arith.addi %mul3A_1241, %add3A_1242 : i32
      %get3A_1244 = arith.index_cast %add3A_1243 : i32 to index
      %get3A_1245 = arith.constant 32 : index
      %get3A_1246 = tpu.vector_load %arg5[%get3A_1244, %get3A_1245] {strides = array<i32>} : memref<50x128xi32, #tpu.memory_space<vmem>>, vector<16xi32>,
      %reduce_min3A_1247 = arith.constant true
      %reduce_min3A_1248 = vector.broadcast %reduce_min3A_1247 : i1 to vector<16xi1>
      %reduce_min3A_1249 = arith.constant -2147483648 : i32
      %reduce_min3A_1250 = vector.broadcast %reduce_min3A_1249 : i32 to vector<16xi32>
      %reduce_min3A_1251 = arith.xori %get3A_1246, %reduce_min3A_1250 : vector<16xi32>
      %reduce_min3A_1252 = tpu.scan <min>, %reduce_min3A_1251 masked %reduce_min3A_1248 : vector<16xi32>, vector<16xi1> -> vector<16xi32>
      %reduce_min3A_1253 = arith.xori %reduce_min3A_1252, %reduce_min3A_1250 : vector<16xi32>
      %reduce_min3A_1254 = vector.extract %reduce_min3A_1253[15] : i32 from vector<16xi32>
      %eq3A_1255 = arith.constant 0 : i32
      %eq3A_1256 = arith.cmpi eq, %reduce_min3A_1254, %eq3A_1255 : i32
      %convert_element_type3A_1257 = arith.extui %eq3A_1256 : i1 to i32
      %cond3A_1258 = arith.constant 0 : i32
      %cond3A_1259 = arith.cmpi ne, %convert_element_type3A_1257, %cond3A_1258 : i32
      scf.if %cond3A_1259 {
        %eq3A_2024 = arith.constant 0 : i32
        %eq3A_2025 = vector.broadcast %eq3A_2024 : i32 to vector<16xi32>
        %eq3A_2026 = arith.cmpi eq, %get3A_1246, %eq3A_2025 : vector<16xi32>
        %add3A_2027 = arith.constant 32 : i32
        %add3A_2028 = vector.broadcast %add3A_2027 : i32 to vector<16xi32>
        %add3A_2029 = arith.addi %add3A_2028, %iota3A : vector<16xi32>
        %scan3A_2030 = arith.constant 0 : i32
        %scan3A_2031 = arith.constant 0 : i32
        %scan3A_2032 = arith.constant 64 : i32
        %scan3A_2033 = arith.addi %scan3A_2031, %scan3A_2032 : i32
        %scan3A_2034 = arith.constant 1 : i32
        scf.for %scan3A_2036 = %scan3A_2031 to %scan3A_2033 step %scan3A_2034  : i32 {
          %broadcast_in_dim3A_2037 = arith.constant 0 : i32
          %broadcast_in_dim3A_2038 = vector.broadcast %broadcast_in_dim3A_2037 : i32 to vector<16xi32>
          %add3A_2039 = vector.broadcast %scan3A_2036 : i32 to vector<16xi32>
          %add3A_2040 = arith.addi %broadcast_in_dim3A_2038, %add3A_2039 : vector<16xi32>
          %scatter3A = arith.constant 1 : i32
          %scatter3A_2041 = arith.constant 0 : i32
          %scatter3A_2042 = arith.constant 0 : i32
          %scatter3A_2043 = tpu.memref_slice %arg6[%scatter3A, %scatter3A_2041, %scatter3A_2042] : memref<2x640x64xf32, #tpu.memory_space<vmem>> -> memref<1x640x64xf32, #tpu.memory_space<vmem>>
          %scatter3A_2044 = tpu.memref_squeeze %scatter3A_2043 : memref<1x640x64xf32, #tpu.memory_space<vmem>> -> memref<640x64xf32, #tpu.memory_space<vmem>>
          tpu.vector_store_idx %scatter3A_2044[%add3A_2029, %add3A_2040], %broadcast_in_dim3A_3 masked %eq3A_2026 : memref<640x64xf32, #tpu.memory_space<vmem>>[vector<16xi32>, vector<16xi32>], vector<16xf32>, vector<16xi1>
        }
        %scan3A_2035 = arith.constant 64 : i32
      } else {
      }
      %mul3A_1260 = arith.constant 5 : i32
      %mul3A_1261 = arith.muli %add3A_1109, %mul3A_1260 : i32
      %add3A_1262 = arith.constant 0 : i32
      %add3A_1263 = arith.addi %mul3A_1261, %add3A_1262 : i32
      %get3A_1264 = arith.index_cast %add3A_1263 : i32 to index
      %get3A_1265 = arith.constant 48 : index
      %get3A_1266 = tpu.vector_load %arg5[%get3A_1264, %get3A_1265] {strides = array<i32>} : memref<50x128xi32, #tpu.memory_space<vmem>>, vector<16xi32>,
      %reduce_min3A_1267 = arith.constant true
      %reduce_min3A_1268 = vector.broadcast %reduce_min3A_1267 : i1 to vector<16xi1>
      %reduce_min3A_1269 = arith.constant -2147483648 : i32
      %reduce_min3A_1270 = vector.broadcast %reduce_min3A_1269 : i32 to vector<16xi32>
      %reduce_min3A_1271 = arith.xori %get3A_1266, %reduce_min3A_1270 : vector<16xi32>
      %reduce_min3A_1272 = tpu.scan <min>, %reduce_min3A_1271 masked %reduce_min3A_1268 : vector<16xi32>, vector<16xi1> -> vector<16xi32>
      %reduce_min3A_1273 = arith.xori %reduce_min3A_1272, %reduce_min3A_1270 : vector<16xi32>
      %reduce_min3A_1274 = vector.extract %reduce_min3A_1273[15] : i32 from vector<16xi32>
      %eq3A_1275 = arith.constant 0 : i32
      %eq3A_1276 = arith.cmpi eq, %reduce_min3A_1274, %eq3A_1275 : i32
      %convert_element_type3A_1277 = arith.extui %eq3A_1276 : i1 to i32
      %cond3A_1278 = arith.constant 0 : i32
      %cond3A_1279 = arith.cmpi ne, %convert_element_type3A_1277, %cond3A_1278 : i32
      scf.if %cond3A_1279 {
        %eq3A_2024 = arith.constant 0 : i32
        %eq3A_2025 = vector.broadcast %eq3A_2024 : i32 to vector<16xi32>
        %eq3A_2026 = arith.cmpi eq, %get3A_1266, %eq3A_2025 : vector<16xi32>
        %add3A_2027 = arith.constant 48 : i32
        %add3A_2028 = vector.broadcast %add3A_2027 : i32 to vector<16xi32>
        %add3A_2029 = arith.addi %add3A_2028, %iota3A : vector<16xi32>
        %scan3A_2030 = arith.constant 0 : i32
        %scan3A_2031 = arith.constant 0 : i32
        %scan3A_2032 = arith.constant 64 : i32
        %scan3A_2033 = arith.addi %scan3A_2031, %scan3A_2032 : i32
        %scan3A_2034 = arith.constant 1 : i32
        scf.for %scan3A_2036 = %scan3A_2031 to %scan3A_2033 step %scan3A_2034  : i32 {
          %broadcast_in_dim3A_2037 = arith.constant 0 : i32
          %broadcast_in_dim3A_2038 = vector.broadcast %broadcast_in_dim3A_2037 : i32 to vector<16xi32>
          %add3A_2039 = vector.broadcast %scan3A_2036 : i32 to vector<16xi32>
          %add3A_2040 = arith.addi %broadcast_in_dim3A_2038, %add3A_2039 : vector<16xi32>
          %scatter3A = arith.constant 1 : i32
          %scatter3A_2041 = arith.constant 0 : i32
          %scatter3A_2042 = arith.constant 0 : i32
          %scatter3A_2043 = tpu.memref_slice %arg6[%scatter3A, %scatter3A_2041, %scatter3A_2042] : memref<2x640x64xf32, #tpu.memory_space<vmem>> -> memref<1x640x64xf32, #tpu.memory_space<vmem>>
          %scatter3A_2044 = tpu.memref_squeeze %scatter3A_2043 : memref<1x640x64xf32, #tpu.memory_space<vmem>> -> memref<640x64xf32, #tpu.memory_space<vmem>>
          tpu.vector_store_idx %scatter3A_2044[%add3A_2029, %add3A_2040], %broadcast_in_dim3A_3 masked %eq3A_2026 : memref<640x64xf32, #tpu.memory_space<vmem>>[vector<16xi32>, vector<16xi32>], vector<16xf32>, vector<16xi1>
        }
        %scan3A_2035 = arith.constant 64 : i32
      } else {
      }
      %mul3A_1280 = arith.constant 5 : i32
      %mul3A_1281 = arith.muli %add3A_1109, %mul3A_1280 : i32
      %add3A_1282 = arith.constant 0 : i32
      %add3A_1283 = arith.addi %mul3A_1281, %add3A_1282 : i32
      %get3A_1284 = arith.index_cast %add3A_1283 : i32 to index
      %get3A_1285 = arith.constant 64 : index
      %get3A_1286 = tpu.vector_load %arg5[%get3A_1284, %get3A_1285] {strides = array<i32>} : memref<50x128xi32, #tpu.memory_space<vmem>>, vector<16xi32>,
      %reduce_min3A_1287 = arith.constant true
      %reduce_min3A_1288 = vector.broadcast %reduce_min3A_1287 : i1 to vector<16xi1>
      %reduce_min3A_1289 = arith.constant -2147483648 : i32
      %reduce_min3A_1290 = vector.broadcast %reduce_min3A_1289 : i32 to vector<16xi32>
      %reduce_min3A_1291 = arith.xori %get3A_1286, %reduce_min3A_1290 : vector<16xi32>
      %reduce_min3A_1292 = tpu.scan <min>, %reduce_min3A_1291 masked %reduce_min3A_1288 : vector<16xi32>, vector<16xi1> -> vector<16xi32>
      %reduce_min3A_1293 = arith.xori %reduce_min3A_1292, %reduce_min3A_1290 : vector<16xi32>
      %reduce_min3A_1294 = vector.extract %reduce_min3A_1293[15] : i32 from vector<16xi32>
      %eq3A_1295 = arith.constant 0 : i32
      %eq3A_1296 = arith.cmpi eq, %reduce_min3A_1294, %eq3A_1295 : i32
      %convert_element_type3A_1297 = arith.extui %eq3A_1296 : i1 to i32
      %cond3A_1298 = arith.constant 0 : i32
      %cond3A_1299 = arith.cmpi ne, %convert_element_type3A_1297, %cond3A_1298 : i32
      scf.if %cond3A_1299 {
        %eq3A_2024 = arith.constant 0 : i32
        %eq3A_2025 = vector.broadcast %eq3A_2024 : i32 to vector<16xi32>
        %eq3A_2026 = arith.cmpi eq, %get3A_1286, %eq3A_2025 : vector<16xi32>
        %add3A_2027 = arith.constant 64 : i32
        %add3A_2028 = vector.broadcast %add3A_2027 : i32 to vector<16xi32>
        %add3A_2029 = arith.addi %add3A_2028, %iota3A : vector<16xi32>
        %scan3A_2030 = arith.constant 0 : i32
        %scan3A_2031 = arith.constant 0 : i32
        %scan3A_2032 = arith.constant 64 : i32
        %scan3A_2033 = arith.addi %scan3A_2031, %scan3A_2032 : i32
        %scan3A_2034 = arith.constant 1 : i32
        scf.for %scan3A_2036 = %scan3A_2031 to %scan3A_2033 step %scan3A_2034  : i32 {
          %broadcast_in_dim3A_2037 = arith.constant 0 : i32
          %broadcast_in_dim3A_2038 = vector.broadcast %broadcast_in_dim3A_2037 : i32 to vector<16xi32>
          %add3A_2039 = vector.broadcast %scan3A_2036 : i32 to vector<16xi32>
          %add3A_2040 = arith.addi %broadcast_in_dim3A_2038, %add3A_2039 : vector<16xi32>
          %scatter3A = arith.constant 1 : i32
          %scatter3A_2041 = arith.constant 0 : i32
          %scatter3A_2042 = arith.constant 0 : i32
          %scatter3A_2043 = tpu.memref_slice %arg6[%scatter3A, %scatter3A_2041, %scatter3A_2042] : memref<2x640x64xf32, #tpu.memory_space<vmem>> -> memref<1x640x64xf32, #tpu.memory_space<vmem>>
          %scatter3A_2044 = tpu.memref_squeeze %scatter3A_2043 : memref<1x640x64xf32, #tpu.memory_space<vmem>> -> memref<640x64xf32, #tpu.memory_space<vmem>>
          tpu.vector_store_idx %scatter3A_2044[%add3A_2029, %add3A_2040], %broadcast_in_dim3A_3 masked %eq3A_2026 : memref<640x64xf32, #tpu.memory_space<vmem>>[vector<16xi32>, vector<16xi32>], vector<16xf32>, vector<16xi1>
        }
        %scan3A_2035 = arith.constant 64 : i32
      } else {
      }
      %mul3A_1300 = arith.constant 5 : i32
      %mul3A_1301 = arith.muli %add3A_1109, %mul3A_1300 : i32
      %add3A_1302 = arith.constant 0 : i32
      %add3A_1303 = arith.addi %mul3A_1301, %add3A_1302 : i32
      %get3A_1304 = arith.index_cast %add3A_1303 : i32 to index
      %get3A_1305 = arith.constant 80 : index
      %get3A_1306 = tpu.vector_load %arg5[%get3A_1304, %get3A_1305] {strides = array<i32>} : memref<50x128xi32, #tpu.memory_space<vmem>>, vector<16xi32>,
      %reduce_min3A_1307 = arith.constant true
      %reduce_min3A_1308 = vector.broadcast %reduce_min3A_1307 : i1 to vector<16xi1>
      %reduce_min3A_1309 = arith.constant -2147483648 : i32
      %reduce_min3A_1310 = vector.broadcast %reduce_min3A_1309 : i32 to vector<16xi32>
      %reduce_min3A_1311 = arith.xori %get3A_1306, %reduce_min3A_1310 : vector<16xi32>
      %reduce_min3A_1312 = tpu.scan <min>, %reduce_min3A_1311 masked %reduce_min3A_1308 : vector<16xi32>, vector<16xi1> -> vector<16xi32>
      %reduce_min3A_1313 = arith.xori %reduce_min3A_1312, %reduce_min3A_1310 : vector<16xi32>
      %reduce_min3A_1314 = vector.extract %reduce_min3A_1313[15] : i32 from vector<16xi32>
      %eq3A_1315 = arith.constant 0 : i32
      %eq3A_1316 = arith.cmpi eq, %reduce_min3A_1314, %eq3A_1315 : i32
      %convert_element_type3A_1317 = arith.extui %eq3A_1316 : i1 to i32
      %cond3A_1318 = arith.constant 0 : i32
      %cond3A_1319 = arith.cmpi ne, %convert_element_type3A_1317, %cond3A_1318 : i32
      scf.if %cond3A_1319 {
        %eq3A_2024 = arith.constant 0 : i32
        %eq3A_2025 = vector.broadcast %eq3A_2024 : i32 to vector<16xi32>
        %eq3A_2026 = arith.cmpi eq, %get3A_1306, %eq3A_2025 : vector<16xi32>
        %add3A_2027 = arith.constant 80 : i32
        %add3A_2028 = vector.broadcast %add3A_2027 : i32 to vector<16xi32>
        %add3A_2029 = arith.addi %add3A_2028, %iota3A : vector<16xi32>
        %scan3A_2030 = arith.constant 0 : i32
        %scan3A_2031 = arith.constant 0 : i32
        %scan3A_2032 = arith.constant 64 : i32
        %scan3A_2033 = arith.addi %scan3A_2031, %scan3A_2032 : i32
        %scan3A_2034 = arith.constant 1 : i32
        scf.for %scan3A_2036 = %scan3A_2031 to %scan3A_2033 step %scan3A_2034  : i32 {
          %broadcast_in_dim3A_2037 = arith.constant 0 : i32
          %broadcast_in_dim3A_2038 = vector.broadcast %broadcast_in_dim3A_2037 : i32 to vector<16xi32>
          %add3A_2039 = vector.broadcast %scan3A_2036 : i32 to vector<16xi32>
          %add3A_2040 = arith.addi %broadcast_in_dim3A_2038, %add3A_2039 : vector<16xi32>
          %scatter3A = arith.constant 1 : i32
          %scatter3A_2041 = arith.constant 0 : i32
          %scatter3A_2042 = arith.constant 0 : i32
          %scatter3A_2043 = tpu.memref_slice %arg6[%scatter3A, %scatter3A_2041, %scatter3A_2042] : memref<2x640x64xf32, #tpu.memory_space<vmem>> -> memref<1x640x64xf32, #tpu.memory_space<vmem>>
          %scatter3A_2044 = tpu.memref_squeeze %scatter3A_2043 : memref<1x640x64xf32, #tpu.memory_space<vmem>> -> memref<640x64xf32, #tpu.memory_space<vmem>>
          tpu.vector_store_idx %scatter3A_2044[%add3A_2029, %add3A_2040], %broadcast_in_dim3A_3 masked %eq3A_2026 : memref<640x64xf32, #tpu.memory_space<vmem>>[vector<16xi32>, vector<16xi32>], vector<16xf32>, vector<16xi1>
        }
        %scan3A_2035 = arith.constant 64 : i32
      } else {
      }
      %mul3A_1320 = arith.constant 5 : i32
      %mul3A_1321 = arith.muli %add3A_1109, %mul3A_1320 : i32
      %add3A_1322 = arith.constant 0 : i32
      %add3A_1323 = arith.addi %mul3A_1321, %add3A_1322 : i32
      %get3A_1324 = arith.index_cast %add3A_1323 : i32 to index
      %get3A_1325 = arith.constant 96 : index
      %get3A_1326 = tpu.vector_load %arg5[%get3A_1324, %get3A_1325] {strides = array<i32>} : memref<50x128xi32, #tpu.memory_space<vmem>>, vector<16xi32>,
      %reduce_min3A_1327 = arith.constant true
      %reduce_min3A_1328 = vector.broadcast %reduce_min3A_1327 : i1 to vector<16xi1>
      %reduce_min3A_1329 = arith.constant -2147483648 : i32
      %reduce_min3A_1330 = vector.broadcast %reduce_min3A_1329 : i32 to vector<16xi32>
      %reduce_min3A_1331 = arith.xori %get3A_1326, %reduce_min3A_1330 : vector<16xi32>
      %reduce_min3A_1332 = tpu.scan <min>, %reduce_min3A_1331 masked %reduce_min3A_1328 : vector<16xi32>, vector<16xi1> -> vector<16xi32>
      %reduce_min3A_1333 = arith.xori %reduce_min3A_1332, %reduce_min3A_1330 : vector<16xi32>
      %reduce_min3A_1334 = vector.extract %reduce_min3A_1333[15] : i32 from vector<16xi32>
      %eq3A_1335 = arith.constant 0 : i32
      %eq3A_1336 = arith.cmpi eq, %reduce_min3A_1334, %eq3A_1335 : i32
      %convert_element_type3A_1337 = arith.extui %eq3A_1336 : i1 to i32
      %cond3A_1338 = arith.constant 0 : i32
      %cond3A_1339 = arith.cmpi ne, %convert_element_type3A_1337, %cond3A_1338 : i32
      scf.if %cond3A_1339 {
        %eq3A_2024 = arith.constant 0 : i32
        %eq3A_2025 = vector.broadcast %eq3A_2024 : i32 to vector<16xi32>
        %eq3A_2026 = arith.cmpi eq, %get3A_1326, %eq3A_2025 : vector<16xi32>
        %add3A_2027 = arith.constant 96 : i32
        %add3A_2028 = vector.broadcast %add3A_2027 : i32 to vector<16xi32>
        %add3A_2029 = arith.addi %add3A_2028, %iota3A : vector<16xi32>
        %scan3A_2030 = arith.constant 0 : i32
        %scan3A_2031 = arith.constant 0 : i32
        %scan3A_2032 = arith.constant 64 : i32
        %scan3A_2033 = arith.addi %scan3A_2031, %scan3A_2032 : i32
        %scan3A_2034 = arith.constant 1 : i32
        scf.for %scan3A_2036 = %scan3A_2031 to %scan3A_2033 step %scan3A_2034  : i32 {
          %broadcast_in_dim3A_2037 = arith.constant 0 : i32
          %broadcast_in_dim3A_2038 = vector.broadcast %broadcast_in_dim3A_2037 : i32 to vector<16xi32>
          %add3A_2039 = vector.broadcast %scan3A_2036 : i32 to vector<16xi32>
          %add3A_2040 = arith.addi %broadcast_in_dim3A_2038, %add3A_2039 : vector<16xi32>
          %scatter3A = arith.constant 1 : i32
          %scatter3A_2041 = arith.constant 0 : i32
          %scatter3A_2042 = arith.constant 0 : i32
          %scatter3A_2043 = tpu.memref_slice %arg6[%scatter3A, %scatter3A_2041, %scatter3A_2042] : memref<2x640x64xf32, #tpu.memory_space<vmem>> -> memref<1x640x64xf32, #tpu.memory_space<vmem>>
          %scatter3A_2044 = tpu.memref_squeeze %scatter3A_2043 : memref<1x640x64xf32, #tpu.memory_space<vmem>> -> memref<640x64xf32, #tpu.memory_space<vmem>>
          tpu.vector_store_idx %scatter3A_2044[%add3A_2029, %add3A_2040], %broadcast_in_dim3A_3 masked %eq3A_2026 : memref<640x64xf32, #tpu.memory_space<vmem>>[vector<16xi32>, vector<16xi32>], vector<16xf32>, vector<16xi1>
        }
        %scan3A_2035 = arith.constant 64 : i32
      } else {
      }
      %mul3A_1340 = arith.constant 5 : i32
      %mul3A_1341 = arith.muli %add3A_1109, %mul3A_1340 : i32
      %add3A_1342 = arith.constant 0 : i32
      %add3A_1343 = arith.addi %mul3A_1341, %add3A_1342 : i32
      %get3A_1344 = arith.index_cast %add3A_1343 : i32 to index
      %get3A_1345 = arith.constant 112 : index
      %get3A_1346 = tpu.vector_load %arg5[%get3A_1344, %get3A_1345] {strides = array<i32>} : memref<50x128xi32, #tpu.memory_space<vmem>>, vector<16xi32>,
      %reduce_min3A_1347 = arith.constant true
      %reduce_min3A_1348 = vector.broadcast %reduce_min3A_1347 : i1 to vector<16xi1>
      %reduce_min3A_1349 = arith.constant -2147483648 : i32
      %reduce_min3A_1350 = vector.broadcast %reduce_min3A_1349 : i32 to vector<16xi32>
      %reduce_min3A_1351 = arith.xori %get3A_1346, %reduce_min3A_1350 : vector<16xi32>
      %reduce_min3A_1352 = tpu.scan <min>, %reduce_min3A_1351 masked %reduce_min3A_1348 : vector<16xi32>, vector<16xi1> -> vector<16xi32>
      %reduce_min3A_1353 = arith.xori %reduce_min3A_1352, %reduce_min3A_1350 : vector<16xi32>
      %reduce_min3A_1354 = vector.extract %reduce_min3A_1353[15] : i32 from vector<16xi32>
      %eq3A_1355 = arith.constant 0 : i32
      %eq3A_1356 = arith.cmpi eq, %reduce_min3A_1354, %eq3A_1355 : i32
      %convert_element_type3A_1357 = arith.extui %eq3A_1356 : i1 to i32
      %cond3A_1358 = arith.constant 0 : i32
      %cond3A_1359 = arith.cmpi ne, %convert_element_type3A_1357, %cond3A_1358 : i32
      scf.if %cond3A_1359 {
        %eq3A_2024 = arith.constant 0 : i32
        %eq3A_2025 = vector.broadcast %eq3A_2024 : i32 to vector<16xi32>
        %eq3A_2026 = arith.cmpi eq, %get3A_1346, %eq3A_2025 : vector<16xi32>
        %add3A_2027 = arith.constant 112 : i32
        %add3A_2028 = vector.broadcast %add3A_2027 : i32 to vector<16xi32>
        %add3A_2029 = arith.addi %add3A_2028, %iota3A : vector<16xi32>
        %scan3A_2030 = arith.constant 0 : i32
        %scan3A_2031 = arith.constant 0 : i32
        %scan3A_2032 = arith.constant 64 : i32
        %scan3A_2033 = arith.addi %scan3A_2031, %scan3A_2032 : i32
        %scan3A_2034 = arith.constant 1 : i32
        scf.for %scan3A_2036 = %scan3A_2031 to %scan3A_2033 step %scan3A_2034  : i32 {
          %broadcast_in_dim3A_2037 = arith.constant 0 : i32
          %broadcast_in_dim3A_2038 = vector.broadcast %broadcast_in_dim3A_2037 : i32 to vector<16xi32>
          %add3A_2039 = vector.broadcast %scan3A_2036 : i32 to vector<16xi32>
          %add3A_2040 = arith.addi %broadcast_in_dim3A_2038, %add3A_2039 : vector<16xi32>
          %scatter3A = arith.constant 1 : i32
          %scatter3A_2041 = arith.constant 0 : i32
          %scatter3A_2042 = arith.constant 0 : i32
          %scatter3A_2043 = tpu.memref_slice %arg6[%scatter3A, %scatter3A_2041, %scatter3A_2042] : memref<2x640x64xf32, #tpu.memory_space<vmem>> -> memref<1x640x64xf32, #tpu.memory_space<vmem>>
          %scatter3A_2044 = tpu.memref_squeeze %scatter3A_2043 : memref<1x640x64xf32, #tpu.memory_space<vmem>> -> memref<640x64xf32, #tpu.memory_space<vmem>>
          tpu.vector_store_idx %scatter3A_2044[%add3A_2029, %add3A_2040], %broadcast_in_dim3A_3 masked %eq3A_2026 : memref<640x64xf32, #tpu.memory_space<vmem>>[vector<16xi32>, vector<16xi32>], vector<16xf32>, vector<16xi1>
        }
        %scan3A_2035 = arith.constant 64 : i32
      } else {
      }
      %mul3A_1360 = arith.constant 5 : i32
      %mul3A_1361 = arith.muli %add3A_1109, %mul3A_1360 : i32
      %add3A_1362 = arith.constant 1 : i32
      %add3A_1363 = arith.addi %mul3A_1361, %add3A_1362 : i32
      %get3A_1364 = arith.index_cast %add3A_1363 : i32 to index
      %get3A_1365 = arith.constant 0 : index
      %get3A_1366 = tpu.vector_load %arg5[%get3A_1364, %get3A_1365] {strides = array<i32>} : memref<50x128xi32, #tpu.memory_space<vmem>>, vector<16xi32>,
      %reduce_min3A_1367 = arith.constant true
      %reduce_min3A_1368 = vector.broadcast %reduce_min3A_1367 : i1 to vector<16xi1>
      %reduce_min3A_1369 = arith.constant -2147483648 : i32
      %reduce_min3A_1370 = vector.broadcast %reduce_min3A_1369 : i32 to vector<16xi32>
      %reduce_min3A_1371 = arith.xori %get3A_1366, %reduce_min3A_1370 : vector<16xi32>
      %reduce_min3A_1372 = tpu.scan <min>, %reduce_min3A_1371 masked %reduce_min3A_1368 : vector<16xi32>, vector<16xi1> -> vector<16xi32>
      %reduce_min3A_1373 = arith.xori %reduce_min3A_1372, %reduce_min3A_1370 : vector<16xi32>
      %reduce_min3A_1374 = vector.extract %reduce_min3A_1373[15] : i32 from vector<16xi32>
      %eq3A_1375 = arith.constant 0 : i32
      %eq3A_1376 = arith.cmpi eq, %reduce_min3A_1374, %eq3A_1375 : i32
      %convert_element_type3A_1377 = arith.extui %eq3A_1376 : i1 to i32
      %cond3A_1378 = arith.constant 0 : i32
      %cond3A_1379 = arith.cmpi ne, %convert_element_type3A_1377, %cond3A_1378 : i32
      scf.if %cond3A_1379 {
        %eq3A_2024 = arith.constant 0 : i32
        %eq3A_2025 = vector.broadcast %eq3A_2024 : i32 to vector<16xi32>
        %eq3A_2026 = arith.cmpi eq, %get3A_1366, %eq3A_2025 : vector<16xi32>
        %add3A_2027 = arith.constant 128 : i32
        %add3A_2028 = vector.broadcast %add3A_2027 : i32 to vector<16xi32>
        %add3A_2029 = arith.addi %add3A_2028, %iota3A : vector<16xi32>
        %scan3A_2030 = arith.constant 0 : i32
        %scan3A_2031 = arith.constant 0 : i32
        %scan3A_2032 = arith.constant 64 : i32
        %scan3A_2033 = arith.addi %scan3A_2031, %scan3A_2032 : i32
        %scan3A_2034 = arith.constant 1 : i32
        scf.for %scan3A_2036 = %scan3A_2031 to %scan3A_2033 step %scan3A_2034  : i32 {
          %broadcast_in_dim3A_2037 = arith.constant 0 : i32
          %broadcast_in_dim3A_2038 = vector.broadcast %broadcast_in_dim3A_2037 : i32 to vector<16xi32>
          %add3A_2039 = vector.broadcast %scan3A_2036 : i32 to vector<16xi32>
          %add3A_2040 = arith.addi %broadcast_in_dim3A_2038, %add3A_2039 : vector<16xi32>
          %scatter3A = arith.constant 1 : i32
          %scatter3A_2041 = arith.constant 0 : i32
          %scatter3A_2042 = arith.constant 0 : i32
          %scatter3A_2043 = tpu.memref_slice %arg6[%scatter3A, %scatter3A_2041, %scatter3A_2042] : memref<2x640x64xf32, #tpu.memory_space<vmem>> -> memref<1x640x64xf32, #tpu.memory_space<vmem>>
          %scatter3A_2044 = tpu.memref_squeeze %scatter3A_2043 : memref<1x640x64xf32, #tpu.memory_space<vmem>> -> memref<640x64xf32, #tpu.memory_space<vmem>>
          tpu.vector_store_idx %scatter3A_2044[%add3A_2029, %add3A_2040], %broadcast_in_dim3A_3 masked %eq3A_2026 : memref<640x64xf32, #tpu.memory_space<vmem>>[vector<16xi32>, vector<16xi32>], vector<16xf32>, vector<16xi1>
        }
        %scan3A_2035 = arith.constant 64 : i32
      } else {
      }
      %mul3A_1380 = arith.constant 5 : i32
      %mul3A_1381 = arith.muli %add3A_1109, %mul3A_1380 : i32
      %add3A_1382 = arith.constant 1 : i32
      %add3A_1383 = arith.addi %mul3A_1381, %add3A_1382 : i32
      %get3A_1384 = arith.index_cast %add3A_1383 : i32 to index
      %get3A_1385 = arith.constant 16 : index
      %get3A_1386 = tpu.vector_load %arg5[%get3A_1384, %get3A_1385] {strides = array<i32>} : memref<50x128xi32, #tpu.memory_space<vmem>>, vector<16xi32>,
      %reduce_min3A_1387 = arith.constant true
      %reduce_min3A_1388 = vector.broadcast %reduce_min3A_1387 : i1 to vector<16xi1>
      %reduce_min3A_1389 = arith.constant -2147483648 : i32
      %reduce_min3A_1390 = vector.broadcast %reduce_min3A_1389 : i32 to vector<16xi32>
      %reduce_min3A_1391 = arith.xori %get3A_1386, %reduce_min3A_1390 : vector<16xi32>
      %reduce_min3A_1392 = tpu.scan <min>, %reduce_min3A_1391 masked %reduce_min3A_1388 : vector<16xi32>, vector<16xi1> -> vector<16xi32>
      %reduce_min3A_1393 = arith.xori %reduce_min3A_1392, %reduce_min3A_1390 : vector<16xi32>
      %reduce_min3A_1394 = vector.extract %reduce_min3A_1393[15] : i32 from vector<16xi32>
      %eq3A_1395 = arith.constant 0 : i32
      %eq3A_1396 = arith.cmpi eq, %reduce_min3A_1394, %eq3A_1395 : i32
      %convert_element_type3A_1397 = arith.extui %eq3A_1396 : i1 to i32
      %cond3A_1398 = arith.constant 0 : i32
      %cond3A_1399 = arith.cmpi ne, %convert_element_type3A_1397, %cond3A_1398 : i32
      scf.if %cond3A_1399 {
        %eq3A_2024 = arith.constant 0 : i32
        %eq3A_2025 = vector.broadcast %eq3A_2024 : i32 to vector<16xi32>
        %eq3A_2026 = arith.cmpi eq, %get3A_1386, %eq3A_2025 : vector<16xi32>
        %add3A_2027 = arith.constant 144 : i32
        %add3A_2028 = vector.broadcast %add3A_2027 : i32 to vector<16xi32>
        %add3A_2029 = arith.addi %add3A_2028, %iota3A : vector<16xi32>
        %scan3A_2030 = arith.constant 0 : i32
        %scan3A_2031 = arith.constant 0 : i32
        %scan3A_2032 = arith.constant 64 : i32
        %scan3A_2033 = arith.addi %scan3A_2031, %scan3A_2032 : i32
        %scan3A_2034 = arith.constant 1 : i32
        scf.for %scan3A_2036 = %scan3A_2031 to %scan3A_2033 step %scan3A_2034  : i32 {
          %broadcast_in_dim3A_2037 = arith.constant 0 : i32
          %broadcast_in_dim3A_2038 = vector.broadcast %broadcast_in_dim3A_2037 : i32 to vector<16xi32>
          %add3A_2039 = vector.broadcast %scan3A_2036 : i32 to vector<16xi32>
          %add3A_2040 = arith.addi %broadcast_in_dim3A_2038, %add3A_2039 : vector<16xi32>
          %scatter3A = arith.constant 1 : i32
          %scatter3A_2041 = arith.constant 0 : i32
          %scatter3A_2042 = arith.constant 0 : i32
          %scatter3A_2043 = tpu.memref_slice %arg6[%scatter3A, %scatter3A_2041, %scatter3A_2042] : memref<2x640x64xf32, #tpu.memory_space<vmem>> -> memref<1x640x64xf32, #tpu.memory_space<vmem>>
          %scatter3A_2044 = tpu.memref_squeeze %scatter3A_2043 : memref<1x640x64xf32, #tpu.memory_space<vmem>> -> memref<640x64xf32, #tpu.memory_space<vmem>>
          tpu.vector_store_idx %scatter3A_2044[%add3A_2029, %add3A_2040], %broadcast_in_dim3A_3 masked %eq3A_2026 : memref<640x64xf32, #tpu.memory_space<vmem>>[vector<16xi32>, vector<16xi32>], vector<16xf32>, vector<16xi1>
        }
        %scan3A_2035 = arith.constant 64 : i32
      } else {
      }
      %mul3A_1400 = arith.constant 5 : i32
      %mul3A_1401 = arith.muli %add3A_1109, %mul3A_1400 : i32
      %add3A_1402 = arith.constant 1 : i32
      %add3A_1403 = arith.addi %mul3A_1401, %add3A_1402 : i32
      %get3A_1404 = arith.index_cast %add3A_1403 : i32 to index
      %get3A_1405 = arith.constant 32 : index
      %get3A_1406 = tpu.vector_load %arg5[%get3A_1404, %get3A_1405] {strides = array<i32>} : memref<50x128xi32, #tpu.memory_space<vmem>>, vector<16xi32>,
      %reduce_min3A_1407 = arith.constant true
      %reduce_min3A_1408 = vector.broadcast %reduce_min3A_1407 : i1 to vector<16xi1>
      %reduce_min3A_1409 = arith.constant -2147483648 : i32
      %reduce_min3A_1410 = vector.broadcast %reduce_min3A_1409 : i32 to vector<16xi32>
      %reduce_min3A_1411 = arith.xori %get3A_1406, %reduce_min3A_1410 : vector<16xi32>
      %reduce_min3A_1412 = tpu.scan <min>, %reduce_min3A_1411 masked %reduce_min3A_1408 : vector<16xi32>, vector<16xi1> -> vector<16xi32>
      %reduce_min3A_1413 = arith.xori %reduce_min3A_1412, %reduce_min3A_1410 : vector<16xi32>
      %reduce_min3A_1414 = vector.extract %reduce_min3A_1413[15] : i32 from vector<16xi32>
      %eq3A_1415 = arith.constant 0 : i32
      %eq3A_1416 = arith.cmpi eq, %reduce_min3A_1414, %eq3A_1415 : i32
      %convert_element_type3A_1417 = arith.extui %eq3A_1416 : i1 to i32
      %cond3A_1418 = arith.constant 0 : i32
      %cond3A_1419 = arith.cmpi ne, %convert_element_type3A_1417, %cond3A_1418 : i32
      scf.if %cond3A_1419 {
        %eq3A_2024 = arith.constant 0 : i32
        %eq3A_2025 = vector.broadcast %eq3A_2024 : i32 to vector<16xi32>
        %eq3A_2026 = arith.cmpi eq, %get3A_1406, %eq3A_2025 : vector<16xi32>
        %add3A_2027 = arith.constant 160 : i32
        %add3A_2028 = vector.broadcast %add3A_2027 : i32 to vector<16xi32>
        %add3A_2029 = arith.addi %add3A_2028, %iota3A : vector<16xi32>
        %scan3A_2030 = arith.constant 0 : i32
        %scan3A_2031 = arith.constant 0 : i32
        %scan3A_2032 = arith.constant 64 : i32
        %scan3A_2033 = arith.addi %scan3A_2031, %scan3A_2032 : i32
        %scan3A_2034 = arith.constant 1 : i32
        scf.for %scan3A_2036 = %scan3A_2031 to %scan3A_2033 step %scan3A_2034  : i32 {
          %broadcast_in_dim3A_2037 = arith.constant 0 : i32
          %broadcast_in_dim3A_2038 = vector.broadcast %broadcast_in_dim3A_2037 : i32 to vector<16xi32>
          %add3A_2039 = vector.broadcast %scan3A_2036 : i32 to vector<16xi32>
          %add3A_2040 = arith.addi %broadcast_in_dim3A_2038, %add3A_2039 : vector<16xi32>
          %scatter3A = arith.constant 1 : i32
          %scatter3A_2041 = arith.constant 0 : i32
          %scatter3A_2042 = arith.constant 0 : i32
          %scatter3A_2043 = tpu.memref_slice %arg6[%scatter3A, %scatter3A_2041, %scatter3A_2042] : memref<2x640x64xf32, #tpu.memory_space<vmem>> -> memref<1x640x64xf32, #tpu.memory_space<vmem>>
          %scatter3A_2044 = tpu.memref_squeeze %scatter3A_2043 : memref<1x640x64xf32, #tpu.memory_space<vmem>> -> memref<640x64xf32, #tpu.memory_space<vmem>>
          tpu.vector_store_idx %scatter3A_2044[%add3A_2029, %add3A_2040], %broadcast_in_dim3A_3 masked %eq3A_2026 : memref<640x64xf32, #tpu.memory_space<vmem>>[vector<16xi32>, vector<16xi32>], vector<16xf32>, vector<16xi1>
        }
        %scan3A_2035 = arith.constant 64 : i32
      } else {
      }
      %mul3A_1420 = arith.constant 5 : i32
      %mul3A_1421 = arith.muli %add3A_1109, %mul3A_1420 : i32
      %add3A_1422 = arith.constant 1 : i32
      %add3A_1423 = arith.addi %mul3A_1421, %add3A_1422 : i32
      %get3A_1424 = arith.index_cast %add3A_1423 : i32 to index
      %get3A_1425 = arith.constant 48 : index
      %get3A_1426 = tpu.vector_load %arg5[%get3A_1424, %get3A_1425] {strides = array<i32>} : memref<50x128xi32, #tpu.memory_space<vmem>>, vector<16xi32>,
      %reduce_min3A_1427 = arith.constant true
      %reduce_min3A_1428 = vector.broadcast %reduce_min3A_1427 : i1 to vector<16xi1>
      %reduce_min3A_1429 = arith.constant -2147483648 : i32
      %reduce_min3A_1430 = vector.broadcast %reduce_min3A_1429 : i32 to vector<16xi32>
      %reduce_min3A_1431 = arith.xori %get3A_1426, %reduce_min3A_1430 : vector<16xi32>
      %reduce_min3A_1432 = tpu.scan <min>, %reduce_min3A_1431 masked %reduce_min3A_1428 : vector<16xi32>, vector<16xi1> -> vector<16xi32>
      %reduce_min3A_1433 = arith.xori %reduce_min3A_1432, %reduce_min3A_1430 : vector<16xi32>
      %reduce_min3A_1434 = vector.extract %reduce_min3A_1433[15] : i32 from vector<16xi32>
      %eq3A_1435 = arith.constant 0 : i32
      %eq3A_1436 = arith.cmpi eq, %reduce_min3A_1434, %eq3A_1435 : i32
      %convert_element_type3A_1437 = arith.extui %eq3A_1436 : i1 to i32
      %cond3A_1438 = arith.constant 0 : i32
      %cond3A_1439 = arith.cmpi ne, %convert_element_type3A_1437, %cond3A_1438 : i32
      scf.if %cond3A_1439 {
        %eq3A_2024 = arith.constant 0 : i32
        %eq3A_2025 = vector.broadcast %eq3A_2024 : i32 to vector<16xi32>
        %eq3A_2026 = arith.cmpi eq, %get3A_1426, %eq3A_2025 : vector<16xi32>
        %add3A_2027 = arith.constant 176 : i32
        %add3A_2028 = vector.broadcast %add3A_2027 : i32 to vector<16xi32>
        %add3A_2029 = arith.addi %add3A_2028, %iota3A : vector<16xi32>
        %scan3A_2030 = arith.constant 0 : i32
        %scan3A_2031 = arith.constant 0 : i32
        %scan3A_2032 = arith.constant 64 : i32
        %scan3A_2033 = arith.addi %scan3A_2031, %scan3A_2032 : i32
        %scan3A_2034 = arith.constant 1 : i32
        scf.for %scan3A_2036 = %scan3A_2031 to %scan3A_2033 step %scan3A_2034  : i32 {
          %broadcast_in_dim3A_2037 = arith.constant 0 : i32
          %broadcast_in_dim3A_2038 = vector.broadcast %broadcast_in_dim3A_2037 : i32 to vector<16xi32>
          %add3A_2039 = vector.broadcast %scan3A_2036 : i32 to vector<16xi32>
          %add3A_2040 = arith.addi %broadcast_in_dim3A_2038, %add3A_2039 : vector<16xi32>
          %scatter3A = arith.constant 1 : i32
          %scatter3A_2041 = arith.constant 0 : i32
          %scatter3A_2042 = arith.constant 0 : i32
          %scatter3A_2043 = tpu.memref_slice %arg6[%scatter3A, %scatter3A_2041, %scatter3A_2042] : memref<2x640x64xf32, #tpu.memory_space<vmem>> -> memref<1x640x64xf32, #tpu.memory_space<vmem>>
          %scatter3A_2044 = tpu.memref_squeeze %scatter3A_2043 : memref<1x640x64xf32, #tpu.memory_space<vmem>> -> memref<640x64xf32, #tpu.memory_space<vmem>>
          tpu.vector_store_idx %scatter3A_2044[%add3A_2029, %add3A_2040], %broadcast_in_dim3A_3 masked %eq3A_2026 : memref<640x64xf32, #tpu.memory_space<vmem>>[vector<16xi32>, vector<16xi32>], vector<16xf32>, vector<16xi1>
        }
        %scan3A_2035 = arith.constant 64 : i32
      } else {
      }
      %mul3A_1440 = arith.constant 5 : i32
      %mul3A_1441 = arith.muli %add3A_1109, %mul3A_1440 : i32
      %add3A_1442 = arith.constant 1 : i32
      %add3A_1443 = arith.addi %mul3A_1441, %add3A_1442 : i32
      %get3A_1444 = arith.index_cast %add3A_1443 : i32 to index
      %get3A_1445 = arith.constant 64 : index
      %get3A_1446 = tpu.vector_load %arg5[%get3A_1444, %get3A_1445] {strides = array<i32>} : memref<50x128xi32, #tpu.memory_space<vmem>>, vector<16xi32>,
      %reduce_min3A_1447 = arith.constant true
      %reduce_min3A_1448 = vector.broadcast %reduce_min3A_1447 : i1 to vector<16xi1>
      %reduce_min3A_1449 = arith.constant -2147483648 : i32
      %reduce_min3A_1450 = vector.broadcast %reduce_min3A_1449 : i32 to vector<16xi32>
      %reduce_min3A_1451 = arith.xori %get3A_1446, %reduce_min3A_1450 : vector<16xi32>
      %reduce_min3A_1452 = tpu.scan <min>, %reduce_min3A_1451 masked %reduce_min3A_1448 : vector<16xi32>, vector<16xi1> -> vector<16xi32>
      %reduce_min3A_1453 = arith.xori %reduce_min3A_1452, %reduce_min3A_1450 : vector<16xi32>
      %reduce_min3A_1454 = vector.extract %reduce_min3A_1453[15] : i32 from vector<16xi32>
      %eq3A_1455 = arith.constant 0 : i32
      %eq3A_1456 = arith.cmpi eq, %reduce_min3A_1454, %eq3A_1455 : i32
      %convert_element_type3A_1457 = arith.extui %eq3A_1456 : i1 to i32
      %cond3A_1458 = arith.constant 0 : i32
      %cond3A_1459 = arith.cmpi ne, %convert_element_type3A_1457, %cond3A_1458 : i32
      scf.if %cond3A_1459 {
        %eq3A_2024 = arith.constant 0 : i32
        %eq3A_2025 = vector.broadcast %eq3A_2024 : i32 to vector<16xi32>
        %eq3A_2026 = arith.cmpi eq, %get3A_1446, %eq3A_2025 : vector<16xi32>
        %add3A_2027 = arith.constant 192 : i32
        %add3A_2028 = vector.broadcast %add3A_2027 : i32 to vector<16xi32>
        %add3A_2029 = arith.addi %add3A_2028, %iota3A : vector<16xi32>
        %scan3A_2030 = arith.constant 0 : i32
        %scan3A_2031 = arith.constant 0 : i32
        %scan3A_2032 = arith.constant 64 : i32
        %scan3A_2033 = arith.addi %scan3A_2031, %scan3A_2032 : i32
        %scan3A_2034 = arith.constant 1 : i32
        scf.for %scan3A_2036 = %scan3A_2031 to %scan3A_2033 step %scan3A_2034  : i32 {
          %broadcast_in_dim3A_2037 = arith.constant 0 : i32
          %broadcast_in_dim3A_2038 = vector.broadcast %broadcast_in_dim3A_2037 : i32 to vector<16xi32>
          %add3A_2039 = vector.broadcast %scan3A_2036 : i32 to vector<16xi32>
          %add3A_2040 = arith.addi %broadcast_in_dim3A_2038, %add3A_2039 : vector<16xi32>
          %scatter3A = arith.constant 1 : i32
          %scatter3A_2041 = arith.constant 0 : i32
          %scatter3A_2042 = arith.constant 0 : i32
          %scatter3A_2043 = tpu.memref_slice %arg6[%scatter3A, %scatter3A_2041, %scatter3A_2042] : memref<2x640x64xf32, #tpu.memory_space<vmem>> -> memref<1x640x64xf32, #tpu.memory_space<vmem>>
          %scatter3A_2044 = tpu.memref_squeeze %scatter3A_2043 : memref<1x640x64xf32, #tpu.memory_space<vmem>> -> memref<640x64xf32, #tpu.memory_space<vmem>>
          tpu.vector_store_idx %scatter3A_2044[%add3A_2029, %add3A_2040], %broadcast_in_dim3A_3 masked %eq3A_2026 : memref<640x64xf32, #tpu.memory_space<vmem>>[vector<16xi32>, vector<16xi32>], vector<16xf32>, vector<16xi1>
        }
        %scan3A_2035 = arith.constant 64 : i32
      } else {
      }
      %mul3A_1460 = arith.constant 5 : i32
      %mul3A_1461 = arith.muli %add3A_1109, %mul3A_1460 : i32
      %add3A_1462 = arith.constant 1 : i32
      %add3A_1463 = arith.addi %mul3A_1461, %add3A_1462 : i32
      %get3A_1464 = arith.index_cast %add3A_1463 : i32 to index
      %get3A_1465 = arith.constant 80 : index
      %get3A_1466 = tpu.vector_load %arg5[%get3A_1464, %get3A_1465] {strides = array<i32>} : memref<50x128xi32, #tpu.memory_space<vmem>>, vector<16xi32>,
      %reduce_min3A_1467 = arith.constant true
      %reduce_min3A_1468 = vector.broadcast %reduce_min3A_1467 : i1 to vector<16xi1>
      %reduce_min3A_1469 = arith.constant -2147483648 : i32
      %reduce_min3A_1470 = vector.broadcast %reduce_min3A_1469 : i32 to vector<16xi32>
      %reduce_min3A_1471 = arith.xori %get3A_1466, %reduce_min3A_1470 : vector<16xi32>
      %reduce_min3A_1472 = tpu.scan <min>, %reduce_min3A_1471 masked %reduce_min3A_1468 : vector<16xi32>, vector<16xi1> -> vector<16xi32>
      %reduce_min3A_1473 = arith.xori %reduce_min3A_1472, %reduce_min3A_1470 : vector<16xi32>
      %reduce_min3A_1474 = vector.extract %reduce_min3A_1473[15] : i32 from vector<16xi32>
      %eq3A_1475 = arith.constant 0 : i32
      %eq3A_1476 = arith.cmpi eq, %reduce_min3A_1474, %eq3A_1475 : i32
      %convert_element_type3A_1477 = arith.extui %eq3A_1476 : i1 to i32
      %cond3A_1478 = arith.constant 0 : i32
      %cond3A_1479 = arith.cmpi ne, %convert_element_type3A_1477, %cond3A_1478 : i32
      scf.if %cond3A_1479 {
        %eq3A_2024 = arith.constant 0 : i32
        %eq3A_2025 = vector.broadcast %eq3A_2024 : i32 to vector<16xi32>
        %eq3A_2026 = arith.cmpi eq, %get3A_1466, %eq3A_2025 : vector<16xi32>
        %add3A_2027 = arith.constant 208 : i32
        %add3A_2028 = vector.broadcast %add3A_2027 : i32 to vector<16xi32>
        %add3A_2029 = arith.addi %add3A_2028, %iota3A : vector<16xi32>
        %scan3A_2030 = arith.constant 0 : i32
        %scan3A_2031 = arith.constant 0 : i32
        %scan3A_2032 = arith.constant 64 : i32
        %scan3A_2033 = arith.addi %scan3A_2031, %scan3A_2032 : i32
        %scan3A_2034 = arith.constant 1 : i32
        scf.for %scan3A_2036 = %scan3A_2031 to %scan3A_2033 step %scan3A_2034  : i32 {
          %broadcast_in_dim3A_2037 = arith.constant 0 : i32
          %broadcast_in_dim3A_2038 = vector.broadcast %broadcast_in_dim3A_2037 : i32 to vector<16xi32>
          %add3A_2039 = vector.broadcast %scan3A_2036 : i32 to vector<16xi32>
          %add3A_2040 = arith.addi %broadcast_in_dim3A_2038, %add3A_2039 : vector<16xi32>
          %scatter3A = arith.constant 1 : i32
          %scatter3A_2041 = arith.constant 0 : i32
          %scatter3A_2042 = arith.constant 0 : i32
          %scatter3A_2043 = tpu.memref_slice %arg6[%scatter3A, %scatter3A_2041, %scatter3A_2042] : memref<2x640x64xf32, #tpu.memory_space<vmem>> -> memref<1x640x64xf32, #tpu.memory_space<vmem>>
          %scatter3A_2044 = tpu.memref_squeeze %scatter3A_2043 : memref<1x640x64xf32, #tpu.memory_space<vmem>> -> memref<640x64xf32, #tpu.memory_space<vmem>>
          tpu.vector_store_idx %scatter3A_2044[%add3A_2029, %add3A_2040], %broadcast_in_dim3A_3 masked %eq3A_2026 : memref<640x64xf32, #tpu.memory_space<vmem>>[vector<16xi32>, vector<16xi32>], vector<16xf32>, vector<16xi1>
        }
        %scan3A_2035 = arith.constant 64 : i32
      } else {
      }
      %mul3A_1480 = arith.constant 5 : i32
      %mul3A_1481 = arith.muli %add3A_1109, %mul3A_1480 : i32
      %add3A_1482 = arith.constant 1 : i32
      %add3A_1483 = arith.addi %mul3A_1481, %add3A_1482 : i32
      %get3A_1484 = arith.index_cast %add3A_1483 : i32 to index
      %get3A_1485 = arith.constant 96 : index
      %get3A_1486 = tpu.vector_load %arg5[%get3A_1484, %get3A_1485] {strides = array<i32>} : memref<50x128xi32, #tpu.memory_space<vmem>>, vector<16xi32>,
      %reduce_min3A_1487 = arith.constant true
      %reduce_min3A_1488 = vector.broadcast %reduce_min3A_1487 : i1 to vector<16xi1>
      %reduce_min3A_1489 = arith.constant -2147483648 : i32
      %reduce_min3A_1490 = vector.broadcast %reduce_min3A_1489 : i32 to vector<16xi32>
      %reduce_min3A_1491 = arith.xori %get3A_1486, %reduce_min3A_1490 : vector<16xi32>
      %reduce_min3A_1492 = tpu.scan <min>, %reduce_min3A_1491 masked %reduce_min3A_1488 : vector<16xi32>, vector<16xi1> -> vector<16xi32>
      %reduce_min3A_1493 = arith.xori %reduce_min3A_1492, %reduce_min3A_1490 : vector<16xi32>
      %reduce_min3A_1494 = vector.extract %reduce_min3A_1493[15] : i32 from vector<16xi32>
      %eq3A_1495 = arith.constant 0 : i32
      %eq3A_1496 = arith.cmpi eq, %reduce_min3A_1494, %eq3A_1495 : i32
      %convert_element_type3A_1497 = arith.extui %eq3A_1496 : i1 to i32
      %cond3A_1498 = arith.constant 0 : i32
      %cond3A_1499 = arith.cmpi ne, %convert_element_type3A_1497, %cond3A_1498 : i32
      scf.if %cond3A_1499 {
        %eq3A_2024 = arith.constant 0 : i32
        %eq3A_2025 = vector.broadcast %eq3A_2024 : i32 to vector<16xi32>
        %eq3A_2026 = arith.cmpi eq, %get3A_1486, %eq3A_2025 : vector<16xi32>
        %add3A_2027 = arith.constant 224 : i32
        %add3A_2028 = vector.broadcast %add3A_2027 : i32 to vector<16xi32>
        %add3A_2029 = arith.addi %add3A_2028, %iota3A : vector<16xi32>
        %scan3A_2030 = arith.constant 0 : i32
        %scan3A_2031 = arith.constant 0 : i32
        %scan3A_2032 = arith.constant 64 : i32
        %scan3A_2033 = arith.addi %scan3A_2031, %scan3A_2032 : i32
        %scan3A_2034 = arith.constant 1 : i32
        scf.for %scan3A_2036 = %scan3A_2031 to %scan3A_2033 step %scan3A_2034  : i32 {
          %broadcast_in_dim3A_2037 = arith.constant 0 : i32
          %broadcast_in_dim3A_2038 = vector.broadcast %broadcast_in_dim3A_2037 : i32 to vector<16xi32>
          %add3A_2039 = vector.broadcast %scan3A_2036 : i32 to vector<16xi32>
          %add3A_2040 = arith.addi %broadcast_in_dim3A_2038, %add3A_2039 : vector<16xi32>
          %scatter3A = arith.constant 1 : i32
          %scatter3A_2041 = arith.constant 0 : i32
          %scatter3A_2042 = arith.constant 0 : i32
          %scatter3A_2043 = tpu.memref_slice %arg6[%scatter3A, %scatter3A_2041, %scatter3A_2042] : memref<2x640x64xf32, #tpu.memory_space<vmem>> -> memref<1x640x64xf32, #tpu.memory_space<vmem>>
          %scatter3A_2044 = tpu.memref_squeeze %scatter3A_2043 : memref<1x640x64xf32, #tpu.memory_space<vmem>> -> memref<640x64xf32, #tpu.memory_space<vmem>>
          tpu.vector_store_idx %scatter3A_2044[%add3A_2029, %add3A_2040], %broadcast_in_dim3A_3 masked %eq3A_2026 : memref<640x64xf32, #tpu.memory_space<vmem>>[vector<16xi32>, vector<16xi32>], vector<16xf32>, vector<16xi1>
        }
        %scan3A_2035 = arith.constant 64 : i32
      } else {
      }
      %mul3A_1500 = arith.constant 5 : i32
      %mul3A_1501 = arith.muli %add3A_1109, %mul3A_1500 : i32
      %add3A_1502 = arith.constant 1 : i32
      %add3A_1503 = arith.addi %mul3A_1501, %add3A_1502 : i32
      %get3A_1504 = arith.index_cast %add3A_1503 : i32 to index
      %get3A_1505 = arith.constant 112 : index
      %get3A_1506 = tpu.vector_load %arg5[%get3A_1504, %get3A_1505] {strides = array<i32>} : memref<50x128xi32, #tpu.memory_space<vmem>>, vector<16xi32>,
      %reduce_min3A_1507 = arith.constant true
      %reduce_min3A_1508 = vector.broadcast %reduce_min3A_1507 : i1 to vector<16xi1>
      %reduce_min3A_1509 = arith.constant -2147483648 : i32
      %reduce_min3A_1510 = vector.broadcast %reduce_min3A_1509 : i32 to vector<16xi32>
      %reduce_min3A_1511 = arith.xori %get3A_1506, %reduce_min3A_1510 : vector<16xi32>
      %reduce_min3A_1512 = tpu.scan <min>, %reduce_min3A_1511 masked %reduce_min3A_1508 : vector<16xi32>, vector<16xi1> -> vector<16xi32>
      %reduce_min3A_1513 = arith.xori %reduce_min3A_1512, %reduce_min3A_1510 : vector<16xi32>
      %reduce_min3A_1514 = vector.extract %reduce_min3A_1513[15] : i32 from vector<16xi32>
      %eq3A_1515 = arith.constant 0 : i32
      %eq3A_1516 = arith.cmpi eq, %reduce_min3A_1514, %eq3A_1515 : i32
      %convert_element_type3A_1517 = arith.extui %eq3A_1516 : i1 to i32
      %cond3A_1518 = arith.constant 0 : i32
      %cond3A_1519 = arith.cmpi ne, %convert_element_type3A_1517, %cond3A_1518 : i32
      scf.if %cond3A_1519 {
        %eq3A_2024 = arith.constant 0 : i32
        %eq3A_2025 = vector.broadcast %eq3A_2024 : i32 to vector<16xi32>
        %eq3A_2026 = arith.cmpi eq, %get3A_1506, %eq3A_2025 : vector<16xi32>
        %add3A_2027 = arith.constant 240 : i32
        %add3A_2028 = vector.broadcast %add3A_2027 : i32 to vector<16xi32>
        %add3A_2029 = arith.addi %add3A_2028, %iota3A : vector<16xi32>
        %scan3A_2030 = arith.constant 0 : i32
        %scan3A_2031 = arith.constant 0 : i32
        %scan3A_2032 = arith.constant 64 : i32
        %scan3A_2033 = arith.addi %scan3A_2031, %scan3A_2032 : i32
        %scan3A_2034 = arith.constant 1 : i32
        scf.for %scan3A_2036 = %scan3A_2031 to %scan3A_2033 step %scan3A_2034  : i32 {
          %broadcast_in_dim3A_2037 = arith.constant 0 : i32
          %broadcast_in_dim3A_2038 = vector.broadcast %broadcast_in_dim3A_2037 : i32 to vector<16xi32>
          %add3A_2039 = vector.broadcast %scan3A_2036 : i32 to vector<16xi32>
          %add3A_2040 = arith.addi %broadcast_in_dim3A_2038, %add3A_2039 : vector<16xi32>
          %scatter3A = arith.constant 1 : i32
          %scatter3A_2041 = arith.constant 0 : i32
          %scatter3A_2042 = arith.constant 0 : i32
          %scatter3A_2043 = tpu.memref_slice %arg6[%scatter3A, %scatter3A_2041, %scatter3A_2042] : memref<2x640x64xf32, #tpu.memory_space<vmem>> -> memref<1x640x64xf32, #tpu.memory_space<vmem>>
          %scatter3A_2044 = tpu.memref_squeeze %scatter3A_2043 : memref<1x640x64xf32, #tpu.memory_space<vmem>> -> memref<640x64xf32, #tpu.memory_space<vmem>>
          tpu.vector_store_idx %scatter3A_2044[%add3A_2029, %add3A_2040], %broadcast_in_dim3A_3 masked %eq3A_2026 : memref<640x64xf32, #tpu.memory_space<vmem>>[vector<16xi32>, vector<16xi32>], vector<16xf32>, vector<16xi1>
        }
        %scan3A_2035 = arith.constant 64 : i32
      } else {
      }
      %mul3A_1520 = arith.constant 5 : i32
      %mul3A_1521 = arith.muli %add3A_1109, %mul3A_1520 : i32
      %add3A_1522 = arith.constant 2 : i32
      %add3A_1523 = arith.addi %mul3A_1521, %add3A_1522 : i32
      %get3A_1524 = arith.index_cast %add3A_1523 : i32 to index
      %get3A_1525 = arith.constant 0 : index
      %get3A_1526 = tpu.vector_load %arg5[%get3A_1524, %get3A_1525] {strides = array<i32>} : memref<50x128xi32, #tpu.memory_space<vmem>>, vector<16xi32>,
      %reduce_min3A_1527 = arith.constant true
      %reduce_min3A_1528 = vector.broadcast %reduce_min3A_1527 : i1 to vector<16xi1>
      %reduce_min3A_1529 = arith.constant -2147483648 : i32
      %reduce_min3A_1530 = vector.broadcast %reduce_min3A_1529 : i32 to vector<16xi32>
      %reduce_min3A_1531 = arith.xori %get3A_1526, %reduce_min3A_1530 : vector<16xi32>
      %reduce_min3A_1532 = tpu.scan <min>, %reduce_min3A_1531 masked %reduce_min3A_1528 : vector<16xi32>, vector<16xi1> -> vector<16xi32>
      %reduce_min3A_1533 = arith.xori %reduce_min3A_1532, %reduce_min3A_1530 : vector<16xi32>
      %reduce_min3A_1534 = vector.extract %reduce_min3A_1533[15] : i32 from vector<16xi32>
      %eq3A_1535 = arith.constant 0 : i32
      %eq3A_1536 = arith.cmpi eq, %reduce_min3A_1534, %eq3A_1535 : i32
      %convert_element_type3A_1537 = arith.extui %eq3A_1536 : i1 to i32
      %cond3A_1538 = arith.constant 0 : i32
      %cond3A_1539 = arith.cmpi ne, %convert_element_type3A_1537, %cond3A_1538 : i32
      scf.if %cond3A_1539 {
        %eq3A_2024 = arith.constant 0 : i32
        %eq3A_2025 = vector.broadcast %eq3A_2024 : i32 to vector<16xi32>
        %eq3A_2026 = arith.cmpi eq, %get3A_1526, %eq3A_2025 : vector<16xi32>
        %add3A_2027 = arith.constant 256 : i32
        %add3A_2028 = vector.broadcast %add3A_2027 : i32 to vector<16xi32>
        %add3A_2029 = arith.addi %add3A_2028, %iota3A : vector<16xi32>
        %scan3A_2030 = arith.constant 0 : i32
        %scan3A_2031 = arith.constant 0 : i32
        %scan3A_2032 = arith.constant 64 : i32
        %scan3A_2033 = arith.addi %scan3A_2031, %scan3A_2032 : i32
        %scan3A_2034 = arith.constant 1 : i32
        scf.for %scan3A_2036 = %scan3A_2031 to %scan3A_2033 step %scan3A_2034  : i32 {
          %broadcast_in_dim3A_2037 = arith.constant 0 : i32
          %broadcast_in_dim3A_2038 = vector.broadcast %broadcast_in_dim3A_2037 : i32 to vector<16xi32>
          %add3A_2039 = vector.broadcast %scan3A_2036 : i32 to vector<16xi32>
          %add3A_2040 = arith.addi %broadcast_in_dim3A_2038, %add3A_2039 : vector<16xi32>
          %scatter3A = arith.constant 1 : i32
          %scatter3A_2041 = arith.constant 0 : i32
          %scatter3A_2042 = arith.constant 0 : i32
          %scatter3A_2043 = tpu.memref_slice %arg6[%scatter3A, %scatter3A_2041, %scatter3A_2042] : memref<2x640x64xf32, #tpu.memory_space<vmem>> -> memref<1x640x64xf32, #tpu.memory_space<vmem>>
          %scatter3A_2044 = tpu.memref_squeeze %scatter3A_2043 : memref<1x640x64xf32, #tpu.memory_space<vmem>> -> memref<640x64xf32, #tpu.memory_space<vmem>>
          tpu.vector_store_idx %scatter3A_2044[%add3A_2029, %add3A_2040], %broadcast_in_dim3A_3 masked %eq3A_2026 : memref<640x64xf32, #tpu.memory_space<vmem>>[vector<16xi32>, vector<16xi32>], vector<16xf32>, vector<16xi1>
        }
        %scan3A_2035 = arith.constant 64 : i32
      } else {
      }
      %mul3A_1540 = arith.constant 5 : i32
      %mul3A_1541 = arith.muli %add3A_1109, %mul3A_1540 : i32
      %add3A_1542 = arith.constant 2 : i32
      %add3A_1543 = arith.addi %mul3A_1541, %add3A_1542 : i32
      %get3A_1544 = arith.index_cast %add3A_1543 : i32 to index
      %get3A_1545 = arith.constant 16 : index
      %get3A_1546 = tpu.vector_load %arg5[%get3A_1544, %get3A_1545] {strides = array<i32>} : memref<50x128xi32, #tpu.memory_space<vmem>>, vector<16xi32>,
      %reduce_min3A_1547 = arith.constant true
      %reduce_min3A_1548 = vector.broadcast %reduce_min3A_1547 : i1 to vector<16xi1>
      %reduce_min3A_1549 = arith.constant -2147483648 : i32
      %reduce_min3A_1550 = vector.broadcast %reduce_min3A_1549 : i32 to vector<16xi32>
      %reduce_min3A_1551 = arith.xori %get3A_1546, %reduce_min3A_1550 : vector<16xi32>
      %reduce_min3A_1552 = tpu.scan <min>, %reduce_min3A_1551 masked %reduce_min3A_1548 : vector<16xi32>, vector<16xi1> -> vector<16xi32>
      %reduce_min3A_1553 = arith.xori %reduce_min3A_1552, %reduce_min3A_1550 : vector<16xi32>
      %reduce_min3A_1554 = vector.extract %reduce_min3A_1553[15] : i32 from vector<16xi32>
      %eq3A_1555 = arith.constant 0 : i32
      %eq3A_1556 = arith.cmpi eq, %reduce_min3A_1554, %eq3A_1555 : i32
      %convert_element_type3A_1557 = arith.extui %eq3A_1556 : i1 to i32
      %cond3A_1558 = arith.constant 0 : i32
      %cond3A_1559 = arith.cmpi ne, %convert_element_type3A_1557, %cond3A_1558 : i32
      scf.if %cond3A_1559 {
        %eq3A_2024 = arith.constant 0 : i32
        %eq3A_2025 = vector.broadcast %eq3A_2024 : i32 to vector<16xi32>
        %eq3A_2026 = arith.cmpi eq, %get3A_1546, %eq3A_2025 : vector<16xi32>
        %add3A_2027 = arith.constant 272 : i32
        %add3A_2028 = vector.broadcast %add3A_2027 : i32 to vector<16xi32>
        %add3A_2029 = arith.addi %add3A_2028, %iota3A : vector<16xi32>
        %scan3A_2030 = arith.constant 0 : i32
        %scan3A_2031 = arith.constant 0 : i32
        %scan3A_2032 = arith.constant 64 : i32
        %scan3A_2033 = arith.addi %scan3A_2031, %scan3A_2032 : i32
        %scan3A_2034 = arith.constant 1 : i32
        scf.for %scan3A_2036 = %scan3A_2031 to %scan3A_2033 step %scan3A_2034  : i32 {
          %broadcast_in_dim3A_2037 = arith.constant 0 : i32
          %broadcast_in_dim3A_2038 = vector.broadcast %broadcast_in_dim3A_2037 : i32 to vector<16xi32>
          %add3A_2039 = vector.broadcast %scan3A_2036 : i32 to vector<16xi32>
          %add3A_2040 = arith.addi %broadcast_in_dim3A_2038, %add3A_2039 : vector<16xi32>
          %scatter3A = arith.constant 1 : i32
          %scatter3A_2041 = arith.constant 0 : i32
          %scatter3A_2042 = arith.constant 0 : i32
          %scatter3A_2043 = tpu.memref_slice %arg6[%scatter3A, %scatter3A_2041, %scatter3A_2042] : memref<2x640x64xf32, #tpu.memory_space<vmem>> -> memref<1x640x64xf32, #tpu.memory_space<vmem>>
          %scatter3A_2044 = tpu.memref_squeeze %scatter3A_2043 : memref<1x640x64xf32, #tpu.memory_space<vmem>> -> memref<640x64xf32, #tpu.memory_space<vmem>>
          tpu.vector_store_idx %scatter3A_2044[%add3A_2029, %add3A_2040], %broadcast_in_dim3A_3 masked %eq3A_2026 : memref<640x64xf32, #tpu.memory_space<vmem>>[vector<16xi32>, vector<16xi32>], vector<16xf32>, vector<16xi1>
        }
        %scan3A_2035 = arith.constant 64 : i32
      } else {
      }
      %mul3A_1560 = arith.constant 5 : i32
      %mul3A_1561 = arith.muli %add3A_1109, %mul3A_1560 : i32
      %add3A_1562 = arith.constant 2 : i32
      %add3A_1563 = arith.addi %mul3A_1561, %add3A_1562 : i32
      %get3A_1564 = arith.index_cast %add3A_1563 : i32 to index
      %get3A_1565 = arith.constant 32 : index
      %get3A_1566 = tpu.vector_load %arg5[%get3A_1564, %get3A_1565] {strides = array<i32>} : memref<50x128xi32, #tpu.memory_space<vmem>>, vector<16xi32>,
      %reduce_min3A_1567 = arith.constant true
      %reduce_min3A_1568 = vector.broadcast %reduce_min3A_1567 : i1 to vector<16xi1>
      %reduce_min3A_1569 = arith.constant -2147483648 : i32
      %reduce_min3A_1570 = vector.broadcast %reduce_min3A_1569 : i32 to vector<16xi32>
      %reduce_min3A_1571 = arith.xori %get3A_1566, %reduce_min3A_1570 : vector<16xi32>
      %reduce_min3A_1572 = tpu.scan <min>, %reduce_min3A_1571 masked %reduce_min3A_1568 : vector<16xi32>, vector<16xi1> -> vector<16xi32>
      %reduce_min3A_1573 = arith.xori %reduce_min3A_1572, %reduce_min3A_1570 : vector<16xi32>
      %reduce_min3A_1574 = vector.extract %reduce_min3A_1573[15] : i32 from vector<16xi32>
      %eq3A_1575 = arith.constant 0 : i32
      %eq3A_1576 = arith.cmpi eq, %reduce_min3A_1574, %eq3A_1575 : i32
      %convert_element_type3A_1577 = arith.extui %eq3A_1576 : i1 to i32
      %cond3A_1578 = arith.constant 0 : i32
      %cond3A_1579 = arith.cmpi ne, %convert_element_type3A_1577, %cond3A_1578 : i32
      scf.if %cond3A_1579 {
        %eq3A_2024 = arith.constant 0 : i32
        %eq3A_2025 = vector.broadcast %eq3A_2024 : i32 to vector<16xi32>
        %eq3A_2026 = arith.cmpi eq, %get3A_1566, %eq3A_2025 : vector<16xi32>
        %add3A_2027 = arith.constant 288 : i32
        %add3A_2028 = vector.broadcast %add3A_2027 : i32 to vector<16xi32>
        %add3A_2029 = arith.addi %add3A_2028, %iota3A : vector<16xi32>
        %scan3A_2030 = arith.constant 0 : i32
        %scan3A_2031 = arith.constant 0 : i32
        %scan3A_2032 = arith.constant 64 : i32
        %scan3A_2033 = arith.addi %scan3A_2031, %scan3A_2032 : i32
        %scan3A_2034 = arith.constant 1 : i32
        scf.for %scan3A_2036 = %scan3A_2031 to %scan3A_2033 step %scan3A_2034  : i32 {
          %broadcast_in_dim3A_2037 = arith.constant 0 : i32
          %broadcast_in_dim3A_2038 = vector.broadcast %broadcast_in_dim3A_2037 : i32 to vector<16xi32>
          %add3A_2039 = vector.broadcast %scan3A_2036 : i32 to vector<16xi32>
          %add3A_2040 = arith.addi %broadcast_in_dim3A_2038, %add3A_2039 : vector<16xi32>
          %scatter3A = arith.constant 1 : i32
          %scatter3A_2041 = arith.constant 0 : i32
          %scatter3A_2042 = arith.constant 0 : i32
          %scatter3A_2043 = tpu.memref_slice %arg6[%scatter3A, %scatter3A_2041, %scatter3A_2042] : memref<2x640x64xf32, #tpu.memory_space<vmem>> -> memref<1x640x64xf32, #tpu.memory_space<vmem>>
          %scatter3A_2044 = tpu.memref_squeeze %scatter3A_2043 : memref<1x640x64xf32, #tpu.memory_space<vmem>> -> memref<640x64xf32, #tpu.memory_space<vmem>>
          tpu.vector_store_idx %scatter3A_2044[%add3A_2029, %add3A_2040], %broadcast_in_dim3A_3 masked %eq3A_2026 : memref<640x64xf32, #tpu.memory_space<vmem>>[vector<16xi32>, vector<16xi32>], vector<16xf32>, vector<16xi1>
        }
        %scan3A_2035 = arith.constant 64 : i32
      } else {
      }
      %mul3A_1580 = arith.constant 5 : i32
      %mul3A_1581 = arith.muli %add3A_1109, %mul3A_1580 : i32
      %add3A_1582 = arith.constant 2 : i32
      %add3A_1583 = arith.addi %mul3A_1581, %add3A_1582 : i32
      %get3A_1584 = arith.index_cast %add3A_1583 : i32 to index
      %get3A_1585 = arith.constant 48 : index
      %get3A_1586 = tpu.vector_load %arg5[%get3A_1584, %get3A_1585] {strides = array<i32>} : memref<50x128xi32, #tpu.memory_space<vmem>>, vector<16xi32>,
      %reduce_min3A_1587 = arith.constant true
      %reduce_min3A_1588 = vector.broadcast %reduce_min3A_1587 : i1 to vector<16xi1>
      %reduce_min3A_1589 = arith.constant -2147483648 : i32
      %reduce_min3A_1590 = vector.broadcast %reduce_min3A_1589 : i32 to vector<16xi32>
      %reduce_min3A_1591 = arith.xori %get3A_1586, %reduce_min3A_1590 : vector<16xi32>
      %reduce_min3A_1592 = tpu.scan <min>, %reduce_min3A_1591 masked %reduce_min3A_1588 : vector<16xi32>, vector<16xi1> -> vector<16xi32>
      %reduce_min3A_1593 = arith.xori %reduce_min3A_1592, %reduce_min3A_1590 : vector<16xi32>
      %reduce_min3A_1594 = vector.extract %reduce_min3A_1593[15] : i32 from vector<16xi32>
      %eq3A_1595 = arith.constant 0 : i32
      %eq3A_1596 = arith.cmpi eq, %reduce_min3A_1594, %eq3A_1595 : i32
      %convert_element_type3A_1597 = arith.extui %eq3A_1596 : i1 to i32
      %cond3A_1598 = arith.constant 0 : i32
      %cond3A_1599 = arith.cmpi ne, %convert_element_type3A_1597, %cond3A_1598 : i32
      scf.if %cond3A_1599 {
        %eq3A_2024 = arith.constant 0 : i32
        %eq3A_2025 = vector.broadcast %eq3A_2024 : i32 to vector<16xi32>
        %eq3A_2026 = arith.cmpi eq, %get3A_1586, %eq3A_2025 : vector<16xi32>
        %add3A_2027 = arith.constant 304 : i32
        %add3A_2028 = vector.broadcast %add3A_2027 : i32 to vector<16xi32>
        %add3A_2029 = arith.addi %add3A_2028, %iota3A : vector<16xi32>
        %scan3A_2030 = arith.constant 0 : i32
        %scan3A_2031 = arith.constant 0 : i32
        %scan3A_2032 = arith.constant 64 : i32
        %scan3A_2033 = arith.addi %scan3A_2031, %scan3A_2032 : i32
        %scan3A_2034 = arith.constant 1 : i32
        scf.for %scan3A_2036 = %scan3A_2031 to %scan3A_2033 step %scan3A_2034  : i32 {
          %broadcast_in_dim3A_2037 = arith.constant 0 : i32
          %broadcast_in_dim3A_2038 = vector.broadcast %broadcast_in_dim3A_2037 : i32 to vector<16xi32>
          %add3A_2039 = vector.broadcast %scan3A_2036 : i32 to vector<16xi32>
          %add3A_2040 = arith.addi %broadcast_in_dim3A_2038, %add3A_2039 : vector<16xi32>
          %scatter3A = arith.constant 1 : i32
          %scatter3A_2041 = arith.constant 0 : i32
          %scatter3A_2042 = arith.constant 0 : i32
          %scatter3A_2043 = tpu.memref_slice %arg6[%scatter3A, %scatter3A_2041, %scatter3A_2042] : memref<2x640x64xf32, #tpu.memory_space<vmem>> -> memref<1x640x64xf32, #tpu.memory_space<vmem>>
          %scatter3A_2044 = tpu.memref_squeeze %scatter3A_2043 : memref<1x640x64xf32, #tpu.memory_space<vmem>> -> memref<640x64xf32, #tpu.memory_space<vmem>>
          tpu.vector_store_idx %scatter3A_2044[%add3A_2029, %add3A_2040], %broadcast_in_dim3A_3 masked %eq3A_2026 : memref<640x64xf32, #tpu.memory_space<vmem>>[vector<16xi32>, vector<16xi32>], vector<16xf32>, vector<16xi1>
        }
        %scan3A_2035 = arith.constant 64 : i32
      } else {
      }
      %mul3A_1600 = arith.constant 5 : i32
      %mul3A_1601 = arith.muli %add3A_1109, %mul3A_1600 : i32
      %add3A_1602 = arith.constant 2 : i32
      %add3A_1603 = arith.addi %mul3A_1601, %add3A_1602 : i32
      %get3A_1604 = arith.index_cast %add3A_1603 : i32 to index
      %get3A_1605 = arith.constant 64 : index
      %get3A_1606 = tpu.vector_load %arg5[%get3A_1604, %get3A_1605] {strides = array<i32>} : memref<50x128xi32, #tpu.memory_space<vmem>>, vector<16xi32>,
      %reduce_min3A_1607 = arith.constant true
      %reduce_min3A_1608 = vector.broadcast %reduce_min3A_1607 : i1 to vector<16xi1>
      %reduce_min3A_1609 = arith.constant -2147483648 : i32
      %reduce_min3A_1610 = vector.broadcast %reduce_min3A_1609 : i32 to vector<16xi32>
      %reduce_min3A_1611 = arith.xori %get3A_1606, %reduce_min3A_1610 : vector<16xi32>
      %reduce_min3A_1612 = tpu.scan <min>, %reduce_min3A_1611 masked %reduce_min3A_1608 : vector<16xi32>, vector<16xi1> -> vector<16xi32>
      %reduce_min3A_1613 = arith.xori %reduce_min3A_1612, %reduce_min3A_1610 : vector<16xi32>
      %reduce_min3A_1614 = vector.extract %reduce_min3A_1613[15] : i32 from vector<16xi32>
      %eq3A_1615 = arith.constant 0 : i32
      %eq3A_1616 = arith.cmpi eq, %reduce_min3A_1614, %eq3A_1615 : i32
      %convert_element_type3A_1617 = arith.extui %eq3A_1616 : i1 to i32
      %cond3A_1618 = arith.constant 0 : i32
      %cond3A_1619 = arith.cmpi ne, %convert_element_type3A_1617, %cond3A_1618 : i32
      scf.if %cond3A_1619 {
        %eq3A_2024 = arith.constant 0 : i32
        %eq3A_2025 = vector.broadcast %eq3A_2024 : i32 to vector<16xi32>
        %eq3A_2026 = arith.cmpi eq, %get3A_1606, %eq3A_2025 : vector<16xi32>
        %add3A_2027 = arith.constant 320 : i32
        %add3A_2028 = vector.broadcast %add3A_2027 : i32 to vector<16xi32>
        %add3A_2029 = arith.addi %add3A_2028, %iota3A : vector<16xi32>
        %scan3A_2030 = arith.constant 0 : i32
        %scan3A_2031 = arith.constant 0 : i32
        %scan3A_2032 = arith.constant 64 : i32
        %scan3A_2033 = arith.addi %scan3A_2031, %scan3A_2032 : i32
        %scan3A_2034 = arith.constant 1 : i32
        scf.for %scan3A_2036 = %scan3A_2031 to %scan3A_2033 step %scan3A_2034  : i32 {
          %broadcast_in_dim3A_2037 = arith.constant 0 : i32
          %broadcast_in_dim3A_2038 = vector.broadcast %broadcast_in_dim3A_2037 : i32 to vector<16xi32>
          %add3A_2039 = vector.broadcast %scan3A_2036 : i32 to vector<16xi32>
          %add3A_2040 = arith.addi %broadcast_in_dim3A_2038, %add3A_2039 : vector<16xi32>
          %scatter3A = arith.constant 1 : i32
          %scatter3A_2041 = arith.constant 0 : i32
          %scatter3A_2042 = arith.constant 0 : i32
          %scatter3A_2043 = tpu.memref_slice %arg6[%scatter3A, %scatter3A_2041, %scatter3A_2042] : memref<2x640x64xf32, #tpu.memory_space<vmem>> -> memref<1x640x64xf32, #tpu.memory_space<vmem>>
          %scatter3A_2044 = tpu.memref_squeeze %scatter3A_2043 : memref<1x640x64xf32, #tpu.memory_space<vmem>> -> memref<640x64xf32, #tpu.memory_space<vmem>>
          tpu.vector_store_idx %scatter3A_2044[%add3A_2029, %add3A_2040], %broadcast_in_dim3A_3 masked %eq3A_2026 : memref<640x64xf32, #tpu.memory_space<vmem>>[vector<16xi32>, vector<16xi32>], vector<16xf32>, vector<16xi1>
        }
        %scan3A_2035 = arith.constant 64 : i32
      } else {
      }
      %mul3A_1620 = arith.constant 5 : i32
      %mul3A_1621 = arith.muli %add3A_1109, %mul3A_1620 : i32
      %add3A_1622 = arith.constant 2 : i32
      %add3A_1623 = arith.addi %mul3A_1621, %add3A_1622 : i32
      %get3A_1624 = arith.index_cast %add3A_1623 : i32 to index
      %get3A_1625 = arith.constant 80 : index
      %get3A_1626 = tpu.vector_load %arg5[%get3A_1624, %get3A_1625] {strides = array<i32>} : memref<50x128xi32, #tpu.memory_space<vmem>>, vector<16xi32>,
      %reduce_min3A_1627 = arith.constant true
      %reduce_min3A_1628 = vector.broadcast %reduce_min3A_1627 : i1 to vector<16xi1>
      %reduce_min3A_1629 = arith.constant -2147483648 : i32
      %reduce_min3A_1630 = vector.broadcast %reduce_min3A_1629 : i32 to vector<16xi32>
      %reduce_min3A_1631 = arith.xori %get3A_1626, %reduce_min3A_1630 : vector<16xi32>
      %reduce_min3A_1632 = tpu.scan <min>, %reduce_min3A_1631 masked %reduce_min3A_1628 : vector<16xi32>, vector<16xi1> -> vector<16xi32>
      %reduce_min3A_1633 = arith.xori %reduce_min3A_1632, %reduce_min3A_1630 : vector<16xi32>
      %reduce_min3A_1634 = vector.extract %reduce_min3A_1633[15] : i32 from vector<16xi32>
      %eq3A_1635 = arith.constant 0 : i32
      %eq3A_1636 = arith.cmpi eq, %reduce_min3A_1634, %eq3A_1635 : i32
      %convert_element_type3A_1637 = arith.extui %eq3A_1636 : i1 to i32
      %cond3A_1638 = arith.constant 0 : i32
      %cond3A_1639 = arith.cmpi ne, %convert_element_type3A_1637, %cond3A_1638 : i32
      scf.if %cond3A_1639 {
        %eq3A_2024 = arith.constant 0 : i32
        %eq3A_2025 = vector.broadcast %eq3A_2024 : i32 to vector<16xi32>
        %eq3A_2026 = arith.cmpi eq, %get3A_1626, %eq3A_2025 : vector<16xi32>
        %add3A_2027 = arith.constant 336 : i32
        %add3A_2028 = vector.broadcast %add3A_2027 : i32 to vector<16xi32>
        %add3A_2029 = arith.addi %add3A_2028, %iota3A : vector<16xi32>
        %scan3A_2030 = arith.constant 0 : i32
        %scan3A_2031 = arith.constant 0 : i32
        %scan3A_2032 = arith.constant 64 : i32
        %scan3A_2033 = arith.addi %scan3A_2031, %scan3A_2032 : i32
        %scan3A_2034 = arith.constant 1 : i32
        scf.for %scan3A_2036 = %scan3A_2031 to %scan3A_2033 step %scan3A_2034  : i32 {
          %broadcast_in_dim3A_2037 = arith.constant 0 : i32
          %broadcast_in_dim3A_2038 = vector.broadcast %broadcast_in_dim3A_2037 : i32 to vector<16xi32>
          %add3A_2039 = vector.broadcast %scan3A_2036 : i32 to vector<16xi32>
          %add3A_2040 = arith.addi %broadcast_in_dim3A_2038, %add3A_2039 : vector<16xi32>
          %scatter3A = arith.constant 1 : i32
          %scatter3A_2041 = arith.constant 0 : i32
          %scatter3A_2042 = arith.constant 0 : i32
          %scatter3A_2043 = tpu.memref_slice %arg6[%scatter3A, %scatter3A_2041, %scatter3A_2042] : memref<2x640x64xf32, #tpu.memory_space<vmem>> -> memref<1x640x64xf32, #tpu.memory_space<vmem>>
          %scatter3A_2044 = tpu.memref_squeeze %scatter3A_2043 : memref<1x640x64xf32, #tpu.memory_space<vmem>> -> memref<640x64xf32, #tpu.memory_space<vmem>>
          tpu.vector_store_idx %scatter3A_2044[%add3A_2029, %add3A_2040], %broadcast_in_dim3A_3 masked %eq3A_2026 : memref<640x64xf32, #tpu.memory_space<vmem>>[vector<16xi32>, vector<16xi32>], vector<16xf32>, vector<16xi1>
        }
        %scan3A_2035 = arith.constant 64 : i32
      } else {
      }
      %mul3A_1640 = arith.constant 5 : i32
      %mul3A_1641 = arith.muli %add3A_1109, %mul3A_1640 : i32
      %add3A_1642 = arith.constant 2 : i32
      %add3A_1643 = arith.addi %mul3A_1641, %add3A_1642 : i32
      %get3A_1644 = arith.index_cast %add3A_1643 : i32 to index
      %get3A_1645 = arith.constant 96 : index
      %get3A_1646 = tpu.vector_load %arg5[%get3A_1644, %get3A_1645] {strides = array<i32>} : memref<50x128xi32, #tpu.memory_space<vmem>>, vector<16xi32>,
      %reduce_min3A_1647 = arith.constant true
      %reduce_min3A_1648 = vector.broadcast %reduce_min3A_1647 : i1 to vector<16xi1>
      %reduce_min3A_1649 = arith.constant -2147483648 : i32
      %reduce_min3A_1650 = vector.broadcast %reduce_min3A_1649 : i32 to vector<16xi32>
      %reduce_min3A_1651 = arith.xori %get3A_1646, %reduce_min3A_1650 : vector<16xi32>
      %reduce_min3A_1652 = tpu.scan <min>, %reduce_min3A_1651 masked %reduce_min3A_1648 : vector<16xi32>, vector<16xi1> -> vector<16xi32>
      %reduce_min3A_1653 = arith.xori %reduce_min3A_1652, %reduce_min3A_1650 : vector<16xi32>
      %reduce_min3A_1654 = vector.extract %reduce_min3A_1653[15] : i32 from vector<16xi32>
      %eq3A_1655 = arith.constant 0 : i32
      %eq3A_1656 = arith.cmpi eq, %reduce_min3A_1654, %eq3A_1655 : i32
      %convert_element_type3A_1657 = arith.extui %eq3A_1656 : i1 to i32
      %cond3A_1658 = arith.constant 0 : i32
      %cond3A_1659 = arith.cmpi ne, %convert_element_type3A_1657, %cond3A_1658 : i32
      scf.if %cond3A_1659 {
        %eq3A_2024 = arith.constant 0 : i32
        %eq3A_2025 = vector.broadcast %eq3A_2024 : i32 to vector<16xi32>
        %eq3A_2026 = arith.cmpi eq, %get3A_1646, %eq3A_2025 : vector<16xi32>
        %add3A_2027 = arith.constant 352 : i32
        %add3A_2028 = vector.broadcast %add3A_2027 : i32 to vector<16xi32>
        %add3A_2029 = arith.addi %add3A_2028, %iota3A : vector<16xi32>
        %scan3A_2030 = arith.constant 0 : i32
        %scan3A_2031 = arith.constant 0 : i32
        %scan3A_2032 = arith.constant 64 : i32
        %scan3A_2033 = arith.addi %scan3A_2031, %scan3A_2032 : i32
        %scan3A_2034 = arith.constant 1 : i32
        scf.for %scan3A_2036 = %scan3A_2031 to %scan3A_2033 step %scan3A_2034  : i32 {
          %broadcast_in_dim3A_2037 = arith.constant 0 : i32
          %broadcast_in_dim3A_2038 = vector.broadcast %broadcast_in_dim3A_2037 : i32 to vector<16xi32>
          %add3A_2039 = vector.broadcast %scan3A_2036 : i32 to vector<16xi32>
          %add3A_2040 = arith.addi %broadcast_in_dim3A_2038, %add3A_2039 : vector<16xi32>
          %scatter3A = arith.constant 1 : i32
          %scatter3A_2041 = arith.constant 0 : i32
          %scatter3A_2042 = arith.constant 0 : i32
          %scatter3A_2043 = tpu.memref_slice %arg6[%scatter3A, %scatter3A_2041, %scatter3A_2042] : memref<2x640x64xf32, #tpu.memory_space<vmem>> -> memref<1x640x64xf32, #tpu.memory_space<vmem>>
          %scatter3A_2044 = tpu.memref_squeeze %scatter3A_2043 : memref<1x640x64xf32, #tpu.memory_space<vmem>> -> memref<640x64xf32, #tpu.memory_space<vmem>>
          tpu.vector_store_idx %scatter3A_2044[%add3A_2029, %add3A_2040], %broadcast_in_dim3A_3 masked %eq3A_2026 : memref<640x64xf32, #tpu.memory_space<vmem>>[vector<16xi32>, vector<16xi32>], vector<16xf32>, vector<16xi1>
        }
        %scan3A_2035 = arith.constant 64 : i32
      } else {
      }
      %mul3A_1660 = arith.constant 5 : i32
      %mul3A_1661 = arith.muli %add3A_1109, %mul3A_1660 : i32
      %add3A_1662 = arith.constant 2 : i32
      %add3A_1663 = arith.addi %mul3A_1661, %add3A_1662 : i32
      %get3A_1664 = arith.index_cast %add3A_1663 : i32 to index
      %get3A_1665 = arith.constant 112 : index
      %get3A_1666 = tpu.vector_load %arg5[%get3A_1664, %get3A_1665] {strides = array<i32>} : memref<50x128xi32, #tpu.memory_space<vmem>>, vector<16xi32>,
      %reduce_min3A_1667 = arith.constant true
      %reduce_min3A_1668 = vector.broadcast %reduce_min3A_1667 : i1 to vector<16xi1>
      %reduce_min3A_1669 = arith.constant -2147483648 : i32
      %reduce_min3A_1670 = vector.broadcast %reduce_min3A_1669 : i32 to vector<16xi32>
      %reduce_min3A_1671 = arith.xori %get3A_1666, %reduce_min3A_1670 : vector<16xi32>
      %reduce_min3A_1672 = tpu.scan <min>, %reduce_min3A_1671 masked %reduce_min3A_1668 : vector<16xi32>, vector<16xi1> -> vector<16xi32>
      %reduce_min3A_1673 = arith.xori %reduce_min3A_1672, %reduce_min3A_1670 : vector<16xi32>
      %reduce_min3A_1674 = vector.extract %reduce_min3A_1673[15] : i32 from vector<16xi32>
      %eq3A_1675 = arith.constant 0 : i32
      %eq3A_1676 = arith.cmpi eq, %reduce_min3A_1674, %eq3A_1675 : i32
      %convert_element_type3A_1677 = arith.extui %eq3A_1676 : i1 to i32
      %cond3A_1678 = arith.constant 0 : i32
      %cond3A_1679 = arith.cmpi ne, %convert_element_type3A_1677, %cond3A_1678 : i32
      scf.if %cond3A_1679 {
        %eq3A_2024 = arith.constant 0 : i32
        %eq3A_2025 = vector.broadcast %eq3A_2024 : i32 to vector<16xi32>
        %eq3A_2026 = arith.cmpi eq, %get3A_1666, %eq3A_2025 : vector<16xi32>
        %add3A_2027 = arith.constant 368 : i32
        %add3A_2028 = vector.broadcast %add3A_2027 : i32 to vector<16xi32>
        %add3A_2029 = arith.addi %add3A_2028, %iota3A : vector<16xi32>
        %scan3A_2030 = arith.constant 0 : i32
        %scan3A_2031 = arith.constant 0 : i32
        %scan3A_2032 = arith.constant 64 : i32
        %scan3A_2033 = arith.addi %scan3A_2031, %scan3A_2032 : i32
        %scan3A_2034 = arith.constant 1 : i32
        scf.for %scan3A_2036 = %scan3A_2031 to %scan3A_2033 step %scan3A_2034  : i32 {
          %broadcast_in_dim3A_2037 = arith.constant 0 : i32
          %broadcast_in_dim3A_2038 = vector.broadcast %broadcast_in_dim3A_2037 : i32 to vector<16xi32>
          %add3A_2039 = vector.broadcast %scan3A_2036 : i32 to vector<16xi32>
          %add3A_2040 = arith.addi %broadcast_in_dim3A_2038, %add3A_2039 : vector<16xi32>
          %scatter3A = arith.constant 1 : i32
          %scatter3A_2041 = arith.constant 0 : i32
          %scatter3A_2042 = arith.constant 0 : i32
          %scatter3A_2043 = tpu.memref_slice %arg6[%scatter3A, %scatter3A_2041, %scatter3A_2042] : memref<2x640x64xf32, #tpu.memory_space<vmem>> -> memref<1x640x64xf32, #tpu.memory_space<vmem>>
          %scatter3A_2044 = tpu.memref_squeeze %scatter3A_2043 : memref<1x640x64xf32, #tpu.memory_space<vmem>> -> memref<640x64xf32, #tpu.memory_space<vmem>>
          tpu.vector_store_idx %scatter3A_2044[%add3A_2029, %add3A_2040], %broadcast_in_dim3A_3 masked %eq3A_2026 : memref<640x64xf32, #tpu.memory_space<vmem>>[vector<16xi32>, vector<16xi32>], vector<16xf32>, vector<16xi1>
        }
        %scan3A_2035 = arith.constant 64 : i32
      } else {
      }
      %mul3A_1680 = arith.constant 5 : i32
      %mul3A_1681 = arith.muli %add3A_1109, %mul3A_1680 : i32
      %add3A_1682 = arith.constant 3 : i32
      %add3A_1683 = arith.addi %mul3A_1681, %add3A_1682 : i32
      %get3A_1684 = arith.index_cast %add3A_1683 : i32 to index
      %get3A_1685 = arith.constant 0 : index
      %get3A_1686 = tpu.vector_load %arg5[%get3A_1684, %get3A_1685] {strides = array<i32>} : memref<50x128xi32, #tpu.memory_space<vmem>>, vector<16xi32>,
      %reduce_min3A_1687 = arith.constant true
      %reduce_min3A_1688 = vector.broadcast %reduce_min3A_1687 : i1 to vector<16xi1>
      %reduce_min3A_1689 = arith.constant -2147483648 : i32
      %reduce_min3A_1690 = vector.broadcast %reduce_min3A_1689 : i32 to vector<16xi32>
      %reduce_min3A_1691 = arith.xori %get3A_1686, %reduce_min3A_1690 : vector<16xi32>
      %reduce_min3A_1692 = tpu.scan <min>, %reduce_min3A_1691 masked %reduce_min3A_1688 : vector<16xi32>, vector<16xi1> -> vector<16xi32>
      %reduce_min3A_1693 = arith.xori %reduce_min3A_1692, %reduce_min3A_1690 : vector<16xi32>
      %reduce_min3A_1694 = vector.extract %reduce_min3A_1693[15] : i32 from vector<16xi32>
      %eq3A_1695 = arith.constant 0 : i32
      %eq3A_1696 = arith.cmpi eq, %reduce_min3A_1694, %eq3A_1695 : i32
      %convert_element_type3A_1697 = arith.extui %eq3A_1696 : i1 to i32
      %cond3A_1698 = arith.constant 0 : i32
      %cond3A_1699 = arith.cmpi ne, %convert_element_type3A_1697, %cond3A_1698 : i32
      scf.if %cond3A_1699 {
        %eq3A_2024 = arith.constant 0 : i32
        %eq3A_2025 = vector.broadcast %eq3A_2024 : i32 to vector<16xi32>
        %eq3A_2026 = arith.cmpi eq, %get3A_1686, %eq3A_2025 : vector<16xi32>
        %add3A_2027 = arith.constant 384 : i32
        %add3A_2028 = vector.broadcast %add3A_2027 : i32 to vector<16xi32>
        %add3A_2029 = arith.addi %add3A_2028, %iota3A : vector<16xi32>
        %scan3A_2030 = arith.constant 0 : i32
        %scan3A_2031 = arith.constant 0 : i32
        %scan3A_2032 = arith.constant 64 : i32
        %scan3A_2033 = arith.addi %scan3A_2031, %scan3A_2032 : i32
        %scan3A_2034 = arith.constant 1 : i32
        scf.for %scan3A_2036 = %scan3A_2031 to %scan3A_2033 step %scan3A_2034  : i32 {
          %broadcast_in_dim3A_2037 = arith.constant 0 : i32
          %broadcast_in_dim3A_2038 = vector.broadcast %broadcast_in_dim3A_2037 : i32 to vector<16xi32>
          %add3A_2039 = vector.broadcast %scan3A_2036 : i32 to vector<16xi32>
          %add3A_2040 = arith.addi %broadcast_in_dim3A_2038, %add3A_2039 : vector<16xi32>
          %scatter3A = arith.constant 1 : i32
          %scatter3A_2041 = arith.constant 0 : i32
          %scatter3A_2042 = arith.constant 0 : i32
          %scatter3A_2043 = tpu.memref_slice %arg6[%scatter3A, %scatter3A_2041, %scatter3A_2042] : memref<2x640x64xf32, #tpu.memory_space<vmem>> -> memref<1x640x64xf32, #tpu.memory_space<vmem>>
          %scatter3A_2044 = tpu.memref_squeeze %scatter3A_2043 : memref<1x640x64xf32, #tpu.memory_space<vmem>> -> memref<640x64xf32, #tpu.memory_space<vmem>>
          tpu.vector_store_idx %scatter3A_2044[%add3A_2029, %add3A_2040], %broadcast_in_dim3A_3 masked %eq3A_2026 : memref<640x64xf32, #tpu.memory_space<vmem>>[vector<16xi32>, vector<16xi32>], vector<16xf32>, vector<16xi1>
        }
        %scan3A_2035 = arith.constant 64 : i32
      } else {
      }
      %mul3A_1700 = arith.constant 5 : i32
      %mul3A_1701 = arith.muli %add3A_1109, %mul3A_1700 : i32
      %add3A_1702 = arith.constant 3 : i32
      %add3A_1703 = arith.addi %mul3A_1701, %add3A_1702 : i32
      %get3A_1704 = arith.index_cast %add3A_1703 : i32 to index
      %get3A_1705 = arith.constant 16 : index
      %get3A_1706 = tpu.vector_load %arg5[%get3A_1704, %get3A_1705] {strides = array<i32>} : memref<50x128xi32, #tpu.memory_space<vmem>>, vector<16xi32>,
      %reduce_min3A_1707 = arith.constant true
      %reduce_min3A_1708 = vector.broadcast %reduce_min3A_1707 : i1 to vector<16xi1>
      %reduce_min3A_1709 = arith.constant -2147483648 : i32
      %reduce_min3A_1710 = vector.broadcast %reduce_min3A_1709 : i32 to vector<16xi32>
      %reduce_min3A_1711 = arith.xori %get3A_1706, %reduce_min3A_1710 : vector<16xi32>
      %reduce_min3A_1712 = tpu.scan <min>, %reduce_min3A_1711 masked %reduce_min3A_1708 : vector<16xi32>, vector<16xi1> -> vector<16xi32>
      %reduce_min3A_1713 = arith.xori %reduce_min3A_1712, %reduce_min3A_1710 : vector<16xi32>
      %reduce_min3A_1714 = vector.extract %reduce_min3A_1713[15] : i32 from vector<16xi32>
      %eq3A_1715 = arith.constant 0 : i32
      %eq3A_1716 = arith.cmpi eq, %reduce_min3A_1714, %eq3A_1715 : i32
      %convert_element_type3A_1717 = arith.extui %eq3A_1716 : i1 to i32
      %cond3A_1718 = arith.constant 0 : i32
      %cond3A_1719 = arith.cmpi ne, %convert_element_type3A_1717, %cond3A_1718 : i32
      scf.if %cond3A_1719 {
        %eq3A_2024 = arith.constant 0 : i32
        %eq3A_2025 = vector.broadcast %eq3A_2024 : i32 to vector<16xi32>
        %eq3A_2026 = arith.cmpi eq, %get3A_1706, %eq3A_2025 : vector<16xi32>
        %add3A_2027 = arith.constant 400 : i32
        %add3A_2028 = vector.broadcast %add3A_2027 : i32 to vector<16xi32>
        %add3A_2029 = arith.addi %add3A_2028, %iota3A : vector<16xi32>
        %scan3A_2030 = arith.constant 0 : i32
        %scan3A_2031 = arith.constant 0 : i32
        %scan3A_2032 = arith.constant 64 : i32
        %scan3A_2033 = arith.addi %scan3A_2031, %scan3A_2032 : i32
        %scan3A_2034 = arith.constant 1 : i32
        scf.for %scan3A_2036 = %scan3A_2031 to %scan3A_2033 step %scan3A_2034  : i32 {
          %broadcast_in_dim3A_2037 = arith.constant 0 : i32
          %broadcast_in_dim3A_2038 = vector.broadcast %broadcast_in_dim3A_2037 : i32 to vector<16xi32>
          %add3A_2039 = vector.broadcast %scan3A_2036 : i32 to vector<16xi32>
          %add3A_2040 = arith.addi %broadcast_in_dim3A_2038, %add3A_2039 : vector<16xi32>
          %scatter3A = arith.constant 1 : i32
          %scatter3A_2041 = arith.constant 0 : i32
          %scatter3A_2042 = arith.constant 0 : i32
          %scatter3A_2043 = tpu.memref_slice %arg6[%scatter3A, %scatter3A_2041, %scatter3A_2042] : memref<2x640x64xf32, #tpu.memory_space<vmem>> -> memref<1x640x64xf32, #tpu.memory_space<vmem>>
          %scatter3A_2044 = tpu.memref_squeeze %scatter3A_2043 : memref<1x640x64xf32, #tpu.memory_space<vmem>> -> memref<640x64xf32, #tpu.memory_space<vmem>>
          tpu.vector_store_idx %scatter3A_2044[%add3A_2029, %add3A_2040], %broadcast_in_dim3A_3 masked %eq3A_2026 : memref<640x64xf32, #tpu.memory_space<vmem>>[vector<16xi32>, vector<16xi32>], vector<16xf32>, vector<16xi1>
        }
        %scan3A_2035 = arith.constant 64 : i32
      } else {
      }
      %mul3A_1720 = arith.constant 5 : i32
      %mul3A_1721 = arith.muli %add3A_1109, %mul3A_1720 : i32
      %add3A_1722 = arith.constant 3 : i32
      %add3A_1723 = arith.addi %mul3A_1721, %add3A_1722 : i32
      %get3A_1724 = arith.index_cast %add3A_1723 : i32 to index
      %get3A_1725 = arith.constant 32 : index
      %get3A_1726 = tpu.vector_load %arg5[%get3A_1724, %get3A_1725] {strides = array<i32>} : memref<50x128xi32, #tpu.memory_space<vmem>>, vector<16xi32>,
      %reduce_min3A_1727 = arith.constant true
      %reduce_min3A_1728 = vector.broadcast %reduce_min3A_1727 : i1 to vector<16xi1>
      %reduce_min3A_1729 = arith.constant -2147483648 : i32
      %reduce_min3A_1730 = vector.broadcast %reduce_min3A_1729 : i32 to vector<16xi32>
      %reduce_min3A_1731 = arith.xori %get3A_1726, %reduce_min3A_1730 : vector<16xi32>
      %reduce_min3A_1732 = tpu.scan <min>, %reduce_min3A_1731 masked %reduce_min3A_1728 : vector<16xi32>, vector<16xi1> -> vector<16xi32>
      %reduce_min3A_1733 = arith.xori %reduce_min3A_1732, %reduce_min3A_1730 : vector<16xi32>
      %reduce_min3A_1734 = vector.extract %reduce_min3A_1733[15] : i32 from vector<16xi32>
      %eq3A_1735 = arith.constant 0 : i32
      %eq3A_1736 = arith.cmpi eq, %reduce_min3A_1734, %eq3A_1735 : i32
      %convert_element_type3A_1737 = arith.extui %eq3A_1736 : i1 to i32
      %cond3A_1738 = arith.constant 0 : i32
      %cond3A_1739 = arith.cmpi ne, %convert_element_type3A_1737, %cond3A_1738 : i32
      scf.if %cond3A_1739 {
        %eq3A_2024 = arith.constant 0 : i32
        %eq3A_2025 = vector.broadcast %eq3A_2024 : i32 to vector<16xi32>
        %eq3A_2026 = arith.cmpi eq, %get3A_1726, %eq3A_2025 : vector<16xi32>
        %add3A_2027 = arith.constant 416 : i32
        %add3A_2028 = vector.broadcast %add3A_2027 : i32 to vector<16xi32>
        %add3A_2029 = arith.addi %add3A_2028, %iota3A : vector<16xi32>
        %scan3A_2030 = arith.constant 0 : i32
        %scan3A_2031 = arith.constant 0 : i32
        %scan3A_2032 = arith.constant 64 : i32
        %scan3A_2033 = arith.addi %scan3A_2031, %scan3A_2032 : i32
        %scan3A_2034 = arith.constant 1 : i32
        scf.for %scan3A_2036 = %scan3A_2031 to %scan3A_2033 step %scan3A_2034  : i32 {
          %broadcast_in_dim3A_2037 = arith.constant 0 : i32
          %broadcast_in_dim3A_2038 = vector.broadcast %broadcast_in_dim3A_2037 : i32 to vector<16xi32>
          %add3A_2039 = vector.broadcast %scan3A_2036 : i32 to vector<16xi32>
          %add3A_2040 = arith.addi %broadcast_in_dim3A_2038, %add3A_2039 : vector<16xi32>
          %scatter3A = arith.constant 1 : i32
          %scatter3A_2041 = arith.constant 0 : i32
          %scatter3A_2042 = arith.constant 0 : i32
          %scatter3A_2043 = tpu.memref_slice %arg6[%scatter3A, %scatter3A_2041, %scatter3A_2042] : memref<2x640x64xf32, #tpu.memory_space<vmem>> -> memref<1x640x64xf32, #tpu.memory_space<vmem>>
          %scatter3A_2044 = tpu.memref_squeeze %scatter3A_2043 : memref<1x640x64xf32, #tpu.memory_space<vmem>> -> memref<640x64xf32, #tpu.memory_space<vmem>>
          tpu.vector_store_idx %scatter3A_2044[%add3A_2029, %add3A_2040], %broadcast_in_dim3A_3 masked %eq3A_2026 : memref<640x64xf32, #tpu.memory_space<vmem>>[vector<16xi32>, vector<16xi32>], vector<16xf32>, vector<16xi1>
        }
        %scan3A_2035 = arith.constant 64 : i32
      } else {
      }
      %mul3A_1740 = arith.constant 5 : i32
      %mul3A_1741 = arith.muli %add3A_1109, %mul3A_1740 : i32
      %add3A_1742 = arith.constant 3 : i32
      %add3A_1743 = arith.addi %mul3A_1741, %add3A_1742 : i32
      %get3A_1744 = arith.index_cast %add3A_1743 : i32 to index
      %get3A_1745 = arith.constant 48 : index
      %get3A_1746 = tpu.vector_load %arg5[%get3A_1744, %get3A_1745] {strides = array<i32>} : memref<50x128xi32, #tpu.memory_space<vmem>>, vector<16xi32>,
      %reduce_min3A_1747 = arith.constant true
      %reduce_min3A_1748 = vector.broadcast %reduce_min3A_1747 : i1 to vector<16xi1>
      %reduce_min3A_1749 = arith.constant -2147483648 : i32
      %reduce_min3A_1750 = vector.broadcast %reduce_min3A_1749 : i32 to vector<16xi32>
      %reduce_min3A_1751 = arith.xori %get3A_1746, %reduce_min3A_1750 : vector<16xi32>
      %reduce_min3A_1752 = tpu.scan <min>, %reduce_min3A_1751 masked %reduce_min3A_1748 : vector<16xi32>, vector<16xi1> -> vector<16xi32>
      %reduce_min3A_1753 = arith.xori %reduce_min3A_1752, %reduce_min3A_1750 : vector<16xi32>
      %reduce_min3A_1754 = vector.extract %reduce_min3A_1753[15] : i32 from vector<16xi32>
      %eq3A_1755 = arith.constant 0 : i32
      %eq3A_1756 = arith.cmpi eq, %reduce_min3A_1754, %eq3A_1755 : i32
      %convert_element_type3A_1757 = arith.extui %eq3A_1756 : i1 to i32
      %cond3A_1758 = arith.constant 0 : i32
      %cond3A_1759 = arith.cmpi ne, %convert_element_type3A_1757, %cond3A_1758 : i32
      scf.if %cond3A_1759 {
        %eq3A_2024 = arith.constant 0 : i32
        %eq3A_2025 = vector.broadcast %eq3A_2024 : i32 to vector<16xi32>
        %eq3A_2026 = arith.cmpi eq, %get3A_1746, %eq3A_2025 : vector<16xi32>
        %add3A_2027 = arith.constant 432 : i32
        %add3A_2028 = vector.broadcast %add3A_2027 : i32 to vector<16xi32>
        %add3A_2029 = arith.addi %add3A_2028, %iota3A : vector<16xi32>
        %scan3A_2030 = arith.constant 0 : i32
        %scan3A_2031 = arith.constant 0 : i32
        %scan3A_2032 = arith.constant 64 : i32
        %scan3A_2033 = arith.addi %scan3A_2031, %scan3A_2032 : i32
        %scan3A_2034 = arith.constant 1 : i32
        scf.for %scan3A_2036 = %scan3A_2031 to %scan3A_2033 step %scan3A_2034  : i32 {
          %broadcast_in_dim3A_2037 = arith.constant 0 : i32
          %broadcast_in_dim3A_2038 = vector.broadcast %broadcast_in_dim3A_2037 : i32 to vector<16xi32>
          %add3A_2039 = vector.broadcast %scan3A_2036 : i32 to vector<16xi32>
          %add3A_2040 = arith.addi %broadcast_in_dim3A_2038, %add3A_2039 : vector<16xi32>
          %scatter3A = arith.constant 1 : i32
          %scatter3A_2041 = arith.constant 0 : i32
          %scatter3A_2042 = arith.constant 0 : i32
          %scatter3A_2043 = tpu.memref_slice %arg6[%scatter3A, %scatter3A_2041, %scatter3A_2042] : memref<2x640x64xf32, #tpu.memory_space<vmem>> -> memref<1x640x64xf32, #tpu.memory_space<vmem>>
          %scatter3A_2044 = tpu.memref_squeeze %scatter3A_2043 : memref<1x640x64xf32, #tpu.memory_space<vmem>> -> memref<640x64xf32, #tpu.memory_space<vmem>>
          tpu.vector_store_idx %scatter3A_2044[%add3A_2029, %add3A_2040], %broadcast_in_dim3A_3 masked %eq3A_2026 : memref<640x64xf32, #tpu.memory_space<vmem>>[vector<16xi32>, vector<16xi32>], vector<16xf32>, vector<16xi1>
        }
        %scan3A_2035 = arith.constant 64 : i32
      } else {
      }
      %mul3A_1760 = arith.constant 5 : i32
      %mul3A_1761 = arith.muli %add3A_1109, %mul3A_1760 : i32
      %add3A_1762 = arith.constant 3 : i32
      %add3A_1763 = arith.addi %mul3A_1761, %add3A_1762 : i32
      %get3A_1764 = arith.index_cast %add3A_1763 : i32 to index
      %get3A_1765 = arith.constant 64 : index
      %get3A_1766 = tpu.vector_load %arg5[%get3A_1764, %get3A_1765] {strides = array<i32>} : memref<50x128xi32, #tpu.memory_space<vmem>>, vector<16xi32>,
      %reduce_min3A_1767 = arith.constant true
      %reduce_min3A_1768 = vector.broadcast %reduce_min3A_1767 : i1 to vector<16xi1>
      %reduce_min3A_1769 = arith.constant -2147483648 : i32
      %reduce_min3A_1770 = vector.broadcast %reduce_min3A_1769 : i32 to vector<16xi32>
      %reduce_min3A_1771 = arith.xori %get3A_1766, %reduce_min3A_1770 : vector<16xi32>
      %reduce_min3A_1772 = tpu.scan <min>, %reduce_min3A_1771 masked %reduce_min3A_1768 : vector<16xi32>, vector<16xi1> -> vector<16xi32>
      %reduce_min3A_1773 = arith.xori %reduce_min3A_1772, %reduce_min3A_1770 : vector<16xi32>
      %reduce_min3A_1774 = vector.extract %reduce_min3A_1773[15] : i32 from vector<16xi32>
      %eq3A_1775 = arith.constant 0 : i32
      %eq3A_1776 = arith.cmpi eq, %reduce_min3A_1774, %eq3A_1775 : i32
      %convert_element_type3A_1777 = arith.extui %eq3A_1776 : i1 to i32
      %cond3A_1778 = arith.constant 0 : i32
      %cond3A_1779 = arith.cmpi ne, %convert_element_type3A_1777, %cond3A_1778 : i32
      scf.if %cond3A_1779 {
        %eq3A_2024 = arith.constant 0 : i32
        %eq3A_2025 = vector.broadcast %eq3A_2024 : i32 to vector<16xi32>
        %eq3A_2026 = arith.cmpi eq, %get3A_1766, %eq3A_2025 : vector<16xi32>
        %add3A_2027 = arith.constant 448 : i32
        %add3A_2028 = vector.broadcast %add3A_2027 : i32 to vector<16xi32>
        %add3A_2029 = arith.addi %add3A_2028, %iota3A : vector<16xi32>
        %scan3A_2030 = arith.constant 0 : i32
        %scan3A_2031 = arith.constant 0 : i32
        %scan3A_2032 = arith.constant 64 : i32
        %scan3A_2033 = arith.addi %scan3A_2031, %scan3A_2032 : i32
        %scan3A_2034 = arith.constant 1 : i32
        scf.for %scan3A_2036 = %scan3A_2031 to %scan3A_2033 step %scan3A_2034  : i32 {
          %broadcast_in_dim3A_2037 = arith.constant 0 : i32
          %broadcast_in_dim3A_2038 = vector.broadcast %broadcast_in_dim3A_2037 : i32 to vector<16xi32>
          %add3A_2039 = vector.broadcast %scan3A_2036 : i32 to vector<16xi32>
          %add3A_2040 = arith.addi %broadcast_in_dim3A_2038, %add3A_2039 : vector<16xi32>
          %scatter3A = arith.constant 1 : i32
          %scatter3A_2041 = arith.constant 0 : i32
          %scatter3A_2042 = arith.constant 0 : i32
          %scatter3A_2043 = tpu.memref_slice %arg6[%scatter3A, %scatter3A_2041, %scatter3A_2042] : memref<2x640x64xf32, #tpu.memory_space<vmem>> -> memref<1x640x64xf32, #tpu.memory_space<vmem>>
          %scatter3A_2044 = tpu.memref_squeeze %scatter3A_2043 : memref<1x640x64xf32, #tpu.memory_space<vmem>> -> memref<640x64xf32, #tpu.memory_space<vmem>>
          tpu.vector_store_idx %scatter3A_2044[%add3A_2029, %add3A_2040], %broadcast_in_dim3A_3 masked %eq3A_2026 : memref<640x64xf32, #tpu.memory_space<vmem>>[vector<16xi32>, vector<16xi32>], vector<16xf32>, vector<16xi1>
        }
        %scan3A_2035 = arith.constant 64 : i32
      } else {
      }
      %mul3A_1780 = arith.constant 5 : i32
      %mul3A_1781 = arith.muli %add3A_1109, %mul3A_1780 : i32
      %add3A_1782 = arith.constant 3 : i32
      %add3A_1783 = arith.addi %mul3A_1781, %add3A_1782 : i32
      %get3A_1784 = arith.index_cast %add3A_1783 : i32 to index
      %get3A_1785 = arith.constant 80 : index
      %get3A_1786 = tpu.vector_load %arg5[%get3A_1784, %get3A_1785] {strides = array<i32>} : memref<50x128xi32, #tpu.memory_space<vmem>>, vector<16xi32>,
      %reduce_min3A_1787 = arith.constant true
      %reduce_min3A_1788 = vector.broadcast %reduce_min3A_1787 : i1 to vector<16xi1>
      %reduce_min3A_1789 = arith.constant -2147483648 : i32
      %reduce_min3A_1790 = vector.broadcast %reduce_min3A_1789 : i32 to vector<16xi32>
      %reduce_min3A_1791 = arith.xori %get3A_1786, %reduce_min3A_1790 : vector<16xi32>
      %reduce_min3A_1792 = tpu.scan <min>, %reduce_min3A_1791 masked %reduce_min3A_1788 : vector<16xi32>, vector<16xi1> -> vector<16xi32>
      %reduce_min3A_1793 = arith.xori %reduce_min3A_1792, %reduce_min3A_1790 : vector<16xi32>
      %reduce_min3A_1794 = vector.extract %reduce_min3A_1793[15] : i32 from vector<16xi32>
      %eq3A_1795 = arith.constant 0 : i32
      %eq3A_1796 = arith.cmpi eq, %reduce_min3A_1794, %eq3A_1795 : i32
      %convert_element_type3A_1797 = arith.extui %eq3A_1796 : i1 to i32
      %cond3A_1798 = arith.constant 0 : i32
      %cond3A_1799 = arith.cmpi ne, %convert_element_type3A_1797, %cond3A_1798 : i32
      scf.if %cond3A_1799 {
        %eq3A_2024 = arith.constant 0 : i32
        %eq3A_2025 = vector.broadcast %eq3A_2024 : i32 to vector<16xi32>
        %eq3A_2026 = arith.cmpi eq, %get3A_1786, %eq3A_2025 : vector<16xi32>
        %add3A_2027 = arith.constant 464 : i32
        %add3A_2028 = vector.broadcast %add3A_2027 : i32 to vector<16xi32>
        %add3A_2029 = arith.addi %add3A_2028, %iota3A : vector<16xi32>
        %scan3A_2030 = arith.constant 0 : i32
        %scan3A_2031 = arith.constant 0 : i32
        %scan3A_2032 = arith.constant 64 : i32
        %scan3A_2033 = arith.addi %scan3A_2031, %scan3A_2032 : i32
        %scan3A_2034 = arith.constant 1 : i32
        scf.for %scan3A_2036 = %scan3A_2031 to %scan3A_2033 step %scan3A_2034  : i32 {
          %broadcast_in_dim3A_2037 = arith.constant 0 : i32
          %broadcast_in_dim3A_2038 = vector.broadcast %broadcast_in_dim3A_2037 : i32 to vector<16xi32>
          %add3A_2039 = vector.broadcast %scan3A_2036 : i32 to vector<16xi32>
          %add3A_2040 = arith.addi %broadcast_in_dim3A_2038, %add3A_2039 : vector<16xi32>
          %scatter3A = arith.constant 1 : i32
          %scatter3A_2041 = arith.constant 0 : i32
          %scatter3A_2042 = arith.constant 0 : i32
          %scatter3A_2043 = tpu.memref_slice %arg6[%scatter3A, %scatter3A_2041, %scatter3A_2042] : memref<2x640x64xf32, #tpu.memory_space<vmem>> -> memref<1x640x64xf32, #tpu.memory_space<vmem>>
          %scatter3A_2044 = tpu.memref_squeeze %scatter3A_2043 : memref<1x640x64xf32, #tpu.memory_space<vmem>> -> memref<640x64xf32, #tpu.memory_space<vmem>>
          tpu.vector_store_idx %scatter3A_2044[%add3A_2029, %add3A_2040], %broadcast_in_dim3A_3 masked %eq3A_2026 : memref<640x64xf32, #tpu.memory_space<vmem>>[vector<16xi32>, vector<16xi32>], vector<16xf32>, vector<16xi1>
        }
        %scan3A_2035 = arith.constant 64 : i32
      } else {
      }
      %mul3A_1800 = arith.constant 5 : i32
      %mul3A_1801 = arith.muli %add3A_1109, %mul3A_1800 : i32
      %add3A_1802 = arith.constant 3 : i32
      %add3A_1803 = arith.addi %mul3A_1801, %add3A_1802 : i32
      %get3A_1804 = arith.index_cast %add3A_1803 : i32 to index
      %get3A_1805 = arith.constant 96 : index
      %get3A_1806 = tpu.vector_load %arg5[%get3A_1804, %get3A_1805] {strides = array<i32>} : memref<50x128xi32, #tpu.memory_space<vmem>>, vector<16xi32>,
      %reduce_min3A_1807 = arith.constant true
      %reduce_min3A_1808 = vector.broadcast %reduce_min3A_1807 : i1 to vector<16xi1>
      %reduce_min3A_1809 = arith.constant -2147483648 : i32
      %reduce_min3A_1810 = vector.broadcast %reduce_min3A_1809 : i32 to vector<16xi32>
      %reduce_min3A_1811 = arith.xori %get3A_1806, %reduce_min3A_1810 : vector<16xi32>
      %reduce_min3A_1812 = tpu.scan <min>, %reduce_min3A_1811 masked %reduce_min3A_1808 : vector<16xi32>, vector<16xi1> -> vector<16xi32>
      %reduce_min3A_1813 = arith.xori %reduce_min3A_1812, %reduce_min3A_1810 : vector<16xi32>
      %reduce_min3A_1814 = vector.extract %reduce_min3A_1813[15] : i32 from vector<16xi32>
      %eq3A_1815 = arith.constant 0 : i32
      %eq3A_1816 = arith.cmpi eq, %reduce_min3A_1814, %eq3A_1815 : i32
      %convert_element_type3A_1817 = arith.extui %eq3A_1816 : i1 to i32
      %cond3A_1818 = arith.constant 0 : i32
      %cond3A_1819 = arith.cmpi ne, %convert_element_type3A_1817, %cond3A_1818 : i32
      scf.if %cond3A_1819 {
        %eq3A_2024 = arith.constant 0 : i32
        %eq3A_2025 = vector.broadcast %eq3A_2024 : i32 to vector<16xi32>
        %eq3A_2026 = arith.cmpi eq, %get3A_1806, %eq3A_2025 : vector<16xi32>
        %add3A_2027 = arith.constant 480 : i32
        %add3A_2028 = vector.broadcast %add3A_2027 : i32 to vector<16xi32>
        %add3A_2029 = arith.addi %add3A_2028, %iota3A : vector<16xi32>
        %scan3A_2030 = arith.constant 0 : i32
        %scan3A_2031 = arith.constant 0 : i32
        %scan3A_2032 = arith.constant 64 : i32
        %scan3A_2033 = arith.addi %scan3A_2031, %scan3A_2032 : i32
        %scan3A_2034 = arith.constant 1 : i32
        scf.for %scan3A_2036 = %scan3A_2031 to %scan3A_2033 step %scan3A_2034  : i32 {
          %broadcast_in_dim3A_2037 = arith.constant 0 : i32
          %broadcast_in_dim3A_2038 = vector.broadcast %broadcast_in_dim3A_2037 : i32 to vector<16xi32>
          %add3A_2039 = vector.broadcast %scan3A_2036 : i32 to vector<16xi32>
          %add3A_2040 = arith.addi %broadcast_in_dim3A_2038, %add3A_2039 : vector<16xi32>
          %scatter3A = arith.constant 1 : i32
          %scatter3A_2041 = arith.constant 0 : i32
          %scatter3A_2042 = arith.constant 0 : i32
          %scatter3A_2043 = tpu.memref_slice %arg6[%scatter3A, %scatter3A_2041, %scatter3A_2042] : memref<2x640x64xf32, #tpu.memory_space<vmem>> -> memref<1x640x64xf32, #tpu.memory_space<vmem>>
          %scatter3A_2044 = tpu.memref_squeeze %scatter3A_2043 : memref<1x640x64xf32, #tpu.memory_space<vmem>> -> memref<640x64xf32, #tpu.memory_space<vmem>>
          tpu.vector_store_idx %scatter3A_2044[%add3A_2029, %add3A_2040], %broadcast_in_dim3A_3 masked %eq3A_2026 : memref<640x64xf32, #tpu.memory_space<vmem>>[vector<16xi32>, vector<16xi32>], vector<16xf32>, vector<16xi1>
        }
        %scan3A_2035 = arith.constant 64 : i32
      } else {
      }
      %mul3A_1820 = arith.constant 5 : i32
      %mul3A_1821 = arith.muli %add3A_1109, %mul3A_1820 : i32
      %add3A_1822 = arith.constant 3 : i32
      %add3A_1823 = arith.addi %mul3A_1821, %add3A_1822 : i32
      %get3A_1824 = arith.index_cast %add3A_1823 : i32 to index
      %get3A_1825 = arith.constant 112 : index
      %get3A_1826 = tpu.vector_load %arg5[%get3A_1824, %get3A_1825] {strides = array<i32>} : memref<50x128xi32, #tpu.memory_space<vmem>>, vector<16xi32>,
      %reduce_min3A_1827 = arith.constant true
      %reduce_min3A_1828 = vector.broadcast %reduce_min3A_1827 : i1 to vector<16xi1>
      %reduce_min3A_1829 = arith.constant -2147483648 : i32
      %reduce_min3A_1830 = vector.broadcast %reduce_min3A_1829 : i32 to vector<16xi32>
      %reduce_min3A_1831 = arith.xori %get3A_1826, %reduce_min3A_1830 : vector<16xi32>
      %reduce_min3A_1832 = tpu.scan <min>, %reduce_min3A_1831 masked %reduce_min3A_1828 : vector<16xi32>, vector<16xi1> -> vector<16xi32>
      %reduce_min3A_1833 = arith.xori %reduce_min3A_1832, %reduce_min3A_1830 : vector<16xi32>
      %reduce_min3A_1834 = vector.extract %reduce_min3A_1833[15] : i32 from vector<16xi32>
      %eq3A_1835 = arith.constant 0 : i32
      %eq3A_1836 = arith.cmpi eq, %reduce_min3A_1834, %eq3A_1835 : i32
      %convert_element_type3A_1837 = arith.extui %eq3A_1836 : i1 to i32
      %cond3A_1838 = arith.constant 0 : i32
      %cond3A_1839 = arith.cmpi ne, %convert_element_type3A_1837, %cond3A_1838 : i32
      scf.if %cond3A_1839 {
        %eq3A_2024 = arith.constant 0 : i32
        %eq3A_2025 = vector.broadcast %eq3A_2024 : i32 to vector<16xi32>
        %eq3A_2026 = arith.cmpi eq, %get3A_1826, %eq3A_2025 : vector<16xi32>
        %add3A_2027 = arith.constant 496 : i32
        %add3A_2028 = vector.broadcast %add3A_2027 : i32 to vector<16xi32>
        %add3A_2029 = arith.addi %add3A_2028, %iota3A : vector<16xi32>
        %scan3A_2030 = arith.constant 0 : i32
        %scan3A_2031 = arith.constant 0 : i32
        %scan3A_2032 = arith.constant 64 : i32
        %scan3A_2033 = arith.addi %scan3A_2031, %scan3A_2032 : i32
        %scan3A_2034 = arith.constant 1 : i32
        scf.for %scan3A_2036 = %scan3A_2031 to %scan3A_2033 step %scan3A_2034  : i32 {
          %broadcast_in_dim3A_2037 = arith.constant 0 : i32
          %broadcast_in_dim3A_2038 = vector.broadcast %broadcast_in_dim3A_2037 : i32 to vector<16xi32>
          %add3A_2039 = vector.broadcast %scan3A_2036 : i32 to vector<16xi32>
          %add3A_2040 = arith.addi %broadcast_in_dim3A_2038, %add3A_2039 : vector<16xi32>
          %scatter3A = arith.constant 1 : i32
          %scatter3A_2041 = arith.constant 0 : i32
          %scatter3A_2042 = arith.constant 0 : i32
          %scatter3A_2043 = tpu.memref_slice %arg6[%scatter3A, %scatter3A_2041, %scatter3A_2042] : memref<2x640x64xf32, #tpu.memory_space<vmem>> -> memref<1x640x64xf32, #tpu.memory_space<vmem>>
          %scatter3A_2044 = tpu.memref_squeeze %scatter3A_2043 : memref<1x640x64xf32, #tpu.memory_space<vmem>> -> memref<640x64xf32, #tpu.memory_space<vmem>>
          tpu.vector_store_idx %scatter3A_2044[%add3A_2029, %add3A_2040], %broadcast_in_dim3A_3 masked %eq3A_2026 : memref<640x64xf32, #tpu.memory_space<vmem>>[vector<16xi32>, vector<16xi32>], vector<16xf32>, vector<16xi1>
        }
        %scan3A_2035 = arith.constant 64 : i32
      } else {
      }
      %mul3A_1840 = arith.constant 5 : i32
      %mul3A_1841 = arith.muli %add3A_1109, %mul3A_1840 : i32
      %add3A_1842 = arith.constant 4 : i32
      %add3A_1843 = arith.addi %mul3A_1841, %add3A_1842 : i32
      %get3A_1844 = arith.index_cast %add3A_1843 : i32 to index
      %get3A_1845 = arith.constant 0 : index
      %get3A_1846 = tpu.vector_load %arg5[%get3A_1844, %get3A_1845] {strides = array<i32>} : memref<50x128xi32, #tpu.memory_space<vmem>>, vector<16xi32>,
      %reduce_min3A_1847 = arith.constant true
      %reduce_min3A_1848 = vector.broadcast %reduce_min3A_1847 : i1 to vector<16xi1>
      %reduce_min3A_1849 = arith.constant -2147483648 : i32
      %reduce_min3A_1850 = vector.broadcast %reduce_min3A_1849 : i32 to vector<16xi32>
      %reduce_min3A_1851 = arith.xori %get3A_1846, %reduce_min3A_1850 : vector<16xi32>
      %reduce_min3A_1852 = tpu.scan <min>, %reduce_min3A_1851 masked %reduce_min3A_1848 : vector<16xi32>, vector<16xi1> -> vector<16xi32>
      %reduce_min3A_1853 = arith.xori %reduce_min3A_1852, %reduce_min3A_1850 : vector<16xi32>
      %reduce_min3A_1854 = vector.extract %reduce_min3A_1853[15] : i32 from vector<16xi32>
      %eq3A_1855 = arith.constant 0 : i32
      %eq3A_1856 = arith.cmpi eq, %reduce_min3A_1854, %eq3A_1855 : i32
      %convert_element_type3A_1857 = arith.extui %eq3A_1856 : i1 to i32
      %cond3A_1858 = arith.constant 0 : i32
      %cond3A_1859 = arith.cmpi ne, %convert_element_type3A_1857, %cond3A_1858 : i32
      scf.if %cond3A_1859 {
        %eq3A_2024 = arith.constant 0 : i32
        %eq3A_2025 = vector.broadcast %eq3A_2024 : i32 to vector<16xi32>
        %eq3A_2026 = arith.cmpi eq, %get3A_1846, %eq3A_2025 : vector<16xi32>
        %add3A_2027 = arith.constant 512 : i32
        %add3A_2028 = vector.broadcast %add3A_2027 : i32 to vector<16xi32>
        %add3A_2029 = arith.addi %add3A_2028, %iota3A : vector<16xi32>
        %scan3A_2030 = arith.constant 0 : i32
        %scan3A_2031 = arith.constant 0 : i32
        %scan3A_2032 = arith.constant 64 : i32
        %scan3A_2033 = arith.addi %scan3A_2031, %scan3A_2032 : i32
        %scan3A_2034 = arith.constant 1 : i32
        scf.for %scan3A_2036 = %scan3A_2031 to %scan3A_2033 step %scan3A_2034  : i32 {
          %broadcast_in_dim3A_2037 = arith.constant 0 : i32
          %broadcast_in_dim3A_2038 = vector.broadcast %broadcast_in_dim3A_2037 : i32 to vector<16xi32>
          %add3A_2039 = vector.broadcast %scan3A_2036 : i32 to vector<16xi32>
          %add3A_2040 = arith.addi %broadcast_in_dim3A_2038, %add3A_2039 : vector<16xi32>
          %scatter3A = arith.constant 1 : i32
          %scatter3A_2041 = arith.constant 0 : i32
          %scatter3A_2042 = arith.constant 0 : i32
          %scatter3A_2043 = tpu.memref_slice %arg6[%scatter3A, %scatter3A_2041, %scatter3A_2042] : memref<2x640x64xf32, #tpu.memory_space<vmem>> -> memref<1x640x64xf32, #tpu.memory_space<vmem>>
          %scatter3A_2044 = tpu.memref_squeeze %scatter3A_2043 : memref<1x640x64xf32, #tpu.memory_space<vmem>> -> memref<640x64xf32, #tpu.memory_space<vmem>>
          tpu.vector_store_idx %scatter3A_2044[%add3A_2029, %add3A_2040], %broadcast_in_dim3A_3 masked %eq3A_2026 : memref<640x64xf32, #tpu.memory_space<vmem>>[vector<16xi32>, vector<16xi32>], vector<16xf32>, vector<16xi1>
        }
        %scan3A_2035 = arith.constant 64 : i32
      } else {
      }
      %mul3A_1860 = arith.constant 5 : i32
      %mul3A_1861 = arith.muli %add3A_1109, %mul3A_1860 : i32
      %add3A_1862 = arith.constant 4 : i32
      %add3A_1863 = arith.addi %mul3A_1861, %add3A_1862 : i32
      %get3A_1864 = arith.index_cast %add3A_1863 : i32 to index
      %get3A_1865 = arith.constant 16 : index
      %get3A_1866 = tpu.vector_load %arg5[%get3A_1864, %get3A_1865] {strides = array<i32>} : memref<50x128xi32, #tpu.memory_space<vmem>>, vector<16xi32>,
      %reduce_min3A_1867 = arith.constant true
      %reduce_min3A_1868 = vector.broadcast %reduce_min3A_1867 : i1 to vector<16xi1>
      %reduce_min3A_1869 = arith.constant -2147483648 : i32
      %reduce_min3A_1870 = vector.broadcast %reduce_min3A_1869 : i32 to vector<16xi32>
      %reduce_min3A_1871 = arith.xori %get3A_1866, %reduce_min3A_1870 : vector<16xi32>
      %reduce_min3A_1872 = tpu.scan <min>, %reduce_min3A_1871 masked %reduce_min3A_1868 : vector<16xi32>, vector<16xi1> -> vector<16xi32>
      %reduce_min3A_1873 = arith.xori %reduce_min3A_1872, %reduce_min3A_1870 : vector<16xi32>
      %reduce_min3A_1874 = vector.extract %reduce_min3A_1873[15] : i32 from vector<16xi32>
      %eq3A_1875 = arith.constant 0 : i32
      %eq3A_1876 = arith.cmpi eq, %reduce_min3A_1874, %eq3A_1875 : i32
      %convert_element_type3A_1877 = arith.extui %eq3A_1876 : i1 to i32
      %cond3A_1878 = arith.constant 0 : i32
      %cond3A_1879 = arith.cmpi ne, %convert_element_type3A_1877, %cond3A_1878 : i32
      scf.if %cond3A_1879 {
        %eq3A_2024 = arith.constant 0 : i32
        %eq3A_2025 = vector.broadcast %eq3A_2024 : i32 to vector<16xi32>
        %eq3A_2026 = arith.cmpi eq, %get3A_1866, %eq3A_2025 : vector<16xi32>
        %add3A_2027 = arith.constant 528 : i32
        %add3A_2028 = vector.broadcast %add3A_2027 : i32 to vector<16xi32>
        %add3A_2029 = arith.addi %add3A_2028, %iota3A : vector<16xi32>
        %scan3A_2030 = arith.constant 0 : i32
        %scan3A_2031 = arith.constant 0 : i32
        %scan3A_2032 = arith.constant 64 : i32
        %scan3A_2033 = arith.addi %scan3A_2031, %scan3A_2032 : i32
        %scan3A_2034 = arith.constant 1 : i32
        scf.for %scan3A_2036 = %scan3A_2031 to %scan3A_2033 step %scan3A_2034  : i32 {
          %broadcast_in_dim3A_2037 = arith.constant 0 : i32
          %broadcast_in_dim3A_2038 = vector.broadcast %broadcast_in_dim3A_2037 : i32 to vector<16xi32>
          %add3A_2039 = vector.broadcast %scan3A_2036 : i32 to vector<16xi32>
          %add3A_2040 = arith.addi %broadcast_in_dim3A_2038, %add3A_2039 : vector<16xi32>
          %scatter3A = arith.constant 1 : i32
          %scatter3A_2041 = arith.constant 0 : i32
          %scatter3A_2042 = arith.constant 0 : i32
          %scatter3A_2043 = tpu.memref_slice %arg6[%scatter3A, %scatter3A_2041, %scatter3A_2042] : memref<2x640x64xf32, #tpu.memory_space<vmem>> -> memref<1x640x64xf32, #tpu.memory_space<vmem>>
          %scatter3A_2044 = tpu.memref_squeeze %scatter3A_2043 : memref<1x640x64xf32, #tpu.memory_space<vmem>> -> memref<640x64xf32, #tpu.memory_space<vmem>>
          tpu.vector_store_idx %scatter3A_2044[%add3A_2029, %add3A_2040], %broadcast_in_dim3A_3 masked %eq3A_2026 : memref<640x64xf32, #tpu.memory_space<vmem>>[vector<16xi32>, vector<16xi32>], vector<16xf32>, vector<16xi1>
        }
        %scan3A_2035 = arith.constant 64 : i32
      } else {
      }
      %mul3A_1880 = arith.constant 5 : i32
      %mul3A_1881 = arith.muli %add3A_1109, %mul3A_1880 : i32
      %add3A_1882 = arith.constant 4 : i32
      %add3A_1883 = arith.addi %mul3A_1881, %add3A_1882 : i32
      %get3A_1884 = arith.index_cast %add3A_1883 : i32 to index
      %get3A_1885 = arith.constant 32 : index
      %get3A_1886 = tpu.vector_load %arg5[%get3A_1884, %get3A_1885] {strides = array<i32>} : memref<50x128xi32, #tpu.memory_space<vmem>>, vector<16xi32>,
      %reduce_min3A_1887 = arith.constant true
      %reduce_min3A_1888 = vector.broadcast %reduce_min3A_1887 : i1 to vector<16xi1>
      %reduce_min3A_1889 = arith.constant -2147483648 : i32
      %reduce_min3A_1890 = vector.broadcast %reduce_min3A_1889 : i32 to vector<16xi32>
      %reduce_min3A_1891 = arith.xori %get3A_1886, %reduce_min3A_1890 : vector<16xi32>
      %reduce_min3A_1892 = tpu.scan <min>, %reduce_min3A_1891 masked %reduce_min3A_1888 : vector<16xi32>, vector<16xi1> -> vector<16xi32>
      %reduce_min3A_1893 = arith.xori %reduce_min3A_1892, %reduce_min3A_1890 : vector<16xi32>
      %reduce_min3A_1894 = vector.extract %reduce_min3A_1893[15] : i32 from vector<16xi32>
      %eq3A_1895 = arith.constant 0 : i32
      %eq3A_1896 = arith.cmpi eq, %reduce_min3A_1894, %eq3A_1895 : i32
      %convert_element_type3A_1897 = arith.extui %eq3A_1896 : i1 to i32
      %cond3A_1898 = arith.constant 0 : i32
      %cond3A_1899 = arith.cmpi ne, %convert_element_type3A_1897, %cond3A_1898 : i32
      scf.if %cond3A_1899 {
        %eq3A_2024 = arith.constant 0 : i32
        %eq3A_2025 = vector.broadcast %eq3A_2024 : i32 to vector<16xi32>
        %eq3A_2026 = arith.cmpi eq, %get3A_1886, %eq3A_2025 : vector<16xi32>
        %add3A_2027 = arith.constant 544 : i32
        %add3A_2028 = vector.broadcast %add3A_2027 : i32 to vector<16xi32>
        %add3A_2029 = arith.addi %add3A_2028, %iota3A : vector<16xi32>
        %scan3A_2030 = arith.constant 0 : i32
        %scan3A_2031 = arith.constant 0 : i32
        %scan3A_2032 = arith.constant 64 : i32
        %scan3A_2033 = arith.addi %scan3A_2031, %scan3A_2032 : i32
        %scan3A_2034 = arith.constant 1 : i32
        scf.for %scan3A_2036 = %scan3A_2031 to %scan3A_2033 step %scan3A_2034  : i32 {
          %broadcast_in_dim3A_2037 = arith.constant 0 : i32
          %broadcast_in_dim3A_2038 = vector.broadcast %broadcast_in_dim3A_2037 : i32 to vector<16xi32>
          %add3A_2039 = vector.broadcast %scan3A_2036 : i32 to vector<16xi32>
          %add3A_2040 = arith.addi %broadcast_in_dim3A_2038, %add3A_2039 : vector<16xi32>
          %scatter3A = arith.constant 1 : i32
          %scatter3A_2041 = arith.constant 0 : i32
          %scatter3A_2042 = arith.constant 0 : i32
          %scatter3A_2043 = tpu.memref_slice %arg6[%scatter3A, %scatter3A_2041, %scatter3A_2042] : memref<2x640x64xf32, #tpu.memory_space<vmem>> -> memref<1x640x64xf32, #tpu.memory_space<vmem>>
          %scatter3A_2044 = tpu.memref_squeeze %scatter3A_2043 : memref<1x640x64xf32, #tpu.memory_space<vmem>> -> memref<640x64xf32, #tpu.memory_space<vmem>>
          tpu.vector_store_idx %scatter3A_2044[%add3A_2029, %add3A_2040], %broadcast_in_dim3A_3 masked %eq3A_2026 : memref<640x64xf32, #tpu.memory_space<vmem>>[vector<16xi32>, vector<16xi32>], vector<16xf32>, vector<16xi1>
        }
        %scan3A_2035 = arith.constant 64 : i32
      } else {
      }
      %mul3A_1900 = arith.constant 5 : i32
      %mul3A_1901 = arith.muli %add3A_1109, %mul3A_1900 : i32
      %add3A_1902 = arith.constant 4 : i32
      %add3A_1903 = arith.addi %mul3A_1901, %add3A_1902 : i32
      %get3A_1904 = arith.index_cast %add3A_1903 : i32 to index
      %get3A_1905 = arith.constant 48 : index
      %get3A_1906 = tpu.vector_load %arg5[%get3A_1904, %get3A_1905] {strides = array<i32>} : memref<50x128xi32, #tpu.memory_space<vmem>>, vector<16xi32>,
      %reduce_min3A_1907 = arith.constant true
      %reduce_min3A_1908 = vector.broadcast %reduce_min3A_1907 : i1 to vector<16xi1>
      %reduce_min3A_1909 = arith.constant -2147483648 : i32
      %reduce_min3A_1910 = vector.broadcast %reduce_min3A_1909 : i32 to vector<16xi32>
      %reduce_min3A_1911 = arith.xori %get3A_1906, %reduce_min3A_1910 : vector<16xi32>
      %reduce_min3A_1912 = tpu.scan <min>, %reduce_min3A_1911 masked %reduce_min3A_1908 : vector<16xi32>, vector<16xi1> -> vector<16xi32>
      %reduce_min3A_1913 = arith.xori %reduce_min3A_1912, %reduce_min3A_1910 : vector<16xi32>
      %reduce_min3A_1914 = vector.extract %reduce_min3A_1913[15] : i32 from vector<16xi32>
      %eq3A_1915 = arith.constant 0 : i32
      %eq3A_1916 = arith.cmpi eq, %reduce_min3A_1914, %eq3A_1915 : i32
      %convert_element_type3A_1917 = arith.extui %eq3A_1916 : i1 to i32
      %cond3A_1918 = arith.constant 0 : i32
      %cond3A_1919 = arith.cmpi ne, %convert_element_type3A_1917, %cond3A_1918 : i32
      scf.if %cond3A_1919 {
        %eq3A_2024 = arith.constant 0 : i32
        %eq3A_2025 = vector.broadcast %eq3A_2024 : i32 to vector<16xi32>
        %eq3A_2026 = arith.cmpi eq, %get3A_1906, %eq3A_2025 : vector<16xi32>
        %add3A_2027 = arith.constant 560 : i32
        %add3A_2028 = vector.broadcast %add3A_2027 : i32 to vector<16xi32>
        %add3A_2029 = arith.addi %add3A_2028, %iota3A : vector<16xi32>
        %scan3A_2030 = arith.constant 0 : i32
        %scan3A_2031 = arith.constant 0 : i32
        %scan3A_2032 = arith.constant 64 : i32
        %scan3A_2033 = arith.addi %scan3A_2031, %scan3A_2032 : i32
        %scan3A_2034 = arith.constant 1 : i32
        scf.for %scan3A_2036 = %scan3A_2031 to %scan3A_2033 step %scan3A_2034  : i32 {
          %broadcast_in_dim3A_2037 = arith.constant 0 : i32
          %broadcast_in_dim3A_2038 = vector.broadcast %broadcast_in_dim3A_2037 : i32 to vector<16xi32>
          %add3A_2039 = vector.broadcast %scan3A_2036 : i32 to vector<16xi32>
          %add3A_2040 = arith.addi %broadcast_in_dim3A_2038, %add3A_2039 : vector<16xi32>
          %scatter3A = arith.constant 1 : i32
          %scatter3A_2041 = arith.constant 0 : i32
          %scatter3A_2042 = arith.constant 0 : i32
          %scatter3A_2043 = tpu.memref_slice %arg6[%scatter3A, %scatter3A_2041, %scatter3A_2042] : memref<2x640x64xf32, #tpu.memory_space<vmem>> -> memref<1x640x64xf32, #tpu.memory_space<vmem>>
          %scatter3A_2044 = tpu.memref_squeeze %scatter3A_2043 : memref<1x640x64xf32, #tpu.memory_space<vmem>> -> memref<640x64xf32, #tpu.memory_space<vmem>>
          tpu.vector_store_idx %scatter3A_2044[%add3A_2029, %add3A_2040], %broadcast_in_dim3A_3 masked %eq3A_2026 : memref<640x64xf32, #tpu.memory_space<vmem>>[vector<16xi32>, vector<16xi32>], vector<16xf32>, vector<16xi1>
        }
        %scan3A_2035 = arith.constant 64 : i32
      } else {
      }
      %mul3A_1920 = arith.constant 5 : i32
      %mul3A_1921 = arith.muli %add3A_1109, %mul3A_1920 : i32
      %add3A_1922 = arith.constant 4 : i32
      %add3A_1923 = arith.addi %mul3A_1921, %add3A_1922 : i32
      %get3A_1924 = arith.index_cast %add3A_1923 : i32 to index
      %get3A_1925 = arith.constant 64 : index
      %get3A_1926 = tpu.vector_load %arg5[%get3A_1924, %get3A_1925] {strides = array<i32>} : memref<50x128xi32, #tpu.memory_space<vmem>>, vector<16xi32>,
      %reduce_min3A_1927 = arith.constant true
      %reduce_min3A_1928 = vector.broadcast %reduce_min3A_1927 : i1 to vector<16xi1>
      %reduce_min3A_1929 = arith.constant -2147483648 : i32
      %reduce_min3A_1930 = vector.broadcast %reduce_min3A_1929 : i32 to vector<16xi32>
      %reduce_min3A_1931 = arith.xori %get3A_1926, %reduce_min3A_1930 : vector<16xi32>
      %reduce_min3A_1932 = tpu.scan <min>, %reduce_min3A_1931 masked %reduce_min3A_1928 : vector<16xi32>, vector<16xi1> -> vector<16xi32>
      %reduce_min3A_1933 = arith.xori %reduce_min3A_1932, %reduce_min3A_1930 : vector<16xi32>
      %reduce_min3A_1934 = vector.extract %reduce_min3A_1933[15] : i32 from vector<16xi32>
      %eq3A_1935 = arith.constant 0 : i32
      %eq3A_1936 = arith.cmpi eq, %reduce_min3A_1934, %eq3A_1935 : i32
      %convert_element_type3A_1937 = arith.extui %eq3A_1936 : i1 to i32
      %cond3A_1938 = arith.constant 0 : i32
      %cond3A_1939 = arith.cmpi ne, %convert_element_type3A_1937, %cond3A_1938 : i32
      scf.if %cond3A_1939 {
        %eq3A_2024 = arith.constant 0 : i32
        %eq3A_2025 = vector.broadcast %eq3A_2024 : i32 to vector<16xi32>
        %eq3A_2026 = arith.cmpi eq, %get3A_1926, %eq3A_2025 : vector<16xi32>
        %add3A_2027 = arith.constant 576 : i32
        %add3A_2028 = vector.broadcast %add3A_2027 : i32 to vector<16xi32>
        %add3A_2029 = arith.addi %add3A_2028, %iota3A : vector<16xi32>
        %scan3A_2030 = arith.constant 0 : i32
        %scan3A_2031 = arith.constant 0 : i32
        %scan3A_2032 = arith.constant 64 : i32
        %scan3A_2033 = arith.addi %scan3A_2031, %scan3A_2032 : i32
        %scan3A_2034 = arith.constant 1 : i32
        scf.for %scan3A_2036 = %scan3A_2031 to %scan3A_2033 step %scan3A_2034  : i32 {
          %broadcast_in_dim3A_2037 = arith.constant 0 : i32
          %broadcast_in_dim3A_2038 = vector.broadcast %broadcast_in_dim3A_2037 : i32 to vector<16xi32>
          %add3A_2039 = vector.broadcast %scan3A_2036 : i32 to vector<16xi32>
          %add3A_2040 = arith.addi %broadcast_in_dim3A_2038, %add3A_2039 : vector<16xi32>
          %scatter3A = arith.constant 1 : i32
          %scatter3A_2041 = arith.constant 0 : i32
          %scatter3A_2042 = arith.constant 0 : i32
          %scatter3A_2043 = tpu.memref_slice %arg6[%scatter3A, %scatter3A_2041, %scatter3A_2042] : memref<2x640x64xf32, #tpu.memory_space<vmem>> -> memref<1x640x64xf32, #tpu.memory_space<vmem>>
          %scatter3A_2044 = tpu.memref_squeeze %scatter3A_2043 : memref<1x640x64xf32, #tpu.memory_space<vmem>> -> memref<640x64xf32, #tpu.memory_space<vmem>>
          tpu.vector_store_idx %scatter3A_2044[%add3A_2029, %add3A_2040], %broadcast_in_dim3A_3 masked %eq3A_2026 : memref<640x64xf32, #tpu.memory_space<vmem>>[vector<16xi32>, vector<16xi32>], vector<16xf32>, vector<16xi1>
        }
        %scan3A_2035 = arith.constant 64 : i32
      } else {
      }
      %mul3A_1940 = arith.constant 5 : i32
      %mul3A_1941 = arith.muli %add3A_1109, %mul3A_1940 : i32
      %add3A_1942 = arith.constant 4 : i32
      %add3A_1943 = arith.addi %mul3A_1941, %add3A_1942 : i32
      %get3A_1944 = arith.index_cast %add3A_1943 : i32 to index
      %get3A_1945 = arith.constant 80 : index
      %get3A_1946 = tpu.vector_load %arg5[%get3A_1944, %get3A_1945] {strides = array<i32>} : memref<50x128xi32, #tpu.memory_space<vmem>>, vector<16xi32>,
      %reduce_min3A_1947 = arith.constant true
      %reduce_min3A_1948 = vector.broadcast %reduce_min3A_1947 : i1 to vector<16xi1>
      %reduce_min3A_1949 = arith.constant -2147483648 : i32
      %reduce_min3A_1950 = vector.broadcast %reduce_min3A_1949 : i32 to vector<16xi32>
      %reduce_min3A_1951 = arith.xori %get3A_1946, %reduce_min3A_1950 : vector<16xi32>
      %reduce_min3A_1952 = tpu.scan <min>, %reduce_min3A_1951 masked %reduce_min3A_1948 : vector<16xi32>, vector<16xi1> -> vector<16xi32>
      %reduce_min3A_1953 = arith.xori %reduce_min3A_1952, %reduce_min3A_1950 : vector<16xi32>
      %reduce_min3A_1954 = vector.extract %reduce_min3A_1953[15] : i32 from vector<16xi32>
      %eq3A_1955 = arith.constant 0 : i32
      %eq3A_1956 = arith.cmpi eq, %reduce_min3A_1954, %eq3A_1955 : i32
      %convert_element_type3A_1957 = arith.extui %eq3A_1956 : i1 to i32
      %cond3A_1958 = arith.constant 0 : i32
      %cond3A_1959 = arith.cmpi ne, %convert_element_type3A_1957, %cond3A_1958 : i32
      scf.if %cond3A_1959 {
        %eq3A_2024 = arith.constant 0 : i32
        %eq3A_2025 = vector.broadcast %eq3A_2024 : i32 to vector<16xi32>
        %eq3A_2026 = arith.cmpi eq, %get3A_1946, %eq3A_2025 : vector<16xi32>
        %add3A_2027 = arith.constant 592 : i32
        %add3A_2028 = vector.broadcast %add3A_2027 : i32 to vector<16xi32>
        %add3A_2029 = arith.addi %add3A_2028, %iota3A : vector<16xi32>
        %scan3A_2030 = arith.constant 0 : i32
        %scan3A_2031 = arith.constant 0 : i32
        %scan3A_2032 = arith.constant 64 : i32
        %scan3A_2033 = arith.addi %scan3A_2031, %scan3A_2032 : i32
        %scan3A_2034 = arith.constant 1 : i32
        scf.for %scan3A_2036 = %scan3A_2031 to %scan3A_2033 step %scan3A_2034  : i32 {
          %broadcast_in_dim3A_2037 = arith.constant 0 : i32
          %broadcast_in_dim3A_2038 = vector.broadcast %broadcast_in_dim3A_2037 : i32 to vector<16xi32>
          %add3A_2039 = vector.broadcast %scan3A_2036 : i32 to vector<16xi32>
          %add3A_2040 = arith.addi %broadcast_in_dim3A_2038, %add3A_2039 : vector<16xi32>
          %scatter3A = arith.constant 1 : i32
          %scatter3A_2041 = arith.constant 0 : i32
          %scatter3A_2042 = arith.constant 0 : i32
          %scatter3A_2043 = tpu.memref_slice %arg6[%scatter3A, %scatter3A_2041, %scatter3A_2042] : memref<2x640x64xf32, #tpu.memory_space<vmem>> -> memref<1x640x64xf32, #tpu.memory_space<vmem>>
          %scatter3A_2044 = tpu.memref_squeeze %scatter3A_2043 : memref<1x640x64xf32, #tpu.memory_space<vmem>> -> memref<640x64xf32, #tpu.memory_space<vmem>>
          tpu.vector_store_idx %scatter3A_2044[%add3A_2029, %add3A_2040], %broadcast_in_dim3A_3 masked %eq3A_2026 : memref<640x64xf32, #tpu.memory_space<vmem>>[vector<16xi32>, vector<16xi32>], vector<16xf32>, vector<16xi1>
        }
        %scan3A_2035 = arith.constant 64 : i32
      } else {
      }
      %mul3A_1960 = arith.constant 5 : i32
      %mul3A_1961 = arith.muli %add3A_1109, %mul3A_1960 : i32
      %add3A_1962 = arith.constant 4 : i32
      %add3A_1963 = arith.addi %mul3A_1961, %add3A_1962 : i32
      %get3A_1964 = arith.index_cast %add3A_1963 : i32 to index
      %get3A_1965 = arith.constant 96 : index
      %get3A_1966 = tpu.vector_load %arg5[%get3A_1964, %get3A_1965] {strides = array<i32>} : memref<50x128xi32, #tpu.memory_space<vmem>>, vector<16xi32>,
      %reduce_min3A_1967 = arith.constant true
      %reduce_min3A_1968 = vector.broadcast %reduce_min3A_1967 : i1 to vector<16xi1>
      %reduce_min3A_1969 = arith.constant -2147483648 : i32
      %reduce_min3A_1970 = vector.broadcast %reduce_min3A_1969 : i32 to vector<16xi32>
      %reduce_min3A_1971 = arith.xori %get3A_1966, %reduce_min3A_1970 : vector<16xi32>
      %reduce_min3A_1972 = tpu.scan <min>, %reduce_min3A_1971 masked %reduce_min3A_1968 : vector<16xi32>, vector<16xi1> -> vector<16xi32>
      %reduce_min3A_1973 = arith.xori %reduce_min3A_1972, %reduce_min3A_1970 : vector<16xi32>
      %reduce_min3A_1974 = vector.extract %reduce_min3A_1973[15] : i32 from vector<16xi32>
      %eq3A_1975 = arith.constant 0 : i32
      %eq3A_1976 = arith.cmpi eq, %reduce_min3A_1974, %eq3A_1975 : i32
      %convert_element_type3A_1977 = arith.extui %eq3A_1976 : i1 to i32
      %cond3A_1978 = arith.constant 0 : i32
      %cond3A_1979 = arith.cmpi ne, %convert_element_type3A_1977, %cond3A_1978 : i32
      scf.if %cond3A_1979 {
        %eq3A_2024 = arith.constant 0 : i32
        %eq3A_2025 = vector.broadcast %eq3A_2024 : i32 to vector<16xi32>
        %eq3A_2026 = arith.cmpi eq, %get3A_1966, %eq3A_2025 : vector<16xi32>
        %add3A_2027 = arith.constant 608 : i32
        %add3A_2028 = vector.broadcast %add3A_2027 : i32 to vector<16xi32>
        %add3A_2029 = arith.addi %add3A_2028, %iota3A : vector<16xi32>
        %scan3A_2030 = arith.constant 0 : i32
        %scan3A_2031 = arith.constant 0 : i32
        %scan3A_2032 = arith.constant 64 : i32
        %scan3A_2033 = arith.addi %scan3A_2031, %scan3A_2032 : i32
        %scan3A_2034 = arith.constant 1 : i32
        scf.for %scan3A_2036 = %scan3A_2031 to %scan3A_2033 step %scan3A_2034  : i32 {
          %broadcast_in_dim3A_2037 = arith.constant 0 : i32
          %broadcast_in_dim3A_2038 = vector.broadcast %broadcast_in_dim3A_2037 : i32 to vector<16xi32>
          %add3A_2039 = vector.broadcast %scan3A_2036 : i32 to vector<16xi32>
          %add3A_2040 = arith.addi %broadcast_in_dim3A_2038, %add3A_2039 : vector<16xi32>
          %scatter3A = arith.constant 1 : i32
          %scatter3A_2041 = arith.constant 0 : i32
          %scatter3A_2042 = arith.constant 0 : i32
          %scatter3A_2043 = tpu.memref_slice %arg6[%scatter3A, %scatter3A_2041, %scatter3A_2042] : memref<2x640x64xf32, #tpu.memory_space<vmem>> -> memref<1x640x64xf32, #tpu.memory_space<vmem>>
          %scatter3A_2044 = tpu.memref_squeeze %scatter3A_2043 : memref<1x640x64xf32, #tpu.memory_space<vmem>> -> memref<640x64xf32, #tpu.memory_space<vmem>>
          tpu.vector_store_idx %scatter3A_2044[%add3A_2029, %add3A_2040], %broadcast_in_dim3A_3 masked %eq3A_2026 : memref<640x64xf32, #tpu.memory_space<vmem>>[vector<16xi32>, vector<16xi32>], vector<16xf32>, vector<16xi1>
        }
        %scan3A_2035 = arith.constant 64 : i32
      } else {
      }
      %mul3A_1980 = arith.constant 5 : i32
      %mul3A_1981 = arith.muli %add3A_1109, %mul3A_1980 : i32
      %add3A_1982 = arith.constant 4 : i32
      %add3A_1983 = arith.addi %mul3A_1981, %add3A_1982 : i32
      %get3A_1984 = arith.index_cast %add3A_1983 : i32 to index
      %get3A_1985 = arith.constant 112 : index
      %get3A_1986 = tpu.vector_load %arg5[%get3A_1984, %get3A_1985] {strides = array<i32>} : memref<50x128xi32, #tpu.memory_space<vmem>>, vector<16xi32>,
      %reduce_min3A_1987 = arith.constant true
      %reduce_min3A_1988 = vector.broadcast %reduce_min3A_1987 : i1 to vector<16xi1>
      %reduce_min3A_1989 = arith.constant -2147483648 : i32
      %reduce_min3A_1990 = vector.broadcast %reduce_min3A_1989 : i32 to vector<16xi32>
      %reduce_min3A_1991 = arith.xori %get3A_1986, %reduce_min3A_1990 : vector<16xi32>
      %reduce_min3A_1992 = tpu.scan <min>, %reduce_min3A_1991 masked %reduce_min3A_1988 : vector<16xi32>, vector<16xi1> -> vector<16xi32>
      %reduce_min3A_1993 = arith.xori %reduce_min3A_1992, %reduce_min3A_1990 : vector<16xi32>
      %reduce_min3A_1994 = vector.extract %reduce_min3A_1993[15] : i32 from vector<16xi32>
      %eq3A_1995 = arith.constant 0 : i32
      %eq3A_1996 = arith.cmpi eq, %reduce_min3A_1994, %eq3A_1995 : i32
      %convert_element_type3A_1997 = arith.extui %eq3A_1996 : i1 to i32
      %cond3A_1998 = arith.constant 0 : i32
      %cond3A_1999 = arith.cmpi ne, %convert_element_type3A_1997, %cond3A_1998 : i32
      scf.if %cond3A_1999 {
        %eq3A_2024 = arith.constant 0 : i32
        %eq3A_2025 = vector.broadcast %eq3A_2024 : i32 to vector<16xi32>
        %eq3A_2026 = arith.cmpi eq, %get3A_1986, %eq3A_2025 : vector<16xi32>
        %add3A_2027 = arith.constant 624 : i32
        %add3A_2028 = vector.broadcast %add3A_2027 : i32 to vector<16xi32>
        %add3A_2029 = arith.addi %add3A_2028, %iota3A : vector<16xi32>
        %scan3A_2030 = arith.constant 0 : i32
        %scan3A_2031 = arith.constant 0 : i32
        %scan3A_2032 = arith.constant 64 : i32
        %scan3A_2033 = arith.addi %scan3A_2031, %scan3A_2032 : i32
        %scan3A_2034 = arith.constant 1 : i32
        scf.for %scan3A_2036 = %scan3A_2031 to %scan3A_2033 step %scan3A_2034  : i32 {
          %broadcast_in_dim3A_2037 = arith.constant 0 : i32
          %broadcast_in_dim3A_2038 = vector.broadcast %broadcast_in_dim3A_2037 : i32 to vector<16xi32>
          %add3A_2039 = vector.broadcast %scan3A_2036 : i32 to vector<16xi32>
          %add3A_2040 = arith.addi %broadcast_in_dim3A_2038, %add3A_2039 : vector<16xi32>
          %scatter3A = arith.constant 1 : i32
          %scatter3A_2041 = arith.constant 0 : i32
          %scatter3A_2042 = arith.constant 0 : i32
          %scatter3A_2043 = tpu.memref_slice %arg6[%scatter3A, %scatter3A_2041, %scatter3A_2042] : memref<2x640x64xf32, #tpu.memory_space<vmem>> -> memref<1x640x64xf32, #tpu.memory_space<vmem>>
          %scatter3A_2044 = tpu.memref_squeeze %scatter3A_2043 : memref<1x640x64xf32, #tpu.memory_space<vmem>> -> memref<640x64xf32, #tpu.memory_space<vmem>>
          tpu.vector_store_idx %scatter3A_2044[%add3A_2029, %add3A_2040], %broadcast_in_dim3A_3 masked %eq3A_2026 : memref<640x64xf32, #tpu.memory_space<vmem>>[vector<16xi32>, vector<16xi32>], vector<16xf32>, vector<16xi1>
        }
        %scan3A_2035 = arith.constant 64 : i32
      } else {
      }
      %mul3A_2000 = arith.constant 640 : i32
      %mul3A_2001 = arith.muli %add3A_1109, %mul3A_2000 : i32
      %add3A_2002 = arith.addi %mul3A_2, %mul3A_2001 : i32
      %dma_start3A_2003 = arith.constant 1 : i32
      %dma_start3A_2004 = arith.constant 1 : i32
      %dma_start3A_2005 = arith.constant 0 : i32
      %dma_start3A_2006 = arith.constant 0 : i32
      %dma_start3A_2007 = tpu.memref_slice %arg6[%dma_start3A_2003, %dma_start3A_2005, %dma_start3A_2006] : memref<2x640x64xf32, #tpu.memory_space<vmem>> -> memref<1x640x64xf32, #tpu.memory_space<vmem>>
      %dma_start3A_2008 = tpu.memref_squeeze %dma_start3A_2007 : memref<1x640x64xf32, #tpu.memory_space<vmem>> -> memref<640x64xf32, #tpu.memory_space<vmem>>
      %dma_start3A_2009 = arith.constant 0 : i32
      %dma_start3A_2010 = tpu.memref_slice %arg4[%add3A_2002, %dma_start3A_2009] : memref<204800x64xf32, #tpu.memory_space<hbm>> -> memref<640x64xf32, #tpu.memory_space<hbm>>
      %dma_start3A_2011 = tpu.memref_slice %arg8[%dma_start3A_2004] : memref<2x!tpu.dma_semaphore, #tpu.memory_space<semaphore_mem>> -> memref<1x!tpu.dma_semaphore, #tpu.memory_space<semaphore_mem>>
      %dma_start3A_2012 = tpu.memref_squeeze %dma_start3A_2011 : memref<1x!tpu.dma_semaphore, #tpu.memory_space<semaphore_mem>> -> memref<!tpu.dma_semaphore, #tpu.memory_space<semaphore_mem>>
      %dma_start3A_2013 = arith.constant 0 : i32
      %dma_start3A_2014 = tpu.memref_slice %arg4[%add3A_2002, %dma_start3A_2013] : memref<204800x64xf32, #tpu.memory_space<hbm>> -> memref<640x64xf32, #tpu.memory_space<hbm>>
      %dma_start3A_2015 = arith.constant 0 : i32
      %dma_start3A_2016 = arith.constant 0 : i32
      %dma_start3A_2017 = tpu.memref_slice %arg6[%dma_start3A_2003, %dma_start3A_2015, %dma_start3A_2016] : memref<2x640x64xf32, #tpu.memory_space<vmem>> -> memref<1x640x64xf32, #tpu.memory_space<vmem>>
      %dma_start3A_2018 = tpu.memref_squeeze %dma_start3A_2017 : memref<1x640x64xf32, #tpu.memory_space<vmem>> -> memref<640x64xf32, #tpu.memory_space<vmem>>
      tpu.enqueue_dma source(%dma_start3A_2018 : memref<640x64xf32, #tpu.memory_space<vmem>>) target(%dma_start3A_2014 : memref<640x64xf32, #tpu.memory_space<hbm>>) target_semaphore(%dma_start3A_2012 : memref<!tpu.dma_semaphore, #tpu.memory_space<semaphore_mem>>)
      %lt3A_2019 = arith.constant 4 : i32
      %lt3A_2020 = arith.cmpi slt, %scan3A_193, %lt3A_2019 : i32
      %convert_element_type3A_2021 = arith.extui %lt3A_2020 : i1 to i32
      %cond3A_2022 = arith.constant 0 : i32
      %cond3A_2023 = arith.cmpi ne, %convert_element_type3A_2021, %cond3A_2022 : i32
      scf.if %cond3A_2023 {
        %dma_wait3A_2024 = arith.constant 1 : i32
        %dma_wait3A_2025 = arith.constant 1 : i32
        %dma_wait3A_2026 = arith.constant 0 : i32
        %dma_wait3A_2027 = arith.constant 0 : i32
        %dma_wait3A_2028 = tpu.memref_slice %arg6[%dma_wait3A_2024, %dma_wait3A_2026, %dma_wait3A_2027] : memref<2x640x64xf32, #tpu.memory_space<vmem>> -> memref<1x640x64xf32, #tpu.memory_space<vmem>>
        %dma_wait3A_2029 = tpu.memref_squeeze %dma_wait3A_2028 : memref<1x640x64xf32, #tpu.memory_space<vmem>> -> memref<640x64xf32, #tpu.memory_space<vmem>>
        %dma_wait3A_2030 = arith.constant 0 : i32
        %dma_wait3A_2031 = arith.constant 0 : i32
        %dma_wait3A_2032 = tpu.memref_slice %arg2[%dma_wait3A_2030, %dma_wait3A_2031] : memref<100000x64xf32, #tpu.memory_space<hbm>> -> memref<640x64xf32, #tpu.memory_space<hbm>>
        %dma_wait3A_2033 = tpu.memref_slice %arg8[%dma_wait3A_2025] : memref<2x!tpu.dma_semaphore, #tpu.memory_space<semaphore_mem>> -> memref<1x!tpu.dma_semaphore, #tpu.memory_space<semaphore_mem>>
        %dma_wait3A_2034 = tpu.memref_squeeze %dma_wait3A_2033 : memref<1x!tpu.dma_semaphore, #tpu.memory_space<semaphore_mem>> -> memref<!tpu.dma_semaphore, #tpu.memory_space<semaphore_mem>>
        %dma_wait3A_2035 = arith.constant 0 : i32
        %dma_wait3A_2036 = arith.constant 0 : i32
        %dma_wait3A_2037 = tpu.memref_slice %arg6[%dma_wait3A_2024, %dma_wait3A_2035, %dma_wait3A_2036] : memref<2x640x64xf32, #tpu.memory_space<vmem>> -> memref<1x640x64xf32, #tpu.memory_space<vmem>>
        %dma_wait3A_2038 = tpu.memref_squeeze %dma_wait3A_2037 : memref<1x640x64xf32, #tpu.memory_space<vmem>> -> memref<640x64xf32, #tpu.memory_space<vmem>>
        %dma_wait3A_2039 = arith.constant 0 : i32
        %dma_wait3A_2040 = arith.constant 0 : i32
        %dma_wait3A_2041 = tpu.memref_slice %arg2[%dma_wait3A_2039, %dma_wait3A_2040] : memref<100000x64xf32, #tpu.memory_space<hbm>> -> memref<640x64xf32, #tpu.memory_space<hbm>>
        tpu.wait_dma2 semaphore(%dma_wait3A_2034 : memref<!tpu.dma_semaphore, #tpu.memory_space<semaphore_mem>>) src(%dma_wait3A_2041 : memref<640x64xf32, #tpu.memory_space<hbm>>) dst(%dma_wait3A_2038 : memref<640x64xf32, #tpu.memory_space<vmem>>)
        %add3A_2042 = arith.constant 2 : i32
        %add3A_2043 = arith.addi %add3A_1109, %add3A_2042 : i32
        %mul3A_2044 = arith.constant 5 : i32
        %mul3A_2045 = arith.muli %add3A_2043, %mul3A_2044 : i32
        %add3A_2046 = arith.constant 0 : i32
        %add3A_2047 = arith.addi %mul3A_2045, %add3A_2046 : i32
        %dma_start3A_2048 = arith.constant 1 : i32
        %dma_start3A_2049 = arith.constant 1 : i32
        %dma_start3A_2050 = arith.constant 0 : i32
        %dma_start3A_2051 = arith.constant 0 : i32
        %dma_start3A_2052 = tpu.memref_slice %arg6[%dma_start3A_2048, %dma_start3A_2050, %dma_start3A_2051] : memref<2x640x64xf32, #tpu.memory_space<vmem>> -> memref<1x128x64xf32, #tpu.memory_space<vmem>>
        %dma_start3A_2053 = tpu.memref_squeeze %dma_start3A_2052 : memref<1x128x64xf32, #tpu.memory_space<vmem>> -> memref<128x64xf32, #tpu.memory_space<vmem>>
        %dma_start3A_2054 = arith.constant 0 : i32
        %dma_start3A_2055 = tpu.memref_slice %arg5[%add3A_2047, %dma_start3A_2054] : memref<50x128xi32, #tpu.memory_space<vmem>> -> memref<1x128xi32, #tpu.memory_space<vmem>>
        %dma_start3A_2056 = tpu.memref_squeeze %dma_start3A_2055 : memref<1x128xi32, #tpu.memory_space<vmem>> -> memref<128xi32, #tpu.memory_space<vmem>>
        %dma_start3A_2057 = arith.constant 0 : i32
        %dma_start3A_2058 = arith.constant 0 : i32
        %dma_start3A_2059 = tpu.memref_slice %arg2[%dma_start3A_2057, %dma_start3A_2058] : memref<100000x64xf32, #tpu.memory_space<hbm>> -> memref<100000x64xf32, #tpu.memory_space<hbm>>
        %dma_start3A_2060 = tpu.memref_slice %arg7[%dma_start3A_2049] : memref<2x!tpu.dma_semaphore, #tpu.memory_space<semaphore_mem>> -> memref<1x!tpu.dma_semaphore, #tpu.memory_space<semaphore_mem>>
        %dma_start3A_2061 = tpu.memref_squeeze %dma_start3A_2060 : memref<1x!tpu.dma_semaphore, #tpu.memory_space<semaphore_mem>> -> memref<!tpu.dma_semaphore, #tpu.memory_space<semaphore_mem>>
        tpu.enqueue_indirect_dma source(%dma_start3A_2059 : memref<100000x64xf32, #tpu.memory_space<hbm>>) target(%dma_start3A_2053 : memref<128x64xf32, #tpu.memory_space<vmem>>) offsets(%dma_start3A_2056 : memref<128xi32, #tpu.memory_space<vmem>>) semaphore(%dma_start3A_2061 : memref<!tpu.dma_semaphore, #tpu.memory_space<semaphore_mem>>)
        %mul3A_2062 = arith.constant 5 : i32
        %mul3A_2063 = arith.muli %add3A_2043, %mul3A_2062 : i32
        %add3A_2064 = arith.constant 1 : i32
        %add3A_2065 = arith.addi %mul3A_2063, %add3A_2064 : i32
        %dma_start3A_2066 = arith.constant 1 : i32
        %dma_start3A_2067 = arith.constant 1 : i32
        %dma_start3A_2068 = arith.constant 128 : i32
        %dma_start3A_2069 = arith.constant 0 : i32
        %dma_start3A_2070 = tpu.memref_slice %arg6[%dma_start3A_2066, %dma_start3A_2068, %dma_start3A_2069] : memref<2x640x64xf32, #tpu.memory_space<vmem>> -> memref<1x128x64xf32, #tpu.memory_space<vmem>>
        %dma_start3A_2071 = tpu.memref_squeeze %dma_start3A_2070 : memref<1x128x64xf32, #tpu.memory_space<vmem>> -> memref<128x64xf32, #tpu.memory_space<vmem>>
        %dma_start3A_2072 = arith.constant 0 : i32
        %dma_start3A_2073 = tpu.memref_slice %arg5[%add3A_2065, %dma_start3A_2072] : memref<50x128xi32, #tpu.memory_space<vmem>> -> memref<1x128xi32, #tpu.memory_space<vmem>>
        %dma_start3A_2074 = tpu.memref_squeeze %dma_start3A_2073 : memref<1x128xi32, #tpu.memory_space<vmem>> -> memref<128xi32, #tpu.memory_space<vmem>>
        %dma_start3A_2075 = arith.constant 0 : i32
        %dma_start3A_2076 = arith.constant 0 : i32
        %dma_start3A_2077 = tpu.memref_slice %arg2[%dma_start3A_2075, %dma_start3A_2076] : memref<100000x64xf32, #tpu.memory_space<hbm>> -> memref<100000x64xf32, #tpu.memory_space<hbm>>
        %dma_start3A_2078 = tpu.memref_slice %arg7[%dma_start3A_2067] : memref<2x!tpu.dma_semaphore, #tpu.memory_space<semaphore_mem>> -> memref<1x!tpu.dma_semaphore, #tpu.memory_space<semaphore_mem>>
        %dma_start3A_2079 = tpu.memref_squeeze %dma_start3A_2078 : memref<1x!tpu.dma_semaphore, #tpu.memory_space<semaphore_mem>> -> memref<!tpu.dma_semaphore, #tpu.memory_space<semaphore_mem>>
        tpu.enqueue_indirect_dma source(%dma_start3A_2077 : memref<100000x64xf32, #tpu.memory_space<hbm>>) target(%dma_start3A_2071 : memref<128x64xf32, #tpu.memory_space<vmem>>) offsets(%dma_start3A_2074 : memref<128xi32, #tpu.memory_space<vmem>>) semaphore(%dma_start3A_2079 : memref<!tpu.dma_semaphore, #tpu.memory_space<semaphore_mem>>)
        %mul3A_2080 = arith.constant 5 : i32
        %mul3A_2081 = arith.muli %add3A_2043, %mul3A_2080 : i32
        %add3A_2082 = arith.constant 2 : i32
        %add3A_2083 = arith.addi %mul3A_2081, %add3A_2082 : i32
        %dma_start3A_2084 = arith.constant 1 : i32
        %dma_start3A_2085 = arith.constant 1 : i32
        %dma_start3A_2086 = arith.constant 256 : i32
        %dma_start3A_2087 = arith.constant 0 : i32
        %dma_start3A_2088 = tpu.memref_slice %arg6[%dma_start3A_2084, %dma_start3A_2086, %dma_start3A_2087] : memref<2x640x64xf32, #tpu.memory_space<vmem>> -> memref<1x128x64xf32, #tpu.memory_space<vmem>>
        %dma_start3A_2089 = tpu.memref_squeeze %dma_start3A_2088 : memref<1x128x64xf32, #tpu.memory_space<vmem>> -> memref<128x64xf32, #tpu.memory_space<vmem>>
        %dma_start3A_2090 = arith.constant 0 : i32
        %dma_start3A_2091 = tpu.memref_slice %arg5[%add3A_2083, %dma_start3A_2090] : memref<50x128xi32, #tpu.memory_space<vmem>> -> memref<1x128xi32, #tpu.memory_space<vmem>>
        %dma_start3A_2092 = tpu.memref_squeeze %dma_start3A_2091 : memref<1x128xi32, #tpu.memory_space<vmem>> -> memref<128xi32, #tpu.memory_space<vmem>>
        %dma_start3A_2093 = arith.constant 0 : i32
        %dma_start3A_2094 = arith.constant 0 : i32
        %dma_start3A_2095 = tpu.memref_slice %arg2[%dma_start3A_2093, %dma_start3A_2094] : memref<100000x64xf32, #tpu.memory_space<hbm>> -> memref<100000x64xf32, #tpu.memory_space<hbm>>
        %dma_start3A_2096 = tpu.memref_slice %arg7[%dma_start3A_2085] : memref<2x!tpu.dma_semaphore, #tpu.memory_space<semaphore_mem>> -> memref<1x!tpu.dma_semaphore, #tpu.memory_space<semaphore_mem>>
        %dma_start3A_2097 = tpu.memref_squeeze %dma_start3A_2096 : memref<1x!tpu.dma_semaphore, #tpu.memory_space<semaphore_mem>> -> memref<!tpu.dma_semaphore, #tpu.memory_space<semaphore_mem>>
        tpu.enqueue_indirect_dma source(%dma_start3A_2095 : memref<100000x64xf32, #tpu.memory_space<hbm>>) target(%dma_start3A_2089 : memref<128x64xf32, #tpu.memory_space<vmem>>) offsets(%dma_start3A_2092 : memref<128xi32, #tpu.memory_space<vmem>>) semaphore(%dma_start3A_2097 : memref<!tpu.dma_semaphore, #tpu.memory_space<semaphore_mem>>)
        %mul3A_2098 = arith.constant 5 : i32
        %mul3A_2099 = arith.muli %add3A_2043, %mul3A_2098 : i32
        %add3A_2100 = arith.constant 3 : i32
        %add3A_2101 = arith.addi %mul3A_2099, %add3A_2100 : i32
        %dma_start3A_2102 = arith.constant 1 : i32
        %dma_start3A_2103 = arith.constant 1 : i32
        %dma_start3A_2104 = arith.constant 384 : i32
        %dma_start3A_2105 = arith.constant 0 : i32
        %dma_start3A_2106 = tpu.memref_slice %arg6[%dma_start3A_2102, %dma_start3A_2104, %dma_start3A_2105] : memref<2x640x64xf32, #tpu.memory_space<vmem>> -> memref<1x128x64xf32, #tpu.memory_space<vmem>>
        %dma_start3A_2107 = tpu.memref_squeeze %dma_start3A_2106 : memref<1x128x64xf32, #tpu.memory_space<vmem>> -> memref<128x64xf32, #tpu.memory_space<vmem>>
        %dma_start3A_2108 = arith.constant 0 : i32
        %dma_start3A_2109 = tpu.memref_slice %arg5[%add3A_2101, %dma_start3A_2108] : memref<50x128xi32, #tpu.memory_space<vmem>> -> memref<1x128xi32, #tpu.memory_space<vmem>>
        %dma_start3A_2110 = tpu.memref_squeeze %dma_start3A_2109 : memref<1x128xi32, #tpu.memory_space<vmem>> -> memref<128xi32, #tpu.memory_space<vmem>>
        %dma_start3A_2111 = arith.constant 0 : i32
        %dma_start3A_2112 = arith.constant 0 : i32
        %dma_start3A_2113 = tpu.memref_slice %arg2[%dma_start3A_2111, %dma_start3A_2112] : memref<100000x64xf32, #tpu.memory_space<hbm>> -> memref<100000x64xf32, #tpu.memory_space<hbm>>
        %dma_start3A_2114 = tpu.memref_slice %arg7[%dma_start3A_2103] : memref<2x!tpu.dma_semaphore, #tpu.memory_space<semaphore_mem>> -> memref<1x!tpu.dma_semaphore, #tpu.memory_space<semaphore_mem>>
        %dma_start3A_2115 = tpu.memref_squeeze %dma_start3A_2114 : memref<1x!tpu.dma_semaphore, #tpu.memory_space<semaphore_mem>> -> memref<!tpu.dma_semaphore, #tpu.memory_space<semaphore_mem>>
        tpu.enqueue_indirect_dma source(%dma_start3A_2113 : memref<100000x64xf32, #tpu.memory_space<hbm>>) target(%dma_start3A_2107 : memref<128x64xf32, #tpu.memory_space<vmem>>) offsets(%dma_start3A_2110 : memref<128xi32, #tpu.memory_space<vmem>>) semaphore(%dma_start3A_2115 : memref<!tpu.dma_semaphore, #tpu.memory_space<semaphore_mem>>)
        %mul3A_2116 = arith.constant 5 : i32
        %mul3A_2117 = arith.muli %add3A_2043, %mul3A_2116 : i32
        %add3A_2118 = arith.constant 4 : i32
        %add3A_2119 = arith.addi %mul3A_2117, %add3A_2118 : i32
        %dma_start3A_2120 = arith.constant 1 : i32
        %dma_start3A_2121 = arith.constant 1 : i32
        %dma_start3A_2122 = arith.constant 512 : i32
        %dma_start3A_2123 = arith.constant 0 : i32
        %dma_start3A_2124 = tpu.memref_slice %arg6[%dma_start3A_2120, %dma_start3A_2122, %dma_start3A_2123] : memref<2x640x64xf32, #tpu.memory_space<vmem>> -> memref<1x128x64xf32, #tpu.memory_space<vmem>>
        %dma_start3A_2125 = tpu.memref_squeeze %dma_start3A_2124 : memref<1x128x64xf32, #tpu.memory_space<vmem>> -> memref<128x64xf32, #tpu.memory_space<vmem>>
        %dma_start3A_2126 = arith.constant 0 : i32
        %dma_start3A_2127 = tpu.memref_slice %arg5[%add3A_2119, %dma_start3A_2126] : memref<50x128xi32, #tpu.memory_space<vmem>> -> memref<1x128xi32, #tpu.memory_space<vmem>>
        %dma_start3A_2128 = tpu.memref_squeeze %dma_start3A_2127 : memref<1x128xi32, #tpu.memory_space<vmem>> -> memref<128xi32, #tpu.memory_space<vmem>>
        %dma_start3A_2129 = arith.constant 0 : i32
        %dma_start3A_2130 = arith.constant 0 : i32
        %dma_start3A_2131 = tpu.memref_slice %arg2[%dma_start3A_2129, %dma_start3A_2130] : memref<100000x64xf32, #tpu.memory_space<hbm>> -> memref<100000x64xf32, #tpu.memory_space<hbm>>
        %dma_start3A_2132 = tpu.memref_slice %arg7[%dma_start3A_2121] : memref<2x!tpu.dma_semaphore, #tpu.memory_space<semaphore_mem>> -> memref<1x!tpu.dma_semaphore, #tpu.memory_space<semaphore_mem>>
        %dma_start3A_2133 = tpu.memref_squeeze %dma_start3A_2132 : memref<1x!tpu.dma_semaphore, #tpu.memory_space<semaphore_mem>> -> memref<!tpu.dma_semaphore, #tpu.memory_space<semaphore_mem>>
        tpu.enqueue_indirect_dma source(%dma_start3A_2131 : memref<100000x64xf32, #tpu.memory_space<hbm>>) target(%dma_start3A_2125 : memref<128x64xf32, #tpu.memory_space<vmem>>) offsets(%dma_start3A_2128 : memref<128xi32, #tpu.memory_space<vmem>>) semaphore(%dma_start3A_2133 : memref<!tpu.dma_semaphore, #tpu.memory_space<semaphore_mem>>)
      } else {
      }
    }
    %scan3A_157 = arith.constant 5 : i32
    %dma_wait3A = arith.constant 0 : i32
    %dma_wait3A_158 = arith.constant 0 : i32
    %dma_wait3A_159 = arith.constant 0 : i32
    %dma_wait3A_160 = arith.constant 0 : i32
    %dma_wait3A_161 = tpu.memref_slice %arg6[%dma_wait3A, %dma_wait3A_159, %dma_wait3A_160] : memref<2x640x64xf32, #tpu.memory_space<vmem>> -> memref<1x640x64xf32, #tpu.memory_space<vmem>>
    %dma_wait3A_162 = tpu.memref_squeeze %dma_wait3A_161 : memref<1x640x64xf32, #tpu.memory_space<vmem>> -> memref<640x64xf32, #tpu.memory_space<vmem>>
    %dma_wait3A_163 = arith.constant 0 : i32
    %dma_wait3A_164 = arith.constant 0 : i32
    %dma_wait3A_165 = tpu.memref_slice %arg2[%dma_wait3A_163, %dma_wait3A_164] : memref<100000x64xf32, #tpu.memory_space<hbm>> -> memref<640x64xf32, #tpu.memory_space<hbm>>
    %dma_wait3A_166 = tpu.memref_slice %arg8[%dma_wait3A_158] : memref<2x!tpu.dma_semaphore, #tpu.memory_space<semaphore_mem>> -> memref<1x!tpu.dma_semaphore, #tpu.memory_space<semaphore_mem>>
    %dma_wait3A_167 = tpu.memref_squeeze %dma_wait3A_166 : memref<1x!tpu.dma_semaphore, #tpu.memory_space<semaphore_mem>> -> memref<!tpu.dma_semaphore, #tpu.memory_space<semaphore_mem>>
    %dma_wait3A_168 = arith.constant 0 : i32
    %dma_wait3A_169 = arith.constant 0 : i32
    %dma_wait3A_170 = tpu.memref_slice %arg6[%dma_wait3A, %dma_wait3A_168, %dma_wait3A_169] : memref<2x640x64xf32, #tpu.memory_space<vmem>> -> memref<1x640x64xf32, #tpu.memory_space<vmem>>
    %dma_wait3A_171 = tpu.memref_squeeze %dma_wait3A_170 : memref<1x640x64xf32, #tpu.memory_space<vmem>> -> memref<640x64xf32, #tpu.memory_space<vmem>>
    %dma_wait3A_172 = arith.constant 0 : i32
    %dma_wait3A_173 = arith.constant 0 : i32
    %dma_wait3A_174 = tpu.memref_slice %arg2[%dma_wait3A_172, %dma_wait3A_173] : memref<100000x64xf32, #tpu.memory_space<hbm>> -> memref<640x64xf32, #tpu.memory_space<hbm>>
    tpu.wait_dma2 semaphore(%dma_wait3A_167 : memref<!tpu.dma_semaphore, #tpu.memory_space<semaphore_mem>>) src(%dma_wait3A_174 : memref<640x64xf32, #tpu.memory_space<hbm>>) dst(%dma_wait3A_171 : memref<640x64xf32, #tpu.memory_space<vmem>>)
    %dma_wait3A_175 = arith.constant 1 : i32
    %dma_wait3A_176 = arith.constant 1 : i32
    %dma_wait3A_177 = arith.constant 0 : i32
    %dma_wait3A_178 = arith.constant 0 : i32
    %dma_wait3A_179 = tpu.memref_slice %arg6[%dma_wait3A_175, %dma_wait3A_177, %dma_wait3A_178] : memref<2x640x64xf32, #tpu.memory_space<vmem>> -> memref<1x640x64xf32, #tpu.memory_space<vmem>>
    %dma_wait3A_180 = tpu.memref_squeeze %dma_wait3A_179 : memref<1x640x64xf32, #tpu.memory_space<vmem>> -> memref<640x64xf32, #tpu.memory_space<vmem>>
    %dma_wait3A_181 = arith.constant 0 : i32
    %dma_wait3A_182 = arith.constant 0 : i32
    %dma_wait3A_183 = tpu.memref_slice %arg2[%dma_wait3A_181, %dma_wait3A_182] : memref<100000x64xf32, #tpu.memory_space<hbm>> -> memref<640x64xf32, #tpu.memory_space<hbm>>
    %dma_wait3A_184 = tpu.memref_slice %arg8[%dma_wait3A_176] : memref<2x!tpu.dma_semaphore, #tpu.memory_space<semaphore_mem>> -> memref<1x!tpu.dma_semaphore, #tpu.memory_space<semaphore_mem>>
    %dma_wait3A_185 = tpu.memref_squeeze %dma_wait3A_184 : memref<1x!tpu.dma_semaphore, #tpu.memory_space<semaphore_mem>> -> memref<!tpu.dma_semaphore, #tpu.memory_space<semaphore_mem>>
    %dma_wait3A_186 = arith.constant 0 : i32
    %dma_wait3A_187 = arith.constant 0 : i32
    %dma_wait3A_188 = tpu.memref_slice %arg6[%dma_wait3A_175, %dma_wait3A_186, %dma_wait3A_187] : memref<2x640x64xf32, #tpu.memory_space<vmem>> -> memref<1x640x64xf32, #tpu.memory_space<vmem>>
    %dma_wait3A_189 = tpu.memref_squeeze %dma_wait3A_188 : memref<1x640x64xf32, #tpu.memory_space<vmem>> -> memref<640x64xf32, #tpu.memory_space<vmem>>
    %dma_wait3A_190 = arith.constant 0 : i32
    %dma_wait3A_191 = arith.constant 0 : i32
    %dma_wait3A_192 = tpu.memref_slice %arg2[%dma_wait3A_190, %dma_wait3A_191] : memref<100000x64xf32, #tpu.memory_space<hbm>> -> memref<640x64xf32, #tpu.memory_space<hbm>>
    tpu.wait_dma2 semaphore(%dma_wait3A_185 : memref<!tpu.dma_semaphore, #tpu.memory_space<semaphore_mem>>) src(%dma_wait3A_192 : memref<640x64xf32, #tpu.memory_space<hbm>>) dst(%dma_wait3A_189 : memref<640x64xf32, #tpu.memory_space<vmem>>)
    return
  }
}

</mosaic_0001>

<sc_bundles>
// kernel: kernel.3.cloned.1.call-start
scs
__scs_entry_jumppad:
0x0: {  	(pc) =	sbr.rel $0x88, $3  }
0x1: {  	(tag) =	ssettag $0x0;
	lr =	simm.s32 $0x1  }
0x2: {  	[smem:$0x3F9F] =	sst lr;
	_ =	strace $0xD0000000  }
0x3: {  	_ = 	snop  }
0x4: {  	_ = 	snop  }
0x5: {  	_ = 	snop  }
0x6: {  	_ = 	snop  }
0x7: {  	_ = 	snop  }
__scs_overlays_trampoline_lowered:
0x8: {  	[smem:$0x3FAE] =	sst s0  }
0x9: {  	[smem:$0x3FAF] =	sst s1  }
0xa: {  	[smem:$0x3FB0] =	sst s2  }
0xb: {  	[smem:$0x3FB1] =	sst s3  }
0xc: {  	[smem:$0x3FB2] =	sst s4  }
0xd: {  	[smem:$0x3FB3] =	sst s5  }
0xe: {  	[smem:$0x3FB4] =	sst s6  }
0xf: {  	[smem:$0x3FB5] =	sst s7  }
0x10: {  	[smem:$0x3FB6] =	sst s8  }
0x11: {  	[smem:$0x3FB7] =	sst s9;
	s0 =	simm.s32 @!p0 $0x0  }
0x12: {  	s1 =	sld [smem:$0x3F9D];
	s0 =	simm.s32 @p0 $0x1  }
0x13: {  	[smem:$0x3FB8] =	sst s0;
	s0 =	simm.s32 @!p1 $0x0  }
0x14: {  	s2 =	sld [smem:$0x3F9C];
	s0 =	simm.s32 @p1 $0x1  }
0x15: {  	[smem:$0x3FB9] =	sst s0;
	s0 =	simm.s32 @!p2 $0x0  }
0x16: {  	s3 =	sld [smem:$0x3FDB];
	s0 =	simm.s32 @p2 $0x1  }
0x17: {  	s4 =	simm.s32 $0x1BF5;
	[smem:$0x3FBB] =	sst s0  }
0x18: {  	s0 =	sld [smem:$0x3F9E];
	_ =	swait.ge [sflag:s4], $0x0  }
0x19: {  	s7 =	sld [smem:$0x3F9F]  }
0x1a: {  	s8 =	sadd.s32 $0xFFFFE003, lr  }
0x1b: {  	s9 =	sadd.s32 $0xFFFFFEF7, lr;
	s5 =	simm.s32 $0xFFFFFFFF;
	p2 =	slt.u32 s8, $0xFFFFF086  }
0x1c: {  	p1 =	slt.u32 s9, $0xF7A;
	s5 =	simm.s32 @!p2 $0x0  }
0x1d: {  	s5 =	simm.s32 @p1 $0x1;
	p0 =	seq.s32 s7, s2  }
0x1e: {  	s7 =	smul.u32 @!p0 $0xF7A, s2;
	p2 =	seq.s32 @!p0 s5, $0x0  }
0x1f: {  	s9 =	smul.u32 $0xF7A, s1;
	s8 =	simm.s32 @!p0 $0x1BF5;
	p2 =	por !p2, p0  }
0x20: {  	[sflag:s8] =	ssyncset.s32 @!p0 $0xFFFFF086;
	s6 =	sadd.s32 @!p0 s3, s7;
	s7 =	simm.s32 @!p0 $0x108  }
0x21: {  	s3 =	sadd.s32 s3, s9;
	s6 =	sadd.s32 @!p0 $0x88, s6;
	s7 =	simm.s32 @p2 $0x1082  }
0x22: {  	[simem:s7], [sflag:s8] =	dma.local @!p0 [hbm:s6], $0xF7A  }
0x23: {  	s9 =	sor.u32 $0xD0000000, s2;
	s6 =	simm.s32 $0x108;
	_ =	swait.ge @!p0 [sflag:s8], $0x0  }
0x24: {  	s3 =	sadd.s32 $0x88, s3;
	s6 =	simm.s32 @!p1 $0x1082;
	[sflag:s4] =	ssyncset.s32 $0xFFFFF086  }
0x25: {  	[simem:s6], [sflag:s4] =	dma.local [hbm:s3], $0xF7A  }
0x26: {  	[smem:$0x3F9F] =	sst s1;
	(tag) =	ssettag s2;
	_ =	strace s9  }
0x27: {  	s1 =	sld [smem:$0x3FAF]  }
0x28: {  	s2 =	sld [smem:$0x3FB0]  }
0x29: {  	s4 =	sld [smem:$0x3FB2]  }
0x2a: {  	p0 =	seq.s32 s5, $0x0;
	s5 =	sld [smem:$0x3FB3]  }
0x2b: {  	s6 =	sld [smem:$0x3FB4]  }
0x2c: {  	s7 =	sld [smem:$0x3FB5]  }
0x2d: {  	s3 =	simm.s32 $0x108;
	s8 =	sld [smem:$0x3FB6]  }
0x2e: {  	s3 =	simm.s32 @!p0 $0x1082;
	s9 =	sld [smem:$0x3FB7]  }
0x2f: {  	lr =	sadd.s32 s0, s3;
	s0 =	sld [smem:$0x3FAE]  }
0x30: {  	s3 =	sld [smem:$0x3FB1]  }
0x31: {  	[smem:$0x3FBA] =	sst s10  }
0x32: {  	s10 =	sld [smem:$0x3FB8];
	_ =	sdelay $0x3  }
0x33: {  	p0 =	seq.s32 s10, $0x1;
	s10 =	sld [smem:$0x3FBA];
	_ =	sdelay $0x3  }
0x34: {  	[smem:$0x3FBA] =	sst s10  }
0x35: {  	s10 =	sld [smem:$0x3FB9];
	_ =	sdelay $0x3  }
0x36: {  	p1 =	seq.s32 s10, $0x1;
	s10 =	sld [smem:$0x3FBA];
	_ =	sdelay $0x3  }
0x37: {  	[smem:$0x3FBA] =	sst s10  }
0x38: {  	s10 =	sld [smem:$0x3FBB]  }
0x39: {  	_ = 	snop;
	(pc) =	sbr.ind lr, $3  }
0x3a: {  	_ = 	snop  }
0x3b: {  	_ = 	snop  }
0x3c: {  	p2 =	seq.s32 s10, $0x1;
	s10 =	sld [smem:$0x3FBA]  }
0x3d: {  	_ =	shalt  }
0x3e: {  	_ =	shalt  }
0x3f: {  	_ =	shalt  }
0x40: {  	_ =	shalt  }
0x41: {  	_ =	shalt  }
0x42: {  	_ =	shalt  }
0x43: {  	_ =	shalt  }
0x44: {  	_ =	shalt  }
0x45: {  	_ =	shalt  }
0x46: {  	_ =	shalt  }
0x47: {  	_ =	shalt  }
0x48: {  	_ =	shalt  }
0x49: {  	_ =	shalt  }
0x4a: {  	_ =	shalt  }
0x4b: {  	_ =	shalt  }
0x4c: {  	_ =	shalt  }
0x4d: {  	_ =	shalt  }
0x4e: {  	_ =	shalt  }
0x4f: {  	_ =	shalt  }
0x50: {  	_ =	shalt  }
0x51: {  	_ =	shalt  }
0x52: {  	_ =	shalt  }
0x53: {  	_ =	shalt  }
0x54: {  	_ =	shalt  }
0x55: {  	_ =	shalt  }
0x56: {  	_ =	shalt  }
0x57: {  	_ =	shalt  }
0x58: {  	_ =	shalt  }
0x59: {  	_ =	shalt  }
0x5a: {  	_ =	shalt  }
0x5b: {  	_ =	shalt  }
0x5c: {  	_ =	shalt  }
0x5d: {  	_ =	shalt  }
0x5e: {  	_ =	shalt  }
0x5f: {  	_ =	shalt  }
0x60: {  	_ =	shalt  }
0x61: {  	_ =	shalt  }
0x62: {  	_ =	shalt  }
0x63: {  	_ =	shalt  }
0x64: {  	_ =	shalt  }
0x65: {  	_ =	shalt  }
0x66: {  	_ =	shalt  }
0x67: {  	_ =	shalt  }
0x68: {  	_ =	shalt  }
0x69: {  	_ =	shalt  }
0x6a: {  	_ =	shalt  }
0x6b: {  	_ =	shalt  }
0x6c: {  	_ =	shalt  }
0x6d: {  	_ =	shalt  }
0x6e: {  	_ =	shalt  }
0x6f: {  	_ =	shalt  }
0x70: {  	_ =	shalt  }
0x71: {  	_ =	shalt  }
0x72: {  	_ =	shalt  }
0x73: {  	_ =	shalt  }
0x74: {  	_ =	shalt  }
0x75: {  	_ =	shalt  }
0x76: {  	_ =	shalt  }
0x77: {  	_ =	shalt  }
0x78: {  	_ =	shalt  }
0x79: {  	_ =	shalt  }
0x7a: {  	_ =	shalt  }
0x7b: {  	_ =	shalt  }
0x7c: {  	_ =	shalt  }
0x7d: {  	_ =	shalt  }
0x7e: {  	_ =	shalt  }
0x7f: {  	_ =	shalt  }
0x80: {  	_ =	shalt  }
0x81: {  	_ =	shalt  }
0x82: {  	_ =	shalt  }
0x83: {  	_ =	shalt  }
0x84: {  	_ =	shalt  }
0x85: {  	_ =	shalt  }
0x86: {  	_ =	shalt  }
0x87: {  	_ =	shalt  }
.Lfunc_end0:
.L_simem_size_0:
called_computation.1_lowered:
.L_overlay_start_0:
0x88: {  	s2 =	sld [smem:$0x3FD9]  }
0x89: {  	s3 =	sld [smem:$0x3FFE];
	_ =	sdelay $0x1  }
0x8a: {  	s1 =	srdreg.scid  }
0x8b: {  	s0 =	sand.u32 $0x1, s1  }
0x8c: {  	s17 =	sshll.u32 s0, $0xA;
	s2 =	sadd.s32 s3, s2  }
0x8d: {  	s2 =	sadd.s32 s2, s17  }
0x8e: {  	[smem:$0x3FC6] =	sst s2  }
0x8f: {  	_ = 	snop  }
0x90: {  	s2 =	sld [smem:$0x3FD0];
	(tm) =	ssettm $0x1  }
0x91: {  	s18 =	sld [smem:$0x3FFB];
	_ =	sdelay $0x3  }
0x92: {  	_ =	strace s18  }
0x93: {  	s3 =	sld [smem:$0x3FFC];
	_ =	sdelay $0x3  }
0x94: {  	_ =	strace s3  }
0x95: {  	s3 =	sld [smem:$0x3FFD];
	_ =	sdelay $0x3  }
0x96: {  	_ =	strace s3  }
0x97: {  	_ =	strace $0x8FFFFFFF  }
0x98: {  	s19 =	sld [smem:$0x3FDB];
	_ =	sdelay $0x1  }
0x99: {  	s4 =	simm.s32 $_scs_section_size  }
0x9a: {  	s5 =	simm.s32 $_size__tile_overlayer_lowered;
	s6 =	simm.s32 $_tile_overlayer_lowered  }
0x9b: {  	s22 =	simm.s32 $0x1BFF;
	s21 =	sshll.u32 s6, $0x1;
	s3 =	sadd.s32 s4, s19  }
0x9c: {  	s7 =	simm.s32 $0x0;
	s20 =	sshll.u32 s5, $0x1;
	s5 =	sadd.s32 s21, s3  }
0x9d: {  	[timem:s7], [sflag:s22] =	dma.local [hbm:s5], s20  }
0x9e: {  	_ =	swait.ge [sflag:s22], s20  }
0x9f: {  	s4 =	ssub.s32 $0x0, s20;
	[sflag:s22] =	ssyncset.done $0x0  }
0xa0: {  	[sflag:s22] =	ssyncadd.s32 s4;
	_ =	sdelay $0x1  }
0xa1: {  	s23 =	simm.s32 $0x1B8B  }
0xa2: {  	_ =	swait.ge [sflag:s23], $0x1  }
0xa3: {  	[sflag:s23] =	ssyncset.done $0x0  }
0xa4: {  	s25 =	simm.s32 $0x1B8E;
	s24 =	sld [smem:$0x3FFE];
	[sflag:s23] =	ssyncadd.s32 $0xFFFFFFFF  }
0xa5: {  	s26 =	simm.s32 $execute0_lowered;
	[smem:$0x3FD2] =	sst s25  }
0xa6: {  	s5 =	sshll.u32 s26, $0x1;
	_ =	strace $0x80000046;
	[dreg:$0x1] =	wrdreg $0xFFFFFFFF  }
0xa7: {  	s28 =	simm.s32 $_size_execute0_lowered;
	s3 =	sadd.s32 s3, s5;
	[dreg:$0x0] =	wrdreg $0x0  }
0xa8: {  	s5 =	sshll.u32 s28, $0x1;
	[dreg:$0x2] =	wrdreg s3  }
0xa9: {  	[dreg:$0x3] =	wrdreg s5  }
0xaa: {  	[dreg:$0x4] =	wrdreg $0xC0  }
0xab: {  	_ =	task [dreg:s7], $0x5FFFF  }
0xac: {  	[dreg:$0x1] =	wrdreg $0xFFFFFFFF  }
0xad: {  	[dreg:$0x0] =	wrdreg $0x60  }
0xae: {  	[dreg:$0x2] =	wrdreg s24  }
0xaf: {  	[dreg:$0x3] =	wrdreg s2  }
0xb0: {  	[dreg:$0x4] =	wrdreg $0x9  }
0xb1: {  	_ =	task.clear_ibuf [dreg:s7], $0x5FFFF;
	_ =	strace $0x90000046  }
0xb2: {  	s29 =	simm.s32 $0x9;
	_ =	strace $0x80000048  }
0xb3: {  	_ =	swait.ge [sflag:s29], $0x1  }
0xb4: {  	[sflag:s29] =	ssyncadd.s32 $0xFFFFFFFF  }
0xb5: {  	_ =	strace $0x90000048  }
0xb6: {  	_ =	sfence  }
0xb7: {  	s30 =	sld [smem:$0x0];
	_ =	sdelay $0x2  }
0xb8: {  	s31 =	sshll.u32 s1, $0xD;
	s1 =	sshrl.u32 s1, $0x2  }
0xb9: {  	s3 =	sand.u32 $0x4000, s31;
	s1 =	sadd.s32 s1, s30  }
0xba: {  	s0 =	sor.u32 s3, s0;
	s1 =	sshll.u32 s1, $0x11  }
0xbb: {  	s0 =	sor.u32 s1, s0  }
0xbc: {  	s0 =	sadd.s32 $0x8F2B, s0  }
0xbd: {  	[sflag:s0] =	ssyncadd.remote.s32 $0x1  }
0xbe: {  	_ =	sfence.sel $0xFFFF  }
0xbf: {  	[dreg:$0x0] =	wrdreg $0xFFFFFFFF;
	(pc) =	sbr.abs _section_cstart, $3  }
0xc0: {  	[dreg:$0x1] =	wrdreg $0xFFFFFFFF  }
0xc1: {  	_ =	task.clear_ibuf [dreg:s7], $0x2FFFF;
	_ =	strace $0x9FFFFFFF  }
0xc2: {  	(tm) =	ssettm $0x7FFFFFFF  }
0xc3: {  	_ =	shalt  }
tec
execute0_lowered:
.L_overlay_start_1:
0x0: {  	(tag) =	ssettag $0x1  }
0x1: {  	s0 =	srdreg.scid  }
0x2: {  	s2 =	stileid.u32;
	s1 =	rddreg [dreg:$0x0];
	v0 =	vlaneseq.u32  }
0x3: {  	s8 =	simm.s32 $0x5;
	s9 =	simm.s32 $0x80;
	s10 =	simm.s32 $0x1900;
	v0 =	vmul.u32 $0x40, v0  }
0x4: {  	v1 =	vimm.f32 $0.0e+00;
	s17 =	simm.s32 $0x9900;
	s18 =	simm.s32 $0x280;
	s19 =	simm.s32 $0xB900  }
0x5: {  	s20 =	simm.s32 $0x300;
	s21 =	simm.s32 $0xD900;
	s22 =	simm.s32 $0x380;
	v2 =	vor.u32 $0x400, v0;
	v3 =	vor.u32 $0x800, v0;
	v4 =	vor.u32 $0xC00, v0  }
0x6: {  	s23 =	simm.s32 $0xF900;
	s24 =	simm.s32 $0x400;
	s25 =	simm.s32 $0x11900;
	v5 =	vor.u32 $0x1000, v0;
	v6 =	vor.u32 $0x1400, v0;
	v7 =	vor.u32 $0x1800, v0  }
0x7: {  	s26 =	simm.s32 $0x480;
	s0 =	sand.u32 $0x1, s0;
	s3 =	sshll.u32 s2, $0x1;
	v8 =	vor.u32 $0x1C00, v0;
	v9 =	vor.u32 $0x2000, v0;
	v10 =	vor.u32 $0x2400, v0  }
0x8: {  	s28 =	simm.s32 $0x13900;
	s29 =	simm.s32 $0x1;
	s4 =	sor.u32 s0, s3;
	v11 =	vor.u32 $0x2800, v0;
	v12 =	vor.u32 $0x2C00, v0;
	v13 =	vor.u32 $0x3000, v0  }
0x9: {  	s30 =	simm.s32 $0x2;
	s31 =	simm.s32 $0x3;
	s4 =	smul.u32 $0x1900, s4;
	v14 =	vor.u32 $0x3400, v0;
	v15 =	vor.u32 $0x3800, v0;
	v16 =	vor.u32 $0x3C00, v0  }
.Ltmp0:
0xa: {  	s2 =	rddreg [dreg:$0x1];
	s0 =	ssub.s32 $0x2, s0;
	v17 =	vor.u32 $0x4000, v0;
	v18 =	vor.u32 $0x4400, v0;
	v19 =	vor.u32 $0x4800, v0;
	(pc) =	sbr.rel .LBB2_1-.Ltmp0, $4  }
0xb: {  	s5 =	sadd.s32 $0x6C00, s1;
	s3 =	simm.s32 $0x0;
	s7 =	sshrl.u32 s0, $0x1;
	v20 =	vor.u32 $0x4C00, v0;
	v21 =	vor.u32 $0x5000, v0;
	v22 =	vor.u32 $0x5400, v0  }
0xc: {  	[smem:$0x7FF] =	sst s3;
	v23 =	vor.u32 $0x5800, v0;
	v24 =	vor.u32 $0x5C00, v0;
	v25 =	vor.u32 $0x6000, v0;
	s0 =	ssub.s32 s0, s7;
	s6 =	sshrl.u32 s4, $0x3  }
0xd: {  	v26 =	vor.u32 $0x6400, v0;
	v27 =	vor.u32 $0x6800, v0;
	v28 =	vor.u32 $0x6C00, v0;
	_ =	strace $0x80000047;
	s7 =	smax.u32 s0, $0x1;
	s1 =	sadd.s32 s6, s1  }
0xe: {  	v29 =	vor.u32 $0x7000, v0;
	v30 =	vor.u32 $0x7400, v0;
	v31 =	vor.u32 $0x7800, v0;
	s0 =	simm.s32 $0x0;
	s6 =	sadd.s32 $0x800, s1;
	s1 =	simm.s32 $0x4  }
.LBB2_324:
0xf: {  	s0 =	sadd.s32 $0x1, s0  }
0x10: {  	_ =	swait.ge [sflag:s31], $0xA000;
	p0 =	sne.s32 s0, s7  }
.Ltmp1:
0x11: {  	[sflag:s31] =	ssyncset.done $0x0;
	(pc) =	sbr.rel @!p0 .LBB2_325-.Ltmp1, $4  }
0x12: {  	[sflag:s31] =	ssyncadd.s32 $0xFFFF6000  }
0x13: {  	_ =	swait.ge [sflag:s1], $0xA000  }
0x14: {  	[sflag:s1] =	ssyncset.done $0x0  }
0x15: {  	[sflag:s1] =	ssyncadd.s32 $0xFFFF6000  }
.LBB2_1:
0x16: {  	[tilespmem:s3], [sflag:$0x5] =	stream.linear.gather [hbm4b:s6+s3], $0x1900, $0x38;
	[tilespmem:$0x15900] =	vst v63  }
0x17: {  	_ =	swait.ge [sflag:s8], $0x1900  }
0x18: {  	[sflag:s8] =	ssyncset.done $0x0  }
0x19: {  	[sflag:s8] =	ssyncadd.s32 $0xFFFFE700  }
0x1a: {  	[tilespmem:s10], [sflag:$0x1] =	stream.indirect.gather [hbm4b:s5+s9], $0x40, s3, s9, $0xb8;
	[tilespmem:$0x15900] =	vst v63  }
0x1b: {  	s11 =	simm.s32 $0x3900  }
0x1c: {  	[tilespmem:s11], [sflag:$0x1] =	stream.indirect.gather [hbm4b:s5+s9], $0x40, s9, s9, $0xb8;
	[tilespmem:$0x15900] =	vst v63  }
0x1d: {  	s13 =	simm.s32 $0x100;
	s12 =	simm.s32 $0x5900  }
0x1e: {  	[tilespmem:s12], [sflag:$0x1] =	stream.indirect.gather [hbm4b:s5+s9], $0x40, s13, s9, $0xb8;
	[tilespmem:$0x15900] =	vst v63  }
0x1f: {  	s14 =	simm.s32 $0x180;
	s15 =	simm.s32 $0x7900  }
0x20: {  	[tilespmem:s15], [sflag:$0x1] =	stream.indirect.gather [hbm4b:s5+s9], $0x40, s14, s9, $0xb8;
	[tilespmem:$0x15900] =	vst v63  }
0x21: {  	s16 =	simm.s32 $0x200  }
0x22: {  	[tilespmem:s17], [sflag:$0x1] =	stream.indirect.gather [hbm4b:s5+s9], $0x40, s16, s9, $0xb8;
	[tilespmem:$0x15900] =	vst v63  }
0x23: {  	_ = 	snop  }
0x24: {  	[tilespmem:s19], [sflag:$0x2] =	stream.indirect.gather [hbm4b:s5+s9], $0x40, s18, s9, $0xb8;
	[tilespmem:$0x15900] =	vst v63  }
0x25: {  	_ = 	snop  }
0x26: {  	[tilespmem:s21], [sflag:$0x2] =	stream.indirect.gather [hbm4b:s5+s9], $0x40, s20, s9, $0xb8;
	[tilespmem:$0x15900] =	vst v63  }
0x27: {  	_ = 	snop  }
0x28: {  	[tilespmem:s23], [sflag:$0x2] =	stream.indirect.gather [hbm4b:s5+s9], $0x40, s22, s9, $0xb8;
	[tilespmem:$0x15900] =	vst v63  }
0x29: {  	_ = 	snop  }
0x2a: {  	[tilespmem:s25], [sflag:$0x2] =	stream.indirect.gather [hbm4b:s5+s9], $0x40, s24, s9, $0xb8;
	[tilespmem:$0x15900] =	vst v63  }
0x2b: {  	s11 =	simm.s32 $0x0  }
0x2c: {  	[tilespmem:s28], [sflag:$0x2] =	stream.indirect.gather [hbm4b:s5+s9], $0x40, s26, s9, $0xb8;
	[tilespmem:$0x15900] =	vst v63  }
.LBB2_2:
0x2d: {  	_ =	swait.ge [sflag:s29], $0x2000  }
0x2e: {  	[sflag:s29] =	ssyncset.done $0x0  }
0x2f: {  	[sflag:s29] =	ssyncadd.s32 $0xFFFFE000  }
0x30: {  	_ =	swait.ge [sflag:s29], $0x2000  }
0x31: {  	[sflag:s29] =	ssyncset.done $0x0  }
0x32: {  	[sflag:s29] =	ssyncadd.s32 $0xFFFFE000  }
0x33: {  	_ =	swait.ge [sflag:s29], $0x2000  }
0x34: {  	[sflag:s29] =	ssyncset.done $0x0  }
0x35: {  	[sflag:s29] =	ssyncadd.s32 $0xFFFFE000  }
0x36: {  	_ =	swait.ge [sflag:s29], $0x2000  }
0x37: {  	[sflag:s29] =	ssyncset.done $0x0  }
0x38: {  	[sflag:s29] =	ssyncadd.s32 $0xFFFFE000  }
0x39: {  	_ =	swait.ge [sflag:s29], $0x2000  }
0x3a: {  	s12 =	smul.u32 $0x500, s11;
	[sflag:s29] =	ssyncset.done $0x0  }
0x3b: {  	[sflag:s29] =	ssyncadd.s32 $0xFFFFE000  }
0x3c: {  	v32 =	vld [tilespmem:s12+$0x0];
	_ =	sdelay $0x4  }
0x3d: {  	v33 =	vxor.u32 $0x80000000, v32  }
0x3e: {  	(xrf0) =	vmin.scan.msk.u32 $0xffff, v33;
	_ =	sdelay $0x5  }
0x3f: {  	v33, _, _ =	vpop (xrf0)  }
0x40: {  	(v2sf) =	vpush v33, $0xF;
	_ =	sdelay $0xe  }
0x41: {  	s13 =	spop (v2sf)  }
0x42: {  	p0 =	sne.s32 s13, $0x80000000  }
.Ltmp2:
0x43: {  	_ = 	snop;
	(pc) =	sbr.rel @p0 .LBB2_6-.Ltmp2, $2  }
0x44: {  	_ =	sdelay $0x2  }
0x45: {  	s13 =	simm.s32 $0x0  }
0x46: {  	v33 =	vmov s13  }
0x47: {  	v33 =	vand.u32 $0x3F, v33  }
0x48: {  	v33 =	vbroadcast v33, $0x0  }
0x49: {  	vm0 =	veq.s32 v32, $0x0  }
0x4a: {  	s13 =	sadd.s32 $0x1, s13;
	v32 =	vor.u32 v0, v33  }
.LBB2_4:
0x4b: {  	p0 =	sne.s32 s13, $0x3F  }
.Ltmp3:
0x4c: {  	v33 =	vmov s13;
	s13 =	sadd.s32 $0x1, s13;
	(pc) =	sbr.rel @p0 .LBB2_4-.Ltmp3, $4  }
0x4d: {  	v33 =	vand.u32 $0x3F, v33  }
0x4e: {  	v33 =	vbroadcast v33, $0x0  }
0x4f: {  	[tilespmem:v32+s10+$0x0] =	vst.idx.msk vm0, v1  }
0x50: {  	v32 =	vor.u32 v0, v33  }
0x51: {  	_ =	sdelay $0x4  }
0x52: {  	[tilespmem:v32+s10+$0x0] =	vst.idx.msk vm0, v1  }
.LBB2_6:
0x53: {  	v32 =	vld [tilespmem:s12+$0x10];
	_ =	sdelay $0x4  }
0x54: {  	v33 =	vxor.u32 $0x80000000, v32  }
0x55: {  	(xrf0) =	vmin.scan.msk.u32 $0xffff, v33;
	_ =	sdelay $0x5  }
0x56: {  	v33, _, _ =	vpop (xrf0)  }
0x57: {  	(v2sf) =	vpush v33, $0xF;
	_ =	sdelay $0xe  }
0x58: {  	s13 =	spop (v2sf)  }
0x59: {  	p0 =	sne.s32 s13, $0x80000000  }
.Ltmp4:
0x5a: {  	_ = 	snop;
	(pc) =	sbr.rel @p0 .LBB2_10-.Ltmp4, $2  }
0x5b: {  	_ =	sdelay $0x2  }
0x5c: {  	s13 =	simm.s32 $0x0  }
0x5d: {  	v33 =	vmov s13  }
0x5e: {  	v33 =	vand.u32 $0x3F, v33  }
0x5f: {  	v33 =	vbroadcast v33, $0x0  }
0x60: {  	vm0 =	veq.s32 v32, $0x0  }
0x61: {  	s13 =	sadd.s32 $0x1, s13;
	v32 =	vor.u32 v2, v33  }
.LBB2_8:
0x62: {  	p0 =	sne.s32 s13, $0x3F  }
.Ltmp5:
0x63: {  	v33 =	vmov s13;
	s13 =	sadd.s32 $0x1, s13;
	(pc) =	sbr.rel @p0 .LBB2_8-.Ltmp5, $4  }
0x64: {  	v33 =	vand.u32 $0x3F, v33  }
0x65: {  	v33 =	vbroadcast v33, $0x0  }
0x66: {  	[tilespmem:v32+s10+$0x0] =	vst.idx.msk vm0, v1  }
0x67: {  	v32 =	vor.u32 v2, v33  }
0x68: {  	_ =	sdelay $0x4  }
0x69: {  	[tilespmem:v32+s10+$0x0] =	vst.idx.msk vm0, v1  }
.LBB2_10:
0x6a: {  	v32 =	vld [tilespmem:s12+$0x20];
	_ =	sdelay $0x4  }
0x6b: {  	v33 =	vxor.u32 $0x80000000, v32  }
0x6c: {  	(xrf0) =	vmin.scan.msk.u32 $0xffff, v33;
	_ =	sdelay $0x5  }
0x6d: {  	v33, _, _ =	vpop (xrf0)  }
0x6e: {  	(v2sf) =	vpush v33, $0xF;
	_ =	sdelay $0xe  }
0x6f: {  	s13 =	spop (v2sf)  }
0x70: {  	p0 =	sne.s32 s13, $0x80000000  }
.Ltmp6:
0x71: {  	_ = 	snop;
	(pc) =	sbr.rel @p0 .LBB2_14-.Ltmp6, $2  }
0x72: {  	_ =	sdelay $0x2  }
0x73: {  	s13 =	simm.s32 $0x0  }
0x74: {  	v33 =	vmov s13  }
0x75: {  	v33 =	vand.u32 $0x3F, v33  }
0x76: {  	v33 =	vbroadcast v33, $0x0  }
0x77: {  	vm0 =	veq.s32 v32, $0x0  }
0x78: {  	s13 =	sadd.s32 $0x1, s13;
	v32 =	vor.u32 v3, v33  }
.LBB2_12:
0x79: {  	p0 =	sne.s32 s13, $0x3F  }
.Ltmp7:
0x7a: {  	v33 =	vmov s13;
	s13 =	sadd.s32 $0x1, s13;
	(pc) =	sbr.rel @p0 .LBB2_12-.Ltmp7, $4  }
0x7b: {  	v33 =	vand.u32 $0x3F, v33  }
0x7c: {  	v33 =	vbroadcast v33, $0x0  }
0x7d: {  	[tilespmem:v32+s10+$0x0] =	vst.idx.msk vm0, v1  }
0x7e: {  	v32 =	vor.u32 v3, v33  }
0x7f: {  	_ =	sdelay $0x4  }
0x80: {  	[tilespmem:v32+s10+$0x0] =	vst.idx.msk vm0, v1  }
.LBB2_14:
0x81: {  	v32 =	vld [tilespmem:s12+$0x30];
	_ =	sdelay $0x4  }
0x82: {  	v33 =	vxor.u32 $0x80000000, v32  }
0x83: {  	(xrf0) =	vmin.scan.msk.u32 $0xffff, v33;
	_ =	sdelay $0x5  }
0x84: {  	v33, _, _ =	vpop (xrf0)  }
0x85: {  	(v2sf) =	vpush v33, $0xF;
	_ =	sdelay $0xe  }
0x86: {  	s13 =	spop (v2sf)  }
0x87: {  	p0 =	sne.s32 s13, $0x80000000  }
.Ltmp8:
0x88: {  	_ = 	snop;
	(pc) =	sbr.rel @p0 .LBB2_18-.Ltmp8, $2  }
0x89: {  	_ =	sdelay $0x2  }
0x8a: {  	s13 =	simm.s32 $0x0  }
0x8b: {  	v33 =	vmov s13  }
0x8c: {  	v33 =	vand.u32 $0x3F, v33  }
0x8d: {  	v33 =	vbroadcast v33, $0x0  }
0x8e: {  	vm0 =	veq.s32 v32, $0x0  }
0x8f: {  	s13 =	sadd.s32 $0x1, s13;
	v32 =	vor.u32 v4, v33  }
.LBB2_16:
0x90: {  	p0 =	sne.s32 s13, $0x3F  }
.Ltmp9:
0x91: {  	v33 =	vmov s13;
	s13 =	sadd.s32 $0x1, s13;
	(pc) =	sbr.rel @p0 .LBB2_16-.Ltmp9, $4  }
0x92: {  	v33 =	vand.u32 $0x3F, v33  }
0x93: {  	v33 =	vbroadcast v33, $0x0  }
0x94: {  	[tilespmem:v32+s10+$0x0] =	vst.idx.msk vm0, v1  }
0x95: {  	v32 =	vor.u32 v4, v33  }
0x96: {  	_ =	sdelay $0x4  }
0x97: {  	[tilespmem:v32+s10+$0x0] =	vst.idx.msk vm0, v1  }
.LBB2_18:
0x98: {  	v32 =	vld [tilespmem:s12+$0x40];
	_ =	sdelay $0x4  }
0x99: {  	v33 =	vxor.u32 $0x80000000, v32  }
0x9a: {  	(xrf0) =	vmin.scan.msk.u32 $0xffff, v33;
	_ =	sdelay $0x5  }
0x9b: {  	v33, _, _ =	vpop (xrf0)  }
0x9c: {  	(v2sf) =	vpush v33, $0xF;
	_ =	sdelay $0xe  }
0x9d: {  	s13 =	spop (v2sf)  }
0x9e: {  	p0 =	sne.s32 s13, $0x80000000  }
.Ltmp10:
0x9f: {  	_ = 	snop;
	(pc) =	sbr.rel @p0 .LBB2_22-.Ltmp10, $2  }
0xa0: {  	_ =	sdelay $0x2  }
0xa1: {  	s13 =	simm.s32 $0x0  }
0xa2: {  	v33 =	vmov s13  }
0xa3: {  	v33 =	vand.u32 $0x3F, v33  }
0xa4: {  	v33 =	vbroadcast v33, $0x0  }
0xa5: {  	vm0 =	veq.s32 v32, $0x0  }
0xa6: {  	s13 =	sadd.s32 $0x1, s13;
	v32 =	vor.u32 v5, v33  }
.LBB2_20:
0xa7: {  	p0 =	sne.s32 s13, $0x3F  }
.Ltmp11:
0xa8: {  	v33 =	vmov s13;
	s13 =	sadd.s32 $0x1, s13;
	(pc) =	sbr.rel @p0 .LBB2_20-.Ltmp11, $4  }
0xa9: {  	v33 =	vand.u32 $0x3F, v33  }
0xaa: {  	v33 =	vbroadcast v33, $0x0  }
0xab: {  	[tilespmem:v32+s10+$0x0] =	vst.idx.msk vm0, v1  }
0xac: {  	v32 =	vor.u32 v5, v33  }
0xad: {  	_ =	sdelay $0x4  }
0xae: {  	[tilespmem:v32+s10+$0x0] =	vst.idx.msk vm0, v1  }
.LBB2_22:
0xaf: {  	v32 =	vld [tilespmem:s12+$0x50];
	_ =	sdelay $0x4  }
0xb0: {  	v33 =	vxor.u32 $0x80000000, v32  }
0xb1: {  	(xrf0) =	vmin.scan.msk.u32 $0xffff, v33;
	_ =	sdelay $0x5  }
0xb2: {  	v33, _, _ =	vpop (xrf0)  }
0xb3: {  	(v2sf) =	vpush v33, $0xF;
	_ =	sdelay $0xe  }
0xb4: {  	s13 =	spop (v2sf)  }
0xb5: {  	p0 =	sne.s32 s13, $0x80000000  }
.Ltmp12:
0xb6: {  	_ = 	snop;
	(pc) =	sbr.rel @p0 .LBB2_26-.Ltmp12, $2  }
0xb7: {  	_ =	sdelay $0x2  }
0xb8: {  	s13 =	simm.s32 $0x0  }
0xb9: {  	v33 =	vmov s13  }
0xba: {  	v33 =	vand.u32 $0x3F, v33  }
0xbb: {  	v33 =	vbroadcast v33, $0x0  }
0xbc: {  	vm0 =	veq.s32 v32, $0x0  }
0xbd: {  	s13 =	sadd.s32 $0x1, s13;
	v32 =	vor.u32 v6, v33  }
.LBB2_24:
0xbe: {  	p0 =	sne.s32 s13, $0x3F  }
.Ltmp13:
0xbf: {  	v33 =	vmov s13;
	s13 =	sadd.s32 $0x1, s13;
	(pc) =	sbr.rel @p0 .LBB2_24-.Ltmp13, $4  }
0xc0: {  	v33 =	vand.u32 $0x3F, v33  }
0xc1: {  	v33 =	vbroadcast v33, $0x0  }
0xc2: {  	[tilespmem:v32+s10+$0x0] =	vst.idx.msk vm0, v1  }
0xc3: {  	v32 =	vor.u32 v6, v33  }
0xc4: {  	_ =	sdelay $0x4  }
0xc5: {  	[tilespmem:v32+s10+$0x0] =	vst.idx.msk vm0, v1  }
.LBB2_26:
0xc6: {  	v32 =	vld [tilespmem:s12+$0x60];
	_ =	sdelay $0x4  }
0xc7: {  	v33 =	vxor.u32 $0x80000000, v32  }
0xc8: {  	(xrf0) =	vmin.scan.msk.u32 $0xffff, v33;
	_ =	sdelay $0x5  }
0xc9: {  	v33, _, _ =	vpop (xrf0)  }
0xca: {  	(v2sf) =	vpush v33, $0xF;
	_ =	sdelay $0xe  }
0xcb: {  	s13 =	spop (v2sf)  }
0xcc: {  	p0 =	sne.s32 s13, $0x80000000  }
.Ltmp14:
0xcd: {  	_ = 	snop;
	(pc) =	sbr.rel @p0 .LBB2_30-.Ltmp14, $2  }
0xce: {  	_ =	sdelay $0x2  }
0xcf: {  	s13 =	simm.s32 $0x0  }
0xd0: {  	v33 =	vmov s13  }
0xd1: {  	v33 =	vand.u32 $0x3F, v33  }
0xd2: {  	v33 =	vbroadcast v33, $0x0  }
0xd3: {  	vm0 =	veq.s32 v32, $0x0  }
0xd4: {  	s13 =	sadd.s32 $0x1, s13;
	v32 =	vor.u32 v7, v33  }
.LBB2_28:
0xd5: {  	p0 =	sne.s32 s13, $0x3F  }
.Ltmp15:
0xd6: {  	v33 =	vmov s13;
	s13 =	sadd.s32 $0x1, s13;
	(pc) =	sbr.rel @p0 .LBB2_28-.Ltmp15, $4  }
0xd7: {  	v33 =	vand.u32 $0x3F, v33  }
0xd8: {  	v33 =	vbroadcast v33, $0x0  }
0xd9: {  	[tilespmem:v32+s10+$0x0] =	vst.idx.msk vm0, v1  }
0xda: {  	v32 =	vor.u32 v7, v33  }
0xdb: {  	_ =	sdelay $0x4  }
0xdc: {  	[tilespmem:v32+s10+$0x0] =	vst.idx.msk vm0, v1  }
.LBB2_30:
0xdd: {  	v32 =	vld [tilespmem:s12+$0x70];
	_ =	sdelay $0x4  }
0xde: {  	v33 =	vxor.u32 $0x80000000, v32  }
0xdf: {  	(xrf0) =	vmin.scan.msk.u32 $0xffff, v33;
	_ =	sdelay $0x5  }
0xe0: {  	v33, _, _ =	vpop (xrf0)  }
0xe1: {  	(v2sf) =	vpush v33, $0xF;
	_ =	sdelay $0xe  }
0xe2: {  	s13 =	spop (v2sf)  }
0xe3: {  	p0 =	sne.s32 s13, $0x80000000  }
.Ltmp16:
0xe4: {  	_ = 	snop;
	(pc) =	sbr.rel @p0 .LBB2_34-.Ltmp16, $2  }
0xe5: {  	_ =	sdelay $0x2  }
0xe6: {  	s13 =	simm.s32 $0x0  }
0xe7: {  	v33 =	vmov s13  }
0xe8: {  	v33 =	vand.u32 $0x3F, v33  }
0xe9: {  	v33 =	vbroadcast v33, $0x0  }
0xea: {  	vm0 =	veq.s32 v32, $0x0  }
0xeb: {  	s13 =	sadd.s32 $0x1, s13;
	v32 =	vor.u32 v8, v33  }
.LBB2_32:
0xec: {  	p0 =	sne.s32 s13, $0x3F  }
.Ltmp17:
0xed: {  	v33 =	vmov s13;
	s13 =	sadd.s32 $0x1, s13;
	(pc) =	sbr.rel @p0 .LBB2_32-.Ltmp17, $4  }
0xee: {  	v33 =	vand.u32 $0x3F, v33  }
0xef: {  	v33 =	vbroadcast v33, $0x0  }
0xf0: {  	[tilespmem:v32+s10+$0x0] =	vst.idx.msk vm0, v1  }
0xf1: {  	v32 =	vor.u32 v8, v33  }
0xf2: {  	_ =	sdelay $0x4  }
0xf3: {  	[tilespmem:v32+s10+$0x0] =	vst.idx.msk vm0, v1  }
.LBB2_34:
0xf4: {  	v32 =	vld [tilespmem:s12+$0x80];
	_ =	sdelay $0x4  }
0xf5: {  	v33 =	vxor.u32 $0x80000000, v32  }
0xf6: {  	(xrf0) =	vmin.scan.msk.u32 $0xffff, v33;
	_ =	sdelay $0x5  }
0xf7: {  	v33, _, _ =	vpop (xrf0)  }
0xf8: {  	(v2sf) =	vpush v33, $0xF;
	_ =	sdelay $0xe  }
0xf9: {  	s13 =	spop (v2sf)  }
0xfa: {  	p0 =	sne.s32 s13, $0x80000000  }
.Ltmp18:
0xfb: {  	_ = 	snop;
	(pc) =	sbr.rel @p0 .LBB2_38-.Ltmp18, $2  }
0xfc: {  	_ =	sdelay $0x2  }
0xfd: {  	s13 =	simm.s32 $0x0  }
0xfe: {  	v33 =	vmov s13  }
0xff: {  	v33 =	vand.u32 $0x3F, v33  }
0x100: {  	v33 =	vbroadcast v33, $0x0  }
0x101: {  	vm0 =	veq.s32 v32, $0x0  }
0x102: {  	s13 =	sadd.s32 $0x1, s13;
	v32 =	vor.u32 v9, v33  }
.LBB2_36:
0x103: {  	p0 =	sne.s32 s13, $0x3F  }
.Ltmp19:
0x104: {  	v33 =	vmov s13;
	s13 =	sadd.s32 $0x1, s13;
	(pc) =	sbr.rel @p0 .LBB2_36-.Ltmp19, $4  }
0x105: {  	v33 =	vand.u32 $0x3F, v33  }
0x106: {  	v33 =	vbroadcast v33, $0x0  }
0x107: {  	[tilespmem:v32+s10+$0x0] =	vst.idx.msk vm0, v1  }
0x108: {  	v32 =	vor.u32 v9, v33  }
0x109: {  	_ =	sdelay $0x4  }
0x10a: {  	[tilespmem:v32+s10+$0x0] =	vst.idx.msk vm0, v1  }
.LBB2_38:
0x10b: {  	v32 =	vld [tilespmem:s12+$0x90];
	_ =	sdelay $0x4  }
0x10c: {  	v33 =	vxor.u32 $0x80000000, v32  }
0x10d: {  	(xrf0) =	vmin.scan.msk.u32 $0xffff, v33;
	_ =	sdelay $0x5  }
0x10e: {  	v33, _, _ =	vpop (xrf0)  }
0x10f: {  	(v2sf) =	vpush v33, $0xF;
	_ =	sdelay $0xe  }
0x110: {  	s13 =	spop (v2sf)  }
0x111: {  	p0 =	sne.s32 s13, $0x80000000  }
.Ltmp20:
0x112: {  	_ = 	snop;
	(pc) =	sbr.rel @p0 .LBB2_42-.Ltmp20, $2  }
0x113: {  	_ =	sdelay $0x2  }
0x114: {  	s13 =	simm.s32 $0x0  }
0x115: {  	v33 =	vmov s13  }
0x116: {  	v33 =	vand.u32 $0x3F, v33  }
0x117: {  	v33 =	vbroadcast v33, $0x0  }
0x118: {  	vm0 =	veq.s32 v32, $0x0  }
0x119: {  	s13 =	sadd.s32 $0x1, s13;
	v32 =	vor.u32 v10, v33  }
.LBB2_40:
0x11a: {  	p0 =	sne.s32 s13, $0x3F  }
.Ltmp21:
0x11b: {  	v33 =	vmov s13;
	s13 =	sadd.s32 $0x1, s13;
	(pc) =	sbr.rel @p0 .LBB2_40-.Ltmp21, $4  }
0x11c: {  	v33 =	vand.u32 $0x3F, v33  }
0x11d: {  	v33 =	vbroadcast v33, $0x0  }
0x11e: {  	[tilespmem:v32+s10+$0x0] =	vst.idx.msk vm0, v1  }
0x11f: {  	v32 =	vor.u32 v10, v33  }
0x120: {  	_ =	sdelay $0x4  }
0x121: {  	[tilespmem:v32+s10+$0x0] =	vst.idx.msk vm0, v1  }
.LBB2_42:
0x122: {  	v32 =	vld [tilespmem:s12+$0xA0];
	_ =	sdelay $0x4  }
0x123: {  	v33 =	vxor.u32 $0x80000000, v32  }
0x124: {  	(xrf0) =	vmin.scan.msk.u32 $0xffff, v33;
	_ =	sdelay $0x5  }
0x125: {  	v33, _, _ =	vpop (xrf0)  }
0x126: {  	(v2sf) =	vpush v33, $0xF;
	_ =	sdelay $0xe  }
0x127: {  	s13 =	spop (v2sf)  }
0x128: {  	p0 =	sne.s32 s13, $0x80000000  }
.Ltmp22:
0x129: {  	_ = 	snop;
	(pc) =	sbr.rel @p0 .LBB2_46-.Ltmp22, $2  }
0x12a: {  	_ =	sdelay $0x2  }
0x12b: {  	s13 =	simm.s32 $0x0  }
0x12c: {  	v33 =	vmov s13  }
0x12d: {  	v33 =	vand.u32 $0x3F, v33  }
0x12e: {  	v33 =	vbroadcast v33, $0x0  }
0x12f: {  	vm0 =	veq.s32 v32, $0x0  }
0x130: {  	s13 =	sadd.s32 $0x1, s13;
	v32 =	vor.u32 v11, v33  }
.LBB2_44:
0x131: {  	p0 =	sne.s32 s13, $0x3F  }
.Ltmp23:
0x132: {  	v33 =	vmov s13;
	s13 =	sadd.s32 $0x1, s13;
	(pc) =	sbr.rel @p0 .LBB2_44-.Ltmp23, $4  }
0x133: {  	v33 =	vand.u32 $0x3F, v33  }
0x134: {  	v33 =	vbroadcast v33, $0x0  }
0x135: {  	[tilespmem:v32+s10+$0x0] =	vst.idx.msk vm0, v1  }
0x136: {  	v32 =	vor.u32 v11, v33  }
0x137: {  	_ =	sdelay $0x4  }
0x138: {  	[tilespmem:v32+s10+$0x0] =	vst.idx.msk vm0, v1  }
.LBB2_46:
0x139: {  	v32 =	vld [tilespmem:s12+$0xB0];
	_ =	sdelay $0x4  }
0x13a: {  	v33 =	vxor.u32 $0x80000000, v32  }
0x13b: {  	(xrf0) =	vmin.scan.msk.u32 $0xffff, v33;
	_ =	sdelay $0x5  }
0x13c: {  	v33, _, _ =	vpop (xrf0)  }
0x13d: {  	(v2sf) =	vpush v33, $0xF;
	_ =	sdelay $0xe  }
0x13e: {  	s13 =	spop (v2sf)  }
0x13f: {  	p0 =	sne.s32 s13, $0x80000000  }
.Ltmp24:
0x140: {  	_ = 	snop;
	(pc) =	sbr.rel @p0 .LBB2_50-.Ltmp24, $2  }
0x141: {  	_ =	sdelay $0x2  }
0x142: {  	s13 =	simm.s32 $0x0  }
0x143: {  	v33 =	vmov s13  }
0x144: {  	v33 =	vand.u32 $0x3F, v33  }
0x145: {  	v33 =	vbroadcast v33, $0x0  }
0x146: {  	vm0 =	veq.s32 v32, $0x0  }
0x147: {  	s13 =	sadd.s32 $0x1, s13;
	v32 =	vor.u32 v12, v33  }
.LBB2_48:
0x148: {  	p0 =	sne.s32 s13, $0x3F  }
.Ltmp25:
0x149: {  	v33 =	vmov s13;
	s13 =	sadd.s32 $0x1, s13;
	(pc) =	sbr.rel @p0 .LBB2_48-.Ltmp25, $4  }
0x14a: {  	v33 =	vand.u32 $0x3F, v33  }
0x14b: {  	v33 =	vbroadcast v33, $0x0  }
0x14c: {  	[tilespmem:v32+s10+$0x0] =	vst.idx.msk vm0, v1  }
0x14d: {  	v32 =	vor.u32 v12, v33  }
0x14e: {  	_ =	sdelay $0x4  }
0x14f: {  	[tilespmem:v32+s10+$0x0] =	vst.idx.msk vm0, v1  }
.LBB2_50:
0x150: {  	v32 =	vld [tilespmem:s12+$0xC0];
	_ =	sdelay $0x4  }
0x151: {  	v33 =	vxor.u32 $0x80000000, v32  }
0x152: {  	(xrf0) =	vmin.scan.msk.u32 $0xffff, v33;
	_ =	sdelay $0x5  }
0x153: {  	v33, _, _ =	vpop (xrf0)  }
0x154: {  	(v2sf) =	vpush v33, $0xF;
	_ =	sdelay $0xe  }
0x155: {  	s13 =	spop (v2sf)  }
0x156: {  	p0 =	sne.s32 s13, $0x80000000  }
.Ltmp26:
0x157: {  	_ = 	snop;
	(pc) =	sbr.rel @p0 .LBB2_54-.Ltmp26, $2  }
0x158: {  	_ =	sdelay $0x2  }
0x159: {  	s13 =	simm.s32 $0x0  }
0x15a: {  	v33 =	vmov s13  }
0x15b: {  	v33 =	vand.u32 $0x3F, v33  }
0x15c: {  	v33 =	vbroadcast v33, $0x0  }
0x15d: {  	vm0 =	veq.s32 v32, $0x0  }
0x15e: {  	s13 =	sadd.s32 $0x1, s13;
	v32 =	vor.u32 v13, v33  }
.LBB2_52:
0x15f: {  	p0 =	sne.s32 s13, $0x3F  }
.Ltmp27:
0x160: {  	v33 =	vmov s13;
	s13 =	sadd.s32 $0x1, s13;
	(pc) =	sbr.rel @p0 .LBB2_52-.Ltmp27, $4  }
0x161: {  	v33 =	vand.u32 $0x3F, v33  }
0x162: {  	v33 =	vbroadcast v33, $0x0  }
0x163: {  	[tilespmem:v32+s10+$0x0] =	vst.idx.msk vm0, v1  }
0x164: {  	v32 =	vor.u32 v13, v33  }
0x165: {  	_ =	sdelay $0x4  }
0x166: {  	[tilespmem:v32+s10+$0x0] =	vst.idx.msk vm0, v1  }
.LBB2_54:
0x167: {  	v32 =	vld [tilespmem:s12+$0xD0];
	_ =	sdelay $0x4  }
0x168: {  	v33 =	vxor.u32 $0x80000000, v32  }
0x169: {  	(xrf0) =	vmin.scan.msk.u32 $0xffff, v33;
	_ =	sdelay $0x5  }
0x16a: {  	v33, _, _ =	vpop (xrf0)  }
0x16b: {  	(v2sf) =	vpush v33, $0xF;
	_ =	sdelay $0xe  }
0x16c: {  	s13 =	spop (v2sf)  }
0x16d: {  	p0 =	sne.s32 s13, $0x80000000  }
.Ltmp28:
0x16e: {  	_ = 	snop;
	(pc) =	sbr.rel @p0 .LBB2_58-.Ltmp28, $2  }
0x16f: {  	_ =	sdelay $0x2  }
0x170: {  	s13 =	simm.s32 $0x0  }
0x171: {  	v33 =	vmov s13  }
0x172: {  	v33 =	vand.u32 $0x3F, v33  }
0x173: {  	v33 =	vbroadcast v33, $0x0  }
0x174: {  	vm0 =	veq.s32 v32, $0x0  }
0x175: {  	s13 =	sadd.s32 $0x1, s13;
	v32 =	vor.u32 v14, v33  }
.LBB2_56:
0x176: {  	p0 =	sne.s32 s13, $0x3F  }
.Ltmp29:
0x177: {  	v33 =	vmov s13;
	s13 =	sadd.s32 $0x1, s13;
	(pc) =	sbr.rel @p0 .LBB2_56-.Ltmp29, $4  }
0x178: {  	v33 =	vand.u32 $0x3F, v33  }
0x179: {  	v33 =	vbroadcast v33, $0x0  }
0x17a: {  	[tilespmem:v32+s10+$0x0] =	vst.idx.msk vm0, v1  }
0x17b: {  	v32 =	vor.u32 v14, v33  }
0x17c: {  	_ =	sdelay $0x4  }
0x17d: {  	[tilespmem:v32+s10+$0x0] =	vst.idx.msk vm0, v1  }
.LBB2_58:
0x17e: {  	v32 =	vld [tilespmem:s12+$0xE0];
	_ =	sdelay $0x4  }
0x17f: {  	v33 =	vxor.u32 $0x80000000, v32  }
0x180: {  	(xrf0) =	vmin.scan.msk.u32 $0xffff, v33;
	_ =	sdelay $0x5  }
0x181: {  	v33, _, _ =	vpop (xrf0)  }
0x182: {  	(v2sf) =	vpush v33, $0xF;
	_ =	sdelay $0xe  }
0x183: {  	s13 =	spop (v2sf)  }
0x184: {  	p0 =	sne.s32 s13, $0x80000000  }
.Ltmp30:
0x185: {  	_ = 	snop;
	(pc) =	sbr.rel @p0 .LBB2_62-.Ltmp30, $2  }
0x186: {  	_ =	sdelay $0x2  }
0x187: {  	s13 =	simm.s32 $0x0  }
0x188: {  	v33 =	vmov s13  }
0x189: {  	v33 =	vand.u32 $0x3F, v33  }
0x18a: {  	v33 =	vbroadcast v33, $0x0  }
0x18b: {  	vm0 =	veq.s32 v32, $0x0  }
0x18c: {  	s13 =	sadd.s32 $0x1, s13;
	v32 =	vor.u32 v15, v33  }
.LBB2_60:
0x18d: {  	p0 =	sne.s32 s13, $0x3F  }
.Ltmp31:
0x18e: {  	v33 =	vmov s13;
	s13 =	sadd.s32 $0x1, s13;
	(pc) =	sbr.rel @p0 .LBB2_60-.Ltmp31, $4  }
0x18f: {  	v33 =	vand.u32 $0x3F, v33  }
0x190: {  	v33 =	vbroadcast v33, $0x0  }
0x191: {  	[tilespmem:v32+s10+$0x0] =	vst.idx.msk vm0, v1  }
0x192: {  	v32 =	vor.u32 v15, v33  }
0x193: {  	_ =	sdelay $0x4  }
0x194: {  	[tilespmem:v32+s10+$0x0] =	vst.idx.msk vm0, v1  }
.LBB2_62:
0x195: {  	v32 =	vld [tilespmem:s12+$0xF0];
	_ =	sdelay $0x4  }
0x196: {  	v33 =	vxor.u32 $0x80000000, v32  }
0x197: {  	(xrf0) =	vmin.scan.msk.u32 $0xffff, v33;
	_ =	sdelay $0x5  }
0x198: {  	v33, _, _ =	vpop (xrf0)  }
0x199: {  	(v2sf) =	vpush v33, $0xF;
	_ =	sdelay $0xe  }
0x19a: {  	s13 =	spop (v2sf)  }
0x19b: {  	p0 =	sne.s32 s13, $0x80000000  }
.Ltmp32:
0x19c: {  	_ = 	snop;
	(pc) =	sbr.rel @p0 .LBB2_66-.Ltmp32, $2  }
0x19d: {  	_ =	sdelay $0x2  }
0x19e: {  	s13 =	simm.s32 $0x0  }
0x19f: {  	v33 =	vmov s13  }
0x1a0: {  	v33 =	vand.u32 $0x3F, v33  }
0x1a1: {  	v33 =	vbroadcast v33, $0x0  }
0x1a2: {  	vm0 =	veq.s32 v32, $0x0  }
0x1a3: {  	s13 =	sadd.s32 $0x1, s13;
	v32 =	vor.u32 v16, v33  }
.LBB2_64:
0x1a4: {  	p0 =	sne.s32 s13, $0x3F  }
.Ltmp33:
0x1a5: {  	v33 =	vmov s13;
	s13 =	sadd.s32 $0x1, s13;
	(pc) =	sbr.rel @p0 .LBB2_64-.Ltmp33, $4  }
0x1a6: {  	v33 =	vand.u32 $0x3F, v33  }
0x1a7: {  	v33 =	vbroadcast v33, $0x0  }
0x1a8: {  	[tilespmem:v32+s10+$0x0] =	vst.idx.msk vm0, v1  }
0x1a9: {  	v32 =	vor.u32 v16, v33  }
0x1aa: {  	_ =	sdelay $0x4  }
0x1ab: {  	[tilespmem:v32+s10+$0x0] =	vst.idx.msk vm0, v1  }
.LBB2_66:
0x1ac: {  	v32 =	vld [tilespmem:s12+$0x100];
	_ =	sdelay $0x4  }
0x1ad: {  	v33 =	vxor.u32 $0x80000000, v32  }
0x1ae: {  	(xrf0) =	vmin.scan.msk.u32 $0xffff, v33;
	_ =	sdelay $0x5  }
0x1af: {  	v33, _, _ =	vpop (xrf0)  }
0x1b0: {  	(v2sf) =	vpush v33, $0xF;
	_ =	sdelay $0xe  }
0x1b1: {  	s13 =	spop (v2sf)  }
0x1b2: {  	p0 =	sne.s32 s13, $0x80000000  }
.Ltmp34:
0x1b3: {  	_ = 	snop;
	(pc) =	sbr.rel @p0 .LBB2_70-.Ltmp34, $2  }
0x1b4: {  	_ =	sdelay $0x2  }
0x1b5: {  	s13 =	simm.s32 $0x0  }
0x1b6: {  	v33 =	vmov s13  }
0x1b7: {  	v33 =	vand.u32 $0x3F, v33  }
0x1b8: {  	v33 =	vbroadcast v33, $0x0  }
0x1b9: {  	vm0 =	veq.s32 v32, $0x0  }
0x1ba: {  	s13 =	sadd.s32 $0x1, s13;
	v32 =	vor.u32 v17, v33  }
.LBB2_68:
0x1bb: {  	p0 =	sne.s32 s13, $0x3F  }
.Ltmp35:
0x1bc: {  	v33 =	vmov s13;
	s13 =	sadd.s32 $0x1, s13;
	(pc) =	sbr.rel @p0 .LBB2_68-.Ltmp35, $4  }
0x1bd: {  	v33 =	vand.u32 $0x3F, v33  }
0x1be: {  	v33 =	vbroadcast v33, $0x0  }
0x1bf: {  	[tilespmem:v32+s10+$0x0] =	vst.idx.msk vm0, v1  }
0x1c0: {  	v32 =	vor.u32 v17, v33  }
0x1c1: {  	_ =	sdelay $0x4  }
0x1c2: {  	[tilespmem:v32+s10+$0x0] =	vst.idx.msk vm0, v1  }
.LBB2_70:
0x1c3: {  	v32 =	vld [tilespmem:s12+$0x110];
	_ =	sdelay $0x4  }
0x1c4: {  	v33 =	vxor.u32 $0x80000000, v32  }
0x1c5: {  	(xrf0) =	vmin.scan.msk.u32 $0xffff, v33;
	_ =	sdelay $0x5  }
0x1c6: {  	v33, _, _ =	vpop (xrf0)  }
0x1c7: {  	(v2sf) =	vpush v33, $0xF;
	_ =	sdelay $0xe  }
0x1c8: {  	s13 =	spop (v2sf)  }
0x1c9: {  	p0 =	sne.s32 s13, $0x80000000  }
.Ltmp36:
0x1ca: {  	_ = 	snop;
	(pc) =	sbr.rel @p0 .LBB2_74-.Ltmp36, $2  }
0x1cb: {  	_ =	sdelay $0x2  }
0x1cc: {  	s13 =	simm.s32 $0x0  }
0x1cd: {  	v33 =	vmov s13  }
0x1ce: {  	v33 =	vand.u32 $0x3F, v33  }
0x1cf: {  	v33 =	vbroadcast v33, $0x0  }
0x1d0: {  	vm0 =	veq.s32 v32, $0x0  }
0x1d1: {  	s13 =	sadd.s32 $0x1, s13;
	v32 =	vor.u32 v18, v33  }
.LBB2_72:
0x1d2: {  	p0 =	sne.s32 s13, $0x3F  }
.Ltmp37:
0x1d3: {  	v33 =	vmov s13;
	s13 =	sadd.s32 $0x1, s13;
	(pc) =	sbr.rel @p0 .LBB2_72-.Ltmp37, $4  }
0x1d4: {  	v33 =	vand.u32 $0x3F, v33  }
0x1d5: {  	v33 =	vbroadcast v33, $0x0  }
0x1d6: {  	[tilespmem:v32+s10+$0x0] =	vst.idx.msk vm0, v1  }
0x1d7: {  	v32 =	vor.u32 v18, v33  }
0x1d8: {  	_ =	sdelay $0x4  }
0x1d9: {  	[tilespmem:v32+s10+$0x0] =	vst.idx.msk vm0, v1  }
.LBB2_74:
0x1da: {  	v32 =	vld [tilespmem:s12+$0x120];
	_ =	sdelay $0x4  }
0x1db: {  	v33 =	vxor.u32 $0x80000000, v32  }
0x1dc: {  	(xrf0) =	vmin.scan.msk.u32 $0xffff, v33;
	_ =	sdelay $0x5  }
0x1dd: {  	v33, _, _ =	vpop (xrf0)  }
0x1de: {  	(v2sf) =	vpush v33, $0xF;
	_ =	sdelay $0xe  }
0x1df: {  	s13 =	spop (v2sf)  }
0x1e0: {  	p0 =	sne.s32 s13, $0x80000000  }
.Ltmp38:
0x1e1: {  	_ = 	snop;
	(pc) =	sbr.rel @p0 .LBB2_78-.Ltmp38, $2  }
0x1e2: {  	_ =	sdelay $0x2  }
0x1e3: {  	s13 =	simm.s32 $0x0  }
0x1e4: {  	v33 =	vmov s13  }
0x1e5: {  	v33 =	vand.u32 $0x3F, v33  }
0x1e6: {  	v33 =	vbroadcast v33, $0x0  }
0x1e7: {  	vm0 =	veq.s32 v32, $0x0  }
0x1e8: {  	s13 =	sadd.s32 $0x1, s13;
	v32 =	vor.u32 v19, v33  }
.LBB2_76:
0x1e9: {  	p0 =	sne.s32 s13, $0x3F  }
.Ltmp39:
0x1ea: {  	v33 =	vmov s13;
	s13 =	sadd.s32 $0x1, s13;
	(pc) =	sbr.rel @p0 .LBB2_76-.Ltmp39, $4  }
0x1eb: {  	v33 =	vand.u32 $0x3F, v33  }
0x1ec: {  	v33 =	vbroadcast v33, $0x0  }
0x1ed: {  	[tilespmem:v32+s10+$0x0] =	vst.idx.msk vm0, v1  }
0x1ee: {  	v32 =	vor.u32 v19, v33  }
0x1ef: {  	_ =	sdelay $0x4  }
0x1f0: {  	[tilespmem:v32+s10+$0x0] =	vst.idx.msk vm0, v1  }
.LBB2_78:
0x1f1: {  	v32 =	vld [tilespmem:s12+$0x130];
	_ =	sdelay $0x4  }
0x1f2: {  	v33 =	vxor.u32 $0x80000000, v32  }
0x1f3: {  	(xrf0) =	vmin.scan.msk.u32 $0xffff, v33;
	_ =	sdelay $0x5  }
0x1f4: {  	v33, _, _ =	vpop (xrf0)  }
0x1f5: {  	(v2sf) =	vpush v33, $0xF;
	_ =	sdelay $0xe  }
0x1f6: {  	s13 =	spop (v2sf)  }
0x1f7: {  	p0 =	sne.s32 s13, $0x80000000  }
.Ltmp40:
0x1f8: {  	_ = 	snop;
	(pc) =	sbr.rel @p0 .LBB2_82-.Ltmp40, $2  }
0x1f9: {  	_ =	sdelay $0x2  }
0x1fa: {  	s13 =	simm.s32 $0x0  }
0x1fb: {  	v33 =	vmov s13  }
0x1fc: {  	v33 =	vand.u32 $0x3F, v33  }
0x1fd: {  	v33 =	vbroadcast v33, $0x0  }
0x1fe: {  	vm0 =	veq.s32 v32, $0x0  }
0x1ff: {  	s13 =	sadd.s32 $0x1, s13;
	v32 =	vor.u32 v20, v33  }
.LBB2_80:
0x200: {  	p0 =	sne.s32 s13, $0x3F  }
.Ltmp41:
0x201: {  	v33 =	vmov s13;
	s13 =	sadd.s32 $0x1, s13;
	(pc) =	sbr.rel @p0 .LBB2_80-.Ltmp41, $4  }
0x202: {  	v33 =	vand.u32 $0x3F, v33  }
0x203: {  	v33 =	vbroadcast v33, $0x0  }
0x204: {  	[tilespmem:v32+s10+$0x0] =	vst.idx.msk vm0, v1  }
0x205: {  	v32 =	vor.u32 v20, v33  }
0x206: {  	_ =	sdelay $0x4  }
0x207: {  	[tilespmem:v32+s10+$0x0] =	vst.idx.msk vm0, v1  }
.LBB2_82:
0x208: {  	v32 =	vld [tilespmem:s12+$0x140];
	_ =	sdelay $0x4  }
0x209: {  	v33 =	vxor.u32 $0x80000000, v32  }
0x20a: {  	(xrf0) =	vmin.scan.msk.u32 $0xffff, v33;
	_ =	sdelay $0x5  }
0x20b: {  	v33, _, _ =	vpop (xrf0)  }
0x20c: {  	(v2sf) =	vpush v33, $0xF;
	_ =	sdelay $0xe  }
0x20d: {  	s13 =	spop (v2sf)  }
0x20e: {  	p0 =	sne.s32 s13, $0x80000000  }
.Ltmp42:
0x20f: {  	_ = 	snop;
	(pc) =	sbr.rel @p0 .LBB2_86-.Ltmp42, $2  }
0x210: {  	_ =	sdelay $0x2  }
0x211: {  	s13 =	simm.s32 $0x0  }
0x212: {  	v33 =	vmov s13  }
0x213: {  	v33 =	vand.u32 $0x3F, v33  }
0x214: {  	v33 =	vbroadcast v33, $0x0  }
0x215: {  	vm0 =	veq.s32 v32, $0x0  }
0x216: {  	s13 =	sadd.s32 $0x1, s13;
	v32 =	vor.u32 v21, v33  }
.LBB2_84:
0x217: {  	p0 =	sne.s32 s13, $0x3F  }
.Ltmp43:
0x218: {  	v33 =	vmov s13;
	s13 =	sadd.s32 $0x1, s13;
	(pc) =	sbr.rel @p0 .LBB2_84-.Ltmp43, $4  }
0x219: {  	v33 =	vand.u32 $0x3F, v33  }
0x21a: {  	v33 =	vbroadcast v33, $0x0  }
0x21b: {  	[tilespmem:v32+s10+$0x0] =	vst.idx.msk vm0, v1  }
0x21c: {  	v32 =	vor.u32 v21, v33  }
0x21d: {  	_ =	sdelay $0x4  }
0x21e: {  	[tilespmem:v32+s10+$0x0] =	vst.idx.msk vm0, v1  }
.LBB2_86:
0x21f: {  	v32 =	vld [tilespmem:s12+$0x150];
	_ =	sdelay $0x4  }
0x220: {  	v33 =	vxor.u32 $0x80000000, v32  }
0x221: {  	(xrf0) =	vmin.scan.msk.u32 $0xffff, v33;
	_ =	sdelay $0x5  }
0x222: {  	v33, _, _ =	vpop (xrf0)  }
0x223: {  	(v2sf) =	vpush v33, $0xF;
	_ =	sdelay $0xe  }
0x224: {  	s13 =	spop (v2sf)  }
0x225: {  	p0 =	sne.s32 s13, $0x80000000  }
.Ltmp44:
0x226: {  	_ = 	snop;
	(pc) =	sbr.rel @p0 .LBB2_90-.Ltmp44, $2  }
0x227: {  	_ =	sdelay $0x2  }
0x228: {  	s13 =	simm.s32 $0x0  }
0x229: {  	v33 =	vmov s13  }
0x22a: {  	v33 =	vand.u32 $0x3F, v33  }
0x22b: {  	v33 =	vbroadcast v33, $0x0  }
0x22c: {  	vm0 =	veq.s32 v32, $0x0  }
0x22d: {  	s13 =	sadd.s32 $0x1, s13;
	v32 =	vor.u32 v22, v33  }
.LBB2_88:
0x22e: {  	p0 =	sne.s32 s13, $0x3F  }
.Ltmp45:
0x22f: {  	v33 =	vmov s13;
	s13 =	sadd.s32 $0x1, s13;
	(pc) =	sbr.rel @p0 .LBB2_88-.Ltmp45, $4  }
0x230: {  	v33 =	vand.u32 $0x3F, v33  }
0x231: {  	v33 =	vbroadcast v33, $0x0  }
0x232: {  	[tilespmem:v32+s10+$0x0] =	vst.idx.msk vm0, v1  }
0x233: {  	v32 =	vor.u32 v22, v33  }
0x234: {  	_ =	sdelay $0x4  }
0x235: {  	[tilespmem:v32+s10+$0x0] =	vst.idx.msk vm0, v1  }
.LBB2_90:
0x236: {  	v32 =	vld [tilespmem:s12+$0x160];
	_ =	sdelay $0x4  }
0x237: {  	v33 =	vxor.u32 $0x80000000, v32  }
0x238: {  	(xrf0) =	vmin.scan.msk.u32 $0xffff, v33;
	_ =	sdelay $0x5  }
0x239: {  	v33, _, _ =	vpop (xrf0)  }
0x23a: {  	(v2sf) =	vpush v33, $0xF;
	_ =	sdelay $0xe  }
0x23b: {  	s13 =	spop (v2sf)  }
0x23c: {  	p0 =	sne.s32 s13, $0x80000000  }
.Ltmp46:
0x23d: {  	_ = 	snop;
	(pc) =	sbr.rel @p0 .LBB2_94-.Ltmp46, $2  }
0x23e: {  	_ =	sdelay $0x2  }
0x23f: {  	s13 =	simm.s32 $0x0  }
0x240: {  	v33 =	vmov s13  }
0x241: {  	v33 =	vand.u32 $0x3F, v33  }
0x242: {  	v33 =	vbroadcast v33, $0x0  }
0x243: {  	vm0 =	veq.s32 v32, $0x0  }
0x244: {  	s13 =	sadd.s32 $0x1, s13;
	v32 =	vor.u32 v23, v33  }
.LBB2_92:
0x245: {  	p0 =	sne.s32 s13, $0x3F  }
.Ltmp47:
0x246: {  	v33 =	vmov s13;
	s13 =	sadd.s32 $0x1, s13;
	(pc) =	sbr.rel @p0 .LBB2_92-.Ltmp47, $4  }
0x247: {  	v33 =	vand.u32 $0x3F, v33  }
0x248: {  	v33 =	vbroadcast v33, $0x0  }
0x249: {  	[tilespmem:v32+s10+$0x0] =	vst.idx.msk vm0, v1  }
0x24a: {  	v32 =	vor.u32 v23, v33  }
0x24b: {  	_ =	sdelay $0x4  }
0x24c: {  	[tilespmem:v32+s10+$0x0] =	vst.idx.msk vm0, v1  }
.LBB2_94:
0x24d: {  	v32 =	vld [tilespmem:s12+$0x170];
	_ =	sdelay $0x4  }
0x24e: {  	v33 =	vxor.u32 $0x80000000, v32  }
0x24f: {  	(xrf0) =	vmin.scan.msk.u32 $0xffff, v33;
	_ =	sdelay $0x5  }
0x250: {  	v33, _, _ =	vpop (xrf0)  }
0x251: {  	(v2sf) =	vpush v33, $0xF;
	_ =	sdelay $0xe  }
0x252: {  	s13 =	spop (v2sf)  }
0x253: {  	p0 =	sne.s32 s13, $0x80000000  }
.Ltmp48:
0x254: {  	_ = 	snop;
	(pc) =	sbr.rel @p0 .LBB2_98-.Ltmp48, $2  }
0x255: {  	_ =	sdelay $0x2  }
0x256: {  	s13 =	simm.s32 $0x0  }
0x257: {  	v33 =	vmov s13  }
0x258: {  	v33 =	vand.u32 $0x3F, v33  }
0x259: {  	v33 =	vbroadcast v33, $0x0  }
0x25a: {  	vm0 =	veq.s32 v32, $0x0  }
0x25b: {  	s13 =	sadd.s32 $0x1, s13;
	v32 =	vor.u32 v24, v33  }
.LBB2_96:
0x25c: {  	p0 =	sne.s32 s13, $0x3F  }
.Ltmp49:
0x25d: {  	v33 =	vmov s13;
	s13 =	sadd.s32 $0x1, s13;
	(pc) =	sbr.rel @p0 .LBB2_96-.Ltmp49, $4  }
0x25e: {  	v33 =	vand.u32 $0x3F, v33  }
0x25f: {  	v33 =	vbroadcast v33, $0x0  }
0x260: {  	[tilespmem:v32+s10+$0x0] =	vst.idx.msk vm0, v1  }
0x261: {  	v32 =	vor.u32 v24, v33  }
0x262: {  	_ =	sdelay $0x4  }
0x263: {  	[tilespmem:v32+s10+$0x0] =	vst.idx.msk vm0, v1  }
.LBB2_98:
0x264: {  	v32 =	vld [tilespmem:s12+$0x180];
	_ =	sdelay $0x4  }
0x265: {  	v33 =	vxor.u32 $0x80000000, v32  }
0x266: {  	(xrf0) =	vmin.scan.msk.u32 $0xffff, v33;
	_ =	sdelay $0x5  }
0x267: {  	v33, _, _ =	vpop (xrf0)  }
0x268: {  	(v2sf) =	vpush v33, $0xF;
	_ =	sdelay $0xe  }
0x269: {  	s13 =	spop (v2sf)  }
0x26a: {  	p0 =	sne.s32 s13, $0x80000000  }
.Ltmp50:
0x26b: {  	_ = 	snop;
	(pc) =	sbr.rel @p0 .LBB2_102-.Ltmp50, $2  }
0x26c: {  	_ =	sdelay $0x2  }
0x26d: {  	s13 =	simm.s32 $0x0  }
0x26e: {  	v33 =	vmov s13  }
0x26f: {  	v33 =	vand.u32 $0x3F, v33  }
0x270: {  	v33 =	vbroadcast v33, $0x0  }
0x271: {  	vm0 =	veq.s32 v32, $0x0  }
0x272: {  	s13 =	sadd.s32 $0x1, s13;
	v32 =	vor.u32 v25, v33  }
.LBB2_100:
0x273: {  	p0 =	sne.s32 s13, $0x3F  }
.Ltmp51:
0x274: {  	v33 =	vmov s13;
	s13 =	sadd.s32 $0x1, s13;
	(pc) =	sbr.rel @p0 .LBB2_100-.Ltmp51, $4  }
0x275: {  	v33 =	vand.u32 $0x3F, v33  }
0x276: {  	v33 =	vbroadcast v33, $0x0  }
0x277: {  	[tilespmem:v32+s10+$0x0] =	vst.idx.msk vm0, v1  }
0x278: {  	v32 =	vor.u32 v25, v33  }
0x279: {  	_ =	sdelay $0x4  }
0x27a: {  	[tilespmem:v32+s10+$0x0] =	vst.idx.msk vm0, v1  }
.LBB2_102:
0x27b: {  	v32 =	vld [tilespmem:s12+$0x190];
	_ =	sdelay $0x4  }
0x27c: {  	v33 =	vxor.u32 $0x80000000, v32  }
0x27d: {  	(xrf0) =	vmin.scan.msk.u32 $0xffff, v33;
	_ =	sdelay $0x5  }
0x27e: {  	v33, _, _ =	vpop (xrf0)  }
0x27f: {  	(v2sf) =	vpush v33, $0xF;
	_ =	sdelay $0xe  }
0x280: {  	s13 =	spop (v2sf)  }
0x281: {  	p0 =	sne.s32 s13, $0x80000000  }
.Ltmp52:
0x282: {  	_ = 	snop;
	(pc) =	sbr.rel @p0 .LBB2_106-.Ltmp52, $2  }
0x283: {  	_ =	sdelay $0x2  }
0x284: {  	s13 =	simm.s32 $0x0  }
0x285: {  	v33 =	vmov s13  }
0x286: {  	v33 =	vand.u32 $0x3F, v33  }
0x287: {  	v33 =	vbroadcast v33, $0x0  }
0x288: {  	vm0 =	veq.s32 v32, $0x0  }
0x289: {  	s13 =	sadd.s32 $0x1, s13;
	v32 =	vor.u32 v26, v33  }
.LBB2_104:
0x28a: {  	p0 =	sne.s32 s13, $0x3F  }
.Ltmp53:
0x28b: {  	v33 =	vmov s13;
	s13 =	sadd.s32 $0x1, s13;
	(pc) =	sbr.rel @p0 .LBB2_104-.Ltmp53, $4  }
0x28c: {  	v33 =	vand.u32 $0x3F, v33  }
0x28d: {  	v33 =	vbroadcast v33, $0x0  }
0x28e: {  	[tilespmem:v32+s10+$0x0] =	vst.idx.msk vm0, v1  }
0x28f: {  	v32 =	vor.u32 v26, v33  }
0x290: {  	_ =	sdelay $0x4  }
0x291: {  	[tilespmem:v32+s10+$0x0] =	vst.idx.msk vm0, v1  }
.LBB2_106:
0x292: {  	v32 =	vld [tilespmem:s12+$0x1A0];
	_ =	sdelay $0x4  }
0x293: {  	v33 =	vxor.u32 $0x80000000, v32  }
0x294: {  	(xrf0) =	vmin.scan.msk.u32 $0xffff, v33;
	_ =	sdelay $0x5  }
0x295: {  	v33, _, _ =	vpop (xrf0)  }
0x296: {  	(v2sf) =	vpush v33, $0xF;
	_ =	sdelay $0xe  }
0x297: {  	s13 =	spop (v2sf)  }
0x298: {  	p0 =	sne.s32 s13, $0x80000000  }
.Ltmp54:
0x299: {  	_ = 	snop;
	(pc) =	sbr.rel @p0 .LBB2_110-.Ltmp54, $2  }
0x29a: {  	_ =	sdelay $0x2  }
0x29b: {  	s13 =	simm.s32 $0x0  }
0x29c: {  	v33 =	vmov s13  }
0x29d: {  	v33 =	vand.u32 $0x3F, v33  }
0x29e: {  	v33 =	vbroadcast v33, $0x0  }
0x29f: {  	vm0 =	veq.s32 v32, $0x0  }
0x2a0: {  	s13 =	sadd.s32 $0x1, s13;
	v32 =	vor.u32 v27, v33  }
.LBB2_108:
0x2a1: {  	p0 =	sne.s32 s13, $0x3F  }
.Ltmp55:
0x2a2: {  	v33 =	vmov s13;
	s13 =	sadd.s32 $0x1, s13;
	(pc) =	sbr.rel @p0 .LBB2_108-.Ltmp55, $4  }
0x2a3: {  	v33 =	vand.u32 $0x3F, v33  }
0x2a4: {  	v33 =	vbroadcast v33, $0x0  }
0x2a5: {  	[tilespmem:v32+s10+$0x0] =	vst.idx.msk vm0, v1  }
0x2a6: {  	v32 =	vor.u32 v27, v33  }
0x2a7: {  	_ =	sdelay $0x4  }
0x2a8: {  	[tilespmem:v32+s10+$0x0] =	vst.idx.msk vm0, v1  }
.LBB2_110:
0x2a9: {  	v32 =	vld [tilespmem:s12+$0x1B0];
	_ =	sdelay $0x4  }
0x2aa: {  	v33 =	vxor.u32 $0x80000000, v32  }
0x2ab: {  	(xrf0) =	vmin.scan.msk.u32 $0xffff, v33;
	_ =	sdelay $0x5  }
0x2ac: {  	v33, _, _ =	vpop (xrf0)  }
0x2ad: {  	(v2sf) =	vpush v33, $0xF;
	_ =	sdelay $0xe  }
0x2ae: {  	s13 =	spop (v2sf)  }
0x2af: {  	p0 =	sne.s32 s13, $0x80000000  }
.Ltmp56:
0x2b0: {  	_ = 	snop;
	(pc) =	sbr.rel @p0 .LBB2_114-.Ltmp56, $2  }
0x2b1: {  	_ =	sdelay $0x2  }
0x2b2: {  	s13 =	simm.s32 $0x0  }
0x2b3: {  	v33 =	vmov s13  }
0x2b4: {  	v33 =	vand.u32 $0x3F, v33  }
0x2b5: {  	v33 =	vbroadcast v33, $0x0  }
0x2b6: {  	vm0 =	veq.s32 v32, $0x0  }
0x2b7: {  	s13 =	sadd.s32 $0x1, s13;
	v32 =	vor.u32 v28, v33  }
.LBB2_112:
0x2b8: {  	p0 =	sne.s32 s13, $0x3F  }
.Ltmp57:
0x2b9: {  	v33 =	vmov s13;
	s13 =	sadd.s32 $0x1, s13;
	(pc) =	sbr.rel @p0 .LBB2_112-.Ltmp57, $4  }
0x2ba: {  	v33 =	vand.u32 $0x3F, v33  }
0x2bb: {  	v33 =	vbroadcast v33, $0x0  }
0x2bc: {  	[tilespmem:v32+s10+$0x0] =	vst.idx.msk vm0, v1  }
0x2bd: {  	v32 =	vor.u32 v28, v33  }
0x2be: {  	_ =	sdelay $0x4  }
0x2bf: {  	[tilespmem:v32+s10+$0x0] =	vst.idx.msk vm0, v1  }
.LBB2_114:
0x2c0: {  	v32 =	vld [tilespmem:s12+$0x1C0];
	_ =	sdelay $0x4  }
0x2c1: {  	v33 =	vxor.u32 $0x80000000, v32  }
0x2c2: {  	(xrf0) =	vmin.scan.msk.u32 $0xffff, v33;
	_ =	sdelay $0x5  }
0x2c3: {  	v33, _, _ =	vpop (xrf0)  }
0x2c4: {  	(v2sf) =	vpush v33, $0xF;
	_ =	sdelay $0xe  }
0x2c5: {  	s13 =	spop (v2sf)  }
0x2c6: {  	p0 =	sne.s32 s13, $0x80000000  }
.Ltmp58:
0x2c7: {  	_ = 	snop;
	(pc) =	sbr.rel @p0 .LBB2_118-.Ltmp58, $2  }
0x2c8: {  	_ =	sdelay $0x2  }
0x2c9: {  	s13 =	simm.s32 $0x0  }
0x2ca: {  	v33 =	vmov s13  }
0x2cb: {  	v33 =	vand.u32 $0x3F, v33  }
0x2cc: {  	v33 =	vbroadcast v33, $0x0  }
0x2cd: {  	vm0 =	veq.s32 v32, $0x0  }
0x2ce: {  	s13 =	sadd.s32 $0x1, s13;
	v32 =	vor.u32 v29, v33  }
.LBB2_116:
0x2cf: {  	p0 =	sne.s32 s13, $0x3F  }
.Ltmp59:
0x2d0: {  	v33 =	vmov s13;
	s13 =	sadd.s32 $0x1, s13;
	(pc) =	sbr.rel @p0 .LBB2_116-.Ltmp59, $4  }
0x2d1: {  	v33 =	vand.u32 $0x3F, v33  }
0x2d2: {  	v33 =	vbroadcast v33, $0x0  }
0x2d3: {  	[tilespmem:v32+s10+$0x0] =	vst.idx.msk vm0, v1  }
0x2d4: {  	v32 =	vor.u32 v29, v33  }
0x2d5: {  	_ =	sdelay $0x4  }
0x2d6: {  	[tilespmem:v32+s10+$0x0] =	vst.idx.msk vm0, v1  }
.LBB2_118:
0x2d7: {  	v32 =	vld [tilespmem:s12+$0x1D0];
	_ =	sdelay $0x4  }
0x2d8: {  	v33 =	vxor.u32 $0x80000000, v32  }
0x2d9: {  	(xrf0) =	vmin.scan.msk.u32 $0xffff, v33;
	_ =	sdelay $0x5  }
0x2da: {  	v33, _, _ =	vpop (xrf0)  }
0x2db: {  	(v2sf) =	vpush v33, $0xF;
	_ =	sdelay $0xe  }
0x2dc: {  	s13 =	spop (v2sf)  }
0x2dd: {  	p0 =	sne.s32 s13, $0x80000000  }
.Ltmp60:
0x2de: {  	_ = 	snop;
	(pc) =	sbr.rel @p0 .LBB2_122-.Ltmp60, $2  }
0x2df: {  	_ =	sdelay $0x2  }
0x2e0: {  	s13 =	simm.s32 $0x0  }
0x2e1: {  	v33 =	vmov s13  }
0x2e2: {  	v33 =	vand.u32 $0x3F, v33  }
0x2e3: {  	v33 =	vbroadcast v33, $0x0  }
0x2e4: {  	vm0 =	veq.s32 v32, $0x0  }
0x2e5: {  	s13 =	sadd.s32 $0x1, s13;
	v32 =	vor.u32 v30, v33  }
.LBB2_120:
0x2e6: {  	p0 =	sne.s32 s13, $0x3F  }
.Ltmp61:
0x2e7: {  	v33 =	vmov s13;
	s13 =	sadd.s32 $0x1, s13;
	(pc) =	sbr.rel @p0 .LBB2_120-.Ltmp61, $4  }
0x2e8: {  	v33 =	vand.u32 $0x3F, v33  }
0x2e9: {  	v33 =	vbroadcast v33, $0x0  }
0x2ea: {  	[tilespmem:v32+s10+$0x0] =	vst.idx.msk vm0, v1  }
0x2eb: {  	v32 =	vor.u32 v30, v33  }
0x2ec: {  	_ =	sdelay $0x4  }
0x2ed: {  	[tilespmem:v32+s10+$0x0] =	vst.idx.msk vm0, v1  }
.LBB2_122:
0x2ee: {  	v32 =	vld [tilespmem:s12+$0x1E0];
	_ =	sdelay $0x4  }
0x2ef: {  	v33 =	vxor.u32 $0x80000000, v32  }
0x2f0: {  	(xrf0) =	vmin.scan.msk.u32 $0xffff, v33;
	_ =	sdelay $0x5  }
0x2f1: {  	v33, _, _ =	vpop (xrf0)  }
0x2f2: {  	(v2sf) =	vpush v33, $0xF;
	_ =	sdelay $0xe  }
0x2f3: {  	s13 =	spop (v2sf)  }
0x2f4: {  	p0 =	sne.s32 s13, $0x80000000  }
.Ltmp62:
0x2f5: {  	_ = 	snop;
	(pc) =	sbr.rel @p0 .LBB2_126-.Ltmp62, $2  }
0x2f6: {  	_ =	sdelay $0x2  }
0x2f7: {  	s13 =	simm.s32 $0x0  }
0x2f8: {  	v33 =	vmov s13  }
0x2f9: {  	v33 =	vand.u32 $0x3F, v33  }
0x2fa: {  	v33 =	vbroadcast v33, $0x0  }
0x2fb: {  	vm0 =	veq.s32 v32, $0x0  }
0x2fc: {  	s13 =	sadd.s32 $0x1, s13;
	v32 =	vor.u32 v31, v33  }
.LBB2_124:
0x2fd: {  	p0 =	sne.s32 s13, $0x3F  }
.Ltmp63:
0x2fe: {  	v33 =	vmov s13;
	s13 =	sadd.s32 $0x1, s13;
	(pc) =	sbr.rel @p0 .LBB2_124-.Ltmp63, $4  }
0x2ff: {  	v33 =	vand.u32 $0x3F, v33  }
0x300: {  	v33 =	vbroadcast v33, $0x0  }
0x301: {  	[tilespmem:v32+s10+$0x0] =	vst.idx.msk vm0, v1  }
0x302: {  	v32 =	vor.u32 v31, v33  }
0x303: {  	_ =	sdelay $0x4  }
0x304: {  	[tilespmem:v32+s10+$0x0] =	vst.idx.msk vm0, v1  }
.LBB2_126:
0x305: {  	v33 =	vld [tilespmem:s12+$0x1F0];
	_ =	sdelay $0x4  }
0x306: {  	v32 =	vxor.u32 $0x80000000, v33  }
0x307: {  	(xrf0) =	vmin.scan.msk.u32 $0xffff, v32;
	_ =	sdelay $0x5  }
0x308: {  	v32, _, _ =	vpop (xrf0)  }
0x309: {  	(v2sf) =	vpush v32, $0xF;
	_ =	sdelay $0xe  }
0x30a: {  	s13 =	spop (v2sf)  }
0x30b: {  	p0 =	sne.s32 s13, $0x80000000  }
.Ltmp64:
0x30c: {  	_ = 	snop;
	(pc) =	sbr.rel @p0 .LBB2_130-.Ltmp64, $2  }
0x30d: {  	_ =	sdelay $0x2  }
0x30e: {  	s13 =	simm.s32 $0x0  }
0x30f: {  	v32 =	vmov s13  }
0x310: {  	v32 =	vand.u32 $0x3F, v32  }
0x311: {  	v34 =	vbroadcast v32, $0x0  }
0x312: {  	vm0 =	veq.s32 v33, $0x0;
	v32 =	vor.u32 $0x7C00, v0  }
0x313: {  	s13 =	sadd.s32 $0x1, s13;
	v33 =	vor.u32 v32, v34  }
.LBB2_128:
0x314: {  	p0 =	sne.s32 s13, $0x3F  }
.Ltmp65:
0x315: {  	v34 =	vmov s13;
	s13 =	sadd.s32 $0x1, s13;
	(pc) =	sbr.rel @p0 .LBB2_128-.Ltmp65, $4  }
0x316: {  	v34 =	vand.u32 $0x3F, v34  }
0x317: {  	v34 =	vbroadcast v34, $0x0  }
0x318: {  	[tilespmem:v33+s10+$0x0] =	vst.idx.msk vm0, v1  }
0x319: {  	v33 =	vor.u32 v32, v34  }
0x31a: {  	_ =	sdelay $0x4  }
0x31b: {  	[tilespmem:v33+s10+$0x0] =	vst.idx.msk vm0, v1  }
.LBB2_130:
0x31c: {  	v33 =	vld [tilespmem:s12+$0x200];
	_ =	sdelay $0x4  }
0x31d: {  	v32 =	vxor.u32 $0x80000000, v33  }
0x31e: {  	(xrf0) =	vmin.scan.msk.u32 $0xffff, v32;
	_ =	sdelay $0x5  }
0x31f: {  	v32, _, _ =	vpop (xrf0)  }
0x320: {  	(v2sf) =	vpush v32, $0xF;
	_ =	sdelay $0xe  }
0x321: {  	s13 =	spop (v2sf)  }
0x322: {  	p0 =	sne.s32 s13, $0x80000000  }
.Ltmp66:
0x323: {  	_ = 	snop;
	(pc) =	sbr.rel @p0 .LBB2_134-.Ltmp66, $2  }
0x324: {  	_ =	sdelay $0x2  }
0x325: {  	s13 =	simm.s32 $0x0  }
0x326: {  	v32 =	vmov s13  }
0x327: {  	v32 =	vand.u32 $0x3F, v32  }
0x328: {  	v34 =	vbroadcast v32, $0x0  }
0x329: {  	vm0 =	veq.s32 v33, $0x0;
	v32 =	vor.u32 $0x8000, v0  }
0x32a: {  	s13 =	sadd.s32 $0x1, s13;
	v33 =	vor.u32 v32, v34  }
.LBB2_132:
0x32b: {  	p0 =	sne.s32 s13, $0x3F  }
.Ltmp67:
0x32c: {  	v34 =	vmov s13;
	s13 =	sadd.s32 $0x1, s13;
	(pc) =	sbr.rel @p0 .LBB2_132-.Ltmp67, $4  }
0x32d: {  	v34 =	vand.u32 $0x3F, v34  }
0x32e: {  	v34 =	vbroadcast v34, $0x0  }
0x32f: {  	[tilespmem:v33+s10+$0x0] =	vst.idx.msk vm0, v1  }
0x330: {  	v33 =	vor.u32 v32, v34  }
0x331: {  	_ =	sdelay $0x4  }
0x332: {  	[tilespmem:v33+s10+$0x0] =	vst.idx.msk vm0, v1  }
.LBB2_134:
0x333: {  	v33 =	vld [tilespmem:s12+$0x210];
	_ =	sdelay $0x4  }
0x334: {  	v32 =	vxor.u32 $0x80000000, v33  }
0x335: {  	(xrf0) =	vmin.scan.msk.u32 $0xffff, v32;
	_ =	sdelay $0x5  }
0x336: {  	v32, _, _ =	vpop (xrf0)  }
0x337: {  	(v2sf) =	vpush v32, $0xF;
	_ =	sdelay $0xe  }
0x338: {  	s13 =	spop (v2sf)  }
0x339: {  	p0 =	sne.s32 s13, $0x80000000  }
.Ltmp68:
0x33a: {  	_ = 	snop;
	(pc) =	sbr.rel @p0 .LBB2_138-.Ltmp68, $2  }
0x33b: {  	_ =	sdelay $0x2  }
0x33c: {  	s13 =	simm.s32 $0x0  }
0x33d: {  	v32 =	vmov s13  }
0x33e: {  	v32 =	vand.u32 $0x3F, v32  }
0x33f: {  	v34 =	vbroadcast v32, $0x0  }
0x340: {  	vm0 =	veq.s32 v33, $0x0;
	v32 =	vor.u32 $0x8400, v0  }
0x341: {  	s13 =	sadd.s32 $0x1, s13;
	v33 =	vor.u32 v32, v34  }
.LBB2_136:
0x342: {  	p0 =	sne.s32 s13, $0x3F  }
.Ltmp69:
0x343: {  	v34 =	vmov s13;
	s13 =	sadd.s32 $0x1, s13;
	(pc) =	sbr.rel @p0 .LBB2_136-.Ltmp69, $4  }
0x344: {  	v34 =	vand.u32 $0x3F, v34  }
0x345: {  	v34 =	vbroadcast v34, $0x0  }
0x346: {  	[tilespmem:v33+s10+$0x0] =	vst.idx.msk vm0, v1  }
0x347: {  	v33 =	vor.u32 v32, v34  }
0x348: {  	_ =	sdelay $0x4  }
0x349: {  	[tilespmem:v33+s10+$0x0] =	vst.idx.msk vm0, v1  }
.LBB2_138:
0x34a: {  	v33 =	vld [tilespmem:s12+$0x220];
	_ =	sdelay $0x4  }
0x34b: {  	v32 =	vxor.u32 $0x80000000, v33  }
0x34c: {  	(xrf0) =	vmin.scan.msk.u32 $0xffff, v32;
	_ =	sdelay $0x5  }
0x34d: {  	v32, _, _ =	vpop (xrf0)  }
0x34e: {  	(v2sf) =	vpush v32, $0xF;
	_ =	sdelay $0xe  }
0x34f: {  	s13 =	spop (v2sf)  }
0x350: {  	p0 =	sne.s32 s13, $0x80000000  }
.Ltmp70:
0x351: {  	_ = 	snop;
	(pc) =	sbr.rel @p0 .LBB2_142-.Ltmp70, $2  }
0x352: {  	_ =	sdelay $0x2  }
0x353: {  	s13 =	simm.s32 $0x0  }
0x354: {  	v32 =	vmov s13  }
0x355: {  	v32 =	vand.u32 $0x3F, v32  }
0x356: {  	v34 =	vbroadcast v32, $0x0  }
0x357: {  	vm0 =	veq.s32 v33, $0x0;
	v32 =	vor.u32 $0x8800, v0  }
0x358: {  	s13 =	sadd.s32 $0x1, s13;
	v33 =	vor.u32 v32, v34  }
.LBB2_140:
0x359: {  	p0 =	sne.s32 s13, $0x3F  }
.Ltmp71:
0x35a: {  	v34 =	vmov s13;
	s13 =	sadd.s32 $0x1, s13;
	(pc) =	sbr.rel @p0 .LBB2_140-.Ltmp71, $4  }
0x35b: {  	v34 =	vand.u32 $0x3F, v34  }
0x35c: {  	v34 =	vbroadcast v34, $0x0  }
0x35d: {  	[tilespmem:v33+s10+$0x0] =	vst.idx.msk vm0, v1  }
0x35e: {  	v33 =	vor.u32 v32, v34  }
0x35f: {  	_ =	sdelay $0x4  }
0x360: {  	[tilespmem:v33+s10+$0x0] =	vst.idx.msk vm0, v1  }
.LBB2_142:
0x361: {  	v33 =	vld [tilespmem:s12+$0x230];
	_ =	sdelay $0x4  }
0x362: {  	v32 =	vxor.u32 $0x80000000, v33  }
0x363: {  	(xrf0) =	vmin.scan.msk.u32 $0xffff, v32;
	_ =	sdelay $0x5  }
0x364: {  	v32, _, _ =	vpop (xrf0)  }
0x365: {  	(v2sf) =	vpush v32, $0xF;
	_ =	sdelay $0xe  }
0x366: {  	s13 =	spop (v2sf)  }
0x367: {  	p0 =	sne.s32 s13, $0x80000000  }
.Ltmp72:
0x368: {  	_ = 	snop;
	(pc) =	sbr.rel @p0 .LBB2_146-.Ltmp72, $2  }
0x369: {  	_ =	sdelay $0x2  }
0x36a: {  	s13 =	simm.s32 $0x0  }
0x36b: {  	v32 =	vmov s13  }
0x36c: {  	v32 =	vand.u32 $0x3F, v32  }
0x36d: {  	v34 =	vbroadcast v32, $0x0  }
0x36e: {  	vm0 =	veq.s32 v33, $0x0;
	v32 =	vor.u32 $0x8C00, v0  }
0x36f: {  	s13 =	sadd.s32 $0x1, s13;
	v33 =	vor.u32 v32, v34  }
.LBB2_144:
0x370: {  	p0 =	sne.s32 s13, $0x3F  }
.Ltmp73:
0x371: {  	v34 =	vmov s13;
	s13 =	sadd.s32 $0x1, s13;
	(pc) =	sbr.rel @p0 .LBB2_144-.Ltmp73, $4  }
0x372: {  	v34 =	vand.u32 $0x3F, v34  }
0x373: {  	v34 =	vbroadcast v34, $0x0  }
0x374: {  	[tilespmem:v33+s10+$0x0] =	vst.idx.msk vm0, v1  }
0x375: {  	v33 =	vor.u32 v32, v34  }
0x376: {  	_ =	sdelay $0x4  }
0x377: {  	[tilespmem:v33+s10+$0x0] =	vst.idx.msk vm0, v1  }
.LBB2_146:
0x378: {  	v33 =	vld [tilespmem:s12+$0x240];
	_ =	sdelay $0x4  }
0x379: {  	v32 =	vxor.u32 $0x80000000, v33  }
0x37a: {  	(xrf0) =	vmin.scan.msk.u32 $0xffff, v32;
	_ =	sdelay $0x5  }
0x37b: {  	v32, _, _ =	vpop (xrf0)  }
0x37c: {  	(v2sf) =	vpush v32, $0xF;
	_ =	sdelay $0xe  }
0x37d: {  	s13 =	spop (v2sf)  }
0x37e: {  	p0 =	sne.s32 s13, $0x80000000  }
.Ltmp74:
0x37f: {  	_ = 	snop;
	(pc) =	sbr.rel @p0 .LBB2_150-.Ltmp74, $2  }
0x380: {  	_ =	sdelay $0x2  }
0x381: {  	s13 =	simm.s32 $0x0  }
0x382: {  	v32 =	vmov s13  }
0x383: {  	v32 =	vand.u32 $0x3F, v32  }
0x384: {  	v34 =	vbroadcast v32, $0x0  }
0x385: {  	vm0 =	veq.s32 v33, $0x0;
	v32 =	vor.u32 $0x9000, v0  }
0x386: {  	s13 =	sadd.s32 $0x1, s13;
	v33 =	vor.u32 v32, v34  }
.LBB2_148:
0x387: {  	p0 =	sne.s32 s13, $0x3F  }
.Ltmp75:
0x388: {  	v34 =	vmov s13;
	s13 =	sadd.s32 $0x1, s13;
	(pc) =	sbr.rel @p0 .LBB2_148-.Ltmp75, $4  }
0x389: {  	v34 =	vand.u32 $0x3F, v34  }
0x38a: {  	v34 =	vbroadcast v34, $0x0  }
0x38b: {  	[tilespmem:v33+s10+$0x0] =	vst.idx.msk vm0, v1  }
0x38c: {  	v33 =	vor.u32 v32, v34  }
0x38d: {  	_ =	sdelay $0x4  }
0x38e: {  	[tilespmem:v33+s10+$0x0] =	vst.idx.msk vm0, v1  }
.LBB2_150:
0x38f: {  	v33 =	vld [tilespmem:s12+$0x250];
	_ =	sdelay $0x4  }
0x390: {  	v32 =	vxor.u32 $0x80000000, v33  }
0x391: {  	(xrf0) =	vmin.scan.msk.u32 $0xffff, v32;
	_ =	sdelay $0x5  }
0x392: {  	v32, _, _ =	vpop (xrf0)  }
0x393: {  	(v2sf) =	vpush v32, $0xF;
	_ =	sdelay $0xe  }
0x394: {  	s13 =	spop (v2sf)  }
0x395: {  	p0 =	sne.s32 s13, $0x80000000  }
.Ltmp76:
0x396: {  	_ = 	snop;
	(pc) =	sbr.rel @p0 .LBB2_154-.Ltmp76, $2  }
0x397: {  	_ =	sdelay $0x2  }
0x398: {  	s13 =	simm.s32 $0x0  }
0x399: {  	v32 =	vmov s13  }
0x39a: {  	v32 =	vand.u32 $0x3F, v32  }
0x39b: {  	v34 =	vbroadcast v32, $0x0  }
0x39c: {  	vm0 =	veq.s32 v33, $0x0;
	v32 =	vor.u32 $0x9400, v0  }
0x39d: {  	s13 =	sadd.s32 $0x1, s13;
	v33 =	vor.u32 v32, v34  }
.LBB2_152:
0x39e: {  	p0 =	sne.s32 s13, $0x3F  }
.Ltmp77:
0x39f: {  	v34 =	vmov s13;
	s13 =	sadd.s32 $0x1, s13;
	(pc) =	sbr.rel @p0 .LBB2_152-.Ltmp77, $4  }
0x3a0: {  	v34 =	vand.u32 $0x3F, v34  }
0x3a1: {  	v34 =	vbroadcast v34, $0x0  }
0x3a2: {  	[tilespmem:v33+s10+$0x0] =	vst.idx.msk vm0, v1  }
0x3a3: {  	v33 =	vor.u32 v32, v34  }
0x3a4: {  	_ =	sdelay $0x4  }
0x3a5: {  	[tilespmem:v33+s10+$0x0] =	vst.idx.msk vm0, v1  }
.LBB2_154:
0x3a6: {  	v33 =	vld [tilespmem:s12+$0x260];
	_ =	sdelay $0x4  }
0x3a7: {  	v32 =	vxor.u32 $0x80000000, v33  }
0x3a8: {  	(xrf0) =	vmin.scan.msk.u32 $0xffff, v32;
	_ =	sdelay $0x5  }
0x3a9: {  	v32, _, _ =	vpop (xrf0)  }
0x3aa: {  	(v2sf) =	vpush v32, $0xF;
	_ =	sdelay $0xe  }
0x3ab: {  	s13 =	spop (v2sf)  }
0x3ac: {  	p0 =	sne.s32 s13, $0x80000000  }
.Ltmp78:
0x3ad: {  	_ = 	snop;
	(pc) =	sbr.rel @p0 .LBB2_158-.Ltmp78, $2  }
0x3ae: {  	_ =	sdelay $0x2  }
0x3af: {  	s13 =	simm.s32 $0x0  }
0x3b0: {  	v32 =	vmov s13  }
0x3b1: {  	v32 =	vand.u32 $0x3F, v32  }
0x3b2: {  	v34 =	vbroadcast v32, $0x0  }
0x3b3: {  	vm0 =	veq.s32 v33, $0x0;
	v32 =	vor.u32 $0x9800, v0  }
0x3b4: {  	s13 =	sadd.s32 $0x1, s13;
	v33 =	vor.u32 v32, v34  }
.LBB2_156:
0x3b5: {  	p0 =	sne.s32 s13, $0x3F  }
.Ltmp79:
0x3b6: {  	v34 =	vmov s13;
	s13 =	sadd.s32 $0x1, s13;
	(pc) =	sbr.rel @p0 .LBB2_156-.Ltmp79, $4  }
0x3b7: {  	v34 =	vand.u32 $0x3F, v34  }
0x3b8: {  	v34 =	vbroadcast v34, $0x0  }
0x3b9: {  	[tilespmem:v33+s10+$0x0] =	vst.idx.msk vm0, v1  }
0x3ba: {  	v33 =	vor.u32 v32, v34  }
0x3bb: {  	_ =	sdelay $0x4  }
0x3bc: {  	[tilespmem:v33+s10+$0x0] =	vst.idx.msk vm0, v1  }
.LBB2_158:
0x3bd: {  	v33 =	vld [tilespmem:s12+$0x270];
	_ =	sdelay $0x4  }
0x3be: {  	v32 =	vxor.u32 $0x80000000, v33  }
0x3bf: {  	(xrf0) =	vmin.scan.msk.u32 $0xffff, v32;
	_ =	sdelay $0x5  }
0x3c0: {  	v32, _, _ =	vpop (xrf0)  }
0x3c1: {  	(v2sf) =	vpush v32, $0xF;
	_ =	sdelay $0xe  }
0x3c2: {  	s13 =	spop (v2sf)  }
0x3c3: {  	p0 =	sne.s32 s13, $0x80000000  }
.Ltmp80:
0x3c4: {  	_ = 	snop;
	(pc) =	sbr.rel @p0 .LBB2_162-.Ltmp80, $2  }
0x3c5: {  	_ =	sdelay $0x2  }
0x3c6: {  	s13 =	simm.s32 $0x0  }
0x3c7: {  	v32 =	vmov s13  }
0x3c8: {  	v32 =	vand.u32 $0x3F, v32  }
0x3c9: {  	v34 =	vbroadcast v32, $0x0  }
0x3ca: {  	vm0 =	veq.s32 v33, $0x0;
	v32 =	vor.u32 $0x9C00, v0  }
0x3cb: {  	s13 =	sadd.s32 $0x1, s13;
	v33 =	vor.u32 v32, v34  }
.LBB2_160:
0x3cc: {  	p0 =	sne.s32 s13, $0x3F  }
.Ltmp81:
0x3cd: {  	v34 =	vmov s13;
	s13 =	sadd.s32 $0x1, s13;
	(pc) =	sbr.rel @p0 .LBB2_160-.Ltmp81, $4  }
0x3ce: {  	v34 =	vand.u32 $0x3F, v34  }
0x3cf: {  	v34 =	vbroadcast v34, $0x0  }
0x3d0: {  	[tilespmem:v33+s10+$0x0] =	vst.idx.msk vm0, v1  }
0x3d1: {  	v33 =	vor.u32 v32, v34  }
0x3d2: {  	_ =	sdelay $0x4  }
0x3d3: {  	[tilespmem:v33+s10+$0x0] =	vst.idx.msk vm0, v1  }
.LBB2_162:
0x3d4: {  	s13 =	sadd.s32 s4, s12  }
0x3d5: {  	s13 =	sshll.u32 s13, $0x3  }
0x3d6: {  	p0 =	seq.s32 s11, $0x4;
	s13 =	sadd.s32 s2, s13  }
0x3d7: {  	[hbm4b:s13+s3] =	stream.linear.scatter [tilespmem:s10], [sflag:$0x3], $0xA000, $0x38;
	[tilespmem:$0x15900] =	vst v63  }
0x3d8: {  	s13 =	simm.s32 @!p0 $0x3  }
0x3d9: {  	s14 =	smul.u32 @!p0 $0x1400, s11;
	_ =	swait.ge @!p0 [sflag:s13], $0xA000  }
0x3da: {  	[sflag:s13] =	ssyncset.done @!p0 $0x0  }
0x3db: {  	[sflag:s13] =	ssyncadd.s32 @!p0 $0xFFFF6000;
	s13 =	sshra.s32 @!p0 s14, $0x2  }
0x3dc: {  	s15 =	simm.s32 @!p0 $0x80;
	s16 =	simm.s32 @!p0 $0x1900;
	s14 =	sadd.s32 @!p0 $0x500, s13  }
0x3dd: {  	[tilespmem:s16], [sflag:$0x1] =	stream.indirect.gather @!p0 [hbm4b:s5+s15], $0x40, s14, s15, $0xb8;
	[tilespmem:$0x15900] =	vst v63  }
0x3de: {  	s14 =	sadd.s32 @!p0 $0x580, s13;
	s16 =	simm.s32 @!p0 $0x3900  }
0x3df: {  	[tilespmem:s16], [sflag:$0x1] =	stream.indirect.gather @!p0 [hbm4b:s5+s15], $0x40, s14, s15, $0xb8;
	[tilespmem:$0x15900] =	vst v63  }
0x3e0: {  	s14 =	sadd.s32 @!p0 $0x600, s13;
	s16 =	simm.s32 @!p0 $0x5900  }
0x3e1: {  	[tilespmem:s16], [sflag:$0x1] =	stream.indirect.gather @!p0 [hbm4b:s5+s15], $0x40, s14, s15, $0xb8;
	[tilespmem:$0x15900] =	vst v63  }
0x3e2: {  	s14 =	sadd.s32 @!p0 $0x680, s13;
	s16 =	simm.s32 @!p0 $0x7900  }
0x3e3: {  	[tilespmem:s16], [sflag:$0x1] =	stream.indirect.gather @!p0 [hbm4b:s5+s15], $0x40, s14, s15, $0xb8;
	[tilespmem:$0x15900] =	vst v63  }
0x3e4: {  	s13 =	sadd.s32 @!p0 $0x700, s13;
	s14 =	simm.s32 @!p0 $0x9900  }
0x3e5: {  	[tilespmem:s14], [sflag:$0x1] =	stream.indirect.gather @!p0 [hbm4b:s5+s15], $0x40, s13, s15, $0xb8;
	[tilespmem:$0x15900] =	vst v63  }
0x3e6: {  	_ =	swait.ge [sflag:s30], $0x2000  }
0x3e7: {  	[sflag:s30] =	ssyncset.done $0x0  }
0x3e8: {  	[sflag:s30] =	ssyncadd.s32 $0xFFFFE000  }
0x3e9: {  	_ =	swait.ge [sflag:s30], $0x2000  }
0x3ea: {  	[sflag:s30] =	ssyncset.done $0x0  }
0x3eb: {  	[sflag:s30] =	ssyncadd.s32 $0xFFFFE000  }
0x3ec: {  	_ =	swait.ge [sflag:s30], $0x2000  }
0x3ed: {  	[sflag:s30] =	ssyncset.done $0x0  }
0x3ee: {  	[sflag:s30] =	ssyncadd.s32 $0xFFFFE000  }
0x3ef: {  	_ =	swait.ge [sflag:s30], $0x2000  }
0x3f0: {  	[sflag:s30] =	ssyncset.done $0x0  }
0x3f1: {  	[sflag:s30] =	ssyncadd.s32 $0xFFFFE000  }
0x3f2: {  	_ =	swait.ge [sflag:s30], $0x2000  }
0x3f3: {  	[sflag:s30] =	ssyncset.done $0x0  }
0x3f4: {  	[sflag:s30] =	ssyncadd.s32 $0xFFFFE000  }
0x3f5: {  	v32 =	vld [tilespmem:s12+$0x280];
	_ =	sdelay $0x4  }
0x3f6: {  	v33 =	vxor.u32 $0x80000000, v32  }
0x3f7: {  	(xrf0) =	vmin.scan.msk.u32 $0xffff, v33;
	_ =	sdelay $0x5  }
0x3f8: {  	v33, _, _ =	vpop (xrf0)  }
0x3f9: {  	(v2sf) =	vpush v33, $0xF;
	_ =	sdelay $0xe  }
0x3fa: {  	s16 =	spop (v2sf)  }
0x3fb: {  	p1 =	sne.s32 s16, $0x80000000  }
.Ltmp82:
0x3fc: {  	_ = 	snop;
	(pc) =	sbr.rel @p1 .LBB2_166-.Ltmp82, $2  }
0x3fd: {  	_ =	sdelay $0x2  }
0x3fe: {  	s13 =	simm.s32 $0x0  }
0x3ff: {  	v33 =	vmov s13  }
0x400: {  	v33 =	vand.u32 $0x3F, v33  }
0x401: {  	v33 =	vbroadcast v33, $0x0  }
0x402: {  	vm0 =	veq.s32 v32, $0x0  }
0x403: {  	s13 =	sadd.s32 $0x1, s13;
	v32 =	vor.u32 v0, v33  }
.LBB2_164:
0x404: {  	p1 =	sne.s32 s13, $0x3F  }
.Ltmp83:
0x405: {  	v33 =	vmov s13;
	s13 =	sadd.s32 $0x1, s13;
	(pc) =	sbr.rel @p1 .LBB2_164-.Ltmp83, $4  }
0x406: {  	v33 =	vand.u32 $0x3F, v33  }
0x407: {  	v33 =	vbroadcast v33, $0x0  }
0x408: {  	[tilespmem:v32+s19+$0x0] =	vst.idx.msk vm0, v1  }
0x409: {  	v32 =	vor.u32 v0, v33  }
0x40a: {  	_ =	sdelay $0x4  }
0x40b: {  	[tilespmem:v32+s19+$0x0] =	vst.idx.msk vm0, v1  }
.LBB2_166:
0x40c: {  	s12 =	sadd.s32 $0x280, s12  }
0x40d: {  	v32 =	vld [tilespmem:s12+$0x10];
	_ =	sdelay $0x4  }
0x40e: {  	v33 =	vxor.u32 $0x80000000, v32  }
0x40f: {  	(xrf0) =	vmin.scan.msk.u32 $0xffff, v33;
	_ =	sdelay $0x5  }
0x410: {  	v33, _, _ =	vpop (xrf0)  }
0x411: {  	(v2sf) =	vpush v33, $0xF;
	_ =	sdelay $0xe  }
0x412: {  	s13 =	spop (v2sf)  }
0x413: {  	p1 =	sne.s32 s13, $0x80000000  }
.Ltmp84:
0x414: {  	_ = 	snop;
	(pc) =	sbr.rel @p1 .LBB2_170-.Ltmp84, $2  }
0x415: {  	_ =	sdelay $0x2  }
0x416: {  	s13 =	simm.s32 $0x0  }
0x417: {  	v33 =	vmov s13  }
0x418: {  	v33 =	vand.u32 $0x3F, v33  }
0x419: {  	v33 =	vbroadcast v33, $0x0  }
0x41a: {  	vm0 =	veq.s32 v32, $0x0  }
0x41b: {  	s13 =	sadd.s32 $0x1, s13;
	v32 =	vor.u32 v2, v33  }
.LBB2_168:
0x41c: {  	p1 =	sne.s32 s13, $0x3F  }
.Ltmp85:
0x41d: {  	v33 =	vmov s13;
	s13 =	sadd.s32 $0x1, s13;
	(pc) =	sbr.rel @p1 .LBB2_168-.Ltmp85, $4  }
0x41e: {  	v33 =	vand.u32 $0x3F, v33  }
0x41f: {  	v33 =	vbroadcast v33, $0x0  }
0x420: {  	[tilespmem:v32+s19+$0x0] =	vst.idx.msk vm0, v1  }
0x421: {  	v32 =	vor.u32 v2, v33  }
0x422: {  	_ =	sdelay $0x4  }
0x423: {  	[tilespmem:v32+s19+$0x0] =	vst.idx.msk vm0, v1  }
.LBB2_170:
0x424: {  	v32 =	vld [tilespmem:s12+$0x20];
	_ =	sdelay $0x4  }
0x425: {  	v33 =	vxor.u32 $0x80000000, v32  }
0x426: {  	(xrf0) =	vmin.scan.msk.u32 $0xffff, v33;
	_ =	sdelay $0x5  }
0x427: {  	v33, _, _ =	vpop (xrf0)  }
0x428: {  	(v2sf) =	vpush v33, $0xF;
	_ =	sdelay $0xe  }
0x429: {  	s13 =	spop (v2sf)  }
0x42a: {  	p1 =	sne.s32 s13, $0x80000000  }
.Ltmp86:
0x42b: {  	_ = 	snop;
	(pc) =	sbr.rel @p1 .LBB2_174-.Ltmp86, $2  }
0x42c: {  	_ =	sdelay $0x2  }
0x42d: {  	s13 =	simm.s32 $0x0  }
0x42e: {  	v33 =	vmov s13  }
0x42f: {  	v33 =	vand.u32 $0x3F, v33  }
0x430: {  	v33 =	vbroadcast v33, $0x0  }
0x431: {  	vm0 =	veq.s32 v32, $0x0  }
0x432: {  	s13 =	sadd.s32 $0x1, s13;
	v32 =	vor.u32 v3, v33  }
.LBB2_172:
0x433: {  	p1 =	sne.s32 s13, $0x3F  }
.Ltmp87:
0x434: {  	v33 =	vmov s13;
	s13 =	sadd.s32 $0x1, s13;
	(pc) =	sbr.rel @p1 .LBB2_172-.Ltmp87, $4  }
0x435: {  	v33 =	vand.u32 $0x3F, v33  }
0x436: {  	v33 =	vbroadcast v33, $0x0  }
0x437: {  	[tilespmem:v32+s19+$0x0] =	vst.idx.msk vm0, v1  }
0x438: {  	v32 =	vor.u32 v3, v33  }
0x439: {  	_ =	sdelay $0x4  }
0x43a: {  	[tilespmem:v32+s19+$0x0] =	vst.idx.msk vm0, v1  }
.LBB2_174:
0x43b: {  	v32 =	vld [tilespmem:s12+$0x30];
	_ =	sdelay $0x4  }
0x43c: {  	v33 =	vxor.u32 $0x80000000, v32  }
0x43d: {  	(xrf0) =	vmin.scan.msk.u32 $0xffff, v33;
	_ =	sdelay $0x5  }
0x43e: {  	v33, _, _ =	vpop (xrf0)  }
0x43f: {  	(v2sf) =	vpush v33, $0xF;
	_ =	sdelay $0xe  }
0x440: {  	s13 =	spop (v2sf)  }
0x441: {  	p1 =	sne.s32 s13, $0x80000000  }
.Ltmp88:
0x442: {  	_ = 	snop;
	(pc) =	sbr.rel @p1 .LBB2_178-.Ltmp88, $2  }
0x443: {  	_ =	sdelay $0x2  }
0x444: {  	s13 =	simm.s32 $0x0  }
0x445: {  	v33 =	vmov s13  }
0x446: {  	v33 =	vand.u32 $0x3F, v33  }
0x447: {  	v33 =	vbroadcast v33, $0x0  }
0x448: {  	vm0 =	veq.s32 v32, $0x0  }
0x449: {  	s13 =	sadd.s32 $0x1, s13;
	v32 =	vor.u32 v4, v33  }
.LBB2_176:
0x44a: {  	p1 =	sne.s32 s13, $0x3F  }
.Ltmp89:
0x44b: {  	v33 =	vmov s13;
	s13 =	sadd.s32 $0x1, s13;
	(pc) =	sbr.rel @p1 .LBB2_176-.Ltmp89, $4  }
0x44c: {  	v33 =	vand.u32 $0x3F, v33  }
0x44d: {  	v33 =	vbroadcast v33, $0x0  }
0x44e: {  	[tilespmem:v32+s19+$0x0] =	vst.idx.msk vm0, v1  }
0x44f: {  	v32 =	vor.u32 v4, v33  }
0x450: {  	_ =	sdelay $0x4  }
0x451: {  	[tilespmem:v32+s19+$0x0] =	vst.idx.msk vm0, v1  }
.LBB2_178:
0x452: {  	v32 =	vld [tilespmem:s12+$0x40];
	_ =	sdelay $0x4  }
0x453: {  	v33 =	vxor.u32 $0x80000000, v32  }
0x454: {  	(xrf0) =	vmin.scan.msk.u32 $0xffff, v33;
	_ =	sdelay $0x5  }
0x455: {  	v33, _, _ =	vpop (xrf0)  }
0x456: {  	(v2sf) =	vpush v33, $0xF;
	_ =	sdelay $0xe  }
0x457: {  	s13 =	spop (v2sf)  }
0x458: {  	p1 =	sne.s32 s13, $0x80000000  }
.Ltmp90:
0x459: {  	_ = 	snop;
	(pc) =	sbr.rel @p1 .LBB2_182-.Ltmp90, $2  }
0x45a: {  	_ =	sdelay $0x2  }
0x45b: {  	s13 =	simm.s32 $0x0  }
0x45c: {  	v33 =	vmov s13  }
0x45d: {  	v33 =	vand.u32 $0x3F, v33  }
0x45e: {  	v33 =	vbroadcast v33, $0x0  }
0x45f: {  	vm0 =	veq.s32 v32, $0x0  }
0x460: {  	s13 =	sadd.s32 $0x1, s13;
	v32 =	vor.u32 v5, v33  }
.LBB2_180:
0x461: {  	p1 =	sne.s32 s13, $0x3F  }
.Ltmp91:
0x462: {  	v33 =	vmov s13;
	s13 =	sadd.s32 $0x1, s13;
	(pc) =	sbr.rel @p1 .LBB2_180-.Ltmp91, $4  }
0x463: {  	v33 =	vand.u32 $0x3F, v33  }
0x464: {  	v33 =	vbroadcast v33, $0x0  }
0x465: {  	[tilespmem:v32+s19+$0x0] =	vst.idx.msk vm0, v1  }
0x466: {  	v32 =	vor.u32 v5, v33  }
0x467: {  	_ =	sdelay $0x4  }
0x468: {  	[tilespmem:v32+s19+$0x0] =	vst.idx.msk vm0, v1  }
.LBB2_182:
0x469: {  	v32 =	vld [tilespmem:s12+$0x50];
	_ =	sdelay $0x4  }
0x46a: {  	v33 =	vxor.u32 $0x80000000, v32  }
0x46b: {  	(xrf0) =	vmin.scan.msk.u32 $0xffff, v33;
	_ =	sdelay $0x5  }
0x46c: {  	v33, _, _ =	vpop (xrf0)  }
0x46d: {  	(v2sf) =	vpush v33, $0xF;
	_ =	sdelay $0xe  }
0x46e: {  	s13 =	spop (v2sf)  }
0x46f: {  	p1 =	sne.s32 s13, $0x80000000  }
.Ltmp92:
0x470: {  	_ = 	snop;
	(pc) =	sbr.rel @p1 .LBB2_186-.Ltmp92, $2  }
0x471: {  	_ =	sdelay $0x2  }
0x472: {  	s13 =	simm.s32 $0x0  }
0x473: {  	v33 =	vmov s13  }
0x474: {  	v33 =	vand.u32 $0x3F, v33  }
0x475: {  	v33 =	vbroadcast v33, $0x0  }
0x476: {  	vm0 =	veq.s32 v32, $0x0  }
0x477: {  	s13 =	sadd.s32 $0x1, s13;
	v32 =	vor.u32 v6, v33  }
.LBB2_184:
0x478: {  	p1 =	sne.s32 s13, $0x3F  }
.Ltmp93:
0x479: {  	v33 =	vmov s13;
	s13 =	sadd.s32 $0x1, s13;
	(pc) =	sbr.rel @p1 .LBB2_184-.Ltmp93, $4  }
0x47a: {  	v33 =	vand.u32 $0x3F, v33  }
0x47b: {  	v33 =	vbroadcast v33, $0x0  }
0x47c: {  	[tilespmem:v32+s19+$0x0] =	vst.idx.msk vm0, v1  }
0x47d: {  	v32 =	vor.u32 v6, v33  }
0x47e: {  	_ =	sdelay $0x4  }
0x47f: {  	[tilespmem:v32+s19+$0x0] =	vst.idx.msk vm0, v1  }
.LBB2_186:
0x480: {  	v32 =	vld [tilespmem:s12+$0x60];
	_ =	sdelay $0x4  }
0x481: {  	v33 =	vxor.u32 $0x80000000, v32  }
0x482: {  	(xrf0) =	vmin.scan.msk.u32 $0xffff, v33;
	_ =	sdelay $0x5  }
0x483: {  	v33, _, _ =	vpop (xrf0)  }
0x484: {  	(v2sf) =	vpush v33, $0xF;
	_ =	sdelay $0xe  }
0x485: {  	s13 =	spop (v2sf)  }
0x486: {  	p1 =	sne.s32 s13, $0x80000000  }
.Ltmp94:
0x487: {  	_ = 	snop;
	(pc) =	sbr.rel @p1 .LBB2_190-.Ltmp94, $2  }
0x488: {  	_ =	sdelay $0x2  }
0x489: {  	s13 =	simm.s32 $0x0  }
0x48a: {  	v33 =	vmov s13  }
0x48b: {  	v33 =	vand.u32 $0x3F, v33  }
0x48c: {  	v33 =	vbroadcast v33, $0x0  }
0x48d: {  	vm0 =	veq.s32 v32, $0x0  }
0x48e: {  	s13 =	sadd.s32 $0x1, s13;
	v32 =	vor.u32 v7, v33  }
.LBB2_188:
0x48f: {  	p1 =	sne.s32 s13, $0x3F  }
.Ltmp95:
0x490: {  	v33 =	vmov s13;
	s13 =	sadd.s32 $0x1, s13;
	(pc) =	sbr.rel @p1 .LBB2_188-.Ltmp95, $4  }
0x491: {  	v33 =	vand.u32 $0x3F, v33  }
0x492: {  	v33 =	vbroadcast v33, $0x0  }
0x493: {  	[tilespmem:v32+s19+$0x0] =	vst.idx.msk vm0, v1  }
0x494: {  	v32 =	vor.u32 v7, v33  }
0x495: {  	_ =	sdelay $0x4  }
0x496: {  	[tilespmem:v32+s19+$0x0] =	vst.idx.msk vm0, v1  }
.LBB2_190:
0x497: {  	v32 =	vld [tilespmem:s12+$0x70];
	_ =	sdelay $0x4  }
0x498: {  	v33 =	vxor.u32 $0x80000000, v32  }
0x499: {  	(xrf0) =	vmin.scan.msk.u32 $0xffff, v33;
	_ =	sdelay $0x5  }
0x49a: {  	v33, _, _ =	vpop (xrf0)  }
0x49b: {  	(v2sf) =	vpush v33, $0xF;
	_ =	sdelay $0xe  }
0x49c: {  	s13 =	spop (v2sf)  }
0x49d: {  	p1 =	sne.s32 s13, $0x80000000  }
.Ltmp96:
0x49e: {  	_ = 	snop;
	(pc) =	sbr.rel @p1 .LBB2_194-.Ltmp96, $2  }
0x49f: {  	_ =	sdelay $0x2  }
0x4a0: {  	s13 =	simm.s32 $0x0  }
0x4a1: {  	v33 =	vmov s13  }
0x4a2: {  	v33 =	vand.u32 $0x3F, v33  }
0x4a3: {  	v33 =	vbroadcast v33, $0x0  }
0x4a4: {  	vm0 =	veq.s32 v32, $0x0  }
0x4a5: {  	s13 =	sadd.s32 $0x1, s13;
	v32 =	vor.u32 v8, v33  }
.LBB2_192:
0x4a6: {  	p1 =	sne.s32 s13, $0x3F  }
.Ltmp97:
0x4a7: {  	v33 =	vmov s13;
	s13 =	sadd.s32 $0x1, s13;
	(pc) =	sbr.rel @p1 .LBB2_192-.Ltmp97, $4  }
0x4a8: {  	v33 =	vand.u32 $0x3F, v33  }
0x4a9: {  	v33 =	vbroadcast v33, $0x0  }
0x4aa: {  	[tilespmem:v32+s19+$0x0] =	vst.idx.msk vm0, v1  }
0x4ab: {  	v32 =	vor.u32 v8, v33  }
0x4ac: {  	_ =	sdelay $0x4  }
0x4ad: {  	[tilespmem:v32+s19+$0x0] =	vst.idx.msk vm0, v1  }
.LBB2_194:
0x4ae: {  	v32 =	vld [tilespmem:s12+$0x80];
	_ =	sdelay $0x4  }
0x4af: {  	v33 =	vxor.u32 $0x80000000, v32  }
0x4b0: {  	(xrf0) =	vmin.scan.msk.u32 $0xffff, v33;
	_ =	sdelay $0x5  }
0x4b1: {  	v33, _, _ =	vpop (xrf0)  }
0x4b2: {  	(v2sf) =	vpush v33, $0xF;
	_ =	sdelay $0xe  }
0x4b3: {  	s13 =	spop (v2sf)  }
0x4b4: {  	p1 =	sne.s32 s13, $0x80000000  }
.Ltmp98:
0x4b5: {  	_ = 	snop;
	(pc) =	sbr.rel @p1 .LBB2_198-.Ltmp98, $2  }
0x4b6: {  	_ =	sdelay $0x2  }
0x4b7: {  	s13 =	simm.s32 $0x0  }
0x4b8: {  	v33 =	vmov s13  }
0x4b9: {  	v33 =	vand.u32 $0x3F, v33  }
0x4ba: {  	v33 =	vbroadcast v33, $0x0  }
0x4bb: {  	vm0 =	veq.s32 v32, $0x0  }
0x4bc: {  	s13 =	sadd.s32 $0x1, s13;
	v32 =	vor.u32 v9, v33  }
.LBB2_196:
0x4bd: {  	p1 =	sne.s32 s13, $0x3F  }
.Ltmp99:
0x4be: {  	v33 =	vmov s13;
	s13 =	sadd.s32 $0x1, s13;
	(pc) =	sbr.rel @p1 .LBB2_196-.Ltmp99, $4  }
0x4bf: {  	v33 =	vand.u32 $0x3F, v33  }
0x4c0: {  	v33 =	vbroadcast v33, $0x0  }
0x4c1: {  	[tilespmem:v32+s19+$0x0] =	vst.idx.msk vm0, v1  }
0x4c2: {  	v32 =	vor.u32 v9, v33  }
0x4c3: {  	_ =	sdelay $0x4  }
0x4c4: {  	[tilespmem:v32+s19+$0x0] =	vst.idx.msk vm0, v1  }
.LBB2_198:
0x4c5: {  	v32 =	vld [tilespmem:s12+$0x90];
	_ =	sdelay $0x4  }
0x4c6: {  	v33 =	vxor.u32 $0x80000000, v32  }
0x4c7: {  	(xrf0) =	vmin.scan.msk.u32 $0xffff, v33;
	_ =	sdelay $0x5  }
0x4c8: {  	v33, _, _ =	vpop (xrf0)  }
0x4c9: {  	(v2sf) =	vpush v33, $0xF;
	_ =	sdelay $0xe  }
0x4ca: {  	s13 =	spop (v2sf)  }
0x4cb: {  	p1 =	sne.s32 s13, $0x80000000  }
.Ltmp100:
0x4cc: {  	_ = 	snop;
	(pc) =	sbr.rel @p1 .LBB2_202-.Ltmp100, $2  }
0x4cd: {  	_ =	sdelay $0x2  }
0x4ce: {  	s13 =	simm.s32 $0x0  }
0x4cf: {  	v33 =	vmov s13  }
0x4d0: {  	v33 =	vand.u32 $0x3F, v33  }
0x4d1: {  	v33 =	vbroadcast v33, $0x0  }
0x4d2: {  	vm0 =	veq.s32 v32, $0x0  }
0x4d3: {  	s13 =	sadd.s32 $0x1, s13;
	v32 =	vor.u32 v10, v33  }
.LBB2_200:
0x4d4: {  	p1 =	sne.s32 s13, $0x3F  }
.Ltmp101:
0x4d5: {  	v33 =	vmov s13;
	s13 =	sadd.s32 $0x1, s13;
	(pc) =	sbr.rel @p1 .LBB2_200-.Ltmp101, $4  }
0x4d6: {  	v33 =	vand.u32 $0x3F, v33  }
0x4d7: {  	v33 =	vbroadcast v33, $0x0  }
0x4d8: {  	[tilespmem:v32+s19+$0x0] =	vst.idx.msk vm0, v1  }
0x4d9: {  	v32 =	vor.u32 v10, v33  }
0x4da: {  	_ =	sdelay $0x4  }
0x4db: {  	[tilespmem:v32+s19+$0x0] =	vst.idx.msk vm0, v1  }
.LBB2_202:
0x4dc: {  	v32 =	vld [tilespmem:s12+$0xA0];
	_ =	sdelay $0x4  }
0x4dd: {  	v33 =	vxor.u32 $0x80000000, v32  }
0x4de: {  	(xrf0) =	vmin.scan.msk.u32 $0xffff, v33;
	_ =	sdelay $0x5  }
0x4df: {  	v33, _, _ =	vpop (xrf0)  }
0x4e0: {  	(v2sf) =	vpush v33, $0xF;
	_ =	sdelay $0xe  }
0x4e1: {  	s13 =	spop (v2sf)  }
0x4e2: {  	p1 =	sne.s32 s13, $0x80000000  }
.Ltmp102:
0x4e3: {  	_ = 	snop;
	(pc) =	sbr.rel @p1 .LBB2_206-.Ltmp102, $2  }
0x4e4: {  	_ =	sdelay $0x2  }
0x4e5: {  	s13 =	simm.s32 $0x0  }
0x4e6: {  	v33 =	vmov s13  }
0x4e7: {  	v33 =	vand.u32 $0x3F, v33  }
0x4e8: {  	v33 =	vbroadcast v33, $0x0  }
0x4e9: {  	vm0 =	veq.s32 v32, $0x0  }
0x4ea: {  	s13 =	sadd.s32 $0x1, s13;
	v32 =	vor.u32 v11, v33  }
.LBB2_204:
0x4eb: {  	p1 =	sne.s32 s13, $0x3F  }
.Ltmp103:
0x4ec: {  	v33 =	vmov s13;
	s13 =	sadd.s32 $0x1, s13;
	(pc) =	sbr.rel @p1 .LBB2_204-.Ltmp103, $4  }
0x4ed: {  	v33 =	vand.u32 $0x3F, v33  }
0x4ee: {  	v33 =	vbroadcast v33, $0x0  }
0x4ef: {  	[tilespmem:v32+s19+$0x0] =	vst.idx.msk vm0, v1  }
0x4f0: {  	v32 =	vor.u32 v11, v33  }
0x4f1: {  	_ =	sdelay $0x4  }
0x4f2: {  	[tilespmem:v32+s19+$0x0] =	vst.idx.msk vm0, v1  }
.LBB2_206:
0x4f3: {  	v32 =	vld [tilespmem:s12+$0xB0];
	_ =	sdelay $0x4  }
0x4f4: {  	v33 =	vxor.u32 $0x80000000, v32  }
0x4f5: {  	(xrf0) =	vmin.scan.msk.u32 $0xffff, v33;
	_ =	sdelay $0x5  }
0x4f6: {  	v33, _, _ =	vpop (xrf0)  }
0x4f7: {  	(v2sf) =	vpush v33, $0xF;
	_ =	sdelay $0xe  }
0x4f8: {  	s13 =	spop (v2sf)  }
0x4f9: {  	p1 =	sne.s32 s13, $0x80000000  }
.Ltmp104:
0x4fa: {  	_ = 	snop;
	(pc) =	sbr.rel @p1 .LBB2_210-.Ltmp104, $2  }
0x4fb: {  	_ =	sdelay $0x2  }
0x4fc: {  	s13 =	simm.s32 $0x0  }
0x4fd: {  	v33 =	vmov s13  }
0x4fe: {  	v33 =	vand.u32 $0x3F, v33  }
0x4ff: {  	v33 =	vbroadcast v33, $0x0  }
0x500: {  	vm0 =	veq.s32 v32, $0x0  }
0x501: {  	s13 =	sadd.s32 $0x1, s13;
	v32 =	vor.u32 v12, v33  }
.LBB2_208:
0x502: {  	p1 =	sne.s32 s13, $0x3F  }
.Ltmp105:
0x503: {  	v33 =	vmov s13;
	s13 =	sadd.s32 $0x1, s13;
	(pc) =	sbr.rel @p1 .LBB2_208-.Ltmp105, $4  }
0x504: {  	v33 =	vand.u32 $0x3F, v33  }
0x505: {  	v33 =	vbroadcast v33, $0x0  }
0x506: {  	[tilespmem:v32+s19+$0x0] =	vst.idx.msk vm0, v1  }
0x507: {  	v32 =	vor.u32 v12, v33  }
0x508: {  	_ =	sdelay $0x4  }
0x509: {  	[tilespmem:v32+s19+$0x0] =	vst.idx.msk vm0, v1  }
.LBB2_210:
0x50a: {  	v32 =	vld [tilespmem:s12+$0xC0];
	_ =	sdelay $0x4  }
0x50b: {  	v33 =	vxor.u32 $0x80000000, v32  }
0x50c: {  	(xrf0) =	vmin.scan.msk.u32 $0xffff, v33;
	_ =	sdelay $0x5  }
0x50d: {  	v33, _, _ =	vpop (xrf0)  }
0x50e: {  	(v2sf) =	vpush v33, $0xF;
	_ =	sdelay $0xe  }
0x50f: {  	s13 =	spop (v2sf)  }
0x510: {  	p1 =	sne.s32 s13, $0x80000000  }
.Ltmp106:
0x511: {  	_ = 	snop;
	(pc) =	sbr.rel @p1 .LBB2_214-.Ltmp106, $2  }
0x512: {  	_ =	sdelay $0x2  }
0x513: {  	s13 =	simm.s32 $0x0  }
0x514: {  	v33 =	vmov s13  }
0x515: {  	v33 =	vand.u32 $0x3F, v33  }
0x516: {  	v33 =	vbroadcast v33, $0x0  }
0x517: {  	vm0 =	veq.s32 v32, $0x0  }
0x518: {  	s13 =	sadd.s32 $0x1, s13;
	v32 =	vor.u32 v13, v33  }
.LBB2_212:
0x519: {  	p1 =	sne.s32 s13, $0x3F  }
.Ltmp107:
0x51a: {  	v33 =	vmov s13;
	s13 =	sadd.s32 $0x1, s13;
	(pc) =	sbr.rel @p1 .LBB2_212-.Ltmp107, $4  }
0x51b: {  	v33 =	vand.u32 $0x3F, v33  }
0x51c: {  	v33 =	vbroadcast v33, $0x0  }
0x51d: {  	[tilespmem:v32+s19+$0x0] =	vst.idx.msk vm0, v1  }
0x51e: {  	v32 =	vor.u32 v13, v33  }
0x51f: {  	_ =	sdelay $0x4  }
0x520: {  	[tilespmem:v32+s19+$0x0] =	vst.idx.msk vm0, v1  }
.LBB2_214:
0x521: {  	v32 =	vld [tilespmem:s12+$0xD0];
	_ =	sdelay $0x4  }
0x522: {  	v33 =	vxor.u32 $0x80000000, v32  }
0x523: {  	(xrf0) =	vmin.scan.msk.u32 $0xffff, v33;
	_ =	sdelay $0x5  }
0x524: {  	v33, _, _ =	vpop (xrf0)  }
0x525: {  	(v2sf) =	vpush v33, $0xF;
	_ =	sdelay $0xe  }
0x526: {  	s13 =	spop (v2sf)  }
0x527: {  	p1 =	sne.s32 s13, $0x80000000  }
.Ltmp108:
0x528: {  	_ = 	snop;
	(pc) =	sbr.rel @p1 .LBB2_218-.Ltmp108, $2  }
0x529: {  	_ =	sdelay $0x2  }
0x52a: {  	s13 =	simm.s32 $0x0  }
0x52b: {  	v33 =	vmov s13  }
0x52c: {  	v33 =	vand.u32 $0x3F, v33  }
0x52d: {  	v33 =	vbroadcast v33, $0x0  }
0x52e: {  	vm0 =	veq.s32 v32, $0x0  }
0x52f: {  	s13 =	sadd.s32 $0x1, s13;
	v32 =	vor.u32 v14, v33  }
.LBB2_216:
0x530: {  	p1 =	sne.s32 s13, $0x3F  }
.Ltmp109:
0x531: {  	v33 =	vmov s13;
	s13 =	sadd.s32 $0x1, s13;
	(pc) =	sbr.rel @p1 .LBB2_216-.Ltmp109, $4  }
0x532: {  	v33 =	vand.u32 $0x3F, v33  }
0x533: {  	v33 =	vbroadcast v33, $0x0  }
0x534: {  	[tilespmem:v32+s19+$0x0] =	vst.idx.msk vm0, v1  }
0x535: {  	v32 =	vor.u32 v14, v33  }
0x536: {  	_ =	sdelay $0x4  }
0x537: {  	[tilespmem:v32+s19+$0x0] =	vst.idx.msk vm0, v1  }
.LBB2_218:
0x538: {  	v32 =	vld [tilespmem:s12+$0xE0];
	_ =	sdelay $0x4  }
0x539: {  	v33 =	vxor.u32 $0x80000000, v32  }
0x53a: {  	(xrf0) =	vmin.scan.msk.u32 $0xffff, v33;
	_ =	sdelay $0x5  }
0x53b: {  	v33, _, _ =	vpop (xrf0)  }
0x53c: {  	(v2sf) =	vpush v33, $0xF;
	_ =	sdelay $0xe  }
0x53d: {  	s13 =	spop (v2sf)  }
0x53e: {  	p1 =	sne.s32 s13, $0x80000000  }
.Ltmp110:
0x53f: {  	_ = 	snop;
	(pc) =	sbr.rel @p1 .LBB2_222-.Ltmp110, $2  }
0x540: {  	_ =	sdelay $0x2  }
0x541: {  	s13 =	simm.s32 $0x0  }
0x542: {  	v33 =	vmov s13  }
0x543: {  	v33 =	vand.u32 $0x3F, v33  }
0x544: {  	v33 =	vbroadcast v33, $0x0  }
0x545: {  	vm0 =	veq.s32 v32, $0x0  }
0x546: {  	s13 =	sadd.s32 $0x1, s13;
	v32 =	vor.u32 v15, v33  }
.LBB2_220:
0x547: {  	p1 =	sne.s32 s13, $0x3F  }
.Ltmp111:
0x548: {  	v33 =	vmov s13;
	s13 =	sadd.s32 $0x1, s13;
	(pc) =	sbr.rel @p1 .LBB2_220-.Ltmp111, $4  }
0x549: {  	v33 =	vand.u32 $0x3F, v33  }
0x54a: {  	v33 =	vbroadcast v33, $0x0  }
0x54b: {  	[tilespmem:v32+s19+$0x0] =	vst.idx.msk vm0, v1  }
0x54c: {  	v32 =	vor.u32 v15, v33  }
0x54d: {  	_ =	sdelay $0x4  }
0x54e: {  	[tilespmem:v32+s19+$0x0] =	vst.idx.msk vm0, v1  }
.LBB2_222:
0x54f: {  	v32 =	vld [tilespmem:s12+$0xF0];
	_ =	sdelay $0x4  }
0x550: {  	v33 =	vxor.u32 $0x80000000, v32  }
0x551: {  	(xrf0) =	vmin.scan.msk.u32 $0xffff, v33;
	_ =	sdelay $0x5  }
0x552: {  	v33, _, _ =	vpop (xrf0)  }
0x553: {  	(v2sf) =	vpush v33, $0xF;
	_ =	sdelay $0xe  }
0x554: {  	s13 =	spop (v2sf)  }
0x555: {  	p1 =	sne.s32 s13, $0x80000000  }
.Ltmp112:
0x556: {  	_ = 	snop;
	(pc) =	sbr.rel @p1 .LBB2_226-.Ltmp112, $2  }
0x557: {  	_ =	sdelay $0x2  }
0x558: {  	s13 =	simm.s32 $0x0  }
0x559: {  	v33 =	vmov s13  }
0x55a: {  	v33 =	vand.u32 $0x3F, v33  }
0x55b: {  	v33 =	vbroadcast v33, $0x0  }
0x55c: {  	vm0 =	veq.s32 v32, $0x0  }
0x55d: {  	s13 =	sadd.s32 $0x1, s13;
	v32 =	vor.u32 v16, v33  }
.LBB2_224:
0x55e: {  	p1 =	sne.s32 s13, $0x3F  }
.Ltmp113:
0x55f: {  	v33 =	vmov s13;
	s13 =	sadd.s32 $0x1, s13;
	(pc) =	sbr.rel @p1 .LBB2_224-.Ltmp113, $4  }
0x560: {  	v33 =	vand.u32 $0x3F, v33  }
0x561: {  	v33 =	vbroadcast v33, $0x0  }
0x562: {  	[tilespmem:v32+s19+$0x0] =	vst.idx.msk vm0, v1  }
0x563: {  	v32 =	vor.u32 v16, v33  }
0x564: {  	_ =	sdelay $0x4  }
0x565: {  	[tilespmem:v32+s19+$0x0] =	vst.idx.msk vm0, v1  }
.LBB2_226:
0x566: {  	v32 =	vld [tilespmem:s12+$0x100];
	_ =	sdelay $0x4  }
0x567: {  	v33 =	vxor.u32 $0x80000000, v32  }
0x568: {  	(xrf0) =	vmin.scan.msk.u32 $0xffff, v33;
	_ =	sdelay $0x5  }
0x569: {  	v33, _, _ =	vpop (xrf0)  }
0x56a: {  	(v2sf) =	vpush v33, $0xF;
	_ =	sdelay $0xe  }
0x56b: {  	s13 =	spop (v2sf)  }
0x56c: {  	p1 =	sne.s32 s13, $0x80000000  }
.Ltmp114:
0x56d: {  	_ = 	snop;
	(pc) =	sbr.rel @p1 .LBB2_230-.Ltmp114, $2  }
0x56e: {  	_ =	sdelay $0x2  }
0x56f: {  	s13 =	simm.s32 $0x0  }
0x570: {  	v33 =	vmov s13  }
0x571: {  	v33 =	vand.u32 $0x3F, v33  }
0x572: {  	v33 =	vbroadcast v33, $0x0  }
0x573: {  	vm0 =	veq.s32 v32, $0x0  }
0x574: {  	s13 =	sadd.s32 $0x1, s13;
	v32 =	vor.u32 v17, v33  }
.LBB2_228:
0x575: {  	p1 =	sne.s32 s13, $0x3F  }
.Ltmp115:
0x576: {  	v33 =	vmov s13;
	s13 =	sadd.s32 $0x1, s13;
	(pc) =	sbr.rel @p1 .LBB2_228-.Ltmp115, $4  }
0x577: {  	v33 =	vand.u32 $0x3F, v33  }
0x578: {  	v33 =	vbroadcast v33, $0x0  }
0x579: {  	[tilespmem:v32+s19+$0x0] =	vst.idx.msk vm0, v1  }
0x57a: {  	v32 =	vor.u32 v17, v33  }
0x57b: {  	_ =	sdelay $0x4  }
0x57c: {  	[tilespmem:v32+s19+$0x0] =	vst.idx.msk vm0, v1  }
.LBB2_230:
0x57d: {  	v32 =	vld [tilespmem:s12+$0x110];
	_ =	sdelay $0x4  }
0x57e: {  	v33 =	vxor.u32 $0x80000000, v32  }
0x57f: {  	(xrf0) =	vmin.scan.msk.u32 $0xffff, v33;
	_ =	sdelay $0x5  }
0x580: {  	v33, _, _ =	vpop (xrf0)  }
0x581: {  	(v2sf) =	vpush v33, $0xF;
	_ =	sdelay $0xe  }
0x582: {  	s13 =	spop (v2sf)  }
0x583: {  	p1 =	sne.s32 s13, $0x80000000  }
.Ltmp116:
0x584: {  	_ = 	snop;
	(pc) =	sbr.rel @p1 .LBB2_234-.Ltmp116, $2  }
0x585: {  	_ =	sdelay $0x2  }
0x586: {  	s13 =	simm.s32 $0x0  }
0x587: {  	v33 =	vmov s13  }
0x588: {  	v33 =	vand.u32 $0x3F, v33  }
0x589: {  	v33 =	vbroadcast v33, $0x0  }
0x58a: {  	vm0 =	veq.s32 v32, $0x0  }
0x58b: {  	s13 =	sadd.s32 $0x1, s13;
	v32 =	vor.u32 v18, v33  }
.LBB2_232:
0x58c: {  	p1 =	sne.s32 s13, $0x3F  }
.Ltmp117:
0x58d: {  	v33 =	vmov s13;
	s13 =	sadd.s32 $0x1, s13;
	(pc) =	sbr.rel @p1 .LBB2_232-.Ltmp117, $4  }
0x58e: {  	v33 =	vand.u32 $0x3F, v33  }
0x58f: {  	v33 =	vbroadcast v33, $0x0  }
0x590: {  	[tilespmem:v32+s19+$0x0] =	vst.idx.msk vm0, v1  }
0x591: {  	v32 =	vor.u32 v18, v33  }
0x592: {  	_ =	sdelay $0x4  }
0x593: {  	[tilespmem:v32+s19+$0x0] =	vst.idx.msk vm0, v1  }
.LBB2_234:
0x594: {  	v32 =	vld [tilespmem:s12+$0x120];
	_ =	sdelay $0x4  }
0x595: {  	v33 =	vxor.u32 $0x80000000, v32  }
0x596: {  	(xrf0) =	vmin.scan.msk.u32 $0xffff, v33;
	_ =	sdelay $0x5  }
0x597: {  	v33, _, _ =	vpop (xrf0)  }
0x598: {  	(v2sf) =	vpush v33, $0xF;
	_ =	sdelay $0xe  }
0x599: {  	s13 =	spop (v2sf)  }
0x59a: {  	p1 =	sne.s32 s13, $0x80000000  }
.Ltmp118:
0x59b: {  	_ = 	snop;
	(pc) =	sbr.rel @p1 .LBB2_238-.Ltmp118, $2  }
0x59c: {  	_ =	sdelay $0x2  }
0x59d: {  	s13 =	simm.s32 $0x0  }
0x59e: {  	v33 =	vmov s13  }
0x59f: {  	v33 =	vand.u32 $0x3F, v33  }
0x5a0: {  	v33 =	vbroadcast v33, $0x0  }
0x5a1: {  	vm0 =	veq.s32 v32, $0x0  }
0x5a2: {  	s13 =	sadd.s32 $0x1, s13;
	v32 =	vor.u32 v19, v33  }
.LBB2_236:
0x5a3: {  	p1 =	sne.s32 s13, $0x3F  }
.Ltmp119:
0x5a4: {  	v33 =	vmov s13;
	s13 =	sadd.s32 $0x1, s13;
	(pc) =	sbr.rel @p1 .LBB2_236-.Ltmp119, $4  }
0x5a5: {  	v33 =	vand.u32 $0x3F, v33  }
0x5a6: {  	v33 =	vbroadcast v33, $0x0  }
0x5a7: {  	[tilespmem:v32+s19+$0x0] =	vst.idx.msk vm0, v1  }
0x5a8: {  	v32 =	vor.u32 v19, v33  }
0x5a9: {  	_ =	sdelay $0x4  }
0x5aa: {  	[tilespmem:v32+s19+$0x0] =	vst.idx.msk vm0, v1  }
.LBB2_238:
0x5ab: {  	v32 =	vld [tilespmem:s12+$0x130];
	_ =	sdelay $0x4  }
0x5ac: {  	v33 =	vxor.u32 $0x80000000, v32  }
0x5ad: {  	(xrf0) =	vmin.scan.msk.u32 $0xffff, v33;
	_ =	sdelay $0x5  }
0x5ae: {  	v33, _, _ =	vpop (xrf0)  }
0x5af: {  	(v2sf) =	vpush v33, $0xF;
	_ =	sdelay $0xe  }
0x5b0: {  	s13 =	spop (v2sf)  }
0x5b1: {  	p1 =	sne.s32 s13, $0x80000000  }
.Ltmp120:
0x5b2: {  	_ = 	snop;
	(pc) =	sbr.rel @p1 .LBB2_242-.Ltmp120, $2  }
0x5b3: {  	_ =	sdelay $0x2  }
0x5b4: {  	s13 =	simm.s32 $0x0  }
0x5b5: {  	v33 =	vmov s13  }
0x5b6: {  	v33 =	vand.u32 $0x3F, v33  }
0x5b7: {  	v33 =	vbroadcast v33, $0x0  }
0x5b8: {  	vm0 =	veq.s32 v32, $0x0  }
0x5b9: {  	s13 =	sadd.s32 $0x1, s13;
	v32 =	vor.u32 v20, v33  }
.LBB2_240:
0x5ba: {  	p1 =	sne.s32 s13, $0x3F  }
.Ltmp121:
0x5bb: {  	v33 =	vmov s13;
	s13 =	sadd.s32 $0x1, s13;
	(pc) =	sbr.rel @p1 .LBB2_240-.Ltmp121, $4  }
0x5bc: {  	v33 =	vand.u32 $0x3F, v33  }
0x5bd: {  	v33 =	vbroadcast v33, $0x0  }
0x5be: {  	[tilespmem:v32+s19+$0x0] =	vst.idx.msk vm0, v1  }
0x5bf: {  	v32 =	vor.u32 v20, v33  }
0x5c0: {  	_ =	sdelay $0x4  }
0x5c1: {  	[tilespmem:v32+s19+$0x0] =	vst.idx.msk vm0, v1  }
.LBB2_242:
0x5c2: {  	v32 =	vld [tilespmem:s12+$0x140];
	_ =	sdelay $0x4  }
0x5c3: {  	v33 =	vxor.u32 $0x80000000, v32  }
0x5c4: {  	(xrf0) =	vmin.scan.msk.u32 $0xffff, v33;
	_ =	sdelay $0x5  }
0x5c5: {  	v33, _, _ =	vpop (xrf0)  }
0x5c6: {  	(v2sf) =	vpush v33, $0xF;
	_ =	sdelay $0xe  }
0x5c7: {  	s13 =	spop (v2sf)  }
0x5c8: {  	p1 =	sne.s32 s13, $0x80000000  }
.Ltmp122:
0x5c9: {  	_ = 	snop;
	(pc) =	sbr.rel @p1 .LBB2_246-.Ltmp122, $2  }
0x5ca: {  	_ =	sdelay $0x2  }
0x5cb: {  	s13 =	simm.s32 $0x0  }
0x5cc: {  	v33 =	vmov s13  }
0x5cd: {  	v33 =	vand.u32 $0x3F, v33  }
0x5ce: {  	v33 =	vbroadcast v33, $0x0  }
0x5cf: {  	vm0 =	veq.s32 v32, $0x0  }
0x5d0: {  	s13 =	sadd.s32 $0x1, s13;
	v32 =	vor.u32 v21, v33  }
.LBB2_244:
0x5d1: {  	p1 =	sne.s32 s13, $0x3F  }
.Ltmp123:
0x5d2: {  	v33 =	vmov s13;
	s13 =	sadd.s32 $0x1, s13;
	(pc) =	sbr.rel @p1 .LBB2_244-.Ltmp123, $4  }
0x5d3: {  	v33 =	vand.u32 $0x3F, v33  }
0x5d4: {  	v33 =	vbroadcast v33, $0x0  }
0x5d5: {  	[tilespmem:v32+s19+$0x0] =	vst.idx.msk vm0, v1  }
0x5d6: {  	v32 =	vor.u32 v21, v33  }
0x5d7: {  	_ =	sdelay $0x4  }
0x5d8: {  	[tilespmem:v32+s19+$0x0] =	vst.idx.msk vm0, v1  }
.LBB2_246:
0x5d9: {  	v32 =	vld [tilespmem:s12+$0x150];
	_ =	sdelay $0x4  }
0x5da: {  	v33 =	vxor.u32 $0x80000000, v32  }
0x5db: {  	(xrf0) =	vmin.scan.msk.u32 $0xffff, v33;
	_ =	sdelay $0x5  }
0x5dc: {  	v33, _, _ =	vpop (xrf0)  }
0x5dd: {  	(v2sf) =	vpush v33, $0xF;
	_ =	sdelay $0xe  }
0x5de: {  	s13 =	spop (v2sf)  }
0x5df: {  	p1 =	sne.s32 s13, $0x80000000  }
.Ltmp124:
0x5e0: {  	_ = 	snop;
	(pc) =	sbr.rel @p1 .LBB2_250-.Ltmp124, $2  }
0x5e1: {  	_ =	sdelay $0x2  }
0x5e2: {  	s13 =	simm.s32 $0x0  }
0x5e3: {  	v33 =	vmov s13  }
0x5e4: {  	v33 =	vand.u32 $0x3F, v33  }
0x5e5: {  	v33 =	vbroadcast v33, $0x0  }
0x5e6: {  	vm0 =	veq.s32 v32, $0x0  }
0x5e7: {  	s13 =	sadd.s32 $0x1, s13;
	v32 =	vor.u32 v22, v33  }
.LBB2_248:
0x5e8: {  	p1 =	sne.s32 s13, $0x3F  }
.Ltmp125:
0x5e9: {  	v33 =	vmov s13;
	s13 =	sadd.s32 $0x1, s13;
	(pc) =	sbr.rel @p1 .LBB2_248-.Ltmp125, $4  }
0x5ea: {  	v33 =	vand.u32 $0x3F, v33  }
0x5eb: {  	v33 =	vbroadcast v33, $0x0  }
0x5ec: {  	[tilespmem:v32+s19+$0x0] =	vst.idx.msk vm0, v1  }
0x5ed: {  	v32 =	vor.u32 v22, v33  }
0x5ee: {  	_ =	sdelay $0x4  }
0x5ef: {  	[tilespmem:v32+s19+$0x0] =	vst.idx.msk vm0, v1  }
.LBB2_250:
0x5f0: {  	v32 =	vld [tilespmem:s12+$0x160];
	_ =	sdelay $0x4  }
0x5f1: {  	v33 =	vxor.u32 $0x80000000, v32  }
0x5f2: {  	(xrf0) =	vmin.scan.msk.u32 $0xffff, v33;
	_ =	sdelay $0x5  }
0x5f3: {  	v33, _, _ =	vpop (xrf0)  }
0x5f4: {  	(v2sf) =	vpush v33, $0xF;
	_ =	sdelay $0xe  }
0x5f5: {  	s13 =	spop (v2sf)  }
0x5f6: {  	p1 =	sne.s32 s13, $0x80000000  }
.Ltmp126:
0x5f7: {  	_ = 	snop;
	(pc) =	sbr.rel @p1 .LBB2_254-.Ltmp126, $2  }
0x5f8: {  	_ =	sdelay $0x2  }
0x5f9: {  	s13 =	simm.s32 $0x0  }
0x5fa: {  	v33 =	vmov s13  }
0x5fb: {  	v33 =	vand.u32 $0x3F, v33  }
0x5fc: {  	v33 =	vbroadcast v33, $0x0  }
0x5fd: {  	vm0 =	veq.s32 v32, $0x0  }
0x5fe: {  	s13 =	sadd.s32 $0x1, s13;
	v32 =	vor.u32 v23, v33  }
.LBB2_252:
0x5ff: {  	p1 =	sne.s32 s13, $0x3F  }
.Ltmp127:
0x600: {  	v33 =	vmov s13;
	s13 =	sadd.s32 $0x1, s13;
	(pc) =	sbr.rel @p1 .LBB2_252-.Ltmp127, $4  }
0x601: {  	v33 =	vand.u32 $0x3F, v33  }
0x602: {  	v33 =	vbroadcast v33, $0x0  }
0x603: {  	[tilespmem:v32+s19+$0x0] =	vst.idx.msk vm0, v1  }
0x604: {  	v32 =	vor.u32 v23, v33  }
0x605: {  	_ =	sdelay $0x4  }
0x606: {  	[tilespmem:v32+s19+$0x0] =	vst.idx.msk vm0, v1  }
.LBB2_254:
0x607: {  	v32 =	vld [tilespmem:s12+$0x170];
	_ =	sdelay $0x4  }
0x608: {  	v33 =	vxor.u32 $0x80000000, v32  }
0x609: {  	(xrf0) =	vmin.scan.msk.u32 $0xffff, v33;
	_ =	sdelay $0x5  }
0x60a: {  	v33, _, _ =	vpop (xrf0)  }
0x60b: {  	(v2sf) =	vpush v33, $0xF;
	_ =	sdelay $0xe  }
0x60c: {  	s13 =	spop (v2sf)  }
0x60d: {  	p1 =	sne.s32 s13, $0x80000000  }
.Ltmp128:
0x60e: {  	_ = 	snop;
	(pc) =	sbr.rel @p1 .LBB2_258-.Ltmp128, $2  }
0x60f: {  	_ =	sdelay $0x2  }
0x610: {  	s13 =	simm.s32 $0x0  }
0x611: {  	v33 =	vmov s13  }
0x612: {  	v33 =	vand.u32 $0x3F, v33  }
0x613: {  	v33 =	vbroadcast v33, $0x0  }
0x614: {  	vm0 =	veq.s32 v32, $0x0  }
0x615: {  	s13 =	sadd.s32 $0x1, s13;
	v32 =	vor.u32 v24, v33  }
.LBB2_256:
0x616: {  	p1 =	sne.s32 s13, $0x3F  }
.Ltmp129:
0x617: {  	v33 =	vmov s13;
	s13 =	sadd.s32 $0x1, s13;
	(pc) =	sbr.rel @p1 .LBB2_256-.Ltmp129, $4  }
0x618: {  	v33 =	vand.u32 $0x3F, v33  }
0x619: {  	v33 =	vbroadcast v33, $0x0  }
0x61a: {  	[tilespmem:v32+s19+$0x0] =	vst.idx.msk vm0, v1  }
0x61b: {  	v32 =	vor.u32 v24, v33  }
0x61c: {  	_ =	sdelay $0x4  }
0x61d: {  	[tilespmem:v32+s19+$0x0] =	vst.idx.msk vm0, v1  }
.LBB2_258:
0x61e: {  	v32 =	vld [tilespmem:s12+$0x180];
	_ =	sdelay $0x4  }
0x61f: {  	v33 =	vxor.u32 $0x80000000, v32  }
0x620: {  	(xrf0) =	vmin.scan.msk.u32 $0xffff, v33;
	_ =	sdelay $0x5  }
0x621: {  	v33, _, _ =	vpop (xrf0)  }
0x622: {  	(v2sf) =	vpush v33, $0xF;
	_ =	sdelay $0xe  }
0x623: {  	s13 =	spop (v2sf)  }
0x624: {  	p1 =	sne.s32 s13, $0x80000000  }
.Ltmp130:
0x625: {  	_ = 	snop;
	(pc) =	sbr.rel @p1 .LBB2_262-.Ltmp130, $2  }
0x626: {  	_ =	sdelay $0x2  }
0x627: {  	s13 =	simm.s32 $0x0  }
0x628: {  	v33 =	vmov s13  }
0x629: {  	v33 =	vand.u32 $0x3F, v33  }
0x62a: {  	v33 =	vbroadcast v33, $0x0  }
0x62b: {  	vm0 =	veq.s32 v32, $0x0  }
0x62c: {  	s13 =	sadd.s32 $0x1, s13;
	v32 =	vor.u32 v25, v33  }
.LBB2_260:
0x62d: {  	p1 =	sne.s32 s13, $0x3F  }
.Ltmp131:
0x62e: {  	v33 =	vmov s13;
	s13 =	sadd.s32 $0x1, s13;
	(pc) =	sbr.rel @p1 .LBB2_260-.Ltmp131, $4  }
0x62f: {  	v33 =	vand.u32 $0x3F, v33  }
0x630: {  	v33 =	vbroadcast v33, $0x0  }
0x631: {  	[tilespmem:v32+s19+$0x0] =	vst.idx.msk vm0, v1  }
0x632: {  	v32 =	vor.u32 v25, v33  }
0x633: {  	_ =	sdelay $0x4  }
0x634: {  	[tilespmem:v32+s19+$0x0] =	vst.idx.msk vm0, v1  }
.LBB2_262:
0x635: {  	v32 =	vld [tilespmem:s12+$0x190];
	_ =	sdelay $0x4  }
0x636: {  	v33 =	vxor.u32 $0x80000000, v32  }
0x637: {  	(xrf0) =	vmin.scan.msk.u32 $0xffff, v33;
	_ =	sdelay $0x5  }
0x638: {  	v33, _, _ =	vpop (xrf0)  }
0x639: {  	(v2sf) =	vpush v33, $0xF;
	_ =	sdelay $0xe  }
0x63a: {  	s13 =	spop (v2sf)  }
0x63b: {  	p1 =	sne.s32 s13, $0x80000000  }
.Ltmp132:
0x63c: {  	_ = 	snop;
	(pc) =	sbr.rel @p1 .LBB2_266-.Ltmp132, $2  }
0x63d: {  	_ =	sdelay $0x2  }
0x63e: {  	s13 =	simm.s32 $0x0  }
0x63f: {  	v33 =	vmov s13  }
0x640: {  	v33 =	vand.u32 $0x3F, v33  }
0x641: {  	v33 =	vbroadcast v33, $0x0  }
0x642: {  	vm0 =	veq.s32 v32, $0x0  }
0x643: {  	s13 =	sadd.s32 $0x1, s13;
	v32 =	vor.u32 v26, v33  }
.LBB2_264:
0x644: {  	p1 =	sne.s32 s13, $0x3F  }
.Ltmp133:
0x645: {  	v33 =	vmov s13;
	s13 =	sadd.s32 $0x1, s13;
	(pc) =	sbr.rel @p1 .LBB2_264-.Ltmp133, $4  }
0x646: {  	v33 =	vand.u32 $0x3F, v33  }
0x647: {  	v33 =	vbroadcast v33, $0x0  }
0x648: {  	[tilespmem:v32+s19+$0x0] =	vst.idx.msk vm0, v1  }
0x649: {  	v32 =	vor.u32 v26, v33  }
0x64a: {  	_ =	sdelay $0x4  }
0x64b: {  	[tilespmem:v32+s19+$0x0] =	vst.idx.msk vm0, v1  }
.LBB2_266:
0x64c: {  	v32 =	vld [tilespmem:s12+$0x1A0];
	_ =	sdelay $0x4  }
0x64d: {  	v33 =	vxor.u32 $0x80000000, v32  }
0x64e: {  	(xrf0) =	vmin.scan.msk.u32 $0xffff, v33;
	_ =	sdelay $0x5  }
0x64f: {  	v33, _, _ =	vpop (xrf0)  }
0x650: {  	(v2sf) =	vpush v33, $0xF;
	_ =	sdelay $0xe  }
0x651: {  	s13 =	spop (v2sf)  }
0x652: {  	p1 =	sne.s32 s13, $0x80000000  }
.Ltmp134:
0x653: {  	_ = 	snop;
	(pc) =	sbr.rel @p1 .LBB2_270-.Ltmp134, $2  }
0x654: {  	_ =	sdelay $0x2  }
0x655: {  	s13 =	simm.s32 $0x0  }
0x656: {  	v33 =	vmov s13  }
0x657: {  	v33 =	vand.u32 $0x3F, v33  }
0x658: {  	v33 =	vbroadcast v33, $0x0  }
0x659: {  	vm0 =	veq.s32 v32, $0x0  }
0x65a: {  	s13 =	sadd.s32 $0x1, s13;
	v32 =	vor.u32 v27, v33  }
.LBB2_268:
0x65b: {  	p1 =	sne.s32 s13, $0x3F  }
.Ltmp135:
0x65c: {  	v33 =	vmov s13;
	s13 =	sadd.s32 $0x1, s13;
	(pc) =	sbr.rel @p1 .LBB2_268-.Ltmp135, $4  }
0x65d: {  	v33 =	vand.u32 $0x3F, v33  }
0x65e: {  	v33 =	vbroadcast v33, $0x0  }
0x65f: {  	[tilespmem:v32+s19+$0x0] =	vst.idx.msk vm0, v1  }
0x660: {  	v32 =	vor.u32 v27, v33  }
0x661: {  	_ =	sdelay $0x4  }
0x662: {  	[tilespmem:v32+s19+$0x0] =	vst.idx.msk vm0, v1  }
.LBB2_270:
0x663: {  	v32 =	vld [tilespmem:s12+$0x1B0];
	_ =	sdelay $0x4  }
0x664: {  	v33 =	vxor.u32 $0x80000000, v32  }
0x665: {  	(xrf0) =	vmin.scan.msk.u32 $0xffff, v33;
	_ =	sdelay $0x5  }
0x666: {  	v33, _, _ =	vpop (xrf0)  }
0x667: {  	(v2sf) =	vpush v33, $0xF;
	_ =	sdelay $0xe  }
0x668: {  	s13 =	spop (v2sf)  }
0x669: {  	p1 =	sne.s32 s13, $0x80000000  }
.Ltmp136:
0x66a: {  	_ = 	snop;
	(pc) =	sbr.rel @p1 .LBB2_274-.Ltmp136, $2  }
0x66b: {  	_ =	sdelay $0x2  }
0x66c: {  	s13 =	simm.s32 $0x0  }
0x66d: {  	v33 =	vmov s13  }
0x66e: {  	v33 =	vand.u32 $0x3F, v33  }
0x66f: {  	v33 =	vbroadcast v33, $0x0  }
0x670: {  	vm0 =	veq.s32 v32, $0x0  }
0x671: {  	s13 =	sadd.s32 $0x1, s13;
	v32 =	vor.u32 v28, v33  }
.LBB2_272:
0x672: {  	p1 =	sne.s32 s13, $0x3F  }
.Ltmp137:
0x673: {  	v33 =	vmov s13;
	s13 =	sadd.s32 $0x1, s13;
	(pc) =	sbr.rel @p1 .LBB2_272-.Ltmp137, $4  }
0x674: {  	v33 =	vand.u32 $0x3F, v33  }
0x675: {  	v33 =	vbroadcast v33, $0x0  }
0x676: {  	[tilespmem:v32+s19+$0x0] =	vst.idx.msk vm0, v1  }
0x677: {  	v32 =	vor.u32 v28, v33  }
0x678: {  	_ =	sdelay $0x4  }
0x679: {  	[tilespmem:v32+s19+$0x0] =	vst.idx.msk vm0, v1  }
.LBB2_274:
0x67a: {  	v32 =	vld [tilespmem:s12+$0x1C0];
	_ =	sdelay $0x4  }
0x67b: {  	v33 =	vxor.u32 $0x80000000, v32  }
0x67c: {  	(xrf0) =	vmin.scan.msk.u32 $0xffff, v33;
	_ =	sdelay $0x5  }
0x67d: {  	v33, _, _ =	vpop (xrf0)  }
0x67e: {  	(v2sf) =	vpush v33, $0xF;
	_ =	sdelay $0xe  }
0x67f: {  	s13 =	spop (v2sf)  }
0x680: {  	p1 =	sne.s32 s13, $0x80000000  }
.Ltmp138:
0x681: {  	_ = 	snop;
	(pc) =	sbr.rel @p1 .LBB2_278-.Ltmp138, $2  }
0x682: {  	_ =	sdelay $0x2  }
0x683: {  	s13 =	simm.s32 $0x0  }
0x684: {  	v33 =	vmov s13  }
0x685: {  	v33 =	vand.u32 $0x3F, v33  }
0x686: {  	v33 =	vbroadcast v33, $0x0  }
0x687: {  	vm0 =	veq.s32 v32, $0x0  }
0x688: {  	s13 =	sadd.s32 $0x1, s13;
	v32 =	vor.u32 v29, v33  }
.LBB2_276:
0x689: {  	p1 =	sne.s32 s13, $0x3F  }
.Ltmp139:
0x68a: {  	v33 =	vmov s13;
	s13 =	sadd.s32 $0x1, s13;
	(pc) =	sbr.rel @p1 .LBB2_276-.Ltmp139, $4  }
0x68b: {  	v33 =	vand.u32 $0x3F, v33  }
0x68c: {  	v33 =	vbroadcast v33, $0x0  }
0x68d: {  	[tilespmem:v32+s19+$0x0] =	vst.idx.msk vm0, v1  }
0x68e: {  	v32 =	vor.u32 v29, v33  }
0x68f: {  	_ =	sdelay $0x4  }
0x690: {  	[tilespmem:v32+s19+$0x0] =	vst.idx.msk vm0, v1  }
.LBB2_278:
0x691: {  	v32 =	vld [tilespmem:s12+$0x1D0];
	_ =	sdelay $0x4  }
0x692: {  	v33 =	vxor.u32 $0x80000000, v32  }
0x693: {  	(xrf0) =	vmin.scan.msk.u32 $0xffff, v33;
	_ =	sdelay $0x5  }
0x694: {  	v33, _, _ =	vpop (xrf0)  }
0x695: {  	(v2sf) =	vpush v33, $0xF;
	_ =	sdelay $0xe  }
0x696: {  	s13 =	spop (v2sf)  }
0x697: {  	p1 =	sne.s32 s13, $0x80000000  }
.Ltmp140:
0x698: {  	_ = 	snop;
	(pc) =	sbr.rel @p1 .LBB2_282-.Ltmp140, $2  }
0x699: {  	_ =	sdelay $0x2  }
0x69a: {  	s13 =	simm.s32 $0x0  }
0x69b: {  	v33 =	vmov s13  }
0x69c: {  	v33 =	vand.u32 $0x3F, v33  }
0x69d: {  	v33 =	vbroadcast v33, $0x0  }
0x69e: {  	vm0 =	veq.s32 v32, $0x0  }
0x69f: {  	s13 =	sadd.s32 $0x1, s13;
	v32 =	vor.u32 v30, v33  }
.LBB2_280:
0x6a0: {  	p1 =	sne.s32 s13, $0x3F  }
.Ltmp141:
0x6a1: {  	v33 =	vmov s13;
	s13 =	sadd.s32 $0x1, s13;
	(pc) =	sbr.rel @p1 .LBB2_280-.Ltmp141, $4  }
0x6a2: {  	v33 =	vand.u32 $0x3F, v33  }
0x6a3: {  	v33 =	vbroadcast v33, $0x0  }
0x6a4: {  	[tilespmem:v32+s19+$0x0] =	vst.idx.msk vm0, v1  }
0x6a5: {  	v32 =	vor.u32 v30, v33  }
0x6a6: {  	_ =	sdelay $0x4  }
0x6a7: {  	[tilespmem:v32+s19+$0x0] =	vst.idx.msk vm0, v1  }
.LBB2_282:
0x6a8: {  	v32 =	vld [tilespmem:s12+$0x1E0];
	_ =	sdelay $0x4  }
0x6a9: {  	v33 =	vxor.u32 $0x80000000, v32  }
0x6aa: {  	(xrf0) =	vmin.scan.msk.u32 $0xffff, v33;
	_ =	sdelay $0x5  }
0x6ab: {  	v33, _, _ =	vpop (xrf0)  }
0x6ac: {  	(v2sf) =	vpush v33, $0xF;
	_ =	sdelay $0xe  }
0x6ad: {  	s13 =	spop (v2sf)  }
0x6ae: {  	p1 =	sne.s32 s13, $0x80000000  }
.Ltmp142:
0x6af: {  	_ = 	snop;
	(pc) =	sbr.rel @p1 .LBB2_286-.Ltmp142, $2  }
0x6b0: {  	_ =	sdelay $0x2  }
0x6b1: {  	s13 =	simm.s32 $0x0  }
0x6b2: {  	v33 =	vmov s13  }
0x6b3: {  	v33 =	vand.u32 $0x3F, v33  }
0x6b4: {  	v33 =	vbroadcast v33, $0x0  }
0x6b5: {  	vm0 =	veq.s32 v32, $0x0  }
0x6b6: {  	s13 =	sadd.s32 $0x1, s13;
	v32 =	vor.u32 v31, v33  }
.LBB2_284:
0x6b7: {  	p1 =	sne.s32 s13, $0x3F  }
.Ltmp143:
0x6b8: {  	v33 =	vmov s13;
	s13 =	sadd.s32 $0x1, s13;
	(pc) =	sbr.rel @p1 .LBB2_284-.Ltmp143, $4  }
0x6b9: {  	v33 =	vand.u32 $0x3F, v33  }
0x6ba: {  	v33 =	vbroadcast v33, $0x0  }
0x6bb: {  	[tilespmem:v32+s19+$0x0] =	vst.idx.msk vm0, v1  }
0x6bc: {  	v32 =	vor.u32 v31, v33  }
0x6bd: {  	_ =	sdelay $0x4  }
0x6be: {  	[tilespmem:v32+s19+$0x0] =	vst.idx.msk vm0, v1  }
.LBB2_286:
0x6bf: {  	v33 =	vld [tilespmem:s12+$0x1F0];
	_ =	sdelay $0x4  }
0x6c0: {  	v32 =	vxor.u32 $0x80000000, v33  }
0x6c1: {  	(xrf0) =	vmin.scan.msk.u32 $0xffff, v32;
	_ =	sdelay $0x5  }
0x6c2: {  	v32, _, _ =	vpop (xrf0)  }
0x6c3: {  	(v2sf) =	vpush v32, $0xF;
	_ =	sdelay $0xe  }
0x6c4: {  	s13 =	spop (v2sf)  }
0x6c5: {  	p1 =	sne.s32 s13, $0x80000000  }
.Ltmp144:
0x6c6: {  	_ = 	snop;
	(pc) =	sbr.rel @p1 .LBB2_290-.Ltmp144, $2  }
0x6c7: {  	_ =	sdelay $0x2  }
0x6c8: {  	s13 =	simm.s32 $0x0  }
0x6c9: {  	v32 =	vmov s13  }
0x6ca: {  	v32 =	vand.u32 $0x3F, v32  }
0x6cb: {  	v34 =	vbroadcast v32, $0x0  }
0x6cc: {  	vm0 =	veq.s32 v33, $0x0;
	v32 =	vor.u32 $0x7C00, v0  }
0x6cd: {  	s13 =	sadd.s32 $0x1, s13;
	v33 =	vor.u32 v32, v34  }
.LBB2_288:
0x6ce: {  	p1 =	sne.s32 s13, $0x3F  }
.Ltmp145:
0x6cf: {  	v34 =	vmov s13;
	s13 =	sadd.s32 $0x1, s13;
	(pc) =	sbr.rel @p1 .LBB2_288-.Ltmp145, $4  }
0x6d0: {  	v34 =	vand.u32 $0x3F, v34  }
0x6d1: {  	v34 =	vbroadcast v34, $0x0  }
0x6d2: {  	[tilespmem:v33+s19+$0x0] =	vst.idx.msk vm0, v1  }
0x6d3: {  	v33 =	vor.u32 v32, v34  }
0x6d4: {  	_ =	sdelay $0x4  }
0x6d5: {  	[tilespmem:v33+s19+$0x0] =	vst.idx.msk vm0, v1  }
.LBB2_290:
0x6d6: {  	v33 =	vld [tilespmem:s12+$0x200];
	_ =	sdelay $0x4  }
0x6d7: {  	v32 =	vxor.u32 $0x80000000, v33  }
0x6d8: {  	(xrf0) =	vmin.scan.msk.u32 $0xffff, v32;
	_ =	sdelay $0x5  }
0x6d9: {  	v32, _, _ =	vpop (xrf0)  }
0x6da: {  	(v2sf) =	vpush v32, $0xF;
	_ =	sdelay $0xe  }
0x6db: {  	s13 =	spop (v2sf)  }
0x6dc: {  	p1 =	sne.s32 s13, $0x80000000  }
.Ltmp146:
0x6dd: {  	_ = 	snop;
	(pc) =	sbr.rel @p1 .LBB2_294-.Ltmp146, $2  }
0x6de: {  	_ =	sdelay $0x2  }
0x6df: {  	s13 =	simm.s32 $0x0  }
0x6e0: {  	v32 =	vmov s13  }
0x6e1: {  	v32 =	vand.u32 $0x3F, v32  }
0x6e2: {  	v34 =	vbroadcast v32, $0x0  }
0x6e3: {  	vm0 =	veq.s32 v33, $0x0;
	v32 =	vor.u32 $0x8000, v0  }
0x6e4: {  	s13 =	sadd.s32 $0x1, s13;
	v33 =	vor.u32 v32, v34  }
.LBB2_292:
0x6e5: {  	p1 =	sne.s32 s13, $0x3F  }
.Ltmp147:
0x6e6: {  	v34 =	vmov s13;
	s13 =	sadd.s32 $0x1, s13;
	(pc) =	sbr.rel @p1 .LBB2_292-.Ltmp147, $4  }
0x6e7: {  	v34 =	vand.u32 $0x3F, v34  }
0x6e8: {  	v34 =	vbroadcast v34, $0x0  }
0x6e9: {  	[tilespmem:v33+s19+$0x0] =	vst.idx.msk vm0, v1  }
0x6ea: {  	v33 =	vor.u32 v32, v34  }
0x6eb: {  	_ =	sdelay $0x4  }
0x6ec: {  	[tilespmem:v33+s19+$0x0] =	vst.idx.msk vm0, v1  }
.LBB2_294:
0x6ed: {  	v33 =	vld [tilespmem:s12+$0x210];
	_ =	sdelay $0x4  }
0x6ee: {  	v32 =	vxor.u32 $0x80000000, v33  }
0x6ef: {  	(xrf0) =	vmin.scan.msk.u32 $0xffff, v32;
	_ =	sdelay $0x5  }
0x6f0: {  	v32, _, _ =	vpop (xrf0)  }
0x6f1: {  	(v2sf) =	vpush v32, $0xF;
	_ =	sdelay $0xe  }
0x6f2: {  	s13 =	spop (v2sf)  }
0x6f3: {  	p1 =	sne.s32 s13, $0x80000000  }
.Ltmp148:
0x6f4: {  	_ = 	snop;
	(pc) =	sbr.rel @p1 .LBB2_298-.Ltmp148, $2  }
0x6f5: {  	_ =	sdelay $0x2  }
0x6f6: {  	s13 =	simm.s32 $0x0  }
0x6f7: {  	v32 =	vmov s13  }
0x6f8: {  	v32 =	vand.u32 $0x3F, v32  }
0x6f9: {  	v34 =	vbroadcast v32, $0x0  }
0x6fa: {  	vm0 =	veq.s32 v33, $0x0;
	v32 =	vor.u32 $0x8400, v0  }
0x6fb: {  	s13 =	sadd.s32 $0x1, s13;
	v33 =	vor.u32 v32, v34  }
.LBB2_296:
0x6fc: {  	p1 =	sne.s32 s13, $0x3F  }
.Ltmp149:
0x6fd: {  	v34 =	vmov s13;
	s13 =	sadd.s32 $0x1, s13;
	(pc) =	sbr.rel @p1 .LBB2_296-.Ltmp149, $4  }
0x6fe: {  	v34 =	vand.u32 $0x3F, v34  }
0x6ff: {  	v34 =	vbroadcast v34, $0x0  }
0x700: {  	[tilespmem:v33+s19+$0x0] =	vst.idx.msk vm0, v1  }
0x701: {  	v33 =	vor.u32 v32, v34  }
0x702: {  	_ =	sdelay $0x4  }
0x703: {  	[tilespmem:v33+s19+$0x0] =	vst.idx.msk vm0, v1  }
.LBB2_298:
0x704: {  	v33 =	vld [tilespmem:s12+$0x220];
	_ =	sdelay $0x4  }
0x705: {  	v32 =	vxor.u32 $0x80000000, v33  }
0x706: {  	(xrf0) =	vmin.scan.msk.u32 $0xffff, v32;
	_ =	sdelay $0x5  }
0x707: {  	v32, _, _ =	vpop (xrf0)  }
0x708: {  	(v2sf) =	vpush v32, $0xF;
	_ =	sdelay $0xe  }
0x709: {  	s13 =	spop (v2sf)  }
0x70a: {  	p1 =	sne.s32 s13, $0x80000000  }
.Ltmp150:
0x70b: {  	_ = 	snop;
	(pc) =	sbr.rel @p1 .LBB2_302-.Ltmp150, $2  }
0x70c: {  	_ =	sdelay $0x2  }
0x70d: {  	s13 =	simm.s32 $0x0  }
0x70e: {  	v32 =	vmov s13  }
0x70f: {  	v32 =	vand.u32 $0x3F, v32  }
0x710: {  	v34 =	vbroadcast v32, $0x0  }
0x711: {  	vm0 =	veq.s32 v33, $0x0;
	v32 =	vor.u32 $0x8800, v0  }
0x712: {  	s13 =	sadd.s32 $0x1, s13;
	v33 =	vor.u32 v32, v34  }
.LBB2_300:
0x713: {  	p1 =	sne.s32 s13, $0x3F  }
.Ltmp151:
0x714: {  	v34 =	vmov s13;
	s13 =	sadd.s32 $0x1, s13;
	(pc) =	sbr.rel @p1 .LBB2_300-.Ltmp151, $4  }
0x715: {  	v34 =	vand.u32 $0x3F, v34  }
0x716: {  	v34 =	vbroadcast v34, $0x0  }
0x717: {  	[tilespmem:v33+s19+$0x0] =	vst.idx.msk vm0, v1  }
0x718: {  	v33 =	vor.u32 v32, v34  }
0x719: {  	_ =	sdelay $0x4  }
0x71a: {  	[tilespmem:v33+s19+$0x0] =	vst.idx.msk vm0, v1  }
.LBB2_302:
0x71b: {  	v33 =	vld [tilespmem:s12+$0x230];
	_ =	sdelay $0x4  }
0x71c: {  	v32 =	vxor.u32 $0x80000000, v33  }
0x71d: {  	(xrf0) =	vmin.scan.msk.u32 $0xffff, v32;
	_ =	sdelay $0x5  }
0x71e: {  	v32, _, _ =	vpop (xrf0)  }
0x71f: {  	(v2sf) =	vpush v32, $0xF;
	_ =	sdelay $0xe  }
0x720: {  	s13 =	spop (v2sf)  }
0x721: {  	p1 =	sne.s32 s13, $0x80000000  }
.Ltmp152:
0x722: {  	_ = 	snop;
	(pc) =	sbr.rel @p1 .LBB2_306-.Ltmp152, $2  }
0x723: {  	_ =	sdelay $0x2  }
0x724: {  	s13 =	simm.s32 $0x0  }
0x725: {  	v32 =	vmov s13  }
0x726: {  	v32 =	vand.u32 $0x3F, v32  }
0x727: {  	v34 =	vbroadcast v32, $0x0  }
0x728: {  	vm0 =	veq.s32 v33, $0x0;
	v32 =	vor.u32 $0x8C00, v0  }
0x729: {  	s13 =	sadd.s32 $0x1, s13;
	v33 =	vor.u32 v32, v34  }
.LBB2_304:
0x72a: {  	p1 =	sne.s32 s13, $0x3F  }
.Ltmp153:
0x72b: {  	v34 =	vmov s13;
	s13 =	sadd.s32 $0x1, s13;
	(pc) =	sbr.rel @p1 .LBB2_304-.Ltmp153, $4  }
0x72c: {  	v34 =	vand.u32 $0x3F, v34  }
0x72d: {  	v34 =	vbroadcast v34, $0x0  }
0x72e: {  	[tilespmem:v33+s19+$0x0] =	vst.idx.msk vm0, v1  }
0x72f: {  	v33 =	vor.u32 v32, v34  }
0x730: {  	_ =	sdelay $0x4  }
0x731: {  	[tilespmem:v33+s19+$0x0] =	vst.idx.msk vm0, v1  }
.LBB2_306:
0x732: {  	v33 =	vld [tilespmem:s12+$0x240];
	_ =	sdelay $0x4  }
0x733: {  	v32 =	vxor.u32 $0x80000000, v33  }
0x734: {  	(xrf0) =	vmin.scan.msk.u32 $0xffff, v32;
	_ =	sdelay $0x5  }
0x735: {  	v32, _, _ =	vpop (xrf0)  }
0x736: {  	(v2sf) =	vpush v32, $0xF;
	_ =	sdelay $0xe  }
0x737: {  	s13 =	spop (v2sf)  }
0x738: {  	p1 =	sne.s32 s13, $0x80000000  }
.Ltmp154:
0x739: {  	_ = 	snop;
	(pc) =	sbr.rel @p1 .LBB2_310-.Ltmp154, $2  }
0x73a: {  	_ =	sdelay $0x2  }
0x73b: {  	s13 =	simm.s32 $0x0  }
0x73c: {  	v32 =	vmov s13  }
0x73d: {  	v32 =	vand.u32 $0x3F, v32  }
0x73e: {  	v34 =	vbroadcast v32, $0x0  }
0x73f: {  	vm0 =	veq.s32 v33, $0x0;
	v32 =	vor.u32 $0x9000, v0  }
0x740: {  	s13 =	sadd.s32 $0x1, s13;
	v33 =	vor.u32 v32, v34  }
.LBB2_308:
0x741: {  	p1 =	sne.s32 s13, $0x3F  }
.Ltmp155:
0x742: {  	v34 =	vmov s13;
	s13 =	sadd.s32 $0x1, s13;
	(pc) =	sbr.rel @p1 .LBB2_308-.Ltmp155, $4  }
0x743: {  	v34 =	vand.u32 $0x3F, v34  }
0x744: {  	v34 =	vbroadcast v34, $0x0  }
0x745: {  	[tilespmem:v33+s19+$0x0] =	vst.idx.msk vm0, v1  }
0x746: {  	v33 =	vor.u32 v32, v34  }
0x747: {  	_ =	sdelay $0x4  }
0x748: {  	[tilespmem:v33+s19+$0x0] =	vst.idx.msk vm0, v1  }
.LBB2_310:
0x749: {  	v33 =	vld [tilespmem:s12+$0x250];
	_ =	sdelay $0x4  }
0x74a: {  	v32 =	vxor.u32 $0x80000000, v33  }
0x74b: {  	(xrf0) =	vmin.scan.msk.u32 $0xffff, v32;
	_ =	sdelay $0x5  }
0x74c: {  	v32, _, _ =	vpop (xrf0)  }
0x74d: {  	(v2sf) =	vpush v32, $0xF;
	_ =	sdelay $0xe  }
0x74e: {  	s13 =	spop (v2sf)  }
0x74f: {  	p1 =	sne.s32 s13, $0x80000000  }
.Ltmp156:
0x750: {  	_ = 	snop;
	(pc) =	sbr.rel @p1 .LBB2_314-.Ltmp156, $2  }
0x751: {  	_ =	sdelay $0x2  }
0x752: {  	s13 =	simm.s32 $0x0  }
0x753: {  	v32 =	vmov s13  }
0x754: {  	v32 =	vand.u32 $0x3F, v32  }
0x755: {  	v34 =	vbroadcast v32, $0x0  }
0x756: {  	vm0 =	veq.s32 v33, $0x0;
	v32 =	vor.u32 $0x9400, v0  }
0x757: {  	s13 =	sadd.s32 $0x1, s13;
	v33 =	vor.u32 v32, v34  }
.LBB2_312:
0x758: {  	p1 =	sne.s32 s13, $0x3F  }
.Ltmp157:
0x759: {  	v34 =	vmov s13;
	s13 =	sadd.s32 $0x1, s13;
	(pc) =	sbr.rel @p1 .LBB2_312-.Ltmp157, $4  }
0x75a: {  	v34 =	vand.u32 $0x3F, v34  }
0x75b: {  	v34 =	vbroadcast v34, $0x0  }
0x75c: {  	[tilespmem:v33+s19+$0x0] =	vst.idx.msk vm0, v1  }
0x75d: {  	v33 =	vor.u32 v32, v34  }
0x75e: {  	_ =	sdelay $0x4  }
0x75f: {  	[tilespmem:v33+s19+$0x0] =	vst.idx.msk vm0, v1  }
.LBB2_314:
0x760: {  	v33 =	vld [tilespmem:s12+$0x260];
	_ =	sdelay $0x4  }
0x761: {  	v32 =	vxor.u32 $0x80000000, v33  }
0x762: {  	(xrf0) =	vmin.scan.msk.u32 $0xffff, v32;
	_ =	sdelay $0x5  }
0x763: {  	v32, _, _ =	vpop (xrf0)  }
0x764: {  	(v2sf) =	vpush v32, $0xF;
	_ =	sdelay $0xe  }
0x765: {  	s13 =	spop (v2sf)  }
0x766: {  	p1 =	sne.s32 s13, $0x80000000  }
.Ltmp158:
0x767: {  	_ = 	snop;
	(pc) =	sbr.rel @p1 .LBB2_318-.Ltmp158, $2  }
0x768: {  	_ =	sdelay $0x2  }
0x769: {  	s13 =	simm.s32 $0x0  }
0x76a: {  	v32 =	vmov s13  }
0x76b: {  	v32 =	vand.u32 $0x3F, v32  }
0x76c: {  	v34 =	vbroadcast v32, $0x0  }
0x76d: {  	vm0 =	veq.s32 v33, $0x0;
	v32 =	vor.u32 $0x9800, v0  }
0x76e: {  	s13 =	sadd.s32 $0x1, s13;
	v33 =	vor.u32 v32, v34  }
.LBB2_316:
0x76f: {  	p1 =	sne.s32 s13, $0x3F  }
.Ltmp159:
0x770: {  	v34 =	vmov s13;
	s13 =	sadd.s32 $0x1, s13;
	(pc) =	sbr.rel @p1 .LBB2_316-.Ltmp159, $4  }
0x771: {  	v34 =	vand.u32 $0x3F, v34  }
0x772: {  	v34 =	vbroadcast v34, $0x0  }
0x773: {  	[tilespmem:v33+s19+$0x0] =	vst.idx.msk vm0, v1  }
0x774: {  	v33 =	vor.u32 v32, v34  }
0x775: {  	_ =	sdelay $0x4  }
0x776: {  	[tilespmem:v33+s19+$0x0] =	vst.idx.msk vm0, v1  }
.LBB2_318:
0x777: {  	v33 =	vld [tilespmem:s12+$0x270];
	_ =	sdelay $0x4  }
0x778: {  	v32 =	vxor.u32 $0x80000000, v33  }
0x779: {  	(xrf0) =	vmin.scan.msk.u32 $0xffff, v32;
	_ =	sdelay $0x5  }
0x77a: {  	v32, _, _ =	vpop (xrf0)  }
0x77b: {  	(v2sf) =	vpush v32, $0xF;
	_ =	sdelay $0xe  }
0x77c: {  	s13 =	spop (v2sf)  }
0x77d: {  	p1 =	sne.s32 s13, $0x80000000  }
.Ltmp160:
0x77e: {  	_ = 	snop;
	(pc) =	sbr.rel @p1 .LBB2_322-.Ltmp160, $2  }
0x77f: {  	_ =	sdelay $0x2  }
0x780: {  	s13 =	simm.s32 $0x0  }
0x781: {  	v32 =	vmov s13  }
0x782: {  	v32 =	vand.u32 $0x3F, v32  }
0x783: {  	v34 =	vbroadcast v32, $0x0  }
0x784: {  	vm0 =	veq.s32 v33, $0x0;
	v32 =	vor.u32 $0x9C00, v0  }
0x785: {  	s13 =	sadd.s32 $0x1, s13;
	v33 =	vor.u32 v32, v34  }
.LBB2_320:
0x786: {  	p1 =	sne.s32 s13, $0x3F  }
.Ltmp161:
0x787: {  	v34 =	vmov s13;
	s13 =	sadd.s32 $0x1, s13;
	(pc) =	sbr.rel @p1 .LBB2_320-.Ltmp161, $4  }
0x788: {  	v34 =	vand.u32 $0x3F, v34  }
0x789: {  	v34 =	vbroadcast v34, $0x0  }
0x78a: {  	[tilespmem:v33+s19+$0x0] =	vst.idx.msk vm0, v1  }
0x78b: {  	v33 =	vor.u32 v32, v34  }
0x78c: {  	_ =	sdelay $0x4  }
0x78d: {  	[tilespmem:v33+s19+$0x0] =	vst.idx.msk vm0, v1  }
.LBB2_322:
.Ltmp162:
0x78e: {  	s12 =	sadd.s32 s4, s12;
	(pc) =	sbr.rel @p0 .LBB2_324-.Ltmp162, $4  }
0x78f: {  	s12 =	sshll.u32 s12, $0x3  }
0x790: {  	s12 =	sand.u32 $0x1FFFFC00, s12  }
0x791: {  	s12 =	sadd.s32 s2, s12  }
0x792: {  	[hbm4b:s12+s3] =	stream.linear.scatter [tilespmem:s19], [sflag:$0x4], $0xA000, $0x38;
	[tilespmem:$0x15900] =	vst v63  }
0x793: {  	s12 =	smul.u32 $0x1400, s11  }
0x794: {  	_ =	swait.ge [sflag:s1], $0xA000  }
0x795: {  	[sflag:s1] =	ssyncset.done $0x0;
	s12 =	sshra.s32 s12, $0x2  }
0x796: {  	[sflag:s1] =	ssyncadd.s32 $0xFFFF6000;
	s13 =	sadd.s32 $0x780, s12  }
0x797: {  	[tilespmem:s19], [sflag:$0x2] =	stream.indirect.gather [hbm4b:s5+s9], $0x40, s13, s9, $0xb8;
	[tilespmem:$0x15900] =	vst v63  }
0x798: {  	s14 =	sadd.s32 $0x800, s12  }
0x799: {  	[tilespmem:s21], [sflag:$0x2] =	stream.indirect.gather [hbm4b:s5+s9], $0x40, s14, s9, $0xb8;
	[tilespmem:$0x15900] =	vst v63  }
0x79a: {  	s15 =	sadd.s32 $0x880, s12  }
0x79b: {  	[tilespmem:s23], [sflag:$0x2] =	stream.indirect.gather [hbm4b:s5+s9], $0x40, s15, s9, $0xb8;
	[tilespmem:$0x15900] =	vst v63  }
.Ltmp163:
0x79c: {  	_ = 	snop;
	(pc) =	sbr.rel .LBB2_2-.Ltmp163, $4  }
0x79d: {  	s16 =	sadd.s32 $0x900, s12  }
0x79e: {  	[tilespmem:s25], [sflag:$0x2] =	stream.indirect.gather [hbm4b:s5+s9], $0x40, s16, s9, $0xb8;
	[tilespmem:$0x15900] =	vst v63  }
0x79f: {  	s11 =	sadd.s32 $0x1, s11;
	s12 =	sadd.s32 $0x980, s12  }
0x7a0: {  	[tilespmem:s28], [sflag:$0x2] =	stream.indirect.gather [hbm4b:s5+s9], $0x40, s12, s9, $0xb8;
	[tilespmem:$0x15900] =	vst v63  }
.LBB2_325:
0x7a1: {  	_ =	sfence.sel $0x180000  }
0x7a2: {  	[bflag:$0x0] =	sbarrier.arrive $0xFFFF  }
0x7a3: {  	_ =	strace $0x90000047  }
0x7a4: {  	s0 =	stileid.u32;
	[bflag:$0x2] =	sbarrier.arrive $0xFFFF  }
0x7a5: {  	p0 =	sne.s32 s0, $0x0;
	s0 =	rddreg [dreg:$0x2]  }
0x7a6: {  	s0 =	sadd.s32 @!p0 $0x100000, s0  }
0x7a7: {  	[sflag:s0] =	ssyncadd.tile.s32 @!p0 $0x1;
	_ =	shalt  }
.Lfunc_end2:
_tile_overlayer_lowered:
.L_overlay_start_2:
0x7a8: {  	(tag) =	ssettag $0x2  }
0x7a9: {  	s0 =	rddreg [dreg:$0x0];
	s2 =	stileid.u32  }
0x7aa: {  	s1 =	rddreg [dreg:$0x1];
	p0 =	sne.s32 s2, $0x0  }
0x7ab: {  	s3 =	rddreg [dreg:$0x2];
	[bflag:$0x3] =	sbarrier.arrive $0xFFFF;
	s2 =	simm.s32 @!p0 $0x1C05  }
0x7ac: {  	[timem:s3], [sflag:s2] =	dma.local @!p0 [hbm:s0], s1  }
0x7ad: {  	s0 =	simm.s32 @!p0 $0x5  }
0x7ae: {  	_ =	swait.ge @!p0 [sflag:s0], s1  }
0x7af: {  	s1 =	ssub.s32 @!p0 $0x0, s1;
	[sflag:s0] =	ssyncset.done @!p0 $0x0  }
0x7b0: {  	[sflag:s0] =	ssyncadd.s32 @!p0 s1  }
0x7b1: {  	[bflag:$0x3] =	sbarrier.arrive $0xFFFF  }
0x7b2: {  	_ =	shalt  }

// kernel: sparse-core-data-format-call.cloned.1.call-start
scs
called_computation_lowered:
.L_overlay_start_0:
0x0: {  	s2 =	sld [smem:$0x3FD9]  }
0x1: {  	s3 =	sld [smem:$0x3FFE];
	_ =	sdelay $0x1  }
0x2: {  	s1 =	srdreg.scid  }
0x3: {  	s0 =	sand.u32 $0x1, s1  }
0x4: {  	s18 =	sshll.u32 s0, $0xA;
	s2 =	sadd.s32 s3, s2  }
0x5: {  	s2 =	sadd.s32 s2, s18  }
0x6: {  	[smem:$0x3FC6] =	sst s2  }
0x7: {  	_ = 	snop  }
0x8: {  	s2 =	sld [smem:$0x3FD0];
	(tm) =	ssettm $0x1  }
0x9: {  	s19 =	sld [smem:$0x3FFB];
	_ =	sdelay $0x3  }
0xa: {  	_ =	strace s19  }
0xb: {  	s3 =	sld [smem:$0x3FFC];
	_ =	sdelay $0x3  }
0xc: {  	_ =	strace s3  }
0xd: {  	s3 =	sld [smem:$0x3FFD];
	_ =	sdelay $0x3  }
0xe: {  	_ =	strace s3  }
0xf: {  	_ =	strace $0x8FFFFFFF  }
0x10: {  	s20 =	sld [smem:$0x3FDB];
	_ =	sdelay $0x1  }
0x11: {  	s4 =	simm.s32 $_scs_section_size  }
0x12: {  	s5 =	simm.s32 $_size__tile_overlayer_lowered;
	s6 =	simm.s32 $_tile_overlayer_lowered  }
0x13: {  	s23 =	simm.s32 $0x1BFF;
	s22 =	sshll.u32 s6, $0x1;
	s3 =	sadd.s32 s4, s20  }
0x14: {  	s7 =	simm.s32 $0x0;
	s21 =	sshll.u32 s5, $0x1;
	s5 =	sadd.s32 s22, s3  }
0x15: {  	[timem:s7], [sflag:s23] =	dma.local [hbm:s5], s21  }
0x16: {  	_ =	swait.ge [sflag:s23], s21  }
0x17: {  	s4 =	ssub.s32 $0x0, s21;
	[sflag:s23] =	ssyncset.done $0x0  }
0x18: {  	[sflag:s23] =	ssyncadd.s32 s4;
	_ =	sdelay $0x1  }
0x19: {  	s24 =	simm.s32 $0x1B8B  }
0x1a: {  	_ =	swait.ge [sflag:s24], $0x1  }
0x1b: {  	[sflag:s24] =	ssyncset.done $0x0  }
0x1c: {  	s26 =	simm.s32 $0x1B8E;
	s25 =	sld [smem:$0x3FFE];
	[sflag:s24] =	ssyncadd.s32 $0xFFFFFFFF  }
0x1d: {  	s27 =	simm.s32 $execute0_lowered;
	[smem:$0x3FD2] =	sst s26  }
0x1e: {  	s5 =	sshll.u32 s27, $0x1;
	_ =	strace $0x80000049;
	[dreg:$0x1] =	wrdreg $0xFFFFFFFF  }
0x1f: {  	s28 =	simm.s32 $_size_execute0_lowered;
	s3 =	sadd.s32 s3, s5;
	[dreg:$0x0] =	wrdreg $0x0  }
0x20: {  	s5 =	sshll.u32 s28, $0x1;
	[dreg:$0x2] =	wrdreg s3  }
0x21: {  	[dreg:$0x3] =	wrdreg s5  }
0x22: {  	[dreg:$0x4] =	wrdreg $0xC0  }
0x23: {  	_ =	task [dreg:s7], $0x5FFFF  }
0x24: {  	[dreg:$0x1] =	wrdreg $0xFFFFFFFF  }
0x25: {  	[dreg:$0x0] =	wrdreg $0x60  }
0x26: {  	[dreg:$0x2] =	wrdreg s25  }
0x27: {  	[dreg:$0x3] =	wrdreg s2  }
0x28: {  	[dreg:$0x4] =	wrdreg $0x9  }
0x29: {  	_ =	task.clear_ibuf [dreg:s7], $0x5FFFF;
	_ =	strace $0x90000049  }
0x2a: {  	s29 =	simm.s32 $0x9;
	_ =	strace $0x8000004B  }
0x2b: {  	_ =	swait.ge [sflag:s29], $0x1  }
0x2c: {  	[sflag:s29] =	ssyncadd.s32 $0xFFFFFFFF  }
0x2d: {  	_ =	strace $0x9000004B  }
0x2e: {  	_ =	sfence  }
0x2f: {  	s30 =	sld [smem:$0x0];
	_ =	sdelay $0x2  }
0x30: {  	s31 =	sshll.u32 s1, $0xD;
	s1 =	sshrl.u32 s1, $0x2  }
0x31: {  	s3 =	sand.u32 $0x4000, s31;
	s1 =	sadd.s32 s1, s30  }
0x32: {  	s0 =	sor.u32 s3, s0;
	s1 =	sshll.u32 s1, $0x11  }
0x33: {  	s0 =	sor.u32 s1, s0  }
0x34: {  	s0 =	sadd.s32 $0x8F2B, s0  }
0x35: {  	[sflag:s0] =	ssyncadd.remote.s32 $0x1  }
0x36: {  	_ =	sfence.sel $0xFFFF  }
0x37: {  	[dreg:$0x0] =	wrdreg $0xFFFFFFFF;
	(pc) =	sbr.abs _section_cstart, $3  }
0x38: {  	[dreg:$0x1] =	wrdreg $0xFFFFFFFF  }
0x39: {  	_ =	task.clear_ibuf [dreg:s7], $0x2FFFF;
	_ =	strace $0x9FFFFFFF  }
0x3a: {  	(tm) =	ssettm $0x7FFFFFFF  }
0x3b: {  	_ =	shalt  }
tec
execute0_lowered:
.L_overlay_start_1:
0x0: {  	(tag) =	ssettag $0x1  }
0x1: {  	s0 =	srdreg.scid  }
0x2: {  	s1 =	sshll.u32 s0, $0x4  }
0x3: {  	s0 =	stileid.u32;
	s1 =	sand.u32 $0x10, s1  }
0x4: {  	s1 =	sor.u32 s0, s1  }
0x5: {  	s6 =	rddreg [dreg:$0x0];
	s4 =	simm.s32 $0x1;
	s2 =	sshll.u32 s1, $0x7  }
0x6: {  	s7 =	simm.s32 $0x2;
	s12 =	simm.s32 $0x0;
	s1 =	ssub.s32 $0x1000, s2  }
0x7: {  	s8 =	simm.s32 $0x8000;
	s13 =	simm.s32 $0x0;
	s3 =	sand.u32 $0xF80, s1  }
0x8: {  	s9 =	simm.s32 $0x0;
	s5 =	sshrl.u32 s1, $0xC;
	p0 =	sne.s32 s3, $0x0  }
.Ltmp0:
0x9: {  	s1 =	rddreg [dreg:$0x2];
	s4 =	simm.s32 @!p0 $0x0;
	(pc) =	sbr.rel .LBB1_1-.Ltmp0, $4  }
0xa: {  	s11 =	simm.s32 $0x0;
	s3 =	rddreg [dreg:$0x1];
	s5 =	sadd.s32 s4, s5  }
0xb: {  	_ =	strace $0x8000004A;
	s4 =	simm.s32 $0x1;
	s5 =	smul.u32 $0x32, s5  }
0xc: {  	s6 =	sadd.s32 $0x800, s6;
	s10 =	smov.u32 s2;
	[sflag:s4] =	ssyncpa.u1 $0x0  }
0xd: {  	p0 =	por $0x0, $0x0;
	[sflag:s7] =	ssyncpa.u1 $0x0;
	s7 =	sor.u32 $0x1, s5  }
.LBB1_4:
0xe: {  	s16 =	sshll.u32 s13, $0x3;
	s17 =	sand.u32 $0x78, s13  }
0xf: {  	s30 =	sand.u32 $0x7E00, s13;
	s12 =	sshll.u32 s12, $0xF;
	s16 =	sand.u32 $0xC00, s16  }
0x10: {  	[tilespmem:s15+$0x810 ss:$0x81] =	vst.msk $0xffff, v2;
	s31 =	sand.u32 $0x7, s13;
	s16 =	sor.u32 s17, s16;
	s17 =	sadd.s32 s3, s30  }
0x11: {  	[tilespmem:s15+$0x1020 ss:$0x81] =	vst.msk $0xffff, v0;
	s13 =	sshll.u32 s31, $0x12;
	s12 =	sadd.s32 s12, s17;
	s16 =	sshrl.u32 s16, $0x3  }
0x12: {  	[tilespmem:s15+$0x0 ss:$0x81] =	vst.msk $0xffff, v1;
	s13 =	sor.u32 $0x400, s13;
	s12 =	sadd.s32 s16, s12  }
0x13: {  	[hbm4b:s12+s13] =	stream.strided.scatter [tilespmem:s14], [sflag:$0x2], $0x2000, s8, s13, $0x20;
	[tilespmem:$0x8080] =	vst v63  }
.LBB1_5:
0x14: {  	s14 =	sadd.s32 $0x1, s9  }
0x15: {  	s12 =	sadd.s32 $0x1000, s10;
	s16 =	smov.u32 s10;
	p2 =	sgt.s32 s14, $0x31  }
0x16: {  	s16 =	smov.u32 @p2 s12  }
0x17: {  	s14 =	simm.s32 @p2 $0x0;
	p2 =	sgt.s32 s16, $0xFFF  }
0x18: {  	s16 =	smov.u32 @p2 s2;
	p2 =	sne.s32 s11, s7  }
.Ltmp1:
0x19: {  	p1 =	slt.u32 s11, $0x2;
	(pc) =	sbr.rel @!p2 .LBB1_6-.Ltmp1, $4  }
0x1a: {  	s15 =	simm.s32 @!p1 $0x2  }
0x1b: {  	s13 =	smov.u32 s10;
	p0 =	por !p0, !p0;
	_ =	swait.ge @!p1 [sflag:s15], $0x2000  }
0x1c: {  	s12 =	smov.u32 s9;
	[sflag:s15] =	ssyncset.done @!p1 $0x0;
	s9 =	smov.u32 s14  }
0x1d: {  	s11 =	sadd.s32 $0x1, s11;
	[sflag:s15] =	ssyncadd.s32 @!p1 $0xFFFFE000;
	s10 =	smov.u32 s16  }
.LBB1_1:
0x1e: {  	p1 =	sge.u32 s11, s5  }
0x1f: {  	s14 =	sand.u32 @!p1 $0x1FFFFFF, s9  }
0x20: {  	s15 =	smulhi.u32 @!p1 $0x4924925, s14;
	_ =	sdelay $0x1  }
0x21: {  	s15 =	smul.u32 @!p1 $0x38, s15  }
0x22: {  	s16 =	sxor.u32 @!p1 $0xFFFFFFFF, s11;
	s17 =	smul.u32 @!p1 $0x380, s10  }
0x23: {  	s31 =	sadd.s32 $0xFFFFFFFF, s11;
	s16 =	sshll.u32 @!p1 s16, $0xD;
	s14 =	ssub.s32 @!p1 s14, s15  }
0x24: {  	s15 =	sand.u32 @!p1 $0x2000, s16;
	s16 =	sadd.s32 @!p1 s6, s17;
	s14 =	sshll.u32 @!p1 s14, $0x4  }
0x25: {  	s17 =	simm.s32 @!p1 $0x1C00;
	s14 =	sadd.s32 @!p1 s14, s16;
	s16 =	simm.s32 @!p1 $0x40  }
0x26: {  	[tilespmem:s15], [sflag:$0x1] =	stream.strided.gather @!p1 [hbm4b:s14+s16], $0x2000, s17, s16, $0x38;
	[tilespmem:$0x8080] =	vst v63  }
0x27: {  	p1 =	sge.u32 s31, s5  }
.Ltmp2:
0x28: {  	_ = 	snop;
	(pc) =	sbr.rel @p1 .LBB1_5-.Ltmp2, $1  }
0x29: {  	_ =	sdelay $0x3  }
0x2a: {  	s14 =	simm.s32 $0x1  }
0x2b: {  	_ =	swait.ge [sflag:s4], $0x2000;
	s14 =	simm.s32 @!p0 $0x0  }
0x2c: {  	[sflag:s4] =	ssyncset.done $0x0;
	s15 =	sshll.u32 s14, $0xD  }
0x2d: {  	[sflag:s4] =	ssyncadd.s32 $0xFFFFE000;
	s18 =	sor.u32 $0x20, s15  }
0x2e: {  	s14 =	smul.u32 $0x8100, s14;
	v3 =	vld [tilespmem:s18+$0x10]  }
0x2f: {  	s30 =	sand.u32 $0x1, s11;
	v2 =	vld [tilespmem:s18+$0xFFFFFFF0]  }
0x30: {  	s15 =	smul.u32 $0x8100, s30;
	s14 =	sshrl.u32 s14, $0x2;
	v0 =	vld [tilespmem:s18+$0x0]  }
0x31: {  	v1 =	vld [tilespmem:s18+$0xFFFFFFE0];
	s16 =	sor.u32 $0x4000, s14  }
0x32: {  	s31 =	sshrl.u32 s15, $0x2;
	s15 =	sadd.s32 $0x0, s16  }
0x33: {  	s17 =	simm.s32 $0x4;
	s18 =	sadd.s32 $0x40, s18;
	s14 =	sor.u32 $0x4000, s31;
	[tilespmem:s15+$0x1830 ss:$0x81] =	vst.msk $0xffff, v3  }
.LBB1_3:
0x34: {  	v3 =	vld [tilespmem:s18+$0x10];
	p1 =	sne.s32 s17, $0x1FC;
	[tilespmem:s15+$0x810 ss:$0x81] =	vst.msk $0xffff, v2;
	s19 =	smov.u32 s17;
	s17 =	sadd.s32 $0x4, s17  }
.Ltmp3:
0x35: {  	v2 =	vld [tilespmem:s18+$0xFFFFFFF0];
	[tilespmem:s15+$0x1020 ss:$0x81] =	vst.msk $0xffff, v0;
	(pc) =	sbr.rel @p1 .LBB1_3-.Ltmp3, $4  }
0x36: {  	v0 =	vld [tilespmem:s18+$0x0];
	[tilespmem:s15+$0x0 ss:$0x81] =	vst.msk $0xffff, v1  }
0x37: {  	s15 =	sshra.s32 s19, $0x2;
	v1 =	vld [tilespmem:s18+$0xFFFFFFE0]  }
0x38: {  	s15 =	sadd.s32 s15, s16  }
0x39: {  	s18 =	sadd.s32 $0x40, s18;
	[tilespmem:s15+$0x1830 ss:$0x81] =	vst.msk $0xffff, v3  }
.Ltmp4:
0x3a: {  	_ = 	snop;
	(pc) =	sbr.rel .LBB1_4-.Ltmp4, $1  }
0x3b: {  	_ =	sdelay $0x3  }
.LBB1_6:
0x3c: {  	_ =	sfence.sel $0x180000  }
0x3d: {  	s2 =	simm.s32 $0x1;
	[bflag:$0x0] =	sbarrier.arrive $0xFFFF  }
0x3e: {  	s31 =	simm.s32 $0x2;
	[sflag:s2] =	ssyncpa.u1 $0x1  }
0x3f: {  	[sflag:s31] =	ssyncpa.u1 $0x1  }
0x40: {  	p0 =	sne.s32 s0, $0x0;
	_ =	strace $0x9000004A  }
0x41: {  	s0 =	sadd.s32 @!p0 $0x100000, s1;
	[bflag:$0x2] =	sbarrier.arrive $0xFFFF  }
0x42: {  	[sflag:s0] =	ssyncadd.tile.s32 @!p0 $0x1;
	_ =	shalt  }
.Lfunc_end1:
_tile_overlayer_lowered:
.L_overlay_start_2:
0x43: {  	(tag) =	ssettag $0x2  }
0x44: {  	s0 =	rddreg [dreg:$0x0];
	s2 =	stileid.u32  }
0x45: {  	s1 =	rddreg [dreg:$0x1];
	p0 =	sne.s32 s2, $0x0  }
0x46: {  	s3 =	rddreg [dreg:$0x2];
	[bflag:$0x3] =	sbarrier.arrive $0xFFFF;
	s2 =	simm.s32 @!p0 $0x1C01  }
0x47: {  	[timem:s3], [sflag:s2] =	dma.local @!p0 [hbm:s0], s1  }
0x48: {  	s0 =	simm.s32 @!p0 $0x1  }
0x49: {  	_ =	swait.ge @!p0 [sflag:s0], s1  }
0x4a: {  	s1 =	ssub.s32 @!p0 $0x0, s1;
	[sflag:s0] =	ssyncset.done @!p0 $0x0  }
0x4b: {  	[sflag:s0] =	ssyncadd.s32 @!p0 s1  }
0x4c: {  	[bflag:$0x3] =	sbarrier.arrive $0xFFFF  }
0x4d: {  	_ =	shalt  }

</sc_bundles>
